<compile_context>
chip_gen: v7x
topology: tpu7x:2x2x1
jax: 0.10.2.dev20260603
libtpu: 0.0.44.dev20260713+nightly
codegen_flags: <defaults>
</compile_context>

<pallas_src>
import functools

import jax
import jax.numpy as jnp
from jax import lax
from jax.experimental import pallas as pl
from jax.experimental.pallas import tpu as pltpu
from jax.experimental.pallas import tpu_sc as plsc

N = 10000
E = 320000
D_IN = 256
D_H = 128
MSG_STEPS = 3
EPS = 1e-5

NC = 2
NS = 16
NW = NC * NS
EPW = E // NW
K = 125
CH = EPW // K
RPT = N // NS
ZR = 125

_mesh = plsc.VectorSubcoreMesh(core_axis_name="c", subcore_axis_name="s")



@functools.partial(
    pl.kernel,
    out_type=jax.ShapeDtypeStruct((NC, NS, RPT, D_H), jnp.float32),
    mesh=_mesh,
    scratch_types=[
        pltpu.VMEM((CH, K), jnp.int32),
        [pltpu.VMEM((K,), jnp.int32) for _ in range(4)],
        pltpu.VMEM((K, D_H), jnp.float32),
        pltpu.VMEM((K, D_H), jnp.float32),
        pltpu.VMEM_SHARED((N, D_H), jnp.float32),
        pltpu.SemaphoreType.DMA,
        pltpu.SemaphoreType.DMA,
        [pltpu.SemaphoreType.DMA for _ in range(4)],
        pltpu.SemaphoreType.DMA,
    ],
)
def _sc_scatter(g_hbm, src_hbm, dst_hbm, out_hbm,
                dst_v, si, rows0, rows1, acc,
                gsem0, gsem1, isem, zsem):
    c = lax.axis_index("c")
    s = lax.axis_index("s")
    wid = c * NS + s

    zero = jnp.zeros((16,), jnp.float32)

    def _zfill(i, _):
        for j in range(D_H // 16):
            rows1[i, pl.ds(j * 16, 16)] = zero
        return 0

    lax.fori_loop(0, ZR, _zfill, 0)
    for t in range(RPT // ZR):
        pltpu.async_copy(rows1, acc.at[pl.ds(s * RPT + t * ZR, ZR)], zsem)

    pltpu.sync_copy(dst_hbm.at[wid], dst_v)
    for q in range(4):
        pltpu.async_copy(src_hbm.at[wid, q], si[q], isem[q])
    pltpu.make_async_copy(src_hbm.at[wid, 0], si[0], isem[0]).wait()
    pltpu.async_copy(g_hbm.at[si[0]], rows0, gsem0)
    pltpu.make_async_copy(src_hbm.at[wid, 1], si[1], isem[1]).wait()

    for t in range(RPT // ZR):
        pltpu.make_async_copy(
            rows1, acc.at[pl.ds(s * RPT + t * ZR, ZR)], zsem).wait()
    pltpu.async_copy(g_hbm.at[si[1]], rows1, gsem1)
    plsc.subcore_barrier()

    def _body(jj, _):
        j0 = jj * 4
        rr = (rows0, rows1)
        gg = (gsem0, gsem1)
        for u in range(4):
            ch = j0 + u
            rbuf = rr[u % 2]
            gsem = gg[u % 2]
            pltpu.make_async_copy(g_hbm.at[si[u]], rbuf, gsem).wait()
            pltpu.sync_copy(rbuf, acc.at[dst_v.at[ch]], add=True)

            @pl.when(ch + 2 < CH)
            def _():
                pltpu.make_async_copy(
                    src_hbm.at[wid, ch + 2], si[(u + 2) % 4], isem[(u + 2) % 4]
                ).wait()
                pltpu.async_copy(g_hbm.at[si[(u + 2) % 4]], rbuf, gsem)

            @pl.when(ch + 4 < CH)
            def _():
                pltpu.async_copy(
                    src_hbm.at[wid, ch + 4], si[u], isem[u])

        return 0

    lax.fori_loop(0, CH // 4, _body, 0)
    plsc.subcore_barrier()

    pltpu.sync_copy(acc.at[pl.ds(s * RPT, RPT)], out_hbm.at[c, s])


@functools.partial(
    pl.kernel,
    out_type=jax.ShapeDtypeStruct((NC, N), jnp.float32),
    mesh=_mesh,
    scratch_types=[
        pltpu.VMEM((CH, K), jnp.int32),
        pltpu.VMEM((640,), jnp.float32),
        pltpu.VMEM((128,), jnp.float32),
        pltpu.VMEM_SHARED((N,), jnp.float32),
    ],
)
def _sc_degree(dst_hbm, out_hbm, dst_v, zeros_v, ones_v, acc):
    c = lax.axis_index("c")
    s = lax.axis_index("s")
    wid = c * NS + s

    pltpu.sync_copy(dst_hbm.at[wid], dst_v)

    zero = jnp.zeros((16,), jnp.float32)
    one = jnp.ones((16,), jnp.float32)
    for j in range(640 // 16):
        zeros_v[pl.ds(j * 16, 16)] = zero
    for j in range(128 // 16):
        ones_v[pl.ds(j * 16, 16)] = one

    @pl.when(s == 0)
    def _():
        for t in range(15):
            pltpu.sync_copy(zeros_v, acc.at[pl.ds(t * 640, 640)])
        pltpu.sync_copy(zeros_v.at[pl.ds(0, 400)], acc.at[pl.ds(9600, 400)])

    plsc.subcore_barrier()

    def _body(j, _):
        pltpu.sync_copy(ones_v.at[pl.ds(0, K)], acc.at[dst_v.at[j]], add=True)
        return 0

    lax.fori_loop(0, CH, _body, 0)
    plsc.subcore_barrier()

    @pl.when(s == 0)
    def _():
        pltpu.sync_copy(acc, out_hbm.at[c])



R = 2000
GRID = N // R


def _dinv(d0, d1):
    return lax.rsqrt(d0 + d1 + 1.0)


def _enc_body(x_ref, w_ref, b_ref, cw_ref, xo_ref, ho_ref):
    x = jnp.dot(x_ref[...], w_ref[...],
                preferred_element_type=jnp.float32) + b_ref[...]
    xo_ref[...] = x
    ho_ref[...] = jnp.dot(x, cw_ref[...], preferred_element_type=jnp.float32)


def _mul_body(h_ref, d0_ref, d1_ref, go_ref):
    go_ref[...] = h_ref[...] * _dinv(d0_ref[...], d1_ref[...])


def _layer_norm(m, lg, lb):
    mu = jnp.mean(m, axis=-1, keepdims=True)
    var = jnp.mean((m - mu) ** 2, axis=-1, keepdims=True)
    return (m - mu) * lax.rsqrt(var + EPS) * lg + lb


def _step_body(x_ref, g_ref, p0_ref, p1_ref, d0_ref, d1_ref,
               cb_ref, lg_ref, lb_ref, cw_ref, xo_ref, go_ref):
    dinv = _dinv(d0_ref[...], d1_ref[...])
    m = x_ref[...] + dinv * (p0_ref[...] + p1_ref[...] + g_ref[...]) + cb_ref[...]
    xn = _layer_norm(m, lg_ref[...], lb_ref[...])
    xo_ref[...] = xn
    go_ref[...] = jnp.dot(xn, cw_ref[...],
                          preferred_element_type=jnp.float32) * dinv


def _final_body(x_ref, g_ref, p0_ref, p1_ref, d0_ref, d1_ref,
                cb_ref, lg_ref, lb_ref, dw_ref, db_ref, o_ref):
    dinv = _dinv(d0_ref[...], d1_ref[...])
    m = x_ref[...] + dinv * (p0_ref[...] + p1_ref[...] + g_ref[...]) + cb_ref[...]
    xn = _layer_norm(m, lg_ref[...], lb_ref[...])
    o_ref[...] = jnp.dot(xn, dw_ref[...],
                         preferred_element_type=jnp.float32) + db_ref[...]


def _row_spec(d):
    return pl.BlockSpec((R, d), lambda i: (i, 0))


def _full_spec(r, d):
    return pl.BlockSpec((r, d), lambda i: (0, 0))


def kernel(X, edge_index, enc_W, enc_b, conv_W, conv_b, ln_g, ln_b, dec_W, dec_b):
    src3 = edge_index[0].reshape(NW, CH, K)
    dst3 = edge_index[1].reshape(NW, CH, K)

    degp = _sc_degree(dst3)
    d0 = degp[0].reshape(N, 1)
    d1 = degp[1].reshape(N, 1)

    enc_b2 = enc_b.reshape(1, D_H)
    conv_b2 = conv_b.reshape(1, D_H)
    ln_g2 = ln_g.reshape(1, D_H)
    ln_b2 = ln_b.reshape(1, D_H)
    dec_b2 = dec_b.reshape(1, D_IN)

    x, h = pl.pallas_call(
        _enc_body,
        grid=(GRID,),
        in_specs=[
            _row_spec(D_IN),
            _full_spec(D_IN, D_H),
            _full_spec(1, D_H),
            _full_spec(D_H, D_H),
        ],
        out_specs=[_row_spec(D_H), _row_spec(D_H)],
        out_shape=[
            jax.ShapeDtypeStruct((N, D_H), jnp.float32),
            jax.ShapeDtypeStruct((N, D_H), jnp.float32),
        ],
    )(X, enc_W, enc_b2, conv_W)

    g = pl.pallas_call(
        _mul_body,
        grid=(GRID,),
        in_specs=[_row_spec(D_H), _row_spec(1), _row_spec(1)],
        out_specs=_row_spec(D_H),
        out_shape=jax.ShapeDtypeStruct((N, D_H), jnp.float32),
    )(h, d0, d1)

    step_call = pl.pallas_call(
        _step_body,
        grid=(GRID,),
        in_specs=[
            _row_spec(D_H), _row_spec(D_H), _row_spec(D_H), _row_spec(D_H),
            _row_spec(1), _row_spec(1),
            _full_spec(1, D_H), _full_spec(1, D_H), _full_spec(1, D_H),
            _full_spec(D_H, D_H),
        ],
        out_specs=[_row_spec(D_H), _row_spec(D_H)],
        out_shape=[
            jax.ShapeDtypeStruct((N, D_H), jnp.float32),
            jax.ShapeDtypeStruct((N, D_H), jnp.float32),
        ],
    )

    final_call = pl.pallas_call(
        _final_body,
        grid=(GRID,),
        in_specs=[
            _row_spec(D_H), _row_spec(D_H), _row_spec(D_H), _row_spec(D_H),
            _row_spec(1), _row_spec(1),
            _full_spec(1, D_H), _full_spec(1, D_H), _full_spec(1, D_H),
            _full_spec(D_H, D_IN), _full_spec(1, D_IN),
        ],
        out_specs=_row_spec(D_IN),
        out_shape=jax.ShapeDtypeStruct((N, D_IN), jnp.float32),
    )

    for step in range(MSG_STEPS):
        part = _sc_scatter(g, src3, dst3)
        p = part.reshape(NC, N, D_H)
        if step < MSG_STEPS - 1:
            x, g = step_call(x, g, p[0], p[1], d0, d1,
                             conv_b2, ln_g2, ln_b2, conv_W)
        else:
            out = final_call(x, g, p[0], p[1], d0, d1,
                             conv_b2, ln_g2, ln_b2, dec_W, dec_b2)
    return out

# --- scband reference (transcript-rebuilt; emitter-appended) ---
"""Pipeline reference for scband-gen1-d-27084063768722 (READ-ONLY COPY).

The authoritative reference and input builder live on the scoring server;
editing this copy changes nothing except your own understanding.
"""

import jax, jax.numpy as jnp
import numpy as np

N = 10000
E = 320000
D_IN = 256
D_H = 128
MSG_STEPS = 3


def _layer_norm(x, g, b, eps=1e-5):
    mu = jnp.mean(x, axis=-1, keepdims=True)
    var = jnp.mean((x - mu) ** 2, axis=-1, keepdims=True)
    return (x - mu) / jnp.sqrt(var + eps) * g + b


def _gcn_conv(x, src, dst, W, b):
    h = x @ W
    deg = jnp.zeros((N,), jnp.float32).at[dst].add(1.0)
    dinv = jax.lax.rsqrt(jnp.maximum(deg, 1.0))
    norm = dinv[src] * dinv[dst]
    msg = h[src] * norm[:, None]
    out = jnp.zeros_like(h).at[dst].add(msg)
    return out + b


def setup_inputs(seed: int = 0) -> dict:
    key = jax.random.key(seed)
    ks = jax.random.split(key, 12)
    X = jax.random.normal(ks[0], (N, D_IN), dtype=jnp.float32)
    edge_index = jax.random.randint(ks[1], (2, E), 0, N, dtype=jnp.int32)
    enc_W = jax.random.normal(ks[2], (D_IN, D_H), dtype=jnp.float32) * (1.0 / np.sqrt(D_IN))
    enc_b = jnp.zeros((D_H,), jnp.float32)
    conv_W = jax.random.normal(ks[3], (D_H, D_H), dtype=jnp.float32) * (1.0 / np.sqrt(D_H))
    conv_b = jnp.zeros((D_H,), jnp.float32)
    ln_g = jnp.ones((D_H,), jnp.float32)
    ln_b = jnp.zeros((D_H,), jnp.float32)
    dec_W = jax.random.normal(ks[4], (D_H, D_IN), dtype=jnp.float32) * (1.0 / np.sqrt(D_H))
    dec_b = jnp.zeros((D_IN,), jnp.float32)
    return {"X": X, "edge_index": edge_index, "enc_W": enc_W, "enc_b": enc_b,
            "conv_W": conv_W, "conv_b": conv_b, "ln_g": ln_g, "ln_b": ln_b,
            "dec_W": dec_W, "dec_b": dec_b}


def reference(X, edge_index, enc_W, enc_b, conv_W, conv_b, ln_g, ln_b, dec_W, dec_b):
    # encoder (single Linear layer -> no intermediate relu)
    x = X @ enc_W + enc_b
    # add self-loops (torch_geometric GCNConv default)
    loop = jnp.arange(N, dtype=edge_index.dtype)
    src = jnp.concatenate([edge_index[0], loop])
    dst = jnp.concatenate([edge_index[1], loop])
    for _ in range(MSG_STEPS):
        x = _layer_norm(x + _gcn_conv(x, src, dst, conv_W, conv_b), ln_g, ln_b)
    # decoder (single Linear layer)
    out = x @ dec_W + dec_b
    return out

if __name__ == "__main__":
    import jax
    _d = setup_inputs()
    print(jax.jit(kernel)(*tuple(_d.values())))

</pallas_src>

<mosaic_0001>
#map = affine_map<(d0, d1) -> (0, 0, 0)>
#map1 = affine_map<(d0, d1) -> (0, 0)>
module attributes {stable_mosaic.version = 14 : i64} {
  func.func @_sc_degree(%arg0: i32, %arg1: i32, %arg2: memref<32x80x125xi32, #tpu.memory_space<hbm>>, %arg3: memref<2x10000xf32, #tpu.memory_space<hbm>>, %arg4: memref<80x125xi32, #tpu.memory_space<vmem>>, %arg5: memref<640xf32, #tpu.memory_space<vmem>>, %arg6: memref<128xf32, #tpu.memory_space<vmem>>, %arg7: memref<10000xf32, #tpu.memory_space<vmem_shared>>) attributes {dimension_semantics = [#tpu.dimension_semantics<core_parallel>, #tpu.dimension_semantics<subcore_parallel>], iteration_bounds = array<i64: 2, 16>, scalar_prefetch = 0 : i64, scratch_operands = 4 : i64, tpu.core_type = #tpu.core_type<sc_vector_subcore>, window_params = [{transform_indices = #map}, {transform_indices = #map1}]} {
    %mul3A = arith.constant 16 : i32
    %mul3A_0 = arith.muli %arg0, %mul3A : i32
    %add3A = arith.addi %mul3A_0, %arg1 : i32
    "tpu.region"() ({
      %run_scoped3A = tpu.sem_alloc : memref<!tpu.dma_semaphore, #tpu.memory_space<semaphore_mem>>
      %dma_start3A = arith.constant 0 : i32
      %dma_start3A_209 = arith.constant 0 : i32
      %dma_start3A_210 = tpu.memref_slice %arg2[%add3A, %dma_start3A, %dma_start3A_209] : memref<32x80x125xi32, #tpu.memory_space<hbm>> -> memref<1x80x125xi32, #tpu.memory_space<hbm>>
      %dma_start3A_211 = tpu.memref_squeeze %dma_start3A_210 : memref<1x80x125xi32, #tpu.memory_space<hbm>> -> memref<80x125xi32, #tpu.memory_space<hbm>>
      %dma_start3A_212 = arith.constant 0 : i32
      %dma_start3A_213 = arith.constant 0 : i32
      %dma_start3A_214 = tpu.memref_slice %arg2[%add3A, %dma_start3A_212, %dma_start3A_213] : memref<32x80x125xi32, #tpu.memory_space<hbm>> -> memref<1x80x125xi32, #tpu.memory_space<hbm>>
      %dma_start3A_215 = tpu.memref_squeeze %dma_start3A_214 : memref<1x80x125xi32, #tpu.memory_space<hbm>> -> memref<80x125xi32, #tpu.memory_space<hbm>>
      tpu.enqueue_dma source(%dma_start3A_215 : memref<80x125xi32, #tpu.memory_space<hbm>>) target(%arg4 : memref<80x125xi32, #tpu.memory_space<vmem>>) target_semaphore(%run_scoped3A : memref<!tpu.dma_semaphore, #tpu.memory_space<semaphore_mem>>)
      %dma_wait3A = arith.constant 0 : i32
      %dma_wait3A_216 = arith.constant 0 : i32
      %dma_wait3A_217 = tpu.memref_slice %arg2[%add3A, %dma_wait3A, %dma_wait3A_216] : memref<32x80x125xi32, #tpu.memory_space<hbm>> -> memref<1x80x125xi32, #tpu.memory_space<hbm>>
      %dma_wait3A_218 = tpu.memref_squeeze %dma_wait3A_217 : memref<1x80x125xi32, #tpu.memory_space<hbm>> -> memref<80x125xi32, #tpu.memory_space<hbm>>
      %dma_wait3A_219 = arith.constant 0 : i32
      %dma_wait3A_220 = arith.constant 0 : i32
      %dma_wait3A_221 = tpu.memref_slice %arg2[%add3A, %dma_wait3A_219, %dma_wait3A_220] : memref<32x80x125xi32, #tpu.memory_space<hbm>> -> memref<1x80x125xi32, #tpu.memory_space<hbm>>
      %dma_wait3A_222 = tpu.memref_squeeze %dma_wait3A_221 : memref<1x80x125xi32, #tpu.memory_space<hbm>> -> memref<80x125xi32, #tpu.memory_space<hbm>>
      tpu.wait_dma2 semaphore(%run_scoped3A : memref<!tpu.dma_semaphore, #tpu.memory_space<semaphore_mem>>) src(%dma_wait3A_222 : memref<80x125xi32, #tpu.memory_space<hbm>>) dst(%arg4 : memref<80x125xi32, #tpu.memory_space<vmem>>)
      tpu.yield
    }) : () -> ()
    %broadcast_in_dim3A = arith.constant 0.000000e+00 : f32
    %broadcast_in_dim3A_1 = vector.broadcast %broadcast_in_dim3A : f32 to vector<16xf32>
    %broadcast_in_dim3A_2 = arith.constant 1.000000e+00 : f32
    %broadcast_in_dim3A_3 = vector.broadcast %broadcast_in_dim3A_2 : f32 to vector<16xf32>
    %swap3A = arith.constant 0 : index
    %swap3A_4 = tpu.vector_load %arg5[%swap3A] {strides = array<i32>} : memref<640xf32, #tpu.memory_space<vmem>>, vector<16xf32>,
    %swap3A_5 = vector.shape_cast %swap3A_4 : vector<16xf32> to vector<16xf32>
    %swap3A_6 = vector.shape_cast %broadcast_in_dim3A_1 : vector<16xf32> to vector<16xf32>
    tpu.vector_store %arg5[%swap3A], %swap3A_6 {strides = array<i32>} : memref<640xf32, #tpu.memory_space<vmem>>, vector<16xf32>,
    %swap3A_7 = arith.constant 16 : index
    %swap3A_8 = tpu.vector_load %arg5[%swap3A_7] {strides = array<i32>} : memref<640xf32, #tpu.memory_space<vmem>>, vector<16xf32>,
    %swap3A_9 = vector.shape_cast %swap3A_8 : vector<16xf32> to vector<16xf32>
    %swap3A_10 = vector.shape_cast %broadcast_in_dim3A_1 : vector<16xf32> to vector<16xf32>
    tpu.vector_store %arg5[%swap3A_7], %swap3A_10 {strides = array<i32>} : memref<640xf32, #tpu.memory_space<vmem>>, vector<16xf32>,
    %swap3A_11 = arith.constant 32 : index
    %swap3A_12 = tpu.vector_load %arg5[%swap3A_11] {strides = array<i32>} : memref<640xf32, #tpu.memory_space<vmem>>, vector<16xf32>,
    %swap3A_13 = vector.shape_cast %swap3A_12 : vector<16xf32> to vector<16xf32>
    %swap3A_14 = vector.shape_cast %broadcast_in_dim3A_1 : vector<16xf32> to vector<16xf32>
    tpu.vector_store %arg5[%swap3A_11], %swap3A_14 {strides = array<i32>} : memref<640xf32, #tpu.memory_space<vmem>>, vector<16xf32>,
    %swap3A_15 = arith.constant 48 : index
    %swap3A_16 = tpu.vector_load %arg5[%swap3A_15] {strides = array<i32>} : memref<640xf32, #tpu.memory_space<vmem>>, vector<16xf32>,
    %swap3A_17 = vector.shape_cast %swap3A_16 : vector<16xf32> to vector<16xf32>
    %swap3A_18 = vector.shape_cast %broadcast_in_dim3A_1 : vector<16xf32> to vector<16xf32>
    tpu.vector_store %arg5[%swap3A_15], %swap3A_18 {strides = array<i32>} : memref<640xf32, #tpu.memory_space<vmem>>, vector<16xf32>,
    %swap3A_19 = arith.constant 64 : index
    %swap3A_20 = tpu.vector_load %arg5[%swap3A_19] {strides = array<i32>} : memref<640xf32, #tpu.memory_space<vmem>>, vector<16xf32>,
    %swap3A_21 = vector.shape_cast %swap3A_20 : vector<16xf32> to vector<16xf32>
    %swap3A_22 = vector.shape_cast %broadcast_in_dim3A_1 : vector<16xf32> to vector<16xf32>
    tpu.vector_store %arg5[%swap3A_19], %swap3A_22 {strides = array<i32>} : memref<640xf32, #tpu.memory_space<vmem>>, vector<16xf32>,
    %swap3A_23 = arith.constant 80 : index
    %swap3A_24 = tpu.vector_load %arg5[%swap3A_23] {strides = array<i32>} : memref<640xf32, #tpu.memory_space<vmem>>, vector<16xf32>,
    %swap3A_25 = vector.shape_cast %swap3A_24 : vector<16xf32> to vector<16xf32>
    %swap3A_26 = vector.shape_cast %broadcast_in_dim3A_1 : vector<16xf32> to vector<16xf32>
    tpu.vector_store %arg5[%swap3A_23], %swap3A_26 {strides = array<i32>} : memref<640xf32, #tpu.memory_space<vmem>>, vector<16xf32>,
    %swap3A_27 = arith.constant 96 : index
    %swap3A_28 = tpu.vector_load %arg5[%swap3A_27] {strides = array<i32>} : memref<640xf32, #tpu.memory_space<vmem>>, vector<16xf32>,
    %swap3A_29 = vector.shape_cast %swap3A_28 : vector<16xf32> to vector<16xf32>
    %swap3A_30 = vector.shape_cast %broadcast_in_dim3A_1 : vector<16xf32> to vector<16xf32>
    tpu.vector_store %arg5[%swap3A_27], %swap3A_30 {strides = array<i32>} : memref<640xf32, #tpu.memory_space<vmem>>, vector<16xf32>,
    %swap3A_31 = arith.constant 112 : index
    %swap3A_32 = tpu.vector_load %arg5[%swap3A_31] {strides = array<i32>} : memref<640xf32, #tpu.memory_space<vmem>>, vector<16xf32>,
    %swap3A_33 = vector.shape_cast %swap3A_32 : vector<16xf32> to vector<16xf32>
    %swap3A_34 = vector.shape_cast %broadcast_in_dim3A_1 : vector<16xf32> to vector<16xf32>
    tpu.vector_store %arg5[%swap3A_31], %swap3A_34 {strides = array<i32>} : memref<640xf32, #tpu.memory_space<vmem>>, vector<16xf32>,
    %swap3A_35 = arith.constant 128 : index
    %swap3A_36 = tpu.vector_load %arg5[%swap3A_35] {strides = array<i32>} : memref<640xf32, #tpu.memory_space<vmem>>, vector<16xf32>,
    %swap3A_37 = vector.shape_cast %swap3A_36 : vector<16xf32> to vector<16xf32>
    %swap3A_38 = vector.shape_cast %broadcast_in_dim3A_1 : vector<16xf32> to vector<16xf32>
    tpu.vector_store %arg5[%swap3A_35], %swap3A_38 {strides = array<i32>} : memref<640xf32, #tpu.memory_space<vmem>>, vector<16xf32>,
    %swap3A_39 = arith.constant 144 : index
    %swap3A_40 = tpu.vector_load %arg5[%swap3A_39] {strides = array<i32>} : memref<640xf32, #tpu.memory_space<vmem>>, vector<16xf32>,
    %swap3A_41 = vector.shape_cast %swap3A_40 : vector<16xf32> to vector<16xf32>
    %swap3A_42 = vector.shape_cast %broadcast_in_dim3A_1 : vector<16xf32> to vector<16xf32>
    tpu.vector_store %arg5[%swap3A_39], %swap3A_42 {strides = array<i32>} : memref<640xf32, #tpu.memory_space<vmem>>, vector<16xf32>,
    %swap3A_43 = arith.constant 160 : index
    %swap3A_44 = tpu.vector_load %arg5[%swap3A_43] {strides = array<i32>} : memref<640xf32, #tpu.memory_space<vmem>>, vector<16xf32>,
    %swap3A_45 = vector.shape_cast %swap3A_44 : vector<16xf32> to vector<16xf32>
    %swap3A_46 = vector.shape_cast %broadcast_in_dim3A_1 : vector<16xf32> to vector<16xf32>
    tpu.vector_store %arg5[%swap3A_43], %swap3A_46 {strides = array<i32>} : memref<640xf32, #tpu.memory_space<vmem>>, vector<16xf32>,
    %swap3A_47 = arith.constant 176 : index
    %swap3A_48 = tpu.vector_load %arg5[%swap3A_47] {strides = array<i32>} : memref<640xf32, #tpu.memory_space<vmem>>, vector<16xf32>,
    %swap3A_49 = vector.shape_cast %swap3A_48 : vector<16xf32> to vector<16xf32>
    %swap3A_50 = vector.shape_cast %broadcast_in_dim3A_1 : vector<16xf32> to vector<16xf32>
    tpu.vector_store %arg5[%swap3A_47], %swap3A_50 {strides = array<i32>} : memref<640xf32, #tpu.memory_space<vmem>>, vector<16xf32>,
    %swap3A_51 = arith.constant 192 : index
    %swap3A_52 = tpu.vector_load %arg5[%swap3A_51] {strides = array<i32>} : memref<640xf32, #tpu.memory_space<vmem>>, vector<16xf32>,
    %swap3A_53 = vector.shape_cast %swap3A_52 : vector<16xf32> to vector<16xf32>
    %swap3A_54 = vector.shape_cast %broadcast_in_dim3A_1 : vector<16xf32> to vector<16xf32>
    tpu.vector_store %arg5[%swap3A_51], %swap3A_54 {strides = array<i32>} : memref<640xf32, #tpu.memory_space<vmem>>, vector<16xf32>,
    %swap3A_55 = arith.constant 208 : index
    %swap3A_56 = tpu.vector_load %arg5[%swap3A_55] {strides = array<i32>} : memref<640xf32, #tpu.memory_space<vmem>>, vector<16xf32>,
    %swap3A_57 = vector.shape_cast %swap3A_56 : vector<16xf32> to vector<16xf32>
    %swap3A_58 = vector.shape_cast %broadcast_in_dim3A_1 : vector<16xf32> to vector<16xf32>
    tpu.vector_store %arg5[%swap3A_55], %swap3A_58 {strides = array<i32>} : memref<640xf32, #tpu.memory_space<vmem>>, vector<16xf32>,
    %swap3A_59 = arith.constant 224 : index
    %swap3A_60 = tpu.vector_load %arg5[%swap3A_59] {strides = array<i32>} : memref<640xf32, #tpu.memory_space<vmem>>, vector<16xf32>,
    %swap3A_61 = vector.shape_cast %swap3A_60 : vector<16xf32> to vector<16xf32>
    %swap3A_62 = vector.shape_cast %broadcast_in_dim3A_1 : vector<16xf32> to vector<16xf32>
    tpu.vector_store %arg5[%swap3A_59], %swap3A_62 {strides = array<i32>} : memref<640xf32, #tpu.memory_space<vmem>>, vector<16xf32>,
    %swap3A_63 = arith.constant 240 : index
    %swap3A_64 = tpu.vector_load %arg5[%swap3A_63] {strides = array<i32>} : memref<640xf32, #tpu.memory_space<vmem>>, vector<16xf32>,
    %swap3A_65 = vector.shape_cast %swap3A_64 : vector<16xf32> to vector<16xf32>
    %swap3A_66 = vector.shape_cast %broadcast_in_dim3A_1 : vector<16xf32> to vector<16xf32>
    tpu.vector_store %arg5[%swap3A_63], %swap3A_66 {strides = array<i32>} : memref<640xf32, #tpu.memory_space<vmem>>, vector<16xf32>,
    %swap3A_67 = arith.constant 256 : index
    %swap3A_68 = tpu.vector_load %arg5[%swap3A_67] {strides = array<i32>} : memref<640xf32, #tpu.memory_space<vmem>>, vector<16xf32>,
    %swap3A_69 = vector.shape_cast %swap3A_68 : vector<16xf32> to vector<16xf32>
    %swap3A_70 = vector.shape_cast %broadcast_in_dim3A_1 : vector<16xf32> to vector<16xf32>
    tpu.vector_store %arg5[%swap3A_67], %swap3A_70 {strides = array<i32>} : memref<640xf32, #tpu.memory_space<vmem>>, vector<16xf32>,
    %swap3A_71 = arith.constant 272 : index
    %swap3A_72 = tpu.vector_load %arg5[%swap3A_71] {strides = array<i32>} : memref<640xf32, #tpu.memory_space<vmem>>, vector<16xf32>,
    %swap3A_73 = vector.shape_cast %swap3A_72 : vector<16xf32> to vector<16xf32>
    %swap3A_74 = vector.shape_cast %broadcast_in_dim3A_1 : vector<16xf32> to vector<16xf32>
    tpu.vector_store %arg5[%swap3A_71], %swap3A_74 {strides = array<i32>} : memref<640xf32, #tpu.memory_space<vmem>>, vector<16xf32>,
    %swap3A_75 = arith.constant 288 : index
    %swap3A_76 = tpu.vector_load %arg5[%swap3A_75] {strides = array<i32>} : memref<640xf32, #tpu.memory_space<vmem>>, vector<16xf32>,
    %swap3A_77 = vector.shape_cast %swap3A_76 : vector<16xf32> to vector<16xf32>
    %swap3A_78 = vector.shape_cast %broadcast_in_dim3A_1 : vector<16xf32> to vector<16xf32>
    tpu.vector_store %arg5[%swap3A_75], %swap3A_78 {strides = array<i32>} : memref<640xf32, #tpu.memory_space<vmem>>, vector<16xf32>,
    %swap3A_79 = arith.constant 304 : index
    %swap3A_80 = tpu.vector_load %arg5[%swap3A_79] {strides = array<i32>} : memref<640xf32, #tpu.memory_space<vmem>>, vector<16xf32>,
    %swap3A_81 = vector.shape_cast %swap3A_80 : vector<16xf32> to vector<16xf32>
    %swap3A_82 = vector.shape_cast %broadcast_in_dim3A_1 : vector<16xf32> to vector<16xf32>
    tpu.vector_store %arg5[%swap3A_79], %swap3A_82 {strides = array<i32>} : memref<640xf32, #tpu.memory_space<vmem>>, vector<16xf32>,
    %swap3A_83 = arith.constant 320 : index
    %swap3A_84 = tpu.vector_load %arg5[%swap3A_83] {strides = array<i32>} : memref<640xf32, #tpu.memory_space<vmem>>, vector<16xf32>,
    %swap3A_85 = vector.shape_cast %swap3A_84 : vector<16xf32> to vector<16xf32>
    %swap3A_86 = vector.shape_cast %broadcast_in_dim3A_1 : vector<16xf32> to vector<16xf32>
    tpu.vector_store %arg5[%swap3A_83], %swap3A_86 {strides = array<i32>} : memref<640xf32, #tpu.memory_space<vmem>>, vector<16xf32>,
    %swap3A_87 = arith.constant 336 : index
    %swap3A_88 = tpu.vector_load %arg5[%swap3A_87] {strides = array<i32>} : memref<640xf32, #tpu.memory_space<vmem>>, vector<16xf32>,
    %swap3A_89 = vector.shape_cast %swap3A_88 : vector<16xf32> to vector<16xf32>
    %swap3A_90 = vector.shape_cast %broadcast_in_dim3A_1 : vector<16xf32> to vector<16xf32>
    tpu.vector_store %arg5[%swap3A_87], %swap3A_90 {strides = array<i32>} : memref<640xf32, #tpu.memory_space<vmem>>, vector<16xf32>,
    %swap3A_91 = arith.constant 352 : index
    %swap3A_92 = tpu.vector_load %arg5[%swap3A_91] {strides = array<i32>} : memref<640xf32, #tpu.memory_space<vmem>>, vector<16xf32>,
    %swap3A_93 = vector.shape_cast %swap3A_92 : vector<16xf32> to vector<16xf32>
    %swap3A_94 = vector.shape_cast %broadcast_in_dim3A_1 : vector<16xf32> to vector<16xf32>
    tpu.vector_store %arg5[%swap3A_91], %swap3A_94 {strides = array<i32>} : memref<640xf32, #tpu.memory_space<vmem>>, vector<16xf32>,
    %swap3A_95 = arith.constant 368 : index
    %swap3A_96 = tpu.vector_load %arg5[%swap3A_95] {strides = array<i32>} : memref<640xf32, #tpu.memory_space<vmem>>, vector<16xf32>,
    %swap3A_97 = vector.shape_cast %swap3A_96 : vector<16xf32> to vector<16xf32>
    %swap3A_98 = vector.shape_cast %broadcast_in_dim3A_1 : vector<16xf32> to vector<16xf32>
    tpu.vector_store %arg5[%swap3A_95], %swap3A_98 {strides = array<i32>} : memref<640xf32, #tpu.memory_space<vmem>>, vector<16xf32>,
    %swap3A_99 = arith.constant 384 : index
    %swap3A_100 = tpu.vector_load %arg5[%swap3A_99] {strides = array<i32>} : memref<640xf32, #tpu.memory_space<vmem>>, vector<16xf32>,
    %swap3A_101 = vector.shape_cast %swap3A_100 : vector<16xf32> to vector<16xf32>
    %swap3A_102 = vector.shape_cast %broadcast_in_dim3A_1 : vector<16xf32> to vector<16xf32>
    tpu.vector_store %arg5[%swap3A_99], %swap3A_102 {strides = array<i32>} : memref<640xf32, #tpu.memory_space<vmem>>, vector<16xf32>,
    %swap3A_103 = arith.constant 400 : index
    %swap3A_104 = tpu.vector_load %arg5[%swap3A_103] {strides = array<i32>} : memref<640xf32, #tpu.memory_space<vmem>>, vector<16xf32>,
    %swap3A_105 = vector.shape_cast %swap3A_104 : vector<16xf32> to vector<16xf32>
    %swap3A_106 = vector.shape_cast %broadcast_in_dim3A_1 : vector<16xf32> to vector<16xf32>
    tpu.vector_store %arg5[%swap3A_103], %swap3A_106 {strides = array<i32>} : memref<640xf32, #tpu.memory_space<vmem>>, vector<16xf32>,
    %swap3A_107 = arith.constant 416 : index
    %swap3A_108 = tpu.vector_load %arg5[%swap3A_107] {strides = array<i32>} : memref<640xf32, #tpu.memory_space<vmem>>, vector<16xf32>,
    %swap3A_109 = vector.shape_cast %swap3A_108 : vector<16xf32> to vector<16xf32>
    %swap3A_110 = vector.shape_cast %broadcast_in_dim3A_1 : vector<16xf32> to vector<16xf32>
    tpu.vector_store %arg5[%swap3A_107], %swap3A_110 {strides = array<i32>} : memref<640xf32, #tpu.memory_space<vmem>>, vector<16xf32>,
    %swap3A_111 = arith.constant 432 : index
    %swap3A_112 = tpu.vector_load %arg5[%swap3A_111] {strides = array<i32>} : memref<640xf32, #tpu.memory_space<vmem>>, vector<16xf32>,
    %swap3A_113 = vector.shape_cast %swap3A_112 : vector<16xf32> to vector<16xf32>
    %swap3A_114 = vector.shape_cast %broadcast_in_dim3A_1 : vector<16xf32> to vector<16xf32>
    tpu.vector_store %arg5[%swap3A_111], %swap3A_114 {strides = array<i32>} : memref<640xf32, #tpu.memory_space<vmem>>, vector<16xf32>,
    %swap3A_115 = arith.constant 448 : index
    %swap3A_116 = tpu.vector_load %arg5[%swap3A_115] {strides = array<i32>} : memref<640xf32, #tpu.memory_space<vmem>>, vector<16xf32>,
    %swap3A_117 = vector.shape_cast %swap3A_116 : vector<16xf32> to vector<16xf32>
    %swap3A_118 = vector.shape_cast %broadcast_in_dim3A_1 : vector<16xf32> to vector<16xf32>
    tpu.vector_store %arg5[%swap3A_115], %swap3A_118 {strides = array<i32>} : memref<640xf32, #tpu.memory_space<vmem>>, vector<16xf32>,
    %swap3A_119 = arith.constant 464 : index
    %swap3A_120 = tpu.vector_load %arg5[%swap3A_119] {strides = array<i32>} : memref<640xf32, #tpu.memory_space<vmem>>, vector<16xf32>,
    %swap3A_121 = vector.shape_cast %swap3A_120 : vector<16xf32> to vector<16xf32>
    %swap3A_122 = vector.shape_cast %broadcast_in_dim3A_1 : vector<16xf32> to vector<16xf32>
    tpu.vector_store %arg5[%swap3A_119], %swap3A_122 {strides = array<i32>} : memref<640xf32, #tpu.memory_space<vmem>>, vector<16xf32>,
    %swap3A_123 = arith.constant 480 : index
    %swap3A_124 = tpu.vector_load %arg5[%swap3A_123] {strides = array<i32>} : memref<640xf32, #tpu.memory_space<vmem>>, vector<16xf32>,
    %swap3A_125 = vector.shape_cast %swap3A_124 : vector<16xf32> to vector<16xf32>
    %swap3A_126 = vector.shape_cast %broadcast_in_dim3A_1 : vector<16xf32> to vector<16xf32>
    tpu.vector_store %arg5[%swap3A_123], %swap3A_126 {strides = array<i32>} : memref<640xf32, #tpu.memory_space<vmem>>, vector<16xf32>,
    %swap3A_127 = arith.constant 496 : index
    %swap3A_128 = tpu.vector_load %arg5[%swap3A_127] {strides = array<i32>} : memref<640xf32, #tpu.memory_space<vmem>>, vector<16xf32>,
    %swap3A_129 = vector.shape_cast %swap3A_128 : vector<16xf32> to vector<16xf32>
    %swap3A_130 = vector.shape_cast %broadcast_in_dim3A_1 : vector<16xf32> to vector<16xf32>
    tpu.vector_store %arg5[%swap3A_127], %swap3A_130 {strides = array<i32>} : memref<640xf32, #tpu.memory_space<vmem>>, vector<16xf32>,
    %swap3A_131 = arith.constant 512 : index
    %swap3A_132 = tpu.vector_load %arg5[%swap3A_131] {strides = array<i32>} : memref<640xf32, #tpu.memory_space<vmem>>, vector<16xf32>,
    %swap3A_133 = vector.shape_cast %swap3A_132 : vector<16xf32> to vector<16xf32>
    %swap3A_134 = vector.shape_cast %broadcast_in_dim3A_1 : vector<16xf32> to vector<16xf32>
    tpu.vector_store %arg5[%swap3A_131], %swap3A_134 {strides = array<i32>} : memref<640xf32, #tpu.memory_space<vmem>>, vector<16xf32>,
    %swap3A_135 = arith.constant 528 : index
    %swap3A_136 = tpu.vector_load %arg5[%swap3A_135] {strides = array<i32>} : memref<640xf32, #tpu.memory_space<vmem>>, vector<16xf32>,
    %swap3A_137 = vector.shape_cast %swap3A_136 : vector<16xf32> to vector<16xf32>
    %swap3A_138 = vector.shape_cast %broadcast_in_dim3A_1 : vector<16xf32> to vector<16xf32>
    tpu.vector_store %arg5[%swap3A_135], %swap3A_138 {strides = array<i32>} : memref<640xf32, #tpu.memory_space<vmem>>, vector<16xf32>,
    %swap3A_139 = arith.constant 544 : index
    %swap3A_140 = tpu.vector_load %arg5[%swap3A_139] {strides = array<i32>} : memref<640xf32, #tpu.memory_space<vmem>>, vector<16xf32>,
    %swap3A_141 = vector.shape_cast %swap3A_140 : vector<16xf32> to vector<16xf32>
    %swap3A_142 = vector.shape_cast %broadcast_in_dim3A_1 : vector<16xf32> to vector<16xf32>
    tpu.vector_store %arg5[%swap3A_139], %swap3A_142 {strides = array<i32>} : memref<640xf32, #tpu.memory_space<vmem>>, vector<16xf32>,
    %swap3A_143 = arith.constant 560 : index
    %swap3A_144 = tpu.vector_load %arg5[%swap3A_143] {strides = array<i32>} : memref<640xf32, #tpu.memory_space<vmem>>, vector<16xf32>,
    %swap3A_145 = vector.shape_cast %swap3A_144 : vector<16xf32> to vector<16xf32>
    %swap3A_146 = vector.shape_cast %broadcast_in_dim3A_1 : vector<16xf32> to vector<16xf32>
    tpu.vector_store %arg5[%swap3A_143], %swap3A_146 {strides = array<i32>} : memref<640xf32, #tpu.memory_space<vmem>>, vector<16xf32>,
    %swap3A_147 = arith.constant 576 : index
    %swap3A_148 = tpu.vector_load %arg5[%swap3A_147] {strides = array<i32>} : memref<640xf32, #tpu.memory_space<vmem>>, vector<16xf32>,
    %swap3A_149 = vector.shape_cast %swap3A_148 : vector<16xf32> to vector<16xf32>
    %swap3A_150 = vector.shape_cast %broadcast_in_dim3A_1 : vector<16xf32> to vector<16xf32>
    tpu.vector_store %arg5[%swap3A_147], %swap3A_150 {strides = array<i32>} : memref<640xf32, #tpu.memory_space<vmem>>, vector<16xf32>,
    %swap3A_151 = arith.constant 592 : index
    %swap3A_152 = tpu.vector_load %arg5[%swap3A_151] {strides = array<i32>} : memref<640xf32, #tpu.memory_space<vmem>>, vector<16xf32>,
    %swap3A_153 = vector.shape_cast %swap3A_152 : vector<16xf32> to vector<16xf32>
    %swap3A_154 = vector.shape_cast %broadcast_in_dim3A_1 : vector<16xf32> to vector<16xf32>
    tpu.vector_store %arg5[%swap3A_151], %swap3A_154 {strides = array<i32>} : memref<640xf32, #tpu.memory_space<vmem>>, vector<16xf32>,
    %swap3A_155 = arith.constant 608 : index
    %swap3A_156 = tpu.vector_load %arg5[%swap3A_155] {strides = array<i32>} : memref<640xf32, #tpu.memory_space<vmem>>, vector<16xf32>,
    %swap3A_157 = vector.shape_cast %swap3A_156 : vector<16xf32> to vector<16xf32>
    %swap3A_158 = vector.shape_cast %broadcast_in_dim3A_1 : vector<16xf32> to vector<16xf32>
    tpu.vector_store %arg5[%swap3A_155], %swap3A_158 {strides = array<i32>} : memref<640xf32, #tpu.memory_space<vmem>>, vector<16xf32>,
    %swap3A_159 = arith.constant 624 : index
    %swap3A_160 = tpu.vector_load %arg5[%swap3A_159] {strides = array<i32>} : memref<640xf32, #tpu.memory_space<vmem>>, vector<16xf32>,
    %swap3A_161 = vector.shape_cast %swap3A_160 : vector<16xf32> to vector<16xf32>
    %swap3A_162 = vector.shape_cast %broadcast_in_dim3A_1 : vector<16xf32> to vector<16xf32>
    tpu.vector_store %arg5[%swap3A_159], %swap3A_162 {strides = array<i32>} : memref<640xf32, #tpu.memory_space<vmem>>, vector<16xf32>,
    %swap3A_163 = arith.constant 0 : index
    %swap3A_164 = tpu.vector_load %arg6[%swap3A_163] {strides = array<i32>} : memref<128xf32, #tpu.memory_space<vmem>>, vector<16xf32>,
    %swap3A_165 = vector.shape_cast %swap3A_164 : vector<16xf32> to vector<16xf32>
    %swap3A_166 = vector.shape_cast %broadcast_in_dim3A_3 : vector<16xf32> to vector<16xf32>
    tpu.vector_store %arg6[%swap3A_163], %swap3A_166 {strides = array<i32>} : memref<128xf32, #tpu.memory_space<vmem>>, vector<16xf32>,
    %swap3A_167 = arith.constant 16 : index
    %swap3A_168 = tpu.vector_load %arg6[%swap3A_167] {strides = array<i32>} : memref<128xf32, #tpu.memory_space<vmem>>, vector<16xf32>,
    %swap3A_169 = vector.shape_cast %swap3A_168 : vector<16xf32> to vector<16xf32>
    %swap3A_170 = vector.shape_cast %broadcast_in_dim3A_3 : vector<16xf32> to vector<16xf32>
    tpu.vector_store %arg6[%swap3A_167], %swap3A_170 {strides = array<i32>} : memref<128xf32, #tpu.memory_space<vmem>>, vector<16xf32>,
    %swap3A_171 = arith.constant 32 : index
    %swap3A_172 = tpu.vector_load %arg6[%swap3A_171] {strides = array<i32>} : memref<128xf32, #tpu.memory_space<vmem>>, vector<16xf32>,
    %swap3A_173 = vector.shape_cast %swap3A_172 : vector<16xf32> to vector<16xf32>
    %swap3A_174 = vector.shape_cast %broadcast_in_dim3A_3 : vector<16xf32> to vector<16xf32>
    tpu.vector_store %arg6[%swap3A_171], %swap3A_174 {strides = array<i32>} : memref<128xf32, #tpu.memory_space<vmem>>, vector<16xf32>,
    %swap3A_175 = arith.constant 48 : index
    %swap3A_176 = tpu.vector_load %arg6[%swap3A_175] {strides = array<i32>} : memref<128xf32, #tpu.memory_space<vmem>>, vector<16xf32>,
    %swap3A_177 = vector.shape_cast %swap3A_176 : vector<16xf32> to vector<16xf32>
    %swap3A_178 = vector.shape_cast %broadcast_in_dim3A_3 : vector<16xf32> to vector<16xf32>
    tpu.vector_store %arg6[%swap3A_175], %swap3A_178 {strides = array<i32>} : memref<128xf32, #tpu.memory_space<vmem>>, vector<16xf32>,
    %swap3A_179 = arith.constant 64 : index
    %swap3A_180 = tpu.vector_load %arg6[%swap3A_179] {strides = array<i32>} : memref<128xf32, #tpu.memory_space<vmem>>, vector<16xf32>,
    %swap3A_181 = vector.shape_cast %swap3A_180 : vector<16xf32> to vector<16xf32>
    %swap3A_182 = vector.shape_cast %broadcast_in_dim3A_3 : vector<16xf32> to vector<16xf32>
    tpu.vector_store %arg6[%swap3A_179], %swap3A_182 {strides = array<i32>} : memref<128xf32, #tpu.memory_space<vmem>>, vector<16xf32>,
    %swap3A_183 = arith.constant 80 : index
    %swap3A_184 = tpu.vector_load %arg6[%swap3A_183] {strides = array<i32>} : memref<128xf32, #tpu.memory_space<vmem>>, vector<16xf32>,
    %swap3A_185 = vector.shape_cast %swap3A_184 : vector<16xf32> to vector<16xf32>
    %swap3A_186 = vector.shape_cast %broadcast_in_dim3A_3 : vector<16xf32> to vector<16xf32>
    tpu.vector_store %arg6[%swap3A_183], %swap3A_186 {strides = array<i32>} : memref<128xf32, #tpu.memory_space<vmem>>, vector<16xf32>,
    %swap3A_187 = arith.constant 96 : index
    %swap3A_188 = tpu.vector_load %arg6[%swap3A_187] {strides = array<i32>} : memref<128xf32, #tpu.memory_space<vmem>>, vector<16xf32>,
    %swap3A_189 = vector.shape_cast %swap3A_188 : vector<16xf32> to vector<16xf32>
    %swap3A_190 = vector.shape_cast %broadcast_in_dim3A_3 : vector<16xf32> to vector<16xf32>
    tpu.vector_store %arg6[%swap3A_187], %swap3A_190 {strides = array<i32>} : memref<128xf32, #tpu.memory_space<vmem>>, vector<16xf32>,
    %swap3A_191 = arith.constant 112 : index
    %swap3A_192 = tpu.vector_load %arg6[%swap3A_191] {strides = array<i32>} : memref<128xf32, #tpu.memory_space<vmem>>, vector<16xf32>,
    %swap3A_193 = vector.shape_cast %swap3A_192 : vector<16xf32> to vector<16xf32>
    %swap3A_194 = vector.shape_cast %broadcast_in_dim3A_3 : vector<16xf32> to vector<16xf32>
    tpu.vector_store %arg6[%swap3A_191], %swap3A_194 {strides = array<i32>} : memref<128xf32, #tpu.memory_space<vmem>>, vector<16xf32>,
    %eq3A = arith.constant 0 : i32
    %eq3A_195 = arith.cmpi eq, %arg1, %eq3A : i32
    %convert_element_type3A = arith.extui %eq3A_195 : i1 to i32
    %cond3A = arith.constant 0 : i32
    %cond3A_196 = arith.cmpi ne, %convert_element_type3A, %cond3A : i32
    scf.if %cond3A_196 {
      "tpu.region"() ({
        %run_scoped3A = tpu.sem_alloc : memref<!tpu.dma_semaphore, #tpu.memory_space<semaphore_mem>>
        %dma_start3A = arith.constant 0 : i32
        %dma_start3A_209 = tpu.memref_slice %arg7[%dma_start3A] : memref<10000xf32, #tpu.memory_space<vmem_shared>> -> memref<640xf32, #tpu.memory_space<vmem_shared>>
        %dma_start3A_210 = arith.constant 0 : i32
        %dma_start3A_211 = tpu.memref_slice %arg7[%dma_start3A_210] : memref<10000xf32, #tpu.memory_space<vmem_shared>> -> memref<640xf32, #tpu.memory_space<vmem_shared>>
        tpu.enqueue_dma source(%arg5 : memref<640xf32, #tpu.memory_space<vmem>>) target(%dma_start3A_211 : memref<640xf32, #tpu.memory_space<vmem_shared>>) target_semaphore(%run_scoped3A : memref<!tpu.dma_semaphore, #tpu.memory_space<semaphore_mem>>)
        %dma_wait3A = arith.constant 0 : i32
        %dma_wait3A_212 = tpu.memref_slice %arg7[%dma_wait3A] : memref<10000xf32, #tpu.memory_space<vmem_shared>> -> memref<640xf32, #tpu.memory_space<vmem_shared>>
        %dma_wait3A_213 = arith.constant 0 : i32
        %dma_wait3A_214 = tpu.memref_slice %arg7[%dma_wait3A_213] : memref<10000xf32, #tpu.memory_space<vmem_shared>> -> memref<640xf32, #tpu.memory_space<vmem_shared>>
        tpu.wait_dma2 semaphore(%run_scoped3A : memref<!tpu.dma_semaphore, #tpu.memory_space<semaphore_mem>>) src(%arg5 : memref<640xf32, #tpu.memory_space<vmem>>) dst(%dma_wait3A_214 : memref<640xf32, #tpu.memory_space<vmem_shared>>)
        tpu.yield
      }) : () -> ()
      "tpu.region"() ({
        %run_scoped3A = tpu.sem_alloc : memref<!tpu.dma_semaphore, #tpu.memory_space<semaphore_mem>>
        %dma_start3A = arith.constant 640 : i32
        %dma_start3A_209 = tpu.memref_slice %arg7[%dma_start3A] : memref<10000xf32, #tpu.memory_space<vmem_shared>> -> memref<640xf32, #tpu.memory_space<vmem_shared>>
        %dma_start3A_210 = arith.constant 640 : i32
        %dma_start3A_211 = tpu.memref_slice %arg7[%dma_start3A_210] : memref<10000xf32, #tpu.memory_space<vmem_shared>> -> memref<640xf32, #tpu.memory_space<vmem_shared>>
        tpu.enqueue_dma source(%arg5 : memref<640xf32, #tpu.memory_space<vmem>>) target(%dma_start3A_211 : memref<640xf32, #tpu.memory_space<vmem_shared>>) target_semaphore(%run_scoped3A : memref<!tpu.dma_semaphore, #tpu.memory_space<semaphore_mem>>)
        %dma_wait3A = arith.constant 640 : i32
        %dma_wait3A_212 = tpu.memref_slice %arg7[%dma_wait3A] : memref<10000xf32, #tpu.memory_space<vmem_shared>> -> memref<640xf32, #tpu.memory_space<vmem_shared>>
        %dma_wait3A_213 = arith.constant 640 : i32
        %dma_wait3A_214 = tpu.memref_slice %arg7[%dma_wait3A_213] : memref<10000xf32, #tpu.memory_space<vmem_shared>> -> memref<640xf32, #tpu.memory_space<vmem_shared>>
        tpu.wait_dma2 semaphore(%run_scoped3A : memref<!tpu.dma_semaphore, #tpu.memory_space<semaphore_mem>>) src(%arg5 : memref<640xf32, #tpu.memory_space<vmem>>) dst(%dma_wait3A_214 : memref<640xf32, #tpu.memory_space<vmem_shared>>)
        tpu.yield
      }) : () -> ()
      "tpu.region"() ({
        %run_scoped3A = tpu.sem_alloc : memref<!tpu.dma_semaphore, #tpu.memory_space<semaphore_mem>>
        %dma_start3A = arith.constant 1280 : i32
        %dma_start3A_209 = tpu.memref_slice %arg7[%dma_start3A] : memref<10000xf32, #tpu.memory_space<vmem_shared>> -> memref<640xf32, #tpu.memory_space<vmem_shared>>
        %dma_start3A_210 = arith.constant 1280 : i32
        %dma_start3A_211 = tpu.memref_slice %arg7[%dma_start3A_210] : memref<10000xf32, #tpu.memory_space<vmem_shared>> -> memref<640xf32, #tpu.memory_space<vmem_shared>>
        tpu.enqueue_dma source(%arg5 : memref<640xf32, #tpu.memory_space<vmem>>) target(%dma_start3A_211 : memref<640xf32, #tpu.memory_space<vmem_shared>>) target_semaphore(%run_scoped3A : memref<!tpu.dma_semaphore, #tpu.memory_space<semaphore_mem>>)
        %dma_wait3A = arith.constant 1280 : i32
        %dma_wait3A_212 = tpu.memref_slice %arg7[%dma_wait3A] : memref<10000xf32, #tpu.memory_space<vmem_shared>> -> memref<640xf32, #tpu.memory_space<vmem_shared>>
        %dma_wait3A_213 = arith.constant 1280 : i32
        %dma_wait3A_214 = tpu.memref_slice %arg7[%dma_wait3A_213] : memref<10000xf32, #tpu.memory_space<vmem_shared>> -> memref<640xf32, #tpu.memory_space<vmem_shared>>
        tpu.wait_dma2 semaphore(%run_scoped3A : memref<!tpu.dma_semaphore, #tpu.memory_space<semaphore_mem>>) src(%arg5 : memref<640xf32, #tpu.memory_space<vmem>>) dst(%dma_wait3A_214 : memref<640xf32, #tpu.memory_space<vmem_shared>>)
        tpu.yield
      }) : () -> ()
      "tpu.region"() ({
        %run_scoped3A = tpu.sem_alloc : memref<!tpu.dma_semaphore, #tpu.memory_space<semaphore_mem>>
        %dma_start3A = arith.constant 1920 : i32
        %dma_start3A_209 = tpu.memref_slice %arg7[%dma_start3A] : memref<10000xf32, #tpu.memory_space<vmem_shared>> -> memref<640xf32, #tpu.memory_space<vmem_shared>>
        %dma_start3A_210 = arith.constant 1920 : i32
        %dma_start3A_211 = tpu.memref_slice %arg7[%dma_start3A_210] : memref<10000xf32, #tpu.memory_space<vmem_shared>> -> memref<640xf32, #tpu.memory_space<vmem_shared>>
        tpu.enqueue_dma source(%arg5 : memref<640xf32, #tpu.memory_space<vmem>>) target(%dma_start3A_211 : memref<640xf32, #tpu.memory_space<vmem_shared>>) target_semaphore(%run_scoped3A : memref<!tpu.dma_semaphore, #tpu.memory_space<semaphore_mem>>)
        %dma_wait3A = arith.constant 1920 : i32
        %dma_wait3A_212 = tpu.memref_slice %arg7[%dma_wait3A] : memref<10000xf32, #tpu.memory_space<vmem_shared>> -> memref<640xf32, #tpu.memory_space<vmem_shared>>
        %dma_wait3A_213 = arith.constant 1920 : i32
        %dma_wait3A_214 = tpu.memref_slice %arg7[%dma_wait3A_213] : memref<10000xf32, #tpu.memory_space<vmem_shared>> -> memref<640xf32, #tpu.memory_space<vmem_shared>>
        tpu.wait_dma2 semaphore(%run_scoped3A : memref<!tpu.dma_semaphore, #tpu.memory_space<semaphore_mem>>) src(%arg5 : memref<640xf32, #tpu.memory_space<vmem>>) dst(%dma_wait3A_214 : memref<640xf32, #tpu.memory_space<vmem_shared>>)
        tpu.yield
      }) : () -> ()
      "tpu.region"() ({
        %run_scoped3A = tpu.sem_alloc : memref<!tpu.dma_semaphore, #tpu.memory_space<semaphore_mem>>
        %dma_start3A = arith.constant 2560 : i32
        %dma_start3A_209 = tpu.memref_slice %arg7[%dma_start3A] : memref<10000xf32, #tpu.memory_space<vmem_shared>> -> memref<640xf32, #tpu.memory_space<vmem_shared>>
        %dma_start3A_210 = arith.constant 2560 : i32
        %dma_start3A_211 = tpu.memref_slice %arg7[%dma_start3A_210] : memref<10000xf32, #tpu.memory_space<vmem_shared>> -> memref<640xf32, #tpu.memory_space<vmem_shared>>
        tpu.enqueue_dma source(%arg5 : memref<640xf32, #tpu.memory_space<vmem>>) target(%dma_start3A_211 : memref<640xf32, #tpu.memory_space<vmem_shared>>) target_semaphore(%run_scoped3A : memref<!tpu.dma_semaphore, #tpu.memory_space<semaphore_mem>>)
        %dma_wait3A = arith.constant 2560 : i32
        %dma_wait3A_212 = tpu.memref_slice %arg7[%dma_wait3A] : memref<10000xf32, #tpu.memory_space<vmem_shared>> -> memref<640xf32, #tpu.memory_space<vmem_shared>>
        %dma_wait3A_213 = arith.constant 2560 : i32
        %dma_wait3A_214 = tpu.memref_slice %arg7[%dma_wait3A_213] : memref<10000xf32, #tpu.memory_space<vmem_shared>> -> memref<640xf32, #tpu.memory_space<vmem_shared>>
        tpu.wait_dma2 semaphore(%run_scoped3A : memref<!tpu.dma_semaphore, #tpu.memory_space<semaphore_mem>>) src(%arg5 : memref<640xf32, #tpu.memory_space<vmem>>) dst(%dma_wait3A_214 : memref<640xf32, #tpu.memory_space<vmem_shared>>)
        tpu.yield
      }) : () -> ()
      "tpu.region"() ({
        %run_scoped3A = tpu.sem_alloc : memref<!tpu.dma_semaphore, #tpu.memory_space<semaphore_mem>>
        %dma_start3A = arith.constant 3200 : i32
        %dma_start3A_209 = tpu.memref_slice %arg7[%dma_start3A] : memref<10000xf32, #tpu.memory_space<vmem_shared>> -> memref<640xf32, #tpu.memory_space<vmem_shared>>
        %dma_start3A_210 = arith.constant 3200 : i32
        %dma_start3A_211 = tpu.memref_slice %arg7[%dma_start3A_210] : memref<10000xf32, #tpu.memory_space<vmem_shared>> -> memref<640xf32, #tpu.memory_space<vmem_shared>>
        tpu.enqueue_dma source(%arg5 : memref<640xf32, #tpu.memory_space<vmem>>) target(%dma_start3A_211 : memref<640xf32, #tpu.memory_space<vmem_shared>>) target_semaphore(%run_scoped3A : memref<!tpu.dma_semaphore, #tpu.memory_space<semaphore_mem>>)
        %dma_wait3A = arith.constant 3200 : i32
        %dma_wait3A_212 = tpu.memref_slice %arg7[%dma_wait3A] : memref<10000xf32, #tpu.memory_space<vmem_shared>> -> memref<640xf32, #tpu.memory_space<vmem_shared>>
        %dma_wait3A_213 = arith.constant 3200 : i32
        %dma_wait3A_214 = tpu.memref_slice %arg7[%dma_wait3A_213] : memref<10000xf32, #tpu.memory_space<vmem_shared>> -> memref<640xf32, #tpu.memory_space<vmem_shared>>
        tpu.wait_dma2 semaphore(%run_scoped3A : memref<!tpu.dma_semaphore, #tpu.memory_space<semaphore_mem>>) src(%arg5 : memref<640xf32, #tpu.memory_space<vmem>>) dst(%dma_wait3A_214 : memref<640xf32, #tpu.memory_space<vmem_shared>>)
        tpu.yield
      }) : () -> ()
      "tpu.region"() ({
        %run_scoped3A = tpu.sem_alloc : memref<!tpu.dma_semaphore, #tpu.memory_space<semaphore_mem>>
        %dma_start3A = arith.constant 3840 : i32
        %dma_start3A_209 = tpu.memref_slice %arg7[%dma_start3A] : memref<10000xf32, #tpu.memory_space<vmem_shared>> -> memref<640xf32, #tpu.memory_space<vmem_shared>>
        %dma_start3A_210 = arith.constant 3840 : i32
        %dma_start3A_211 = tpu.memref_slice %arg7[%dma_start3A_210] : memref<10000xf32, #tpu.memory_space<vmem_shared>> -> memref<640xf32, #tpu.memory_space<vmem_shared>>
        tpu.enqueue_dma source(%arg5 : memref<640xf32, #tpu.memory_space<vmem>>) target(%dma_start3A_211 : memref<640xf32, #tpu.memory_space<vmem_shared>>) target_semaphore(%run_scoped3A : memref<!tpu.dma_semaphore, #tpu.memory_space<semaphore_mem>>)
        %dma_wait3A = arith.constant 3840 : i32
        %dma_wait3A_212 = tpu.memref_slice %arg7[%dma_wait3A] : memref<10000xf32, #tpu.memory_space<vmem_shared>> -> memref<640xf32, #tpu.memory_space<vmem_shared>>
        %dma_wait3A_213 = arith.constant 3840 : i32
        %dma_wait3A_214 = tpu.memref_slice %arg7[%dma_wait3A_213] : memref<10000xf32, #tpu.memory_space<vmem_shared>> -> memref<640xf32, #tpu.memory_space<vmem_shared>>
        tpu.wait_dma2 semaphore(%run_scoped3A : memref<!tpu.dma_semaphore, #tpu.memory_space<semaphore_mem>>) src(%arg5 : memref<640xf32, #tpu.memory_space<vmem>>) dst(%dma_wait3A_214 : memref<640xf32, #tpu.memory_space<vmem_shared>>)
        tpu.yield
      }) : () -> ()
      "tpu.region"() ({
        %run_scoped3A = tpu.sem_alloc : memref<!tpu.dma_semaphore, #tpu.memory_space<semaphore_mem>>
        %dma_start3A = arith.constant 4480 : i32
        %dma_start3A_209 = tpu.memref_slice %arg7[%dma_start3A] : memref<10000xf32, #tpu.memory_space<vmem_shared>> -> memref<640xf32, #tpu.memory_space<vmem_shared>>
        %dma_start3A_210 = arith.constant 4480 : i32
        %dma_start3A_211 = tpu.memref_slice %arg7[%dma_start3A_210] : memref<10000xf32, #tpu.memory_space<vmem_shared>> -> memref<640xf32, #tpu.memory_space<vmem_shared>>
        tpu.enqueue_dma source(%arg5 : memref<640xf32, #tpu.memory_space<vmem>>) target(%dma_start3A_211 : memref<640xf32, #tpu.memory_space<vmem_shared>>) target_semaphore(%run_scoped3A : memref<!tpu.dma_semaphore, #tpu.memory_space<semaphore_mem>>)
        %dma_wait3A = arith.constant 4480 : i32
        %dma_wait3A_212 = tpu.memref_slice %arg7[%dma_wait3A] : memref<10000xf32, #tpu.memory_space<vmem_shared>> -> memref<640xf32, #tpu.memory_space<vmem_shared>>
        %dma_wait3A_213 = arith.constant 4480 : i32
        %dma_wait3A_214 = tpu.memref_slice %arg7[%dma_wait3A_213] : memref<10000xf32, #tpu.memory_space<vmem_shared>> -> memref<640xf32, #tpu.memory_space<vmem_shared>>
        tpu.wait_dma2 semaphore(%run_scoped3A : memref<!tpu.dma_semaphore, #tpu.memory_space<semaphore_mem>>) src(%arg5 : memref<640xf32, #tpu.memory_space<vmem>>) dst(%dma_wait3A_214 : memref<640xf32, #tpu.memory_space<vmem_shared>>)
        tpu.yield
      }) : () -> ()
      "tpu.region"() ({
        %run_scoped3A = tpu.sem_alloc : memref<!tpu.dma_semaphore, #tpu.memory_space<semaphore_mem>>
        %dma_start3A = arith.constant 5120 : i32
        %dma_start3A_209 = tpu.memref_slice %arg7[%dma_start3A] : memref<10000xf32, #tpu.memory_space<vmem_shared>> -> memref<640xf32, #tpu.memory_space<vmem_shared>>
        %dma_start3A_210 = arith.constant 5120 : i32
        %dma_start3A_211 = tpu.memref_slice %arg7[%dma_start3A_210] : memref<10000xf32, #tpu.memory_space<vmem_shared>> -> memref<640xf32, #tpu.memory_space<vmem_shared>>
        tpu.enqueue_dma source(%arg5 : memref<640xf32, #tpu.memory_space<vmem>>) target(%dma_start3A_211 : memref<640xf32, #tpu.memory_space<vmem_shared>>) target_semaphore(%run_scoped3A : memref<!tpu.dma_semaphore, #tpu.memory_space<semaphore_mem>>)
        %dma_wait3A = arith.constant 5120 : i32
        %dma_wait3A_212 = tpu.memref_slice %arg7[%dma_wait3A] : memref<10000xf32, #tpu.memory_space<vmem_shared>> -> memref<640xf32, #tpu.memory_space<vmem_shared>>
        %dma_wait3A_213 = arith.constant 5120 : i32
        %dma_wait3A_214 = tpu.memref_slice %arg7[%dma_wait3A_213] : memref<10000xf32, #tpu.memory_space<vmem_shared>> -> memref<640xf32, #tpu.memory_space<vmem_shared>>
        tpu.wait_dma2 semaphore(%run_scoped3A : memref<!tpu.dma_semaphore, #tpu.memory_space<semaphore_mem>>) src(%arg5 : memref<640xf32, #tpu.memory_space<vmem>>) dst(%dma_wait3A_214 : memref<640xf32, #tpu.memory_space<vmem_shared>>)
        tpu.yield
      }) : () -> ()
      "tpu.region"() ({
        %run_scoped3A = tpu.sem_alloc : memref<!tpu.dma_semaphore, #tpu.memory_space<semaphore_mem>>
        %dma_start3A = arith.constant 5760 : i32
        %dma_start3A_209 = tpu.memref_slice %arg7[%dma_start3A] : memref<10000xf32, #tpu.memory_space<vmem_shared>> -> memref<640xf32, #tpu.memory_space<vmem_shared>>
        %dma_start3A_210 = arith.constant 5760 : i32
        %dma_start3A_211 = tpu.memref_slice %arg7[%dma_start3A_210] : memref<10000xf32, #tpu.memory_space<vmem_shared>> -> memref<640xf32, #tpu.memory_space<vmem_shared>>
        tpu.enqueue_dma source(%arg5 : memref<640xf32, #tpu.memory_space<vmem>>) target(%dma_start3A_211 : memref<640xf32, #tpu.memory_space<vmem_shared>>) target_semaphore(%run_scoped3A : memref<!tpu.dma_semaphore, #tpu.memory_space<semaphore_mem>>)
        %dma_wait3A = arith.constant 5760 : i32
        %dma_wait3A_212 = tpu.memref_slice %arg7[%dma_wait3A] : memref<10000xf32, #tpu.memory_space<vmem_shared>> -> memref<640xf32, #tpu.memory_space<vmem_shared>>
        %dma_wait3A_213 = arith.constant 5760 : i32
        %dma_wait3A_214 = tpu.memref_slice %arg7[%dma_wait3A_213] : memref<10000xf32, #tpu.memory_space<vmem_shared>> -> memref<640xf32, #tpu.memory_space<vmem_shared>>
        tpu.wait_dma2 semaphore(%run_scoped3A : memref<!tpu.dma_semaphore, #tpu.memory_space<semaphore_mem>>) src(%arg5 : memref<640xf32, #tpu.memory_space<vmem>>) dst(%dma_wait3A_214 : memref<640xf32, #tpu.memory_space<vmem_shared>>)
        tpu.yield
      }) : () -> ()
      "tpu.region"() ({
        %run_scoped3A = tpu.sem_alloc : memref<!tpu.dma_semaphore, #tpu.memory_space<semaphore_mem>>
        %dma_start3A = arith.constant 6400 : i32
        %dma_start3A_209 = tpu.memref_slice %arg7[%dma_start3A] : memref<10000xf32, #tpu.memory_space<vmem_shared>> -> memref<640xf32, #tpu.memory_space<vmem_shared>>
        %dma_start3A_210 = arith.constant 6400 : i32
        %dma_start3A_211 = tpu.memref_slice %arg7[%dma_start3A_210] : memref<10000xf32, #tpu.memory_space<vmem_shared>> -> memref<640xf32, #tpu.memory_space<vmem_shared>>
        tpu.enqueue_dma source(%arg5 : memref<640xf32, #tpu.memory_space<vmem>>) target(%dma_start3A_211 : memref<640xf32, #tpu.memory_space<vmem_shared>>) target_semaphore(%run_scoped3A : memref<!tpu.dma_semaphore, #tpu.memory_space<semaphore_mem>>)
        %dma_wait3A = arith.constant 6400 : i32
        %dma_wait3A_212 = tpu.memref_slice %arg7[%dma_wait3A] : memref<10000xf32, #tpu.memory_space<vmem_shared>> -> memref<640xf32, #tpu.memory_space<vmem_shared>>
        %dma_wait3A_213 = arith.constant 6400 : i32
        %dma_wait3A_214 = tpu.memref_slice %arg7[%dma_wait3A_213] : memref<10000xf32, #tpu.memory_space<vmem_shared>> -> memref<640xf32, #tpu.memory_space<vmem_shared>>
        tpu.wait_dma2 semaphore(%run_scoped3A : memref<!tpu.dma_semaphore, #tpu.memory_space<semaphore_mem>>) src(%arg5 : memref<640xf32, #tpu.memory_space<vmem>>) dst(%dma_wait3A_214 : memref<640xf32, #tpu.memory_space<vmem_shared>>)
        tpu.yield
      }) : () -> ()
      "tpu.region"() ({
        %run_scoped3A = tpu.sem_alloc : memref<!tpu.dma_semaphore, #tpu.memory_space<semaphore_mem>>
        %dma_start3A = arith.constant 7040 : i32
        %dma_start3A_209 = tpu.memref_slice %arg7[%dma_start3A] : memref<10000xf32, #tpu.memory_space<vmem_shared>> -> memref<640xf32, #tpu.memory_space<vmem_shared>>
        %dma_start3A_210 = arith.constant 7040 : i32
        %dma_start3A_211 = tpu.memref_slice %arg7[%dma_start3A_210] : memref<10000xf32, #tpu.memory_space<vmem_shared>> -> memref<640xf32, #tpu.memory_space<vmem_shared>>
        tpu.enqueue_dma source(%arg5 : memref<640xf32, #tpu.memory_space<vmem>>) target(%dma_start3A_211 : memref<640xf32, #tpu.memory_space<vmem_shared>>) target_semaphore(%run_scoped3A : memref<!tpu.dma_semaphore, #tpu.memory_space<semaphore_mem>>)
        %dma_wait3A = arith.constant 7040 : i32
        %dma_wait3A_212 = tpu.memref_slice %arg7[%dma_wait3A] : memref<10000xf32, #tpu.memory_space<vmem_shared>> -> memref<640xf32, #tpu.memory_space<vmem_shared>>
        %dma_wait3A_213 = arith.constant 7040 : i32
        %dma_wait3A_214 = tpu.memref_slice %arg7[%dma_wait3A_213] : memref<10000xf32, #tpu.memory_space<vmem_shared>> -> memref<640xf32, #tpu.memory_space<vmem_shared>>
        tpu.wait_dma2 semaphore(%run_scoped3A : memref<!tpu.dma_semaphore, #tpu.memory_space<semaphore_mem>>) src(%arg5 : memref<640xf32, #tpu.memory_space<vmem>>) dst(%dma_wait3A_214 : memref<640xf32, #tpu.memory_space<vmem_shared>>)
        tpu.yield
      }) : () -> ()
      "tpu.region"() ({
        %run_scoped3A = tpu.sem_alloc : memref<!tpu.dma_semaphore, #tpu.memory_space<semaphore_mem>>
        %dma_start3A = arith.constant 7680 : i32
        %dma_start3A_209 = tpu.memref_slice %arg7[%dma_start3A] : memref<10000xf32, #tpu.memory_space<vmem_shared>> -> memref<640xf32, #tpu.memory_space<vmem_shared>>
        %dma_start3A_210 = arith.constant 7680 : i32
        %dma_start3A_211 = tpu.memref_slice %arg7[%dma_start3A_210] : memref<10000xf32, #tpu.memory_space<vmem_shared>> -> memref<640xf32, #tpu.memory_space<vmem_shared>>
        tpu.enqueue_dma source(%arg5 : memref<640xf32, #tpu.memory_space<vmem>>) target(%dma_start3A_211 : memref<640xf32, #tpu.memory_space<vmem_shared>>) target_semaphore(%run_scoped3A : memref<!tpu.dma_semaphore, #tpu.memory_space<semaphore_mem>>)
        %dma_wait3A = arith.constant 7680 : i32
        %dma_wait3A_212 = tpu.memref_slice %arg7[%dma_wait3A] : memref<10000xf32, #tpu.memory_space<vmem_shared>> -> memref<640xf32, #tpu.memory_space<vmem_shared>>
        %dma_wait3A_213 = arith.constant 7680 : i32
        %dma_wait3A_214 = tpu.memref_slice %arg7[%dma_wait3A_213] : memref<10000xf32, #tpu.memory_space<vmem_shared>> -> memref<640xf32, #tpu.memory_space<vmem_shared>>
        tpu.wait_dma2 semaphore(%run_scoped3A : memref<!tpu.dma_semaphore, #tpu.memory_space<semaphore_mem>>) src(%arg5 : memref<640xf32, #tpu.memory_space<vmem>>) dst(%dma_wait3A_214 : memref<640xf32, #tpu.memory_space<vmem_shared>>)
        tpu.yield
      }) : () -> ()
      "tpu.region"() ({
        %run_scoped3A = tpu.sem_alloc : memref<!tpu.dma_semaphore, #tpu.memory_space<semaphore_mem>>
        %dma_start3A = arith.constant 8320 : i32
        %dma_start3A_209 = tpu.memref_slice %arg7[%dma_start3A] : memref<10000xf32, #tpu.memory_space<vmem_shared>> -> memref<640xf32, #tpu.memory_space<vmem_shared>>
        %dma_start3A_210 = arith.constant 8320 : i32
        %dma_start3A_211 = tpu.memref_slice %arg7[%dma_start3A_210] : memref<10000xf32, #tpu.memory_space<vmem_shared>> -> memref<640xf32, #tpu.memory_space<vmem_shared>>
        tpu.enqueue_dma source(%arg5 : memref<640xf32, #tpu.memory_space<vmem>>) target(%dma_start3A_211 : memref<640xf32, #tpu.memory_space<vmem_shared>>) target_semaphore(%run_scoped3A : memref<!tpu.dma_semaphore, #tpu.memory_space<semaphore_mem>>)
        %dma_wait3A = arith.constant 8320 : i32
        %dma_wait3A_212 = tpu.memref_slice %arg7[%dma_wait3A] : memref<10000xf32, #tpu.memory_space<vmem_shared>> -> memref<640xf32, #tpu.memory_space<vmem_shared>>
        %dma_wait3A_213 = arith.constant 8320 : i32
        %dma_wait3A_214 = tpu.memref_slice %arg7[%dma_wait3A_213] : memref<10000xf32, #tpu.memory_space<vmem_shared>> -> memref<640xf32, #tpu.memory_space<vmem_shared>>
        tpu.wait_dma2 semaphore(%run_scoped3A : memref<!tpu.dma_semaphore, #tpu.memory_space<semaphore_mem>>) src(%arg5 : memref<640xf32, #tpu.memory_space<vmem>>) dst(%dma_wait3A_214 : memref<640xf32, #tpu.memory_space<vmem_shared>>)
        tpu.yield
      }) : () -> ()
      "tpu.region"() ({
        %run_scoped3A = tpu.sem_alloc : memref<!tpu.dma_semaphore, #tpu.memory_space<semaphore_mem>>
        %dma_start3A = arith.constant 8960 : i32
        %dma_start3A_209 = tpu.memref_slice %arg7[%dma_start3A] : memref<10000xf32, #tpu.memory_space<vmem_shared>> -> memref<640xf32, #tpu.memory_space<vmem_shared>>
        %dma_start3A_210 = arith.constant 8960 : i32
        %dma_start3A_211 = tpu.memref_slice %arg7[%dma_start3A_210] : memref<10000xf32, #tpu.memory_space<vmem_shared>> -> memref<640xf32, #tpu.memory_space<vmem_shared>>
        tpu.enqueue_dma source(%arg5 : memref<640xf32, #tpu.memory_space<vmem>>) target(%dma_start3A_211 : memref<640xf32, #tpu.memory_space<vmem_shared>>) target_semaphore(%run_scoped3A : memref<!tpu.dma_semaphore, #tpu.memory_space<semaphore_mem>>)
        %dma_wait3A = arith.constant 8960 : i32
        %dma_wait3A_212 = tpu.memref_slice %arg7[%dma_wait3A] : memref<10000xf32, #tpu.memory_space<vmem_shared>> -> memref<640xf32, #tpu.memory_space<vmem_shared>>
        %dma_wait3A_213 = arith.constant 8960 : i32
        %dma_wait3A_214 = tpu.memref_slice %arg7[%dma_wait3A_213] : memref<10000xf32, #tpu.memory_space<vmem_shared>> -> memref<640xf32, #tpu.memory_space<vmem_shared>>
        tpu.wait_dma2 semaphore(%run_scoped3A : memref<!tpu.dma_semaphore, #tpu.memory_space<semaphore_mem>>) src(%arg5 : memref<640xf32, #tpu.memory_space<vmem>>) dst(%dma_wait3A_214 : memref<640xf32, #tpu.memory_space<vmem_shared>>)
        tpu.yield
      }) : () -> ()
      "tpu.region"() ({
        %run_scoped3A = tpu.sem_alloc : memref<!tpu.dma_semaphore, #tpu.memory_space<semaphore_mem>>
        %dma_start3A = arith.constant 0 : i32
        %dma_start3A_209 = tpu.memref_slice %arg5[%dma_start3A] : memref<640xf32, #tpu.memory_space<vmem>> -> memref<400xf32, #tpu.memory_space<vmem>>
        %dma_start3A_210 = arith.constant 9600 : i32
        %dma_start3A_211 = tpu.memref_slice %arg7[%dma_start3A_210] : memref<10000xf32, #tpu.memory_space<vmem_shared>> -> memref<400xf32, #tpu.memory_space<vmem_shared>>
        %dma_start3A_212 = arith.constant 9600 : i32
        %dma_start3A_213 = tpu.memref_slice %arg7[%dma_start3A_212] : memref<10000xf32, #tpu.memory_space<vmem_shared>> -> memref<400xf32, #tpu.memory_space<vmem_shared>>
        %dma_start3A_214 = arith.constant 0 : i32
        %dma_start3A_215 = tpu.memref_slice %arg5[%dma_start3A_214] : memref<640xf32, #tpu.memory_space<vmem>> -> memref<400xf32, #tpu.memory_space<vmem>>
        tpu.enqueue_dma source(%dma_start3A_215 : memref<400xf32, #tpu.memory_space<vmem>>) target(%dma_start3A_213 : memref<400xf32, #tpu.memory_space<vmem_shared>>) target_semaphore(%run_scoped3A : memref<!tpu.dma_semaphore, #tpu.memory_space<semaphore_mem>>)
        %dma_wait3A = arith.constant 0 : i32
        %dma_wait3A_216 = tpu.memref_slice %arg5[%dma_wait3A] : memref<640xf32, #tpu.memory_space<vmem>> -> memref<400xf32, #tpu.memory_space<vmem>>
        %dma_wait3A_217 = arith.constant 9600 : i32
        %dma_wait3A_218 = tpu.memref_slice %arg7[%dma_wait3A_217] : memref<10000xf32, #tpu.memory_space<vmem_shared>> -> memref<400xf32, #tpu.memory_space<vmem_shared>>
        %dma_wait3A_219 = arith.constant 9600 : i32
        %dma_wait3A_220 = tpu.memref_slice %arg7[%dma_wait3A_219] : memref<10000xf32, #tpu.memory_space<vmem_shared>> -> memref<400xf32, #tpu.memory_space<vmem_shared>>
        %dma_wait3A_221 = arith.constant 0 : i32
        %dma_wait3A_222 = tpu.memref_slice %arg5[%dma_wait3A_221] : memref<640xf32, #tpu.memory_space<vmem>> -> memref<400xf32, #tpu.memory_space<vmem>>
        tpu.wait_dma2 semaphore(%run_scoped3A : memref<!tpu.dma_semaphore, #tpu.memory_space<semaphore_mem>>) src(%dma_wait3A_222 : memref<400xf32, #tpu.memory_space<vmem>>) dst(%dma_wait3A_220 : memref<400xf32, #tpu.memory_space<vmem_shared>>)
        tpu.yield
      }) : () -> ()
    } else {
    }
    %barrier3A = arith.constant 0 : index
    tpu.barrier barrier_id(%barrier3A)
    %scan3A = arith.constant 0 : i32
    %scan3A_197 = arith.constant 0 : i32
    %scan3A_198 = arith.constant 80 : i32
    %scan3A_199 = arith.addi %scan3A_197, %scan3A_198 : i32
    %scan3A_200 = arith.constant 1 : i32
    %scan3A_201 = scf.for %scan3A_209 = %scan3A_197 to %scan3A_199 step %scan3A_200 iter_args(%scan3A_210 = %scan3A) -> (i32)  : i32 {
      "tpu.region"() ({
        %run_scoped3A = tpu.sem_alloc : memref<!tpu.dma_semaphore, #tpu.memory_space<semaphore_mem>>
        %dma_start3A = arith.constant 0 : i32
        %dma_start3A_212 = tpu.memref_slice %arg6[%dma_start3A] : memref<128xf32, #tpu.memory_space<vmem>> -> memref<125xf32, #tpu.memory_space<vmem>>
        %dma_start3A_213 = arith.constant 0 : i32
        %dma_start3A_214 = tpu.memref_slice %arg4[%scan3A_209, %dma_start3A_213] : memref<80x125xi32, #tpu.memory_space<vmem>> -> memref<1x125xi32, #tpu.memory_space<vmem>>
        %dma_start3A_215 = tpu.memref_squeeze %dma_start3A_214 : memref<1x125xi32, #tpu.memory_space<vmem>> -> memref<125xi32, #tpu.memory_space<vmem>>
        %dma_start3A_216 = arith.constant 0 : i32
        %dma_start3A_217 = tpu.memref_slice %arg7[%dma_start3A_216] : memref<10000xf32, #tpu.memory_space<vmem_shared>> -> memref<10000xf32, #tpu.memory_space<vmem_shared>>
        tpu.enqueue_indirect_dma source(%dma_start3A_212 : memref<125xf32, #tpu.memory_space<vmem>>) target(%dma_start3A_217 : memref<10000xf32, #tpu.memory_space<vmem_shared>>) offsets(%dma_start3A_215 : memref<125xi32, #tpu.memory_space<vmem>>) semaphore(%run_scoped3A : memref<!tpu.dma_semaphore, #tpu.memory_space<semaphore_mem>>) {add = true}
        %dma_wait3A = arith.constant 0 : i32
        %dma_wait3A_218 = tpu.memref_slice %arg6[%dma_wait3A] : memref<128xf32, #tpu.memory_space<vmem>> -> memref<125xf32, #tpu.memory_space<vmem>>
        %dma_wait3A_219 = arith.constant 0 : i32
        %dma_wait3A_220 = tpu.memref_slice %arg4[%scan3A_209, %dma_wait3A_219] : memref<80x125xi32, #tpu.memory_space<vmem>> -> memref<1x125xi32, #tpu.memory_space<vmem>>
        %dma_wait3A_221 = tpu.memref_squeeze %dma_wait3A_220 : memref<1x125xi32, #tpu.memory_space<vmem>> -> memref<125xi32, #tpu.memory_space<vmem>>
        %dma_wait3A_222 = arith.constant 0 : i32
        %dma_wait3A_223 = tpu.memref_slice %arg7[%dma_wait3A_222] : memref<10000xf32, #tpu.memory_space<vmem_shared>> -> memref<10000xf32, #tpu.memory_space<vmem_shared>>
        tpu.wait_indirect_dma semaphore(%run_scoped3A : memref<!tpu.dma_semaphore, #tpu.memory_space<semaphore_mem>>) src(%dma_wait3A_218 : memref<125xf32, #tpu.memory_space<vmem>>) dst(%dma_wait3A_223 : memref<10000xf32, #tpu.memory_space<vmem_shared>>)
        tpu.yield
      }) : () -> ()
      %scan3A_211 = arith.constant 0 : i32
      scf.yield %scan3A_211 : i32
    }
    %scan3A_202 = arith.constant 80 : i32
    %barrier3A_203 = arith.constant 0 : index
    tpu.barrier barrier_id(%barrier3A_203)
    %eq3A_204 = arith.constant 0 : i32
    %eq3A_205 = arith.cmpi eq, %arg1, %eq3A_204 : i32
    %convert_element_type3A_206 = arith.extui %eq3A_205 : i1 to i32
    %cond3A_207 = arith.constant 0 : i32
    %cond3A_208 = arith.cmpi ne, %convert_element_type3A_206, %cond3A_207 : i32
    scf.if %cond3A_208 {
      "tpu.region"() ({
        %run_scoped3A = tpu.sem_alloc : memref<!tpu.dma_semaphore, #tpu.memory_space<semaphore_mem>>
        %dma_start3A = arith.constant 0 : i32
        %dma_start3A_209 = tpu.memref_slice %arg3[%arg0, %dma_start3A] : memref<2x10000xf32, #tpu.memory_space<hbm>> -> memref<1x10000xf32, #tpu.memory_space<hbm>>
        %dma_start3A_210 = tpu.memref_squeeze %dma_start3A_209 : memref<1x10000xf32, #tpu.memory_space<hbm>> -> memref<10000xf32, #tpu.memory_space<hbm>>
        tpu.enqueue_dma source(%arg7 : memref<10000xf32, #tpu.memory_space<vmem_shared>>) target(%dma_start3A_210 : memref<10000xf32, #tpu.memory_space<hbm>>) target_semaphore(%run_scoped3A : memref<!tpu.dma_semaphore, #tpu.memory_space<semaphore_mem>>)
        %dma_wait3A = arith.constant 0 : i32
        %dma_wait3A_211 = tpu.memref_slice %arg3[%arg0, %dma_wait3A] : memref<2x10000xf32, #tpu.memory_space<hbm>> -> memref<1x10000xf32, #tpu.memory_space<hbm>>
        %dma_wait3A_212 = tpu.memref_squeeze %dma_wait3A_211 : memref<1x10000xf32, #tpu.memory_space<hbm>> -> memref<10000xf32, #tpu.memory_space<hbm>>
        tpu.wait_dma2 semaphore(%run_scoped3A : memref<!tpu.dma_semaphore, #tpu.memory_space<semaphore_mem>>) src(%arg7 : memref<10000xf32, #tpu.memory_space<vmem_shared>>) dst(%dma_wait3A_212 : memref<10000xf32, #tpu.memory_space<hbm>>)
        tpu.yield
      }) : () -> ()
    } else {
    }
    return
  }
}

#map = affine_map<(d0, d1) -> (0, 0)>
#map1 = affine_map<(d0, d1) -> (0, 0, 0)>
#map2 = affine_map<(d0, d1) -> (0, 0, 0, 0)>
module attributes {stable_mosaic.version = 14 : i64} {
  func.func @_sc_scatter(%arg0: i32, %arg1: i32, %arg2: memref<10000x128xf32, #tpu.memory_space<hbm>>, %arg3: memref<32x80x125xi32, #tpu.memory_space<hbm>>, %arg4: memref<32x80x125xi32, #tpu.memory_space<hbm>>, %arg5: memref<2x16x625x128xf32, #tpu.memory_space<hbm>>, %arg6: memref<80x125xi32, #tpu.memory_space<vmem>>, %arg7: memref<125xi32, #tpu.memory_space<vmem>>, %arg8: memref<125xi32, #tpu.memory_space<vmem>>, %arg9: memref<125xi32, #tpu.memory_space<vmem>>, %arg10: memref<125xi32, #tpu.memory_space<vmem>>, %arg11: memref<125x128xf32, #tpu.memory_space<vmem>>, %arg12: memref<125x128xf32, #tpu.memory_space<vmem>>, %arg13: memref<10000x128xf32, #tpu.memory_space<vmem_shared>>, %arg14: memref<!tpu.dma_semaphore, #tpu.memory_space<semaphore_mem>>, %arg15: memref<!tpu.dma_semaphore, #tpu.memory_space<semaphore_mem>>, %arg16: memref<!tpu.dma_semaphore, #tpu.memory_space<semaphore_mem>>, %arg17: memref<!tpu.dma_semaphore, #tpu.memory_space<semaphore_mem>>, %arg18: memref<!tpu.dma_semaphore, #tpu.memory_space<semaphore_mem>>, %arg19: memref<!tpu.dma_semaphore, #tpu.memory_space<semaphore_mem>>, %arg20: memref<!tpu.dma_semaphore, #tpu.memory_space<semaphore_mem>>) attributes {dimension_semantics = [#tpu.dimension_semantics<core_parallel>, #tpu.dimension_semantics<subcore_parallel>], iteration_bounds = array<i64: 2, 16>, scalar_prefetch = 0 : i64, scratch_operands = 15 : i64, tpu.core_type = #tpu.core_type<sc_vector_subcore>, window_params = [{transform_indices = #map}, {transform_indices = #map1}, {transform_indices = #map1}, {transform_indices = #map2}]} {
    %mul3A = arith.constant 16 : i32
    %mul3A_0 = arith.muli %arg0, %mul3A : i32
    %add3A = arith.addi %mul3A_0, %arg1 : i32
    %broadcast_in_dim3A = arith.constant 0.000000e+00 : f32
    %broadcast_in_dim3A_1 = vector.broadcast %broadcast_in_dim3A : f32 to vector<16xf32>
    %scan3A = arith.constant 0 : i32
    %scan3A_2 = arith.constant 0 : i32
    %scan3A_3 = arith.constant 125 : i32
    %scan3A_4 = arith.addi %scan3A_2, %scan3A_3 : i32
    %scan3A_5 = arith.constant 1 : i32
    %scan3A_6 = scf.for %scan3A_144 = %scan3A_2 to %scan3A_4 step %scan3A_5 iter_args(%scan3A_145 = %scan3A) -> (i32)  : i32 {
      %swap3A = arith.index_cast %scan3A_144 : i32 to index
      %swap3A_146 = arith.constant 0 : index
      %swap3A_147 = tpu.vector_load %arg12[%swap3A, %swap3A_146] {strides = array<i32>} : memref<125x128xf32, #tpu.memory_space<vmem>>, vector<1x16xf32>,
      %swap3A_148 = vector.shape_cast %swap3A_147 : vector<1x16xf32> to vector<16xf32>
      %swap3A_149 = vector.shape_cast %broadcast_in_dim3A_1 : vector<16xf32> to vector<1x16xf32>
      tpu.vector_store %arg12[%swap3A, %swap3A_146], %swap3A_149 {strides = array<i32>} : memref<125x128xf32, #tpu.memory_space<vmem>>, vector<1x16xf32>,
      %swap3A_150 = arith.index_cast %scan3A_144 : i32 to index
      %swap3A_151 = arith.constant 16 : index
      %swap3A_152 = tpu.vector_load %arg12[%swap3A_150, %swap3A_151] {strides = array<i32>} : memref<125x128xf32, #tpu.memory_space<vmem>>, vector<1x16xf32>,
      %swap3A_153 = vector.shape_cast %swap3A_152 : vector<1x16xf32> to vector<16xf32>
      %swap3A_154 = vector.shape_cast %broadcast_in_dim3A_1 : vector<16xf32> to vector<1x16xf32>
      tpu.vector_store %arg12[%swap3A_150, %swap3A_151], %swap3A_154 {strides = array<i32>} : memref<125x128xf32, #tpu.memory_space<vmem>>, vector<1x16xf32>,
      %swap3A_155 = arith.index_cast %scan3A_144 : i32 to index
      %swap3A_156 = arith.constant 32 : index
      %swap3A_157 = tpu.vector_load %arg12[%swap3A_155, %swap3A_156] {strides = array<i32>} : memref<125x128xf32, #tpu.memory_space<vmem>>, vector<1x16xf32>,
      %swap3A_158 = vector.shape_cast %swap3A_157 : vector<1x16xf32> to vector<16xf32>
      %swap3A_159 = vector.shape_cast %broadcast_in_dim3A_1 : vector<16xf32> to vector<1x16xf32>
      tpu.vector_store %arg12[%swap3A_155, %swap3A_156], %swap3A_159 {strides = array<i32>} : memref<125x128xf32, #tpu.memory_space<vmem>>, vector<1x16xf32>,
      %swap3A_160 = arith.index_cast %scan3A_144 : i32 to index
      %swap3A_161 = arith.constant 48 : index
      %swap3A_162 = tpu.vector_load %arg12[%swap3A_160, %swap3A_161] {strides = array<i32>} : memref<125x128xf32, #tpu.memory_space<vmem>>, vector<1x16xf32>,
      %swap3A_163 = vector.shape_cast %swap3A_162 : vector<1x16xf32> to vector<16xf32>
      %swap3A_164 = vector.shape_cast %broadcast_in_dim3A_1 : vector<16xf32> to vector<1x16xf32>
      tpu.vector_store %arg12[%swap3A_160, %swap3A_161], %swap3A_164 {strides = array<i32>} : memref<125x128xf32, #tpu.memory_space<vmem>>, vector<1x16xf32>,
      %swap3A_165 = arith.index_cast %scan3A_144 : i32 to index
      %swap3A_166 = arith.constant 64 : index
      %swap3A_167 = tpu.vector_load %arg12[%swap3A_165, %swap3A_166] {strides = array<i32>} : memref<125x128xf32, #tpu.memory_space<vmem>>, vector<1x16xf32>,
      %swap3A_168 = vector.shape_cast %swap3A_167 : vector<1x16xf32> to vector<16xf32>
      %swap3A_169 = vector.shape_cast %broadcast_in_dim3A_1 : vector<16xf32> to vector<1x16xf32>
      tpu.vector_store %arg12[%swap3A_165, %swap3A_166], %swap3A_169 {strides = array<i32>} : memref<125x128xf32, #tpu.memory_space<vmem>>, vector<1x16xf32>,
      %swap3A_170 = arith.index_cast %scan3A_144 : i32 to index
      %swap3A_171 = arith.constant 80 : index
      %swap3A_172 = tpu.vector_load %arg12[%swap3A_170, %swap3A_171] {strides = array<i32>} : memref<125x128xf32, #tpu.memory_space<vmem>>, vector<1x16xf32>,
      %swap3A_173 = vector.shape_cast %swap3A_172 : vector<1x16xf32> to vector<16xf32>
      %swap3A_174 = vector.shape_cast %broadcast_in_dim3A_1 : vector<16xf32> to vector<1x16xf32>
      tpu.vector_store %arg12[%swap3A_170, %swap3A_171], %swap3A_174 {strides = array<i32>} : memref<125x128xf32, #tpu.memory_space<vmem>>, vector<1x16xf32>,
      %swap3A_175 = arith.index_cast %scan3A_144 : i32 to index
      %swap3A_176 = arith.constant 96 : index
      %swap3A_177 = tpu.vector_load %arg12[%swap3A_175, %swap3A_176] {strides = array<i32>} : memref<125x128xf32, #tpu.memory_space<vmem>>, vector<1x16xf32>,
      %swap3A_178 = vector.shape_cast %swap3A_177 : vector<1x16xf32> to vector<16xf32>
      %swap3A_179 = vector.shape_cast %broadcast_in_dim3A_1 : vector<16xf32> to vector<1x16xf32>
      tpu.vector_store %arg12[%swap3A_175, %swap3A_176], %swap3A_179 {strides = array<i32>} : memref<125x128xf32, #tpu.memory_space<vmem>>, vector<1x16xf32>,
      %swap3A_180 = arith.index_cast %scan3A_144 : i32 to index
      %swap3A_181 = arith.constant 112 : index
      %swap3A_182 = tpu.vector_load %arg12[%swap3A_180, %swap3A_181] {strides = array<i32>} : memref<125x128xf32, #tpu.memory_space<vmem>>, vector<1x16xf32>,
      %swap3A_183 = vector.shape_cast %swap3A_182 : vector<1x16xf32> to vector<16xf32>
      %swap3A_184 = vector.shape_cast %broadcast_in_dim3A_1 : vector<16xf32> to vector<1x16xf32>
      tpu.vector_store %arg12[%swap3A_180, %swap3A_181], %swap3A_184 {strides = array<i32>} : memref<125x128xf32, #tpu.memory_space<vmem>>, vector<1x16xf32>,
      %scan3A_185 = arith.constant 0 : i32
      scf.yield %scan3A_185 : i32
    }
    %scan3A_7 = arith.constant 125 : i32
    %mul3A_8 = arith.constant 625 : i32
    %mul3A_9 = arith.muli %arg1, %mul3A_8 : i32
    %add3A_10 = arith.constant 0 : i32
    %add3A_11 = arith.addi %mul3A_9, %add3A_10 : i32
    %dma_start3A = arith.constant 0 : i32
    %dma_start3A_12 = tpu.memref_slice %arg13[%add3A_11, %dma_start3A] : memref<10000x128xf32, #tpu.memory_space<vmem_shared>> -> memref<125x128xf32, #tpu.memory_space<vmem_shared>>
    %dma_start3A_13 = arith.constant 0 : i32
    %dma_start3A_14 = tpu.memref_slice %arg13[%add3A_11, %dma_start3A_13] : memref<10000x128xf32, #tpu.memory_space<vmem_shared>> -> memref<125x128xf32, #tpu.memory_space<vmem_shared>>
    tpu.enqueue_dma source(%arg12 : memref<125x128xf32, #tpu.memory_space<vmem>>) target(%dma_start3A_14 : memref<125x128xf32, #tpu.memory_space<vmem_shared>>) target_semaphore(%arg20 : memref<!tpu.dma_semaphore, #tpu.memory_space<semaphore_mem>>)
    %mul3A_15 = arith.constant 625 : i32
    %mul3A_16 = arith.muli %arg1, %mul3A_15 : i32
    %add3A_17 = arith.constant 125 : i32
    %add3A_18 = arith.addi %mul3A_16, %add3A_17 : i32
    %dma_start3A_19 = arith.constant 0 : i32
    %dma_start3A_20 = tpu.memref_slice %arg13[%add3A_18, %dma_start3A_19] : memref<10000x128xf32, #tpu.memory_space<vmem_shared>> -> memref<125x128xf32, #tpu.memory_space<vmem_shared>>
    %dma_start3A_21 = arith.constant 0 : i32
    %dma_start3A_22 = tpu.memref_slice %arg13[%add3A_18, %dma_start3A_21] : memref<10000x128xf32, #tpu.memory_space<vmem_shared>> -> memref<125x128xf32, #tpu.memory_space<vmem_shared>>
    tpu.enqueue_dma source(%arg12 : memref<125x128xf32, #tpu.memory_space<vmem>>) target(%dma_start3A_22 : memref<125x128xf32, #tpu.memory_space<vmem_shared>>) target_semaphore(%arg20 : memref<!tpu.dma_semaphore, #tpu.memory_space<semaphore_mem>>)
    %mul3A_23 = arith.constant 625 : i32
    %mul3A_24 = arith.muli %arg1, %mul3A_23 : i32
    %add3A_25 = arith.constant 250 : i32
    %add3A_26 = arith.addi %mul3A_24, %add3A_25 : i32
    %dma_start3A_27 = arith.constant 0 : i32
    %dma_start3A_28 = tpu.memref_slice %arg13[%add3A_26, %dma_start3A_27] : memref<10000x128xf32, #tpu.memory_space<vmem_shared>> -> memref<125x128xf32, #tpu.memory_space<vmem_shared>>
    %dma_start3A_29 = arith.constant 0 : i32
    %dma_start3A_30 = tpu.memref_slice %arg13[%add3A_26, %dma_start3A_29] : memref<10000x128xf32, #tpu.memory_space<vmem_shared>> -> memref<125x128xf32, #tpu.memory_space<vmem_shared>>
    tpu.enqueue_dma source(%arg12 : memref<125x128xf32, #tpu.memory_space<vmem>>) target(%dma_start3A_30 : memref<125x128xf32, #tpu.memory_space<vmem_shared>>) target_semaphore(%arg20 : memref<!tpu.dma_semaphore, #tpu.memory_space<semaphore_mem>>)
    %mul3A_31 = arith.constant 625 : i32
    %mul3A_32 = arith.muli %arg1, %mul3A_31 : i32
    %add3A_33 = arith.constant 375 : i32
    %add3A_34 = arith.addi %mul3A_32, %add3A_33 : i32
    %dma_start3A_35 = arith.constant 0 : i32
    %dma_start3A_36 = tpu.memref_slice %arg13[%add3A_34, %dma_start3A_35] : memref<10000x128xf32, #tpu.memory_space<vmem_shared>> -> memref<125x128xf32, #tpu.memory_space<vmem_shared>>
    %dma_start3A_37 = arith.constant 0 : i32
    %dma_start3A_38 = tpu.memref_slice %arg13[%add3A_34, %dma_start3A_37] : memref<10000x128xf32, #tpu.memory_space<vmem_shared>> -> memref<125x128xf32, #tpu.memory_space<vmem_shared>>
    tpu.enqueue_dma source(%arg12 : memref<125x128xf32, #tpu.memory_space<vmem>>) target(%dma_start3A_38 : memref<125x128xf32, #tpu.memory_space<vmem_shared>>) target_semaphore(%arg20 : memref<!tpu.dma_semaphore, #tpu.memory_space<semaphore_mem>>)
    %mul3A_39 = arith.constant 625 : i32
    %mul3A_40 = arith.muli %arg1, %mul3A_39 : i32
    %add3A_41 = arith.constant 500 : i32
    %add3A_42 = arith.addi %mul3A_40, %add3A_41 : i32
    %dma_start3A_43 = arith.constant 0 : i32
    %dma_start3A_44 = tpu.memref_slice %arg13[%add3A_42, %dma_start3A_43] : memref<10000x128xf32, #tpu.memory_space<vmem_shared>> -> memref<125x128xf32, #tpu.memory_space<vmem_shared>>
    %dma_start3A_45 = arith.constant 0 : i32
    %dma_start3A_46 = tpu.memref_slice %arg13[%add3A_42, %dma_start3A_45] : memref<10000x128xf32, #tpu.memory_space<vmem_shared>> -> memref<125x128xf32, #tpu.memory_space<vmem_shared>>
    tpu.enqueue_dma source(%arg12 : memref<125x128xf32, #tpu.memory_space<vmem>>) target(%dma_start3A_46 : memref<125x128xf32, #tpu.memory_space<vmem_shared>>) target_semaphore(%arg20 : memref<!tpu.dma_semaphore, #tpu.memory_space<semaphore_mem>>)
    "tpu.region"() ({
      %run_scoped3A = tpu.sem_alloc : memref<!tpu.dma_semaphore, #tpu.memory_space<semaphore_mem>>
      %dma_start3A_144 = arith.constant 0 : i32
      %dma_start3A_145 = arith.constant 0 : i32
      %dma_start3A_146 = tpu.memref_slice %arg4[%add3A, %dma_start3A_144, %dma_start3A_145] : memref<32x80x125xi32, #tpu.memory_space<hbm>> -> memref<1x80x125xi32, #tpu.memory_space<hbm>>
      %dma_start3A_147 = tpu.memref_squeeze %dma_start3A_146 : memref<1x80x125xi32, #tpu.memory_space<hbm>> -> memref<80x125xi32, #tpu.memory_space<hbm>>
      %dma_start3A_148 = arith.constant 0 : i32
      %dma_start3A_149 = arith.constant 0 : i32
      %dma_start3A_150 = tpu.memref_slice %arg4[%add3A, %dma_start3A_148, %dma_start3A_149] : memref<32x80x125xi32, #tpu.memory_space<hbm>> -> memref<1x80x125xi32, #tpu.memory_space<hbm>>
      %dma_start3A_151 = tpu.memref_squeeze %dma_start3A_150 : memref<1x80x125xi32, #tpu.memory_space<hbm>> -> memref<80x125xi32, #tpu.memory_space<hbm>>
      tpu.enqueue_dma source(%dma_start3A_151 : memref<80x125xi32, #tpu.memory_space<hbm>>) target(%arg6 : memref<80x125xi32, #tpu.memory_space<vmem>>) target_semaphore(%run_scoped3A : memref<!tpu.dma_semaphore, #tpu.memory_space<semaphore_mem>>)
      %dma_wait3A_152 = arith.constant 0 : i32
      %dma_wait3A_153 = arith.constant 0 : i32
      %dma_wait3A_154 = tpu.memref_slice %arg4[%add3A, %dma_wait3A_152, %dma_wait3A_153] : memref<32x80x125xi32, #tpu.memory_space<hbm>> -> memref<1x80x125xi32, #tpu.memory_space<hbm>>
      %dma_wait3A_155 = tpu.memref_squeeze %dma_wait3A_154 : memref<1x80x125xi32, #tpu.memory_space<hbm>> -> memref<80x125xi32, #tpu.memory_space<hbm>>
      %dma_wait3A_156 = arith.constant 0 : i32
      %dma_wait3A_157 = arith.constant 0 : i32
      %dma_wait3A_158 = tpu.memref_slice %arg4[%add3A, %dma_wait3A_156, %dma_wait3A_157] : memref<32x80x125xi32, #tpu.memory_space<hbm>> -> memref<1x80x125xi32, #tpu.memory_space<hbm>>
      %dma_wait3A_159 = tpu.memref_squeeze %dma_wait3A_158 : memref<1x80x125xi32, #tpu.memory_space<hbm>> -> memref<80x125xi32, #tpu.memory_space<hbm>>
      tpu.wait_dma2 semaphore(%run_scoped3A : memref<!tpu.dma_semaphore, #tpu.memory_space<semaphore_mem>>) src(%dma_wait3A_159 : memref<80x125xi32, #tpu.memory_space<hbm>>) dst(%arg6 : memref<80x125xi32, #tpu.memory_space<vmem>>)
      tpu.yield
    }) : () -> ()
    %dma_start3A_47 = arith.constant 0 : i32
    %dma_start3A_48 = arith.constant 0 : i32
    %dma_start3A_49 = tpu.memref_slice %arg3[%add3A, %dma_start3A_47, %dma_start3A_48] : memref<32x80x125xi32, #tpu.memory_space<hbm>> -> memref<1x1x125xi32, #tpu.memory_space<hbm>>
    %dma_start3A_50 = tpu.memref_squeeze %dma_start3A_49 : memref<1x1x125xi32, #tpu.memory_space<hbm>> -> memref<125xi32, #tpu.memory_space<hbm>>
    %dma_start3A_51 = arith.constant 0 : i32
    %dma_start3A_52 = tpu.memref_slice %arg3[%add3A, %dma_start3A_47, %dma_start3A_51] : memref<32x80x125xi32, #tpu.memory_space<hbm>> -> memref<1x1x125xi32, #tpu.memory_space<hbm>>
    %dma_start3A_53 = tpu.memref_squeeze %dma_start3A_52 : memref<1x1x125xi32, #tpu.memory_space<hbm>> -> memref<125xi32, #tpu.memory_space<hbm>>
    tpu.enqueue_dma source(%dma_start3A_53 : memref<125xi32, #tpu.memory_space<hbm>>) target(%arg7 : memref<125xi32, #tpu.memory_space<vmem>>) target_semaphore(%arg16 : memref<!tpu.dma_semaphore, #tpu.memory_space<semaphore_mem>>)
    %dma_start3A_54 = arith.constant 1 : i32
    %dma_start3A_55 = arith.constant 0 : i32
    %dma_start3A_56 = tpu.memref_slice %arg3[%add3A, %dma_start3A_54, %dma_start3A_55] : memref<32x80x125xi32, #tpu.memory_space<hbm>> -> memref<1x1x125xi32, #tpu.memory_space<hbm>>
    %dma_start3A_57 = tpu.memref_squeeze %dma_start3A_56 : memref<1x1x125xi32, #tpu.memory_space<hbm>> -> memref<125xi32, #tpu.memory_space<hbm>>
    %dma_start3A_58 = arith.constant 0 : i32
    %dma_start3A_59 = tpu.memref_slice %arg3[%add3A, %dma_start3A_54, %dma_start3A_58] : memref<32x80x125xi32, #tpu.memory_space<hbm>> -> memref<1x1x125xi32, #tpu.memory_space<hbm>>
    %dma_start3A_60 = tpu.memref_squeeze %dma_start3A_59 : memref<1x1x125xi32, #tpu.memory_space<hbm>> -> memref<125xi32, #tpu.memory_space<hbm>>
    tpu.enqueue_dma source(%dma_start3A_60 : memref<125xi32, #tpu.memory_space<hbm>>) target(%arg8 : memref<125xi32, #tpu.memory_space<vmem>>) target_semaphore(%arg17 : memref<!tpu.dma_semaphore, #tpu.memory_space<semaphore_mem>>)
    %dma_start3A_61 = arith.constant 2 : i32
    %dma_start3A_62 = arith.constant 0 : i32
    %dma_start3A_63 = tpu.memref_slice %arg3[%add3A, %dma_start3A_61, %dma_start3A_62] : memref<32x80x125xi32, #tpu.memory_space<hbm>> -> memref<1x1x125xi32, #tpu.memory_space<hbm>>
    %dma_start3A_64 = tpu.memref_squeeze %dma_start3A_63 : memref<1x1x125xi32, #tpu.memory_space<hbm>> -> memref<125xi32, #tpu.memory_space<hbm>>
    %dma_start3A_65 = arith.constant 0 : i32
    %dma_start3A_66 = tpu.memref_slice %arg3[%add3A, %dma_start3A_61, %dma_start3A_65] : memref<32x80x125xi32, #tpu.memory_space<hbm>> -> memref<1x1x125xi32, #tpu.memory_space<hbm>>
    %dma_start3A_67 = tpu.memref_squeeze %dma_start3A_66 : memref<1x1x125xi32, #tpu.memory_space<hbm>> -> memref<125xi32, #tpu.memory_space<hbm>>
    tpu.enqueue_dma source(%dma_start3A_67 : memref<125xi32, #tpu.memory_space<hbm>>) target(%arg9 : memref<125xi32, #tpu.memory_space<vmem>>) target_semaphore(%arg18 : memref<!tpu.dma_semaphore, #tpu.memory_space<semaphore_mem>>)
    %dma_start3A_68 = arith.constant 3 : i32
    %dma_start3A_69 = arith.constant 0 : i32
    %dma_start3A_70 = tpu.memref_slice %arg3[%add3A, %dma_start3A_68, %dma_start3A_69] : memref<32x80x125xi32, #tpu.memory_space<hbm>> -> memref<1x1x125xi32, #tpu.memory_space<hbm>>
    %dma_start3A_71 = tpu.memref_squeeze %dma_start3A_70 : memref<1x1x125xi32, #tpu.memory_space<hbm>> -> memref<125xi32, #tpu.memory_space<hbm>>
    %dma_start3A_72 = arith.constant 0 : i32
    %dma_start3A_73 = tpu.memref_slice %arg3[%add3A, %dma_start3A_68, %dma_start3A_72] : memref<32x80x125xi32, #tpu.memory_space<hbm>> -> memref<1x1x125xi32, #tpu.memory_space<hbm>>
    %dma_start3A_74 = tpu.memref_squeeze %dma_start3A_73 : memref<1x1x125xi32, #tpu.memory_space<hbm>> -> memref<125xi32, #tpu.memory_space<hbm>>
    tpu.enqueue_dma source(%dma_start3A_74 : memref<125xi32, #tpu.memory_space<hbm>>) target(%arg10 : memref<125xi32, #tpu.memory_space<vmem>>) target_semaphore(%arg19 : memref<!tpu.dma_semaphore, #tpu.memory_space<semaphore_mem>>)
    %dma_wait3A = arith.constant 0 : i32
    %dma_wait3A_75 = arith.constant 0 : i32
    %dma_wait3A_76 = tpu.memref_slice %arg3[%add3A, %dma_wait3A, %dma_wait3A_75] : memref<32x80x125xi32, #tpu.memory_space<hbm>> -> memref<1x1x125xi32, #tpu.memory_space<hbm>>
    %dma_wait3A_77 = tpu.memref_squeeze %dma_wait3A_76 : memref<1x1x125xi32, #tpu.memory_space<hbm>> -> memref<125xi32, #tpu.memory_space<hbm>>
    %dma_wait3A_78 = arith.constant 0 : i32
    %dma_wait3A_79 = tpu.memref_slice %arg3[%add3A, %dma_wait3A, %dma_wait3A_78] : memref<32x80x125xi32, #tpu.memory_space<hbm>> -> memref<1x1x125xi32, #tpu.memory_space<hbm>>
    %dma_wait3A_80 = tpu.memref_squeeze %dma_wait3A_79 : memref<1x1x125xi32, #tpu.memory_space<hbm>> -> memref<125xi32, #tpu.memory_space<hbm>>
    tpu.wait_dma2 semaphore(%arg16 : memref<!tpu.dma_semaphore, #tpu.memory_space<semaphore_mem>>) src(%dma_wait3A_80 : memref<125xi32, #tpu.memory_space<hbm>>) dst(%arg7 : memref<125xi32, #tpu.memory_space<vmem>>)
    %dma_start3A_81 = arith.constant 0 : i32
    %dma_start3A_82 = arith.constant 0 : i32
    %dma_start3A_83 = tpu.memref_slice %arg2[%dma_start3A_81, %dma_start3A_82] : memref<10000x128xf32, #tpu.memory_space<hbm>> -> memref<10000x128xf32, #tpu.memory_space<hbm>>
    tpu.enqueue_indirect_dma source(%dma_start3A_83 : memref<10000x128xf32, #tpu.memory_space<hbm>>) target(%arg11 : memref<125x128xf32, #tpu.memory_space<vmem>>) offsets(%arg7 : memref<125xi32, #tpu.memory_space<vmem>>) semaphore(%arg14 : memref<!tpu.dma_semaphore, #tpu.memory_space<semaphore_mem>>)
    %dma_wait3A_84 = arith.constant 1 : i32
    %dma_wait3A_85 = arith.constant 0 : i32
    %dma_wait3A_86 = tpu.memref_slice %arg3[%add3A, %dma_wait3A_84, %dma_wait3A_85] : memref<32x80x125xi32, #tpu.memory_space<hbm>> -> memref<1x1x125xi32, #tpu.memory_space<hbm>>
    %dma_wait3A_87 = tpu.memref_squeeze %dma_wait3A_86 : memref<1x1x125xi32, #tpu.memory_space<hbm>> -> memref<125xi32, #tpu.memory_space<hbm>>
    %dma_wait3A_88 = arith.constant 0 : i32
    %dma_wait3A_89 = tpu.memref_slice %arg3[%add3A, %dma_wait3A_84, %dma_wait3A_88] : memref<32x80x125xi32, #tpu.memory_space<hbm>> -> memref<1x1x125xi32, #tpu.memory_space<hbm>>
    %dma_wait3A_90 = tpu.memref_squeeze %dma_wait3A_89 : memref<1x1x125xi32, #tpu.memory_space<hbm>> -> memref<125xi32, #tpu.memory_space<hbm>>
    tpu.wait_dma2 semaphore(%arg17 : memref<!tpu.dma_semaphore, #tpu.memory_space<semaphore_mem>>) src(%dma_wait3A_90 : memref<125xi32, #tpu.memory_space<hbm>>) dst(%arg8 : memref<125xi32, #tpu.memory_space<vmem>>)
    %mul3A_91 = arith.constant 625 : i32
    %mul3A_92 = arith.muli %arg1, %mul3A_91 : i32
    %add3A_93 = arith.constant 0 : i32
    %add3A_94 = arith.addi %mul3A_92, %add3A_93 : i32
    %dma_wait3A_95 = arith.constant 0 : i32
    %dma_wait3A_96 = tpu.memref_slice %arg13[%add3A_94, %dma_wait3A_95] : memref<10000x128xf32, #tpu.memory_space<vmem_shared>> -> memref<125x128xf32, #tpu.memory_space<vmem_shared>>
    %dma_wait3A_97 = arith.constant 0 : i32
    %dma_wait3A_98 = tpu.memref_slice %arg13[%add3A_94, %dma_wait3A_97] : memref<10000x128xf32, #tpu.memory_space<vmem_shared>> -> memref<125x128xf32, #tpu.memory_space<vmem_shared>>
    tpu.wait_dma2 semaphore(%arg20 : memref<!tpu.dma_semaphore, #tpu.memory_space<semaphore_mem>>) src(%arg12 : memref<125x128xf32, #tpu.memory_space<vmem>>) dst(%dma_wait3A_98 : memref<125x128xf32, #tpu.memory_space<vmem_shared>>)
    %mul3A_99 = arith.constant 625 : i32
    %mul3A_100 = arith.muli %arg1, %mul3A_99 : i32
    %add3A_101 = arith.constant 125 : i32
    %add3A_102 = arith.addi %mul3A_100, %add3A_101 : i32
    %dma_wait3A_103 = arith.constant 0 : i32
    %dma_wait3A_104 = tpu.memref_slice %arg13[%add3A_102, %dma_wait3A_103] : memref<10000x128xf32, #tpu.memory_space<vmem_shared>> -> memref<125x128xf32, #tpu.memory_space<vmem_shared>>
    %dma_wait3A_105 = arith.constant 0 : i32
    %dma_wait3A_106 = tpu.memref_slice %arg13[%add3A_102, %dma_wait3A_105] : memref<10000x128xf32, #tpu.memory_space<vmem_shared>> -> memref<125x128xf32, #tpu.memory_space<vmem_shared>>
    tpu.wait_dma2 semaphore(%arg20 : memref<!tpu.dma_semaphore, #tpu.memory_space<semaphore_mem>>) src(%arg12 : memref<125x128xf32, #tpu.memory_space<vmem>>) dst(%dma_wait3A_106 : memref<125x128xf32, #tpu.memory_space<vmem_shared>>)
    %mul3A_107 = arith.constant 625 : i32
    %mul3A_108 = arith.muli %arg1, %mul3A_107 : i32
    %add3A_109 = arith.constant 250 : i32
    %add3A_110 = arith.addi %mul3A_108, %add3A_109 : i32
    %dma_wait3A_111 = arith.constant 0 : i32
    %dma_wait3A_112 = tpu.memref_slice %arg13[%add3A_110, %dma_wait3A_111] : memref<10000x128xf32, #tpu.memory_space<vmem_shared>> -> memref<125x128xf32, #tpu.memory_space<vmem_shared>>
    %dma_wait3A_113 = arith.constant 0 : i32
    %dma_wait3A_114 = tpu.memref_slice %arg13[%add3A_110, %dma_wait3A_113] : memref<10000x128xf32, #tpu.memory_space<vmem_shared>> -> memref<125x128xf32, #tpu.memory_space<vmem_shared>>
    tpu.wait_dma2 semaphore(%arg20 : memref<!tpu.dma_semaphore, #tpu.memory_space<semaphore_mem>>) src(%arg12 : memref<125x128xf32, #tpu.memory_space<vmem>>) dst(%dma_wait3A_114 : memref<125x128xf32, #tpu.memory_space<vmem_shared>>)
    %mul3A_115 = arith.constant 625 : i32
    %mul3A_116 = arith.muli %arg1, %mul3A_115 : i32
    %add3A_117 = arith.constant 375 : i32
    %add3A_118 = arith.addi %mul3A_116, %add3A_117 : i32
    %dma_wait3A_119 = arith.constant 0 : i32
    %dma_wait3A_120 = tpu.memref_slice %arg13[%add3A_118, %dma_wait3A_119] : memref<10000x128xf32, #tpu.memory_space<vmem_shared>> -> memref<125x128xf32, #tpu.memory_space<vmem_shared>>
    %dma_wait3A_121 = arith.constant 0 : i32
    %dma_wait3A_122 = tpu.memref_slice %arg13[%add3A_118, %dma_wait3A_121] : memref<10000x128xf32, #tpu.memory_space<vmem_shared>> -> memref<125x128xf32, #tpu.memory_space<vmem_shared>>
    tpu.wait_dma2 semaphore(%arg20 : memref<!tpu.dma_semaphore, #tpu.memory_space<semaphore_mem>>) src(%arg12 : memref<125x128xf32, #tpu.memory_space<vmem>>) dst(%dma_wait3A_122 : memref<125x128xf32, #tpu.memory_space<vmem_shared>>)
    %mul3A_123 = arith.constant 625 : i32
    %mul3A_124 = arith.muli %arg1, %mul3A_123 : i32
    %add3A_125 = arith.constant 500 : i32
    %add3A_126 = arith.addi %mul3A_124, %add3A_125 : i32
    %dma_wait3A_127 = arith.constant 0 : i32
    %dma_wait3A_128 = tpu.memref_slice %arg13[%add3A_126, %dma_wait3A_127] : memref<10000x128xf32, #tpu.memory_space<vmem_shared>> -> memref<125x128xf32, #tpu.memory_space<vmem_shared>>
    %dma_wait3A_129 = arith.constant 0 : i32
    %dma_wait3A_130 = tpu.memref_slice %arg13[%add3A_126, %dma_wait3A_129] : memref<10000x128xf32, #tpu.memory_space<vmem_shared>> -> memref<125x128xf32, #tpu.memory_space<vmem_shared>>
    tpu.wait_dma2 semaphore(%arg20 : memref<!tpu.dma_semaphore, #tpu.memory_space<semaphore_mem>>) src(%arg12 : memref<125x128xf32, #tpu.memory_space<vmem>>) dst(%dma_wait3A_130 : memref<125x128xf32, #tpu.memory_space<vmem_shared>>)
    %dma_start3A_131 = arith.constant 0 : i32
    %dma_start3A_132 = arith.constant 0 : i32
    %dma_start3A_133 = tpu.memref_slice %arg2[%dma_start3A_131, %dma_start3A_132] : memref<10000x128xf32, #tpu.memory_space<hbm>> -> memref<10000x128xf32, #tpu.memory_space<hbm>>
    tpu.enqueue_indirect_dma source(%dma_start3A_133 : memref<10000x128xf32, #tpu.memory_space<hbm>>) target(%arg12 : memref<125x128xf32, #tpu.memory_space<vmem>>) offsets(%arg8 : memref<125xi32, #tpu.memory_space<vmem>>) semaphore(%arg15 : memref<!tpu.dma_semaphore, #tpu.memory_space<semaphore_mem>>)
    %barrier3A = arith.constant 0 : index
    tpu.barrier barrier_id(%barrier3A)
    %scan3A_134 = arith.constant 0 : i32
    %scan3A_135 = arith.constant 0 : i32
    %scan3A_136 = arith.constant 20 : i32
    %scan3A_137 = arith.addi %scan3A_135, %scan3A_136 : i32
    %scan3A_138 = arith.constant 1 : i32
    %scan3A_139 = scf.for %scan3A_144 = %scan3A_135 to %scan3A_137 step %scan3A_138 iter_args(%scan3A_145 = %scan3A_134) -> (i32)  : i32 {
      %mul3A_146 = arith.constant 4 : i32
      %mul3A_147 = arith.muli %scan3A_144, %mul3A_146 : i32
      %add3A_148 = arith.constant 0 : i32
      %add3A_149 = arith.addi %mul3A_147, %add3A_148 : i32
      %dma_wait3A_150 = arith.constant 0 : i32
      %dma_wait3A_151 = arith.constant 0 : i32
      %dma_wait3A_152 = tpu.memref_slice %arg2[%dma_wait3A_150, %dma_wait3A_151] : memref<10000x128xf32, #tpu.memory_space<hbm>> -> memref<10000x128xf32, #tpu.memory_space<hbm>>
      tpu.wait_indirect_dma semaphore(%arg14 : memref<!tpu.dma_semaphore, #tpu.memory_space<semaphore_mem>>) src(%dma_wait3A_152 : memref<10000x128xf32, #tpu.memory_space<hbm>>) dst(%arg11 : memref<125x128xf32, #tpu.memory_space<vmem>>)
      "tpu.region"() ({
        %run_scoped3A = tpu.sem_alloc : memref<!tpu.dma_semaphore, #tpu.memory_space<semaphore_mem>>
        %dma_start3A_222 = arith.constant 0 : i32
        %dma_start3A_223 = tpu.memref_slice %arg6[%add3A_149, %dma_start3A_222] : memref<80x125xi32, #tpu.memory_space<vmem>> -> memref<1x125xi32, #tpu.memory_space<vmem>>
        %dma_start3A_224 = tpu.memref_squeeze %dma_start3A_223 : memref<1x125xi32, #tpu.memory_space<vmem>> -> memref<125xi32, #tpu.memory_space<vmem>>
        %dma_start3A_225 = arith.constant 0 : i32
        %dma_start3A_226 = arith.constant 0 : i32
        %dma_start3A_227 = tpu.memref_slice %arg13[%dma_start3A_225, %dma_start3A_226] : memref<10000x128xf32, #tpu.memory_space<vmem_shared>> -> memref<10000x128xf32, #tpu.memory_space<vmem_shared>>
        tpu.enqueue_indirect_dma source(%arg11 : memref<125x128xf32, #tpu.memory_space<vmem>>) target(%dma_start3A_227 : memref<10000x128xf32, #tpu.memory_space<vmem_shared>>) offsets(%dma_start3A_224 : memref<125xi32, #tpu.memory_space<vmem>>) semaphore(%run_scoped3A : memref<!tpu.dma_semaphore, #tpu.memory_space<semaphore_mem>>) {add = true}
        %dma_wait3A_228 = arith.constant 0 : i32
        %dma_wait3A_229 = tpu.memref_slice %arg6[%add3A_149, %dma_wait3A_228] : memref<80x125xi32, #tpu.memory_space<vmem>> -> memref<1x125xi32, #tpu.memory_space<vmem>>
        %dma_wait3A_230 = tpu.memref_squeeze %dma_wait3A_229 : memref<1x125xi32, #tpu.memory_space<vmem>> -> memref<125xi32, #tpu.memory_space<vmem>>
        %dma_wait3A_231 = arith.constant 0 : i32
        %dma_wait3A_232 = arith.constant 0 : i32
        %dma_wait3A_233 = tpu.memref_slice %arg13[%dma_wait3A_231, %dma_wait3A_232] : memref<10000x128xf32, #tpu.memory_space<vmem_shared>> -> memref<10000x128xf32, #tpu.memory_space<vmem_shared>>
        tpu.wait_indirect_dma semaphore(%run_scoped3A : memref<!tpu.dma_semaphore, #tpu.memory_space<semaphore_mem>>) src(%arg11 : memref<125x128xf32, #tpu.memory_space<vmem>>) dst(%dma_wait3A_233 : memref<10000x128xf32, #tpu.memory_space<vmem_shared>>)
        tpu.yield
      }) : () -> ()
      %add3A_153 = arith.constant 2 : i32
      %add3A_154 = arith.addi %add3A_149, %add3A_153 : i32
      %lt3A = arith.constant 80 : i32
      %lt3A_155 = arith.cmpi slt, %add3A_154, %lt3A : i32
      %convert_element_type3A = arith.extui %lt3A_155 : i1 to i32
      %cond3A = arith.constant 0 : i32
      %cond3A_156 = arith.cmpi ne, %convert_element_type3A, %cond3A : i32
      scf.if %cond3A_156 {
        %add3A_222 = arith.constant 2 : i32
        %add3A_223 = arith.addi %add3A_149, %add3A_222 : i32
        %dma_wait3A_224 = arith.constant 0 : i32
        %dma_wait3A_225 = tpu.memref_slice %arg3[%add3A, %add3A_223, %dma_wait3A_224] : memref<32x80x125xi32, #tpu.memory_space<hbm>> -> memref<1x1x125xi32, #tpu.memory_space<hbm>>
        %dma_wait3A_226 = tpu.memref_squeeze %dma_wait3A_225 : memref<1x1x125xi32, #tpu.memory_space<hbm>> -> memref<125xi32, #tpu.memory_space<hbm>>
        %dma_wait3A_227 = arith.constant 0 : i32
        %dma_wait3A_228 = tpu.memref_slice %arg3[%add3A, %add3A_223, %dma_wait3A_227] : memref<32x80x125xi32, #tpu.memory_space<hbm>> -> memref<1x1x125xi32, #tpu.memory_space<hbm>>
        %dma_wait3A_229 = tpu.memref_squeeze %dma_wait3A_228 : memref<1x1x125xi32, #tpu.memory_space<hbm>> -> memref<125xi32, #tpu.memory_space<hbm>>
        tpu.wait_dma2 semaphore(%arg18 : memref<!tpu.dma_semaphore, #tpu.memory_space<semaphore_mem>>) src(%dma_wait3A_229 : memref<125xi32, #tpu.memory_space<hbm>>) dst(%arg9 : memref<125xi32, #tpu.memory_space<vmem>>)
        %dma_start3A_230 = arith.constant 0 : i32
        %dma_start3A_231 = arith.constant 0 : i32
        %dma_start3A_232 = tpu.memref_slice %arg2[%dma_start3A_230, %dma_start3A_231] : memref<10000x128xf32, #tpu.memory_space<hbm>> -> memref<10000x128xf32, #tpu.memory_space<hbm>>
        tpu.enqueue_indirect_dma source(%dma_start3A_232 : memref<10000x128xf32, #tpu.memory_space<hbm>>) target(%arg11 : memref<125x128xf32, #tpu.memory_space<vmem>>) offsets(%arg9 : memref<125xi32, #tpu.memory_space<vmem>>) semaphore(%arg14 : memref<!tpu.dma_semaphore, #tpu.memory_space<semaphore_mem>>)
      } else {
      }
      %add3A_157 = arith.constant 4 : i32
      %add3A_158 = arith.addi %add3A_149, %add3A_157 : i32
      %lt3A_159 = arith.constant 80 : i32
      %lt3A_160 = arith.cmpi slt, %add3A_158, %lt3A_159 : i32
      %convert_element_type3A_161 = arith.extui %lt3A_160 : i1 to i32
      %cond3A_162 = arith.constant 0 : i32
      %cond3A_163 = arith.cmpi ne, %convert_element_type3A_161, %cond3A_162 : i32
      scf.if %cond3A_163 {
        %add3A_222 = arith.constant 4 : i32
        %add3A_223 = arith.addi %add3A_149, %add3A_222 : i32
        %dma_start3A_224 = arith.constant 0 : i32
        %dma_start3A_225 = tpu.memref_slice %arg3[%add3A, %add3A_223, %dma_start3A_224] : memref<32x80x125xi32, #tpu.memory_space<hbm>> -> memref<1x1x125xi32, #tpu.memory_space<hbm>>
        %dma_start3A_226 = tpu.memref_squeeze %dma_start3A_225 : memref<1x1x125xi32, #tpu.memory_space<hbm>> -> memref<125xi32, #tpu.memory_space<hbm>>
        %dma_start3A_227 = arith.constant 0 : i32
        %dma_start3A_228 = tpu.memref_slice %arg3[%add3A, %add3A_223, %dma_start3A_227] : memref<32x80x125xi32, #tpu.memory_space<hbm>> -> memref<1x1x125xi32, #tpu.memory_space<hbm>>
        %dma_start3A_229 = tpu.memref_squeeze %dma_start3A_228 : memref<1x1x125xi32, #tpu.memory_space<hbm>> -> memref<125xi32, #tpu.memory_space<hbm>>
        tpu.enqueue_dma source(%dma_start3A_229 : memref<125xi32, #tpu.memory_space<hbm>>) target(%arg7 : memref<125xi32, #tpu.memory_space<vmem>>) target_semaphore(%arg16 : memref<!tpu.dma_semaphore, #tpu.memory_space<semaphore_mem>>)
      } else {
      }
      %add3A_164 = arith.constant 1 : i32
      %add3A_165 = arith.addi %mul3A_147, %add3A_164 : i32
      %dma_wait3A_166 = arith.constant 0 : i32
      %dma_wait3A_167 = arith.constant 0 : i32
      %dma_wait3A_168 = tpu.memref_slice %arg2[%dma_wait3A_166, %dma_wait3A_167] : memref<10000x128xf32, #tpu.memory_space<hbm>> -> memref<10000x128xf32, #tpu.memory_space<hbm>>
      tpu.wait_indirect_dma semaphore(%arg15 : memref<!tpu.dma_semaphore, #tpu.memory_space<semaphore_mem>>) src(%dma_wait3A_168 : memref<10000x128xf32, #tpu.memory_space<hbm>>) dst(%arg12 : memref<125x128xf32, #tpu.memory_space<vmem>>)
      "tpu.region"() ({
        %run_scoped3A = tpu.sem_alloc : memref<!tpu.dma_semaphore, #tpu.memory_space<semaphore_mem>>
        %dma_start3A_222 = arith.constant 0 : i32
        %dma_start3A_223 = tpu.memref_slice %arg6[%add3A_165, %dma_start3A_222] : memref<80x125xi32, #tpu.memory_space<vmem>> -> memref<1x125xi32, #tpu.memory_space<vmem>>
        %dma_start3A_224 = tpu.memref_squeeze %dma_start3A_223 : memref<1x125xi32, #tpu.memory_space<vmem>> -> memref<125xi32, #tpu.memory_space<vmem>>
        %dma_start3A_225 = arith.constant 0 : i32
        %dma_start3A_226 = arith.constant 0 : i32
        %dma_start3A_227 = tpu.memref_slice %arg13[%dma_start3A_225, %dma_start3A_226] : memref<10000x128xf32, #tpu.memory_space<vmem_shared>> -> memref<10000x128xf32, #tpu.memory_space<vmem_shared>>
        tpu.enqueue_indirect_dma source(%arg12 : memref<125x128xf32, #tpu.memory_space<vmem>>) target(%dma_start3A_227 : memref<10000x128xf32, #tpu.memory_space<vmem_shared>>) offsets(%dma_start3A_224 : memref<125xi32, #tpu.memory_space<vmem>>) semaphore(%run_scoped3A : memref<!tpu.dma_semaphore, #tpu.memory_space<semaphore_mem>>) {add = true}
        %dma_wait3A_228 = arith.constant 0 : i32
        %dma_wait3A_229 = tpu.memref_slice %arg6[%add3A_165, %dma_wait3A_228] : memref<80x125xi32, #tpu.memory_space<vmem>> -> memref<1x125xi32, #tpu.memory_space<vmem>>
        %dma_wait3A_230 = tpu.memref_squeeze %dma_wait3A_229 : memref<1x125xi32, #tpu.memory_space<vmem>> -> memref<125xi32, #tpu.memory_space<vmem>>
        %dma_wait3A_231 = arith.constant 0 : i32
        %dma_wait3A_232 = arith.constant 0 : i32
        %dma_wait3A_233 = tpu.memref_slice %arg13[%dma_wait3A_231, %dma_wait3A_232] : memref<10000x128xf32, #tpu.memory_space<vmem_shared>> -> memref<10000x128xf32, #tpu.memory_space<vmem_shared>>
        tpu.wait_indirect_dma semaphore(%run_scoped3A : memref<!tpu.dma_semaphore, #tpu.memory_space<semaphore_mem>>) src(%arg12 : memref<125x128xf32, #tpu.memory_space<vmem>>) dst(%dma_wait3A_233 : memref<10000x128xf32, #tpu.memory_space<vmem_shared>>)
        tpu.yield
      }) : () -> ()
      %add3A_169 = arith.constant 2 : i32
      %add3A_170 = arith.addi %add3A_165, %add3A_169 : i32
      %lt3A_171 = arith.constant 80 : i32
      %lt3A_172 = arith.cmpi slt, %add3A_170, %lt3A_171 : i32
      %convert_element_type3A_173 = arith.extui %lt3A_172 : i1 to i32
      %cond3A_174 = arith.constant 0 : i32
      %cond3A_175 = arith.cmpi ne, %convert_element_type3A_173, %cond3A_174 : i32
      scf.if %cond3A_175 {
        %add3A_222 = arith.constant 2 : i32
        %add3A_223 = arith.addi %add3A_165, %add3A_222 : i32
        %dma_wait3A_224 = arith.constant 0 : i32
        %dma_wait3A_225 = tpu.memref_slice %arg3[%add3A, %add3A_223, %dma_wait3A_224] : memref<32x80x125xi32, #tpu.memory_space<hbm>> -> memref<1x1x125xi32, #tpu.memory_space<hbm>>
        %dma_wait3A_226 = tpu.memref_squeeze %dma_wait3A_225 : memref<1x1x125xi32, #tpu.memory_space<hbm>> -> memref<125xi32, #tpu.memory_space<hbm>>
        %dma_wait3A_227 = arith.constant 0 : i32
        %dma_wait3A_228 = tpu.memref_slice %arg3[%add3A, %add3A_223, %dma_wait3A_227] : memref<32x80x125xi32, #tpu.memory_space<hbm>> -> memref<1x1x125xi32, #tpu.memory_space<hbm>>
        %dma_wait3A_229 = tpu.memref_squeeze %dma_wait3A_228 : memref<1x1x125xi32, #tpu.memory_space<hbm>> -> memref<125xi32, #tpu.memory_space<hbm>>
        tpu.wait_dma2 semaphore(%arg19 : memref<!tpu.dma_semaphore, #tpu.memory_space<semaphore_mem>>) src(%dma_wait3A_229 : memref<125xi32, #tpu.memory_space<hbm>>) dst(%arg10 : memref<125xi32, #tpu.memory_space<vmem>>)
        %dma_start3A_230 = arith.constant 0 : i32
        %dma_start3A_231 = arith.constant 0 : i32
        %dma_start3A_232 = tpu.memref_slice %arg2[%dma_start3A_230, %dma_start3A_231] : memref<10000x128xf32, #tpu.memory_space<hbm>> -> memref<10000x128xf32, #tpu.memory_space<hbm>>
        tpu.enqueue_indirect_dma source(%dma_start3A_232 : memref<10000x128xf32, #tpu.memory_space<hbm>>) target(%arg12 : memref<125x128xf32, #tpu.memory_space<vmem>>) offsets(%arg10 : memref<125xi32, #tpu.memory_space<vmem>>) semaphore(%arg15 : memref<!tpu.dma_semaphore, #tpu.memory_space<semaphore_mem>>)
      } else {
      }
      %add3A_176 = arith.constant 4 : i32
      %add3A_177 = arith.addi %add3A_165, %add3A_176 : i32
      %lt3A_178 = arith.constant 80 : i32
      %lt3A_179 = arith.cmpi slt, %add3A_177, %lt3A_178 : i32
      %convert_element_type3A_180 = arith.extui %lt3A_179 : i1 to i32
      %cond3A_181 = arith.constant 0 : i32
      %cond3A_182 = arith.cmpi ne, %convert_element_type3A_180, %cond3A_181 : i32
      scf.if %cond3A_182 {
        %add3A_222 = arith.constant 4 : i32
        %add3A_223 = arith.addi %add3A_165, %add3A_222 : i32
        %dma_start3A_224 = arith.constant 0 : i32
        %dma_start3A_225 = tpu.memref_slice %arg3[%add3A, %add3A_223, %dma_start3A_224] : memref<32x80x125xi32, #tpu.memory_space<hbm>> -> memref<1x1x125xi32, #tpu.memory_space<hbm>>
        %dma_start3A_226 = tpu.memref_squeeze %dma_start3A_225 : memref<1x1x125xi32, #tpu.memory_space<hbm>> -> memref<125xi32, #tpu.memory_space<hbm>>
        %dma_start3A_227 = arith.constant 0 : i32
        %dma_start3A_228 = tpu.memref_slice %arg3[%add3A, %add3A_223, %dma_start3A_227] : memref<32x80x125xi32, #tpu.memory_space<hbm>> -> memref<1x1x125xi32, #tpu.memory_space<hbm>>
        %dma_start3A_229 = tpu.memref_squeeze %dma_start3A_228 : memref<1x1x125xi32, #tpu.memory_space<hbm>> -> memref<125xi32, #tpu.memory_space<hbm>>
        tpu.enqueue_dma source(%dma_start3A_229 : memref<125xi32, #tpu.memory_space<hbm>>) target(%arg8 : memref<125xi32, #tpu.memory_space<vmem>>) target_semaphore(%arg17 : memref<!tpu.dma_semaphore, #tpu.memory_space<semaphore_mem>>)
      } else {
      }
      %add3A_183 = arith.constant 2 : i32
      %add3A_184 = arith.addi %mul3A_147, %add3A_183 : i32
      %dma_wait3A_185 = arith.constant 0 : i32
      %dma_wait3A_186 = arith.constant 0 : i32
      %dma_wait3A_187 = tpu.memref_slice %arg2[%dma_wait3A_185, %dma_wait3A_186] : memref<10000x128xf32, #tpu.memory_space<hbm>> -> memref<10000x128xf32, #tpu.memory_space<hbm>>
      tpu.wait_indirect_dma semaphore(%arg14 : memref<!tpu.dma_semaphore, #tpu.memory_space<semaphore_mem>>) src(%dma_wait3A_187 : memref<10000x128xf32, #tpu.memory_space<hbm>>) dst(%arg11 : memref<125x128xf32, #tpu.memory_space<vmem>>)
      "tpu.region"() ({
        %run_scoped3A = tpu.sem_alloc : memref<!tpu.dma_semaphore, #tpu.memory_space<semaphore_mem>>
        %dma_start3A_222 = arith.constant 0 : i32
        %dma_start3A_223 = tpu.memref_slice %arg6[%add3A_184, %dma_start3A_222] : memref<80x125xi32, #tpu.memory_space<vmem>> -> memref<1x125xi32, #tpu.memory_space<vmem>>
        %dma_start3A_224 = tpu.memref_squeeze %dma_start3A_223 : memref<1x125xi32, #tpu.memory_space<vmem>> -> memref<125xi32, #tpu.memory_space<vmem>>
        %dma_start3A_225 = arith.constant 0 : i32
        %dma_start3A_226 = arith.constant 0 : i32
        %dma_start3A_227 = tpu.memref_slice %arg13[%dma_start3A_225, %dma_start3A_226] : memref<10000x128xf32, #tpu.memory_space<vmem_shared>> -> memref<10000x128xf32, #tpu.memory_space<vmem_shared>>
        tpu.enqueue_indirect_dma source(%arg11 : memref<125x128xf32, #tpu.memory_space<vmem>>) target(%dma_start3A_227 : memref<10000x128xf32, #tpu.memory_space<vmem_shared>>) offsets(%dma_start3A_224 : memref<125xi32, #tpu.memory_space<vmem>>) semaphore(%run_scoped3A : memref<!tpu.dma_semaphore, #tpu.memory_space<semaphore_mem>>) {add = true}
        %dma_wait3A_228 = arith.constant 0 : i32
        %dma_wait3A_229 = tpu.memref_slice %arg6[%add3A_184, %dma_wait3A_228] : memref<80x125xi32, #tpu.memory_space<vmem>> -> memref<1x125xi32, #tpu.memory_space<vmem>>
        %dma_wait3A_230 = tpu.memref_squeeze %dma_wait3A_229 : memref<1x125xi32, #tpu.memory_space<vmem>> -> memref<125xi32, #tpu.memory_space<vmem>>
        %dma_wait3A_231 = arith.constant 0 : i32
        %dma_wait3A_232 = arith.constant 0 : i32
        %dma_wait3A_233 = tpu.memref_slice %arg13[%dma_wait3A_231, %dma_wait3A_232] : memref<10000x128xf32, #tpu.memory_space<vmem_shared>> -> memref<10000x128xf32, #tpu.memory_space<vmem_shared>>
        tpu.wait_indirect_dma semaphore(%run_scoped3A : memref<!tpu.dma_semaphore, #tpu.memory_space<semaphore_mem>>) src(%arg11 : memref<125x128xf32, #tpu.memory_space<vmem>>) dst(%dma_wait3A_233 : memref<10000x128xf32, #tpu.memory_space<vmem_shared>>)
        tpu.yield
      }) : () -> ()
      %add3A_188 = arith.constant 2 : i32
      %add3A_189 = arith.addi %add3A_184, %add3A_188 : i32
      %lt3A_190 = arith.constant 80 : i32
      %lt3A_191 = arith.cmpi slt, %add3A_189, %lt3A_190 : i32
      %convert_element_type3A_192 = arith.extui %lt3A_191 : i1 to i32
      %cond3A_193 = arith.constant 0 : i32
      %cond3A_194 = arith.cmpi ne, %convert_element_type3A_192, %cond3A_193 : i32
      scf.if %cond3A_194 {
        %add3A_222 = arith.constant 2 : i32
        %add3A_223 = arith.addi %add3A_184, %add3A_222 : i32
        %dma_wait3A_224 = arith.constant 0 : i32
        %dma_wait3A_225 = tpu.memref_slice %arg3[%add3A, %add3A_223, %dma_wait3A_224] : memref<32x80x125xi32, #tpu.memory_space<hbm>> -> memref<1x1x125xi32, #tpu.memory_space<hbm>>
        %dma_wait3A_226 = tpu.memref_squeeze %dma_wait3A_225 : memref<1x1x125xi32, #tpu.memory_space<hbm>> -> memref<125xi32, #tpu.memory_space<hbm>>
        %dma_wait3A_227 = arith.constant 0 : i32
        %dma_wait3A_228 = tpu.memref_slice %arg3[%add3A, %add3A_223, %dma_wait3A_227] : memref<32x80x125xi32, #tpu.memory_space<hbm>> -> memref<1x1x125xi32, #tpu.memory_space<hbm>>
        %dma_wait3A_229 = tpu.memref_squeeze %dma_wait3A_228 : memref<1x1x125xi32, #tpu.memory_space<hbm>> -> memref<125xi32, #tpu.memory_space<hbm>>
        tpu.wait_dma2 semaphore(%arg16 : memref<!tpu.dma_semaphore, #tpu.memory_space<semaphore_mem>>) src(%dma_wait3A_229 : memref<125xi32, #tpu.memory_space<hbm>>) dst(%arg7 : memref<125xi32, #tpu.memory_space<vmem>>)
        %dma_start3A_230 = arith.constant 0 : i32
        %dma_start3A_231 = arith.constant 0 : i32
        %dma_start3A_232 = tpu.memref_slice %arg2[%dma_start3A_230, %dma_start3A_231] : memref<10000x128xf32, #tpu.memory_space<hbm>> -> memref<10000x128xf32, #tpu.memory_space<hbm>>
        tpu.enqueue_indirect_dma source(%dma_start3A_232 : memref<10000x128xf32, #tpu.memory_space<hbm>>) target(%arg11 : memref<125x128xf32, #tpu.memory_space<vmem>>) offsets(%arg7 : memref<125xi32, #tpu.memory_space<vmem>>) semaphore(%arg14 : memref<!tpu.dma_semaphore, #tpu.memory_space<semaphore_mem>>)
      } else {
      }
      %add3A_195 = arith.constant 4 : i32
      %add3A_196 = arith.addi %add3A_184, %add3A_195 : i32
      %lt3A_197 = arith.constant 80 : i32
      %lt3A_198 = arith.cmpi slt, %add3A_196, %lt3A_197 : i32
      %convert_element_type3A_199 = arith.extui %lt3A_198 : i1 to i32
      %cond3A_200 = arith.constant 0 : i32
      %cond3A_201 = arith.cmpi ne, %convert_element_type3A_199, %cond3A_200 : i32
      scf.if %cond3A_201 {
        %add3A_222 = arith.constant 4 : i32
        %add3A_223 = arith.addi %add3A_184, %add3A_222 : i32
        %dma_start3A_224 = arith.constant 0 : i32
        %dma_start3A_225 = tpu.memref_slice %arg3[%add3A, %add3A_223, %dma_start3A_224] : memref<32x80x125xi32, #tpu.memory_space<hbm>> -> memref<1x1x125xi32, #tpu.memory_space<hbm>>
        %dma_start3A_226 = tpu.memref_squeeze %dma_start3A_225 : memref<1x1x125xi32, #tpu.memory_space<hbm>> -> memref<125xi32, #tpu.memory_space<hbm>>
        %dma_start3A_227 = arith.constant 0 : i32
        %dma_start3A_228 = tpu.memref_slice %arg3[%add3A, %add3A_223, %dma_start3A_227] : memref<32x80x125xi32, #tpu.memory_space<hbm>> -> memref<1x1x125xi32, #tpu.memory_space<hbm>>
        %dma_start3A_229 = tpu.memref_squeeze %dma_start3A_228 : memref<1x1x125xi32, #tpu.memory_space<hbm>> -> memref<125xi32, #tpu.memory_space<hbm>>
        tpu.enqueue_dma source(%dma_start3A_229 : memref<125xi32, #tpu.memory_space<hbm>>) target(%arg9 : memref<125xi32, #tpu.memory_space<vmem>>) target_semaphore(%arg18 : memref<!tpu.dma_semaphore, #tpu.memory_space<semaphore_mem>>)
      } else {
      }
      %add3A_202 = arith.constant 3 : i32
      %add3A_203 = arith.addi %mul3A_147, %add3A_202 : i32
      %dma_wait3A_204 = arith.constant 0 : i32
      %dma_wait3A_205 = arith.constant 0 : i32
      %dma_wait3A_206 = tpu.memref_slice %arg2[%dma_wait3A_204, %dma_wait3A_205] : memref<10000x128xf32, #tpu.memory_space<hbm>> -> memref<10000x128xf32, #tpu.memory_space<hbm>>
      tpu.wait_indirect_dma semaphore(%arg15 : memref<!tpu.dma_semaphore, #tpu.memory_space<semaphore_mem>>) src(%dma_wait3A_206 : memref<10000x128xf32, #tpu.memory_space<hbm>>) dst(%arg12 : memref<125x128xf32, #tpu.memory_space<vmem>>)
      "tpu.region"() ({
        %run_scoped3A = tpu.sem_alloc : memref<!tpu.dma_semaphore, #tpu.memory_space<semaphore_mem>>
        %dma_start3A_222 = arith.constant 0 : i32
        %dma_start3A_223 = tpu.memref_slice %arg6[%add3A_203, %dma_start3A_222] : memref<80x125xi32, #tpu.memory_space<vmem>> -> memref<1x125xi32, #tpu.memory_space<vmem>>
        %dma_start3A_224 = tpu.memref_squeeze %dma_start3A_223 : memref<1x125xi32, #tpu.memory_space<vmem>> -> memref<125xi32, #tpu.memory_space<vmem>>
        %dma_start3A_225 = arith.constant 0 : i32
        %dma_start3A_226 = arith.constant 0 : i32
        %dma_start3A_227 = tpu.memref_slice %arg13[%dma_start3A_225, %dma_start3A_226] : memref<10000x128xf32, #tpu.memory_space<vmem_shared>> -> memref<10000x128xf32, #tpu.memory_space<vmem_shared>>
        tpu.enqueue_indirect_dma source(%arg12 : memref<125x128xf32, #tpu.memory_space<vmem>>) target(%dma_start3A_227 : memref<10000x128xf32, #tpu.memory_space<vmem_shared>>) offsets(%dma_start3A_224 : memref<125xi32, #tpu.memory_space<vmem>>) semaphore(%run_scoped3A : memref<!tpu.dma_semaphore, #tpu.memory_space<semaphore_mem>>) {add = true}
        %dma_wait3A_228 = arith.constant 0 : i32
        %dma_wait3A_229 = tpu.memref_slice %arg6[%add3A_203, %dma_wait3A_228] : memref<80x125xi32, #tpu.memory_space<vmem>> -> memref<1x125xi32, #tpu.memory_space<vmem>>
        %dma_wait3A_230 = tpu.memref_squeeze %dma_wait3A_229 : memref<1x125xi32, #tpu.memory_space<vmem>> -> memref<125xi32, #tpu.memory_space<vmem>>
        %dma_wait3A_231 = arith.constant 0 : i32
        %dma_wait3A_232 = arith.constant 0 : i32
        %dma_wait3A_233 = tpu.memref_slice %arg13[%dma_wait3A_231, %dma_wait3A_232] : memref<10000x128xf32, #tpu.memory_space<vmem_shared>> -> memref<10000x128xf32, #tpu.memory_space<vmem_shared>>
        tpu.wait_indirect_dma semaphore(%run_scoped3A : memref<!tpu.dma_semaphore, #tpu.memory_space<semaphore_mem>>) src(%arg12 : memref<125x128xf32, #tpu.memory_space<vmem>>) dst(%dma_wait3A_233 : memref<10000x128xf32, #tpu.memory_space<vmem_shared>>)
        tpu.yield
      }) : () -> ()
      %add3A_207 = arith.constant 2 : i32
      %add3A_208 = arith.addi %add3A_203, %add3A_207 : i32
      %lt3A_209 = arith.constant 80 : i32
      %lt3A_210 = arith.cmpi slt, %add3A_208, %lt3A_209 : i32
      %convert_element_type3A_211 = arith.extui %lt3A_210 : i1 to i32
      %cond3A_212 = arith.constant 0 : i32
      %cond3A_213 = arith.cmpi ne, %convert_element_type3A_211, %cond3A_212 : i32
      scf.if %cond3A_213 {
        %add3A_222 = arith.constant 2 : i32
        %add3A_223 = arith.addi %add3A_203, %add3A_222 : i32
        %dma_wait3A_224 = arith.constant 0 : i32
        %dma_wait3A_225 = tpu.memref_slice %arg3[%add3A, %add3A_223, %dma_wait3A_224] : memref<32x80x125xi32, #tpu.memory_space<hbm>> -> memref<1x1x125xi32, #tpu.memory_space<hbm>>
        %dma_wait3A_226 = tpu.memref_squeeze %dma_wait3A_225 : memref<1x1x125xi32, #tpu.memory_space<hbm>> -> memref<125xi32, #tpu.memory_space<hbm>>
        %dma_wait3A_227 = arith.constant 0 : i32
        %dma_wait3A_228 = tpu.memref_slice %arg3[%add3A, %add3A_223, %dma_wait3A_227] : memref<32x80x125xi32, #tpu.memory_space<hbm>> -> memref<1x1x125xi32, #tpu.memory_space<hbm>>
        %dma_wait3A_229 = tpu.memref_squeeze %dma_wait3A_228 : memref<1x1x125xi32, #tpu.memory_space<hbm>> -> memref<125xi32, #tpu.memory_space<hbm>>
        tpu.wait_dma2 semaphore(%arg17 : memref<!tpu.dma_semaphore, #tpu.memory_space<semaphore_mem>>) src(%dma_wait3A_229 : memref<125xi32, #tpu.memory_space<hbm>>) dst(%arg8 : memref<125xi32, #tpu.memory_space<vmem>>)
        %dma_start3A_230 = arith.constant 0 : i32
        %dma_start3A_231 = arith.constant 0 : i32
        %dma_start3A_232 = tpu.memref_slice %arg2[%dma_start3A_230, %dma_start3A_231] : memref<10000x128xf32, #tpu.memory_space<hbm>> -> memref<10000x128xf32, #tpu.memory_space<hbm>>
        tpu.enqueue_indirect_dma source(%dma_start3A_232 : memref<10000x128xf32, #tpu.memory_space<hbm>>) target(%arg12 : memref<125x128xf32, #tpu.memory_space<vmem>>) offsets(%arg8 : memref<125xi32, #tpu.memory_space<vmem>>) semaphore(%arg15 : memref<!tpu.dma_semaphore, #tpu.memory_space<semaphore_mem>>)
      } else {
      }
      %add3A_214 = arith.constant 4 : i32
      %add3A_215 = arith.addi %add3A_203, %add3A_214 : i32
      %lt3A_216 = arith.constant 80 : i32
      %lt3A_217 = arith.cmpi slt, %add3A_215, %lt3A_216 : i32
      %convert_element_type3A_218 = arith.extui %lt3A_217 : i1 to i32
      %cond3A_219 = arith.constant 0 : i32
      %cond3A_220 = arith.cmpi ne, %convert_element_type3A_218, %cond3A_219 : i32
      scf.if %cond3A_220 {
        %add3A_222 = arith.constant 4 : i32
        %add3A_223 = arith.addi %add3A_203, %add3A_222 : i32
        %dma_start3A_224 = arith.constant 0 : i32
        %dma_start3A_225 = tpu.memref_slice %arg3[%add3A, %add3A_223, %dma_start3A_224] : memref<32x80x125xi32, #tpu.memory_space<hbm>> -> memref<1x1x125xi32, #tpu.memory_space<hbm>>
        %dma_start3A_226 = tpu.memref_squeeze %dma_start3A_225 : memref<1x1x125xi32, #tpu.memory_space<hbm>> -> memref<125xi32, #tpu.memory_space<hbm>>
        %dma_start3A_227 = arith.constant 0 : i32
        %dma_start3A_228 = tpu.memref_slice %arg3[%add3A, %add3A_223, %dma_start3A_227] : memref<32x80x125xi32, #tpu.memory_space<hbm>> -> memref<1x1x125xi32, #tpu.memory_space<hbm>>
        %dma_start3A_229 = tpu.memref_squeeze %dma_start3A_228 : memref<1x1x125xi32, #tpu.memory_space<hbm>> -> memref<125xi32, #tpu.memory_space<hbm>>
        tpu.enqueue_dma source(%dma_start3A_229 : memref<125xi32, #tpu.memory_space<hbm>>) target(%arg10 : memref<125xi32, #tpu.memory_space<vmem>>) target_semaphore(%arg19 : memref<!tpu.dma_semaphore, #tpu.memory_space<semaphore_mem>>)
      } else {
      }
      %scan3A_221 = arith.constant 0 : i32
      scf.yield %scan3A_221 : i32
    }
    %scan3A_140 = arith.constant 20 : i32
    %barrier3A_141 = arith.constant 0 : index
    tpu.barrier barrier_id(%barrier3A_141)
    %mul3A_142 = arith.constant 625 : i32
    %mul3A_143 = arith.muli %arg1, %mul3A_142 : i32
    "tpu.region"() ({
      %run_scoped3A = tpu.sem_alloc : memref<!tpu.dma_semaphore, #tpu.memory_space<semaphore_mem>>
      %dma_start3A_144 = arith.constant 0 : i32
      %dma_start3A_145 = arith.constant 0 : i32
      %dma_start3A_146 = tpu.memref_slice %arg5[%arg0, %arg1, %dma_start3A_144, %dma_start3A_145] : memref<2x16x625x128xf32, #tpu.memory_space<hbm>> -> memref<1x1x625x128xf32, #tpu.memory_space<hbm>>
      %dma_start3A_147 = tpu.memref_squeeze %dma_start3A_146 : memref<1x1x625x128xf32, #tpu.memory_space<hbm>> -> memref<625x128xf32, #tpu.memory_space<hbm>>
      %dma_start3A_148 = arith.constant 0 : i32
      %dma_start3A_149 = tpu.memref_slice %arg13[%mul3A_143, %dma_start3A_148] : memref<10000x128xf32, #tpu.memory_space<vmem_shared>> -> memref<625x128xf32, #tpu.memory_space<vmem_shared>>
      tpu.enqueue_dma source(%dma_start3A_149 : memref<625x128xf32, #tpu.memory_space<vmem_shared>>) target(%dma_start3A_147 : memref<625x128xf32, #tpu.memory_space<hbm>>) target_semaphore(%run_scoped3A : memref<!tpu.dma_semaphore, #tpu.memory_space<semaphore_mem>>)
      %dma_wait3A_150 = arith.constant 0 : i32
      %dma_wait3A_151 = arith.constant 0 : i32
      %dma_wait3A_152 = tpu.memref_slice %arg5[%arg0, %arg1, %dma_wait3A_150, %dma_wait3A_151] : memref<2x16x625x128xf32, #tpu.memory_space<hbm>> -> memref<1x1x625x128xf32, #tpu.memory_space<hbm>>
      %dma_wait3A_153 = tpu.memref_squeeze %dma_wait3A_152 : memref<1x1x625x128xf32, #tpu.memory_space<hbm>> -> memref<625x128xf32, #tpu.memory_space<hbm>>
      %dma_wait3A_154 = arith.constant 0 : i32
      %dma_wait3A_155 = tpu.memref_slice %arg13[%mul3A_143, %dma_wait3A_154] : memref<10000x128xf32, #tpu.memory_space<vmem_shared>> -> memref<625x128xf32, #tpu.memory_space<vmem_shared>>
      tpu.wait_dma2 semaphore(%run_scoped3A : memref<!tpu.dma_semaphore, #tpu.memory_space<semaphore_mem>>) src(%dma_wait3A_155 : memref<625x128xf32, #tpu.memory_space<vmem_shared>>) dst(%dma_wait3A_153 : memref<625x128xf32, #tpu.memory_space<hbm>>)
      tpu.yield
    }) : () -> ()
    return
  }
}

#map = affine_map<(d0, d1) -> (0, 0)>
#map1 = affine_map<(d0, d1) -> (0, 0, 0)>
#map2 = affine_map<(d0, d1) -> (0, 0, 0, 0)>
module attributes {stable_mosaic.version = 14 : i64} {
  func.func @_sc_scatter(%arg0: i32, %arg1: i32, %arg2: memref<10000x128xf32, #tpu.memory_space<hbm>>, %arg3: memref<32x80x125xi32, #tpu.memory_space<hbm>>, %arg4: memref<32x80x125xi32, #tpu.memory_space<hbm>>, %arg5: memref<2x16x625x128xf32, #tpu.memory_space<hbm>>, %arg6: memref<80x125xi32, #tpu.memory_space<vmem>>, %arg7: memref<125xi32, #tpu.memory_space<vmem>>, %arg8: memref<125xi32, #tpu.memory_space<vmem>>, %arg9: memref<125xi32, #tpu.memory_space<vmem>>, %arg10: memref<125xi32, #tpu.memory_space<vmem>>, %arg11: memref<125x128xf32, #tpu.memory_space<vmem>>, %arg12: memref<125x128xf32, #tpu.memory_space<vmem>>, %arg13: memref<10000x128xf32, #tpu.memory_space<vmem_shared>>, %arg14: memref<!tpu.dma_semaphore, #tpu.memory_space<semaphore_mem>>, %arg15: memref<!tpu.dma_semaphore, #tpu.memory_space<semaphore_mem>>, %arg16: memref<!tpu.dma_semaphore, #tpu.memory_space<semaphore_mem>>, %arg17: memref<!tpu.dma_semaphore, #tpu.memory_space<semaphore_mem>>, %arg18: memref<!tpu.dma_semaphore, #tpu.memory_space<semaphore_mem>>, %arg19: memref<!tpu.dma_semaphore, #tpu.memory_space<semaphore_mem>>, %arg20: memref<!tpu.dma_semaphore, #tpu.memory_space<semaphore_mem>>) attributes {dimension_semantics = [#tpu.dimension_semantics<core_parallel>, #tpu.dimension_semantics<subcore_parallel>], iteration_bounds = array<i64: 2, 16>, scalar_prefetch = 0 : i64, scratch_operands = 15 : i64, tpu.core_type = #tpu.core_type<sc_vector_subcore>, window_params = [{transform_indices = #map}, {transform_indices = #map1}, {transform_indices = #map1}, {transform_indices = #map2}]} {
    %mul3A = arith.constant 16 : i32
    %mul3A_0 = arith.muli %arg0, %mul3A : i32
    %add3A = arith.addi %mul3A_0, %arg1 : i32
    %broadcast_in_dim3A = arith.constant 0.000000e+00 : f32
    %broadcast_in_dim3A_1 = vector.broadcast %broadcast_in_dim3A : f32 to vector<16xf32>
    %scan3A = arith.constant 0 : i32
    %scan3A_2 = arith.constant 0 : i32
    %scan3A_3 = arith.constant 125 : i32
    %scan3A_4 = arith.addi %scan3A_2, %scan3A_3 : i32
    %scan3A_5 = arith.constant 1 : i32
    %scan3A_6 = scf.for %scan3A_144 = %scan3A_2 to %scan3A_4 step %scan3A_5 iter_args(%scan3A_145 = %scan3A) -> (i32)  : i32 {
      %swap3A = arith.index_cast %scan3A_144 : i32 to index
      %swap3A_146 = arith.constant 0 : index
      %swap3A_147 = tpu.vector_load %arg12[%swap3A, %swap3A_146] {strides = array<i32>} : memref<125x128xf32, #tpu.memory_space<vmem>>, vector<1x16xf32>,
      %swap3A_148 = vector.shape_cast %swap3A_147 : vector<1x16xf32> to vector<16xf32>
      %swap3A_149 = vector.shape_cast %broadcast_in_dim3A_1 : vector<16xf32> to vector<1x16xf32>
      tpu.vector_store %arg12[%swap3A, %swap3A_146], %swap3A_149 {strides = array<i32>} : memref<125x128xf32, #tpu.memory_space<vmem>>, vector<1x16xf32>,
      %swap3A_150 = arith.index_cast %scan3A_144 : i32 to index
      %swap3A_151 = arith.constant 16 : index
      %swap3A_152 = tpu.vector_load %arg12[%swap3A_150, %swap3A_151] {strides = array<i32>} : memref<125x128xf32, #tpu.memory_space<vmem>>, vector<1x16xf32>,
      %swap3A_153 = vector.shape_cast %swap3A_152 : vector<1x16xf32> to vector<16xf32>
      %swap3A_154 = vector.shape_cast %broadcast_in_dim3A_1 : vector<16xf32> to vector<1x16xf32>
      tpu.vector_store %arg12[%swap3A_150, %swap3A_151], %swap3A_154 {strides = array<i32>} : memref<125x128xf32, #tpu.memory_space<vmem>>, vector<1x16xf32>,
      %swap3A_155 = arith.index_cast %scan3A_144 : i32 to index
      %swap3A_156 = arith.constant 32 : index
      %swap3A_157 = tpu.vector_load %arg12[%swap3A_155, %swap3A_156] {strides = array<i32>} : memref<125x128xf32, #tpu.memory_space<vmem>>, vector<1x16xf32>,
      %swap3A_158 = vector.shape_cast %swap3A_157 : vector<1x16xf32> to vector<16xf32>
      %swap3A_159 = vector.shape_cast %broadcast_in_dim3A_1 : vector<16xf32> to vector<1x16xf32>
      tpu.vector_store %arg12[%swap3A_155, %swap3A_156], %swap3A_159 {strides = array<i32>} : memref<125x128xf32, #tpu.memory_space<vmem>>, vector<1x16xf32>,
      %swap3A_160 = arith.index_cast %scan3A_144 : i32 to index
      %swap3A_161 = arith.constant 48 : index
      %swap3A_162 = tpu.vector_load %arg12[%swap3A_160, %swap3A_161] {strides = array<i32>} : memref<125x128xf32, #tpu.memory_space<vmem>>, vector<1x16xf32>,
      %swap3A_163 = vector.shape_cast %swap3A_162 : vector<1x16xf32> to vector<16xf32>
      %swap3A_164 = vector.shape_cast %broadcast_in_dim3A_1 : vector<16xf32> to vector<1x16xf32>
      tpu.vector_store %arg12[%swap3A_160, %swap3A_161], %swap3A_164 {strides = array<i32>} : memref<125x128xf32, #tpu.memory_space<vmem>>, vector<1x16xf32>,
      %swap3A_165 = arith.index_cast %scan3A_144 : i32 to index
      %swap3A_166 = arith.constant 64 : index
      %swap3A_167 = tpu.vector_load %arg12[%swap3A_165, %swap3A_166] {strides = array<i32>} : memref<125x128xf32, #tpu.memory_space<vmem>>, vector<1x16xf32>,
      %swap3A_168 = vector.shape_cast %swap3A_167 : vector<1x16xf32> to vector<16xf32>
      %swap3A_169 = vector.shape_cast %broadcast_in_dim3A_1 : vector<16xf32> to vector<1x16xf32>
      tpu.vector_store %arg12[%swap3A_165, %swap3A_166], %swap3A_169 {strides = array<i32>} : memref<125x128xf32, #tpu.memory_space<vmem>>, vector<1x16xf32>,
      %swap3A_170 = arith.index_cast %scan3A_144 : i32 to index
      %swap3A_171 = arith.constant 80 : index
      %swap3A_172 = tpu.vector_load %arg12[%swap3A_170, %swap3A_171] {strides = array<i32>} : memref<125x128xf32, #tpu.memory_space<vmem>>, vector<1x16xf32>,
      %swap3A_173 = vector.shape_cast %swap3A_172 : vector<1x16xf32> to vector<16xf32>
      %swap3A_174 = vector.shape_cast %broadcast_in_dim3A_1 : vector<16xf32> to vector<1x16xf32>
      tpu.vector_store %arg12[%swap3A_170, %swap3A_171], %swap3A_174 {strides = array<i32>} : memref<125x128xf32, #tpu.memory_space<vmem>>, vector<1x16xf32>,
      %swap3A_175 = arith.index_cast %scan3A_144 : i32 to index
      %swap3A_176 = arith.constant 96 : index
      %swap3A_177 = tpu.vector_load %arg12[%swap3A_175, %swap3A_176] {strides = array<i32>} : memref<125x128xf32, #tpu.memory_space<vmem>>, vector<1x16xf32>,
      %swap3A_178 = vector.shape_cast %swap3A_177 : vector<1x16xf32> to vector<16xf32>
      %swap3A_179 = vector.shape_cast %broadcast_in_dim3A_1 : vector<16xf32> to vector<1x16xf32>
      tpu.vector_store %arg12[%swap3A_175, %swap3A_176], %swap3A_179 {strides = array<i32>} : memref<125x128xf32, #tpu.memory_space<vmem>>, vector<1x16xf32>,
      %swap3A_180 = arith.index_cast %scan3A_144 : i32 to index
      %swap3A_181 = arith.constant 112 : index
      %swap3A_182 = tpu.vector_load %arg12[%swap3A_180, %swap3A_181] {strides = array<i32>} : memref<125x128xf32, #tpu.memory_space<vmem>>, vector<1x16xf32>,
      %swap3A_183 = vector.shape_cast %swap3A_182 : vector<1x16xf32> to vector<16xf32>
      %swap3A_184 = vector.shape_cast %broadcast_in_dim3A_1 : vector<16xf32> to vector<1x16xf32>
      tpu.vector_store %arg12[%swap3A_180, %swap3A_181], %swap3A_184 {strides = array<i32>} : memref<125x128xf32, #tpu.memory_space<vmem>>, vector<1x16xf32>,
      %scan3A_185 = arith.constant 0 : i32
      scf.yield %scan3A_185 : i32
    }
    %scan3A_7 = arith.constant 125 : i32
    %mul3A_8 = arith.constant 625 : i32
    %mul3A_9 = arith.muli %arg1, %mul3A_8 : i32
    %add3A_10 = arith.constant 0 : i32
    %add3A_11 = arith.addi %mul3A_9, %add3A_10 : i32
    %dma_start3A = arith.constant 0 : i32
    %dma_start3A_12 = tpu.memref_slice %arg13[%add3A_11, %dma_start3A] : memref<10000x128xf32, #tpu.memory_space<vmem_shared>> -> memref<125x128xf32, #tpu.memory_space<vmem_shared>>
    %dma_start3A_13 = arith.constant 0 : i32
    %dma_start3A_14 = tpu.memref_slice %arg13[%add3A_11, %dma_start3A_13] : memref<10000x128xf32, #tpu.memory_space<vmem_shared>> -> memref<125x128xf32, #tpu.memory_space<vmem_shared>>
    tpu.enqueue_dma source(%arg12 : memref<125x128xf32, #tpu.memory_space<vmem>>) target(%dma_start3A_14 : memref<125x128xf32, #tpu.memory_space<vmem_shared>>) target_semaphore(%arg20 : memref<!tpu.dma_semaphore, #tpu.memory_space<semaphore_mem>>)
    %mul3A_15 = arith.constant 625 : i32
    %mul3A_16 = arith.muli %arg1, %mul3A_15 : i32
    %add3A_17 = arith.constant 125 : i32
    %add3A_18 = arith.addi %mul3A_16, %add3A_17 : i32
    %dma_start3A_19 = arith.constant 0 : i32
    %dma_start3A_20 = tpu.memref_slice %arg13[%add3A_18, %dma_start3A_19] : memref<10000x128xf32, #tpu.memory_space<vmem_shared>> -> memref<125x128xf32, #tpu.memory_space<vmem_shared>>
    %dma_start3A_21 = arith.constant 0 : i32
    %dma_start3A_22 = tpu.memref_slice %arg13[%add3A_18, %dma_start3A_21] : memref<10000x128xf32, #tpu.memory_space<vmem_shared>> -> memref<125x128xf32, #tpu.memory_space<vmem_shared>>
    tpu.enqueue_dma source(%arg12 : memref<125x128xf32, #tpu.memory_space<vmem>>) target(%dma_start3A_22 : memref<125x128xf32, #tpu.memory_space<vmem_shared>>) target_semaphore(%arg20 : memref<!tpu.dma_semaphore, #tpu.memory_space<semaphore_mem>>)
    %mul3A_23 = arith.constant 625 : i32
    %mul3A_24 = arith.muli %arg1, %mul3A_23 : i32
    %add3A_25 = arith.constant 250 : i32
    %add3A_26 = arith.addi %mul3A_24, %add3A_25 : i32
    %dma_start3A_27 = arith.constant 0 : i32
    %dma_start3A_28 = tpu.memref_slice %arg13[%add3A_26, %dma_start3A_27] : memref<10000x128xf32, #tpu.memory_space<vmem_shared>> -> memref<125x128xf32, #tpu.memory_space<vmem_shared>>
    %dma_start3A_29 = arith.constant 0 : i32
    %dma_start3A_30 = tpu.memref_slice %arg13[%add3A_26, %dma_start3A_29] : memref<10000x128xf32, #tpu.memory_space<vmem_shared>> -> memref<125x128xf32, #tpu.memory_space<vmem_shared>>
    tpu.enqueue_dma source(%arg12 : memref<125x128xf32, #tpu.memory_space<vmem>>) target(%dma_start3A_30 : memref<125x128xf32, #tpu.memory_space<vmem_shared>>) target_semaphore(%arg20 : memref<!tpu.dma_semaphore, #tpu.memory_space<semaphore_mem>>)
    %mul3A_31 = arith.constant 625 : i32
    %mul3A_32 = arith.muli %arg1, %mul3A_31 : i32
    %add3A_33 = arith.constant 375 : i32
    %add3A_34 = arith.addi %mul3A_32, %add3A_33 : i32
    %dma_start3A_35 = arith.constant 0 : i32
    %dma_start3A_36 = tpu.memref_slice %arg13[%add3A_34, %dma_start3A_35] : memref<10000x128xf32, #tpu.memory_space<vmem_shared>> -> memref<125x128xf32, #tpu.memory_space<vmem_shared>>
    %dma_start3A_37 = arith.constant 0 : i32
    %dma_start3A_38 = tpu.memref_slice %arg13[%add3A_34, %dma_start3A_37] : memref<10000x128xf32, #tpu.memory_space<vmem_shared>> -> memref<125x128xf32, #tpu.memory_space<vmem_shared>>
    tpu.enqueue_dma source(%arg12 : memref<125x128xf32, #tpu.memory_space<vmem>>) target(%dma_start3A_38 : memref<125x128xf32, #tpu.memory_space<vmem_shared>>) target_semaphore(%arg20 : memref<!tpu.dma_semaphore, #tpu.memory_space<semaphore_mem>>)
    %mul3A_39 = arith.constant 625 : i32
    %mul3A_40 = arith.muli %arg1, %mul3A_39 : i32
    %add3A_41 = arith.constant 500 : i32
    %add3A_42 = arith.addi %mul3A_40, %add3A_41 : i32
    %dma_start3A_43 = arith.constant 0 : i32
    %dma_start3A_44 = tpu.memref_slice %arg13[%add3A_42, %dma_start3A_43] : memref<10000x128xf32, #tpu.memory_space<vmem_shared>> -> memref<125x128xf32, #tpu.memory_space<vmem_shared>>
    %dma_start3A_45 = arith.constant 0 : i32
    %dma_start3A_46 = tpu.memref_slice %arg13[%add3A_42, %dma_start3A_45] : memref<10000x128xf32, #tpu.memory_space<vmem_shared>> -> memref<125x128xf32, #tpu.memory_space<vmem_shared>>
    tpu.enqueue_dma source(%arg12 : memref<125x128xf32, #tpu.memory_space<vmem>>) target(%dma_start3A_46 : memref<125x128xf32, #tpu.memory_space<vmem_shared>>) target_semaphore(%arg20 : memref<!tpu.dma_semaphore, #tpu.memory_space<semaphore_mem>>)
    "tpu.region"() ({
      %run_scoped3A = tpu.sem_alloc : memref<!tpu.dma_semaphore, #tpu.memory_space<semaphore_mem>>
      %dma_start3A_144 = arith.constant 0 : i32
      %dma_start3A_145 = arith.constant 0 : i32
      %dma_start3A_146 = tpu.memref_slice %arg4[%add3A, %dma_start3A_144, %dma_start3A_145] : memref<32x80x125xi32, #tpu.memory_space<hbm>> -> memref<1x80x125xi32, #tpu.memory_space<hbm>>
      %dma_start3A_147 = tpu.memref_squeeze %dma_start3A_146 : memref<1x80x125xi32, #tpu.memory_space<hbm>> -> memref<80x125xi32, #tpu.memory_space<hbm>>
      %dma_start3A_148 = arith.constant 0 : i32
      %dma_start3A_149 = arith.constant 0 : i32
      %dma_start3A_150 = tpu.memref_slice %arg4[%add3A, %dma_start3A_148, %dma_start3A_149] : memref<32x80x125xi32, #tpu.memory_space<hbm>> -> memref<1x80x125xi32, #tpu.memory_space<hbm>>
      %dma_start3A_151 = tpu.memref_squeeze %dma_start3A_150 : memref<1x80x125xi32, #tpu.memory_space<hbm>> -> memref<80x125xi32, #tpu.memory_space<hbm>>
      tpu.enqueue_dma source(%dma_start3A_151 : memref<80x125xi32, #tpu.memory_space<hbm>>) target(%arg6 : memref<80x125xi32, #tpu.memory_space<vmem>>) target_semaphore(%run_scoped3A : memref<!tpu.dma_semaphore, #tpu.memory_space<semaphore_mem>>)
      %dma_wait3A_152 = arith.constant 0 : i32
      %dma_wait3A_153 = arith.constant 0 : i32
      %dma_wait3A_154 = tpu.memref_slice %arg4[%add3A, %dma_wait3A_152, %dma_wait3A_153] : memref<32x80x125xi32, #tpu.memory_space<hbm>> -> memref<1x80x125xi32, #tpu.memory_space<hbm>>
      %dma_wait3A_155 = tpu.memref_squeeze %dma_wait3A_154 : memref<1x80x125xi32, #tpu.memory_space<hbm>> -> memref<80x125xi32, #tpu.memory_space<hbm>>
      %dma_wait3A_156 = arith.constant 0 : i32
      %dma_wait3A_157 = arith.constant 0 : i32
      %dma_wait3A_158 = tpu.memref_slice %arg4[%add3A, %dma_wait3A_156, %dma_wait3A_157] : memref<32x80x125xi32, #tpu.memory_space<hbm>> -> memref<1x80x125xi32, #tpu.memory_space<hbm>>
      %dma_wait3A_159 = tpu.memref_squeeze %dma_wait3A_158 : memref<1x80x125xi32, #tpu.memory_space<hbm>> -> memref<80x125xi32, #tpu.memory_space<hbm>>
      tpu.wait_dma2 semaphore(%run_scoped3A : memref<!tpu.dma_semaphore, #tpu.memory_space<semaphore_mem>>) src(%dma_wait3A_159 : memref<80x125xi32, #tpu.memory_space<hbm>>) dst(%arg6 : memref<80x125xi32, #tpu.memory_space<vmem>>)
      tpu.yield
    }) : () -> ()
    %dma_start3A_47 = arith.constant 0 : i32
    %dma_start3A_48 = arith.constant 0 : i32
    %dma_start3A_49 = tpu.memref_slice %arg3[%add3A, %dma_start3A_47, %dma_start3A_48] : memref<32x80x125xi32, #tpu.memory_space<hbm>> -> memref<1x1x125xi32, #tpu.memory_space<hbm>>
    %dma_start3A_50 = tpu.memref_squeeze %dma_start3A_49 : memref<1x1x125xi32, #tpu.memory_space<hbm>> -> memref<125xi32, #tpu.memory_space<hbm>>
    %dma_start3A_51 = arith.constant 0 : i32
    %dma_start3A_52 = tpu.memref_slice %arg3[%add3A, %dma_start3A_47, %dma_start3A_51] : memref<32x80x125xi32, #tpu.memory_space<hbm>> -> memref<1x1x125xi32, #tpu.memory_space<hbm>>
    %dma_start3A_53 = tpu.memref_squeeze %dma_start3A_52 : memref<1x1x125xi32, #tpu.memory_space<hbm>> -> memref<125xi32, #tpu.memory_space<hbm>>
    tpu.enqueue_dma source(%dma_start3A_53 : memref<125xi32, #tpu.memory_space<hbm>>) target(%arg7 : memref<125xi32, #tpu.memory_space<vmem>>) target_semaphore(%arg16 : memref<!tpu.dma_semaphore, #tpu.memory_space<semaphore_mem>>)
    %dma_start3A_54 = arith.constant 1 : i32
    %dma_start3A_55 = arith.constant 0 : i32
    %dma_start3A_56 = tpu.memref_slice %arg3[%add3A, %dma_start3A_54, %dma_start3A_55] : memref<32x80x125xi32, #tpu.memory_space<hbm>> -> memref<1x1x125xi32, #tpu.memory_space<hbm>>
    %dma_start3A_57 = tpu.memref_squeeze %dma_start3A_56 : memref<1x1x125xi32, #tpu.memory_space<hbm>> -> memref<125xi32, #tpu.memory_space<hbm>>
    %dma_start3A_58 = arith.constant 0 : i32
    %dma_start3A_59 = tpu.memref_slice %arg3[%add3A, %dma_start3A_54, %dma_start3A_58] : memref<32x80x125xi32, #tpu.memory_space<hbm>> -> memref<1x1x125xi32, #tpu.memory_space<hbm>>
    %dma_start3A_60 = tpu.memref_squeeze %dma_start3A_59 : memref<1x1x125xi32, #tpu.memory_space<hbm>> -> memref<125xi32, #tpu.memory_space<hbm>>
    tpu.enqueue_dma source(%dma_start3A_60 : memref<125xi32, #tpu.memory_space<hbm>>) target(%arg8 : memref<125xi32, #tpu.memory_space<vmem>>) target_semaphore(%arg17 : memref<!tpu.dma_semaphore, #tpu.memory_space<semaphore_mem>>)
    %dma_start3A_61 = arith.constant 2 : i32
    %dma_start3A_62 = arith.constant 0 : i32
    %dma_start3A_63 = tpu.memref_slice %arg3[%add3A, %dma_start3A_61, %dma_start3A_62] : memref<32x80x125xi32, #tpu.memory_space<hbm>> -> memref<1x1x125xi32, #tpu.memory_space<hbm>>
    %dma_start3A_64 = tpu.memref_squeeze %dma_start3A_63 : memref<1x1x125xi32, #tpu.memory_space<hbm>> -> memref<125xi32, #tpu.memory_space<hbm>>
    %dma_start3A_65 = arith.constant 0 : i32
    %dma_start3A_66 = tpu.memref_slice %arg3[%add3A, %dma_start3A_61, %dma_start3A_65] : memref<32x80x125xi32, #tpu.memory_space<hbm>> -> memref<1x1x125xi32, #tpu.memory_space<hbm>>
    %dma_start3A_67 = tpu.memref_squeeze %dma_start3A_66 : memref<1x1x125xi32, #tpu.memory_space<hbm>> -> memref<125xi32, #tpu.memory_space<hbm>>
    tpu.enqueue_dma source(%dma_start3A_67 : memref<125xi32, #tpu.memory_space<hbm>>) target(%arg9 : memref<125xi32, #tpu.memory_space<vmem>>) target_semaphore(%arg18 : memref<!tpu.dma_semaphore, #tpu.memory_space<semaphore_mem>>)
    %dma_start3A_68 = arith.constant 3 : i32
    %dma_start3A_69 = arith.constant 0 : i32
    %dma_start3A_70 = tpu.memref_slice %arg3[%add3A, %dma_start3A_68, %dma_start3A_69] : memref<32x80x125xi32, #tpu.memory_space<hbm>> -> memref<1x1x125xi32, #tpu.memory_space<hbm>>
    %dma_start3A_71 = tpu.memref_squeeze %dma_start3A_70 : memref<1x1x125xi32, #tpu.memory_space<hbm>> -> memref<125xi32, #tpu.memory_space<hbm>>
    %dma_start3A_72 = arith.constant 0 : i32
    %dma_start3A_73 = tpu.memref_slice %arg3[%add3A, %dma_start3A_68, %dma_start3A_72] : memref<32x80x125xi32, #tpu.memory_space<hbm>> -> memref<1x1x125xi32, #tpu.memory_space<hbm>>
    %dma_start3A_74 = tpu.memref_squeeze %dma_start3A_73 : memref<1x1x125xi32, #tpu.memory_space<hbm>> -> memref<125xi32, #tpu.memory_space<hbm>>
    tpu.enqueue_dma source(%dma_start3A_74 : memref<125xi32, #tpu.memory_space<hbm>>) target(%arg10 : memref<125xi32, #tpu.memory_space<vmem>>) target_semaphore(%arg19 : memref<!tpu.dma_semaphore, #tpu.memory_space<semaphore_mem>>)
    %dma_wait3A = arith.constant 0 : i32
    %dma_wait3A_75 = arith.constant 0 : i32
    %dma_wait3A_76 = tpu.memref_slice %arg3[%add3A, %dma_wait3A, %dma_wait3A_75] : memref<32x80x125xi32, #tpu.memory_space<hbm>> -> memref<1x1x125xi32, #tpu.memory_space<hbm>>
    %dma_wait3A_77 = tpu.memref_squeeze %dma_wait3A_76 : memref<1x1x125xi32, #tpu.memory_space<hbm>> -> memref<125xi32, #tpu.memory_space<hbm>>
    %dma_wait3A_78 = arith.constant 0 : i32
    %dma_wait3A_79 = tpu.memref_slice %arg3[%add3A, %dma_wait3A, %dma_wait3A_78] : memref<32x80x125xi32, #tpu.memory_space<hbm>> -> memref<1x1x125xi32, #tpu.memory_space<hbm>>
    %dma_wait3A_80 = tpu.memref_squeeze %dma_wait3A_79 : memref<1x1x125xi32, #tpu.memory_space<hbm>> -> memref<125xi32, #tpu.memory_space<hbm>>
    tpu.wait_dma2 semaphore(%arg16 : memref<!tpu.dma_semaphore, #tpu.memory_space<semaphore_mem>>) src(%dma_wait3A_80 : memref<125xi32, #tpu.memory_space<hbm>>) dst(%arg7 : memref<125xi32, #tpu.memory_space<vmem>>)
    %dma_start3A_81 = arith.constant 0 : i32
    %dma_start3A_82 = arith.constant 0 : i32
    %dma_start3A_83 = tpu.memref_slice %arg2[%dma_start3A_81, %dma_start3A_82] : memref<10000x128xf32, #tpu.memory_space<hbm>> -> memref<10000x128xf32, #tpu.memory_space<hbm>>
    tpu.enqueue_indirect_dma source(%dma_start3A_83 : memref<10000x128xf32, #tpu.memory_space<hbm>>) target(%arg11 : memref<125x128xf32, #tpu.memory_space<vmem>>) offsets(%arg7 : memref<125xi32, #tpu.memory_space<vmem>>) semaphore(%arg14 : memref<!tpu.dma_semaphore, #tpu.memory_space<semaphore_mem>>)
    %dma_wait3A_84 = arith.constant 1 : i32
    %dma_wait3A_85 = arith.constant 0 : i32
    %dma_wait3A_86 = tpu.memref_slice %arg3[%add3A, %dma_wait3A_84, %dma_wait3A_85] : memref<32x80x125xi32, #tpu.memory_space<hbm>> -> memref<1x1x125xi32, #tpu.memory_space<hbm>>
    %dma_wait3A_87 = tpu.memref_squeeze %dma_wait3A_86 : memref<1x1x125xi32, #tpu.memory_space<hbm>> -> memref<125xi32, #tpu.memory_space<hbm>>
    %dma_wait3A_88 = arith.constant 0 : i32
    %dma_wait3A_89 = tpu.memref_slice %arg3[%add3A, %dma_wait3A_84, %dma_wait3A_88] : memref<32x80x125xi32, #tpu.memory_space<hbm>> -> memref<1x1x125xi32, #tpu.memory_space<hbm>>
    %dma_wait3A_90 = tpu.memref_squeeze %dma_wait3A_89 : memref<1x1x125xi32, #tpu.memory_space<hbm>> -> memref<125xi32, #tpu.memory_space<hbm>>
    tpu.wait_dma2 semaphore(%arg17 : memref<!tpu.dma_semaphore, #tpu.memory_space<semaphore_mem>>) src(%dma_wait3A_90 : memref<125xi32, #tpu.memory_space<hbm>>) dst(%arg8 : memref<125xi32, #tpu.memory_space<vmem>>)
    %mul3A_91 = arith.constant 625 : i32
    %mul3A_92 = arith.muli %arg1, %mul3A_91 : i32
    %add3A_93 = arith.constant 0 : i32
    %add3A_94 = arith.addi %mul3A_92, %add3A_93 : i32
    %dma_wait3A_95 = arith.constant 0 : i32
    %dma_wait3A_96 = tpu.memref_slice %arg13[%add3A_94, %dma_wait3A_95] : memref<10000x128xf32, #tpu.memory_space<vmem_shared>> -> memref<125x128xf32, #tpu.memory_space<vmem_shared>>
    %dma_wait3A_97 = arith.constant 0 : i32
    %dma_wait3A_98 = tpu.memref_slice %arg13[%add3A_94, %dma_wait3A_97] : memref<10000x128xf32, #tpu.memory_space<vmem_shared>> -> memref<125x128xf32, #tpu.memory_space<vmem_shared>>
    tpu.wait_dma2 semaphore(%arg20 : memref<!tpu.dma_semaphore, #tpu.memory_space<semaphore_mem>>) src(%arg12 : memref<125x128xf32, #tpu.memory_space<vmem>>) dst(%dma_wait3A_98 : memref<125x128xf32, #tpu.memory_space<vmem_shared>>)
    %mul3A_99 = arith.constant 625 : i32
    %mul3A_100 = arith.muli %arg1, %mul3A_99 : i32
    %add3A_101 = arith.constant 125 : i32
    %add3A_102 = arith.addi %mul3A_100, %add3A_101 : i32
    %dma_wait3A_103 = arith.constant 0 : i32
    %dma_wait3A_104 = tpu.memref_slice %arg13[%add3A_102, %dma_wait3A_103] : memref<10000x128xf32, #tpu.memory_space<vmem_shared>> -> memref<125x128xf32, #tpu.memory_space<vmem_shared>>
    %dma_wait3A_105 = arith.constant 0 : i32
    %dma_wait3A_106 = tpu.memref_slice %arg13[%add3A_102, %dma_wait3A_105] : memref<10000x128xf32, #tpu.memory_space<vmem_shared>> -> memref<125x128xf32, #tpu.memory_space<vmem_shared>>
    tpu.wait_dma2 semaphore(%arg20 : memref<!tpu.dma_semaphore, #tpu.memory_space<semaphore_mem>>) src(%arg12 : memref<125x128xf32, #tpu.memory_space<vmem>>) dst(%dma_wait3A_106 : memref<125x128xf32, #tpu.memory_space<vmem_shared>>)
    %mul3A_107 = arith.constant 625 : i32
    %mul3A_108 = arith.muli %arg1, %mul3A_107 : i32
    %add3A_109 = arith.constant 250 : i32
    %add3A_110 = arith.addi %mul3A_108, %add3A_109 : i32
    %dma_wait3A_111 = arith.constant 0 : i32
    %dma_wait3A_112 = tpu.memref_slice %arg13[%add3A_110, %dma_wait3A_111] : memref<10000x128xf32, #tpu.memory_space<vmem_shared>> -> memref<125x128xf32, #tpu.memory_space<vmem_shared>>
    %dma_wait3A_113 = arith.constant 0 : i32
    %dma_wait3A_114 = tpu.memref_slice %arg13[%add3A_110, %dma_wait3A_113] : memref<10000x128xf32, #tpu.memory_space<vmem_shared>> -> memref<125x128xf32, #tpu.memory_space<vmem_shared>>
    tpu.wait_dma2 semaphore(%arg20 : memref<!tpu.dma_semaphore, #tpu.memory_space<semaphore_mem>>) src(%arg12 : memref<125x128xf32, #tpu.memory_space<vmem>>) dst(%dma_wait3A_114 : memref<125x128xf32, #tpu.memory_space<vmem_shared>>)
    %mul3A_115 = arith.constant 625 : i32
    %mul3A_116 = arith.muli %arg1, %mul3A_115 : i32
    %add3A_117 = arith.constant 375 : i32
    %add3A_118 = arith.addi %mul3A_116, %add3A_117 : i32
    %dma_wait3A_119 = arith.constant 0 : i32
    %dma_wait3A_120 = tpu.memref_slice %arg13[%add3A_118, %dma_wait3A_119] : memref<10000x128xf32, #tpu.memory_space<vmem_shared>> -> memref<125x128xf32, #tpu.memory_space<vmem_shared>>
    %dma_wait3A_121 = arith.constant 0 : i32
    %dma_wait3A_122 = tpu.memref_slice %arg13[%add3A_118, %dma_wait3A_121] : memref<10000x128xf32, #tpu.memory_space<vmem_shared>> -> memref<125x128xf32, #tpu.memory_space<vmem_shared>>
    tpu.wait_dma2 semaphore(%arg20 : memref<!tpu.dma_semaphore, #tpu.memory_space<semaphore_mem>>) src(%arg12 : memref<125x128xf32, #tpu.memory_space<vmem>>) dst(%dma_wait3A_122 : memref<125x128xf32, #tpu.memory_space<vmem_shared>>)
    %mul3A_123 = arith.constant 625 : i32
    %mul3A_124 = arith.muli %arg1, %mul3A_123 : i32
    %add3A_125 = arith.constant 500 : i32
    %add3A_126 = arith.addi %mul3A_124, %add3A_125 : i32
    %dma_wait3A_127 = arith.constant 0 : i32
    %dma_wait3A_128 = tpu.memref_slice %arg13[%add3A_126, %dma_wait3A_127] : memref<10000x128xf32, #tpu.memory_space<vmem_shared>> -> memref<125x128xf32, #tpu.memory_space<vmem_shared>>
    %dma_wait3A_129 = arith.constant 0 : i32
    %dma_wait3A_130 = tpu.memref_slice %arg13[%add3A_126, %dma_wait3A_129] : memref<10000x128xf32, #tpu.memory_space<vmem_shared>> -> memref<125x128xf32, #tpu.memory_space<vmem_shared>>
    tpu.wait_dma2 semaphore(%arg20 : memref<!tpu.dma_semaphore, #tpu.memory_space<semaphore_mem>>) src(%arg12 : memref<125x128xf32, #tpu.memory_space<vmem>>) dst(%dma_wait3A_130 : memref<125x128xf32, #tpu.memory_space<vmem_shared>>)
    %dma_start3A_131 = arith.constant 0 : i32
    %dma_start3A_132 = arith.constant 0 : i32
    %dma_start3A_133 = tpu.memref_slice %arg2[%dma_start3A_131, %dma_start3A_132] : memref<10000x128xf32, #tpu.memory_space<hbm>> -> memref<10000x128xf32, #tpu.memory_space<hbm>>
    tpu.enqueue_indirect_dma source(%dma_start3A_133 : memref<10000x128xf32, #tpu.memory_space<hbm>>) target(%arg12 : memref<125x128xf32, #tpu.memory_space<vmem>>) offsets(%arg8 : memref<125xi32, #tpu.memory_space<vmem>>) semaphore(%arg15 : memref<!tpu.dma_semaphore, #tpu.memory_space<semaphore_mem>>)
    %barrier3A = arith.constant 0 : index
    tpu.barrier barrier_id(%barrier3A)
    %scan3A_134 = arith.constant 0 : i32
    %scan3A_135 = arith.constant 0 : i32
    %scan3A_136 = arith.constant 20 : i32
    %scan3A_137 = arith.addi %scan3A_135, %scan3A_136 : i32
    %scan3A_138 = arith.constant 1 : i32
    %scan3A_139 = scf.for %scan3A_144 = %scan3A_135 to %scan3A_137 step %scan3A_138 iter_args(%scan3A_145 = %scan3A_134) -> (i32)  : i32 {
      %mul3A_146 = arith.constant 4 : i32
      %mul3A_147 = arith.muli %scan3A_144, %mul3A_146 : i32
      %add3A_148 = arith.constant 0 : i32
      %add3A_149 = arith.addi %mul3A_147, %add3A_148 : i32
      %dma_wait3A_150 = arith.constant 0 : i32
      %dma_wait3A_151 = arith.constant 0 : i32
      %dma_wait3A_152 = tpu.memref_slice %arg2[%dma_wait3A_150, %dma_wait3A_151] : memref<10000x128xf32, #tpu.memory_space<hbm>> -> memref<10000x128xf32, #tpu.memory_space<hbm>>
      tpu.wait_indirect_dma semaphore(%arg14 : memref<!tpu.dma_semaphore, #tpu.memory_space<semaphore_mem>>) src(%dma_wait3A_152 : memref<10000x128xf32, #tpu.memory_space<hbm>>) dst(%arg11 : memref<125x128xf32, #tpu.memory_space<vmem>>)
      "tpu.region"() ({
        %run_scoped3A = tpu.sem_alloc : memref<!tpu.dma_semaphore, #tpu.memory_space<semaphore_mem>>
        %dma_start3A_222 = arith.constant 0 : i32
        %dma_start3A_223 = tpu.memref_slice %arg6[%add3A_149, %dma_start3A_222] : memref<80x125xi32, #tpu.memory_space<vmem>> -> memref<1x125xi32, #tpu.memory_space<vmem>>
        %dma_start3A_224 = tpu.memref_squeeze %dma_start3A_223 : memref<1x125xi32, #tpu.memory_space<vmem>> -> memref<125xi32, #tpu.memory_space<vmem>>
        %dma_start3A_225 = arith.constant 0 : i32
        %dma_start3A_226 = arith.constant 0 : i32
        %dma_start3A_227 = tpu.memref_slice %arg13[%dma_start3A_225, %dma_start3A_226] : memref<10000x128xf32, #tpu.memory_space<vmem_shared>> -> memref<10000x128xf32, #tpu.memory_space<vmem_shared>>
        tpu.enqueue_indirect_dma source(%arg11 : memref<125x128xf32, #tpu.memory_space<vmem>>) target(%dma_start3A_227 : memref<10000x128xf32, #tpu.memory_space<vmem_shared>>) offsets(%dma_start3A_224 : memref<125xi32, #tpu.memory_space<vmem>>) semaphore(%run_scoped3A : memref<!tpu.dma_semaphore, #tpu.memory_space<semaphore_mem>>) {add = true}
        %dma_wait3A_228 = arith.constant 0 : i32
        %dma_wait3A_229 = tpu.memref_slice %arg6[%add3A_149, %dma_wait3A_228] : memref<80x125xi32, #tpu.memory_space<vmem>> -> memref<1x125xi32, #tpu.memory_space<vmem>>
        %dma_wait3A_230 = tpu.memref_squeeze %dma_wait3A_229 : memref<1x125xi32, #tpu.memory_space<vmem>> -> memref<125xi32, #tpu.memory_space<vmem>>
        %dma_wait3A_231 = arith.constant 0 : i32
        %dma_wait3A_232 = arith.constant 0 : i32
        %dma_wait3A_233 = tpu.memref_slice %arg13[%dma_wait3A_231, %dma_wait3A_232] : memref<10000x128xf32, #tpu.memory_space<vmem_shared>> -> memref<10000x128xf32, #tpu.memory_space<vmem_shared>>
        tpu.wait_indirect_dma semaphore(%run_scoped3A : memref<!tpu.dma_semaphore, #tpu.memory_space<semaphore_mem>>) src(%arg11 : memref<125x128xf32, #tpu.memory_space<vmem>>) dst(%dma_wait3A_233 : memref<10000x128xf32, #tpu.memory_space<vmem_shared>>)
        tpu.yield
      }) : () -> ()
      %add3A_153 = arith.constant 2 : i32
      %add3A_154 = arith.addi %add3A_149, %add3A_153 : i32
      %lt3A = arith.constant 80 : i32
      %lt3A_155 = arith.cmpi slt, %add3A_154, %lt3A : i32
      %convert_element_type3A = arith.extui %lt3A_155 : i1 to i32
      %cond3A = arith.constant 0 : i32
      %cond3A_156 = arith.cmpi ne, %convert_element_type3A, %cond3A : i32
      scf.if %cond3A_156 {
        %add3A_222 = arith.constant 2 : i32
        %add3A_223 = arith.addi %add3A_149, %add3A_222 : i32
        %dma_wait3A_224 = arith.constant 0 : i32
        %dma_wait3A_225 = tpu.memref_slice %arg3[%add3A, %add3A_223, %dma_wait3A_224] : memref<32x80x125xi32, #tpu.memory_space<hbm>> -> memref<1x1x125xi32, #tpu.memory_space<hbm>>
        %dma_wait3A_226 = tpu.memref_squeeze %dma_wait3A_225 : memref<1x1x125xi32, #tpu.memory_space<hbm>> -> memref<125xi32, #tpu.memory_space<hbm>>
        %dma_wait3A_227 = arith.constant 0 : i32
        %dma_wait3A_228 = tpu.memref_slice %arg3[%add3A, %add3A_223, %dma_wait3A_227] : memref<32x80x125xi32, #tpu.memory_space<hbm>> -> memref<1x1x125xi32, #tpu.memory_space<hbm>>
        %dma_wait3A_229 = tpu.memref_squeeze %dma_wait3A_228 : memref<1x1x125xi32, #tpu.memory_space<hbm>> -> memref<125xi32, #tpu.memory_space<hbm>>
        tpu.wait_dma2 semaphore(%arg18 : memref<!tpu.dma_semaphore, #tpu.memory_space<semaphore_mem>>) src(%dma_wait3A_229 : memref<125xi32, #tpu.memory_space<hbm>>) dst(%arg9 : memref<125xi32, #tpu.memory_space<vmem>>)
        %dma_start3A_230 = arith.constant 0 : i32
        %dma_start3A_231 = arith.constant 0 : i32
        %dma_start3A_232 = tpu.memref_slice %arg2[%dma_start3A_230, %dma_start3A_231] : memref<10000x128xf32, #tpu.memory_space<hbm>> -> memref<10000x128xf32, #tpu.memory_space<hbm>>
        tpu.enqueue_indirect_dma source(%dma_start3A_232 : memref<10000x128xf32, #tpu.memory_space<hbm>>) target(%arg11 : memref<125x128xf32, #tpu.memory_space<vmem>>) offsets(%arg9 : memref<125xi32, #tpu.memory_space<vmem>>) semaphore(%arg14 : memref<!tpu.dma_semaphore, #tpu.memory_space<semaphore_mem>>)
      } else {
      }
      %add3A_157 = arith.constant 4 : i32
      %add3A_158 = arith.addi %add3A_149, %add3A_157 : i32
      %lt3A_159 = arith.constant 80 : i32
      %lt3A_160 = arith.cmpi slt, %add3A_158, %lt3A_159 : i32
      %convert_element_type3A_161 = arith.extui %lt3A_160 : i1 to i32
      %cond3A_162 = arith.constant 0 : i32
      %cond3A_163 = arith.cmpi ne, %convert_element_type3A_161, %cond3A_162 : i32
      scf.if %cond3A_163 {
        %add3A_222 = arith.constant 4 : i32
        %add3A_223 = arith.addi %add3A_149, %add3A_222 : i32
        %dma_start3A_224 = arith.constant 0 : i32
        %dma_start3A_225 = tpu.memref_slice %arg3[%add3A, %add3A_223, %dma_start3A_224] : memref<32x80x125xi32, #tpu.memory_space<hbm>> -> memref<1x1x125xi32, #tpu.memory_space<hbm>>
        %dma_start3A_226 = tpu.memref_squeeze %dma_start3A_225 : memref<1x1x125xi32, #tpu.memory_space<hbm>> -> memref<125xi32, #tpu.memory_space<hbm>>
        %dma_start3A_227 = arith.constant 0 : i32
        %dma_start3A_228 = tpu.memref_slice %arg3[%add3A, %add3A_223, %dma_start3A_227] : memref<32x80x125xi32, #tpu.memory_space<hbm>> -> memref<1x1x125xi32, #tpu.memory_space<hbm>>
        %dma_start3A_229 = tpu.memref_squeeze %dma_start3A_228 : memref<1x1x125xi32, #tpu.memory_space<hbm>> -> memref<125xi32, #tpu.memory_space<hbm>>
        tpu.enqueue_dma source(%dma_start3A_229 : memref<125xi32, #tpu.memory_space<hbm>>) target(%arg7 : memref<125xi32, #tpu.memory_space<vmem>>) target_semaphore(%arg16 : memref<!tpu.dma_semaphore, #tpu.memory_space<semaphore_mem>>)
      } else {
      }
      %add3A_164 = arith.constant 1 : i32
      %add3A_165 = arith.addi %mul3A_147, %add3A_164 : i32
      %dma_wait3A_166 = arith.constant 0 : i32
      %dma_wait3A_167 = arith.constant 0 : i32
      %dma_wait3A_168 = tpu.memref_slice %arg2[%dma_wait3A_166, %dma_wait3A_167] : memref<10000x128xf32, #tpu.memory_space<hbm>> -> memref<10000x128xf32, #tpu.memory_space<hbm>>
      tpu.wait_indirect_dma semaphore(%arg15 : memref<!tpu.dma_semaphore, #tpu.memory_space<semaphore_mem>>) src(%dma_wait3A_168 : memref<10000x128xf32, #tpu.memory_space<hbm>>) dst(%arg12 : memref<125x128xf32, #tpu.memory_space<vmem>>)
      "tpu.region"() ({
        %run_scoped3A = tpu.sem_alloc : memref<!tpu.dma_semaphore, #tpu.memory_space<semaphore_mem>>
        %dma_start3A_222 = arith.constant 0 : i32
        %dma_start3A_223 = tpu.memref_slice %arg6[%add3A_165, %dma_start3A_222] : memref<80x125xi32, #tpu.memory_space<vmem>> -> memref<1x125xi32, #tpu.memory_space<vmem>>
        %dma_start3A_224 = tpu.memref_squeeze %dma_start3A_223 : memref<1x125xi32, #tpu.memory_space<vmem>> -> memref<125xi32, #tpu.memory_space<vmem>>
        %dma_start3A_225 = arith.constant 0 : i32
        %dma_start3A_226 = arith.constant 0 : i32
        %dma_start3A_227 = tpu.memref_slice %arg13[%dma_start3A_225, %dma_start3A_226] : memref<10000x128xf32, #tpu.memory_space<vmem_shared>> -> memref<10000x128xf32, #tpu.memory_space<vmem_shared>>
        tpu.enqueue_indirect_dma source(%arg12 : memref<125x128xf32, #tpu.memory_space<vmem>>) target(%dma_start3A_227 : memref<10000x128xf32, #tpu.memory_space<vmem_shared>>) offsets(%dma_start3A_224 : memref<125xi32, #tpu.memory_space<vmem>>) semaphore(%run_scoped3A : memref<!tpu.dma_semaphore, #tpu.memory_space<semaphore_mem>>) {add = true}
        %dma_wait3A_228 = arith.constant 0 : i32
        %dma_wait3A_229 = tpu.memref_slice %arg6[%add3A_165, %dma_wait3A_228] : memref<80x125xi32, #tpu.memory_space<vmem>> -> memref<1x125xi32, #tpu.memory_space<vmem>>
        %dma_wait3A_230 = tpu.memref_squeeze %dma_wait3A_229 : memref<1x125xi32, #tpu.memory_space<vmem>> -> memref<125xi32, #tpu.memory_space<vmem>>
        %dma_wait3A_231 = arith.constant 0 : i32
        %dma_wait3A_232 = arith.constant 0 : i32
        %dma_wait3A_233 = tpu.memref_slice %arg13[%dma_wait3A_231, %dma_wait3A_232] : memref<10000x128xf32, #tpu.memory_space<vmem_shared>> -> memref<10000x128xf32, #tpu.memory_space<vmem_shared>>
        tpu.wait_indirect_dma semaphore(%run_scoped3A : memref<!tpu.dma_semaphore, #tpu.memory_space<semaphore_mem>>) src(%arg12 : memref<125x128xf32, #tpu.memory_space<vmem>>) dst(%dma_wait3A_233 : memref<10000x128xf32, #tpu.memory_space<vmem_shared>>)
        tpu.yield
      }) : () -> ()
      %add3A_169 = arith.constant 2 : i32
      %add3A_170 = arith.addi %add3A_165, %add3A_169 : i32
      %lt3A_171 = arith.constant 80 : i32
      %lt3A_172 = arith.cmpi slt, %add3A_170, %lt3A_171 : i32
      %convert_element_type3A_173 = arith.extui %lt3A_172 : i1 to i32
      %cond3A_174 = arith.constant 0 : i32
      %cond3A_175 = arith.cmpi ne, %convert_element_type3A_173, %cond3A_174 : i32
      scf.if %cond3A_175 {
        %add3A_222 = arith.constant 2 : i32
        %add3A_223 = arith.addi %add3A_165, %add3A_222 : i32
        %dma_wait3A_224 = arith.constant 0 : i32
        %dma_wait3A_225 = tpu.memref_slice %arg3[%add3A, %add3A_223, %dma_wait3A_224] : memref<32x80x125xi32, #tpu.memory_space<hbm>> -> memref<1x1x125xi32, #tpu.memory_space<hbm>>
        %dma_wait3A_226 = tpu.memref_squeeze %dma_wait3A_225 : memref<1x1x125xi32, #tpu.memory_space<hbm>> -> memref<125xi32, #tpu.memory_space<hbm>>
        %dma_wait3A_227 = arith.constant 0 : i32
        %dma_wait3A_228 = tpu.memref_slice %arg3[%add3A, %add3A_223, %dma_wait3A_227] : memref<32x80x125xi32, #tpu.memory_space<hbm>> -> memref<1x1x125xi32, #tpu.memory_space<hbm>>
        %dma_wait3A_229 = tpu.memref_squeeze %dma_wait3A_228 : memref<1x1x125xi32, #tpu.memory_space<hbm>> -> memref<125xi32, #tpu.memory_space<hbm>>
        tpu.wait_dma2 semaphore(%arg19 : memref<!tpu.dma_semaphore, #tpu.memory_space<semaphore_mem>>) src(%dma_wait3A_229 : memref<125xi32, #tpu.memory_space<hbm>>) dst(%arg10 : memref<125xi32, #tpu.memory_space<vmem>>)
        %dma_start3A_230 = arith.constant 0 : i32
        %dma_start3A_231 = arith.constant 0 : i32
        %dma_start3A_232 = tpu.memref_slice %arg2[%dma_start3A_230, %dma_start3A_231] : memref<10000x128xf32, #tpu.memory_space<hbm>> -> memref<10000x128xf32, #tpu.memory_space<hbm>>
        tpu.enqueue_indirect_dma source(%dma_start3A_232 : memref<10000x128xf32, #tpu.memory_space<hbm>>) target(%arg12 : memref<125x128xf32, #tpu.memory_space<vmem>>) offsets(%arg10 : memref<125xi32, #tpu.memory_space<vmem>>) semaphore(%arg15 : memref<!tpu.dma_semaphore, #tpu.memory_space<semaphore_mem>>)
      } else {
      }
      %add3A_176 = arith.constant 4 : i32
      %add3A_177 = arith.addi %add3A_165, %add3A_176 : i32
      %lt3A_178 = arith.constant 80 : i32
      %lt3A_179 = arith.cmpi slt, %add3A_177, %lt3A_178 : i32
      %convert_element_type3A_180 = arith.extui %lt3A_179 : i1 to i32
      %cond3A_181 = arith.constant 0 : i32
      %cond3A_182 = arith.cmpi ne, %convert_element_type3A_180, %cond3A_181 : i32
      scf.if %cond3A_182 {
        %add3A_222 = arith.constant 4 : i32
        %add3A_223 = arith.addi %add3A_165, %add3A_222 : i32
        %dma_start3A_224 = arith.constant 0 : i32
        %dma_start3A_225 = tpu.memref_slice %arg3[%add3A, %add3A_223, %dma_start3A_224] : memref<32x80x125xi32, #tpu.memory_space<hbm>> -> memref<1x1x125xi32, #tpu.memory_space<hbm>>
        %dma_start3A_226 = tpu.memref_squeeze %dma_start3A_225 : memref<1x1x125xi32, #tpu.memory_space<hbm>> -> memref<125xi32, #tpu.memory_space<hbm>>
        %dma_start3A_227 = arith.constant 0 : i32
        %dma_start3A_228 = tpu.memref_slice %arg3[%add3A, %add3A_223, %dma_start3A_227] : memref<32x80x125xi32, #tpu.memory_space<hbm>> -> memref<1x1x125xi32, #tpu.memory_space<hbm>>
        %dma_start3A_229 = tpu.memref_squeeze %dma_start3A_228 : memref<1x1x125xi32, #tpu.memory_space<hbm>> -> memref<125xi32, #tpu.memory_space<hbm>>
        tpu.enqueue_dma source(%dma_start3A_229 : memref<125xi32, #tpu.memory_space<hbm>>) target(%arg8 : memref<125xi32, #tpu.memory_space<vmem>>) target_semaphore(%arg17 : memref<!tpu.dma_semaphore, #tpu.memory_space<semaphore_mem>>)
      } else {
      }
      %add3A_183 = arith.constant 2 : i32
      %add3A_184 = arith.addi %mul3A_147, %add3A_183 : i32
      %dma_wait3A_185 = arith.constant 0 : i32
      %dma_wait3A_186 = arith.constant 0 : i32
      %dma_wait3A_187 = tpu.memref_slice %arg2[%dma_wait3A_185, %dma_wait3A_186] : memref<10000x128xf32, #tpu.memory_space<hbm>> -> memref<10000x128xf32, #tpu.memory_space<hbm>>
      tpu.wait_indirect_dma semaphore(%arg14 : memref<!tpu.dma_semaphore, #tpu.memory_space<semaphore_mem>>) src(%dma_wait3A_187 : memref<10000x128xf32, #tpu.memory_space<hbm>>) dst(%arg11 : memref<125x128xf32, #tpu.memory_space<vmem>>)
      "tpu.region"() ({
        %run_scoped3A = tpu.sem_alloc : memref<!tpu.dma_semaphore, #tpu.memory_space<semaphore_mem>>
        %dma_start3A_222 = arith.constant 0 : i32
        %dma_start3A_223 = tpu.memref_slice %arg6[%add3A_184, %dma_start3A_222] : memref<80x125xi32, #tpu.memory_space<vmem>> -> memref<1x125xi32, #tpu.memory_space<vmem>>
        %dma_start3A_224 = tpu.memref_squeeze %dma_start3A_223 : memref<1x125xi32, #tpu.memory_space<vmem>> -> memref<125xi32, #tpu.memory_space<vmem>>
        %dma_start3A_225 = arith.constant 0 : i32
        %dma_start3A_226 = arith.constant 0 : i32
        %dma_start3A_227 = tpu.memref_slice %arg13[%dma_start3A_225, %dma_start3A_226] : memref<10000x128xf32, #tpu.memory_space<vmem_shared>> -> memref<10000x128xf32, #tpu.memory_space<vmem_shared>>
        tpu.enqueue_indirect_dma source(%arg11 : memref<125x128xf32, #tpu.memory_space<vmem>>) target(%dma_start3A_227 : memref<10000x128xf32, #tpu.memory_space<vmem_shared>>) offsets(%dma_start3A_224 : memref<125xi32, #tpu.memory_space<vmem>>) semaphore(%run_scoped3A : memref<!tpu.dma_semaphore, #tpu.memory_space<semaphore_mem>>) {add = true}
        %dma_wait3A_228 = arith.constant 0 : i32
        %dma_wait3A_229 = tpu.memref_slice %arg6[%add3A_184, %dma_wait3A_228] : memref<80x125xi32, #tpu.memory_space<vmem>> -> memref<1x125xi32, #tpu.memory_space<vmem>>
        %dma_wait3A_230 = tpu.memref_squeeze %dma_wait3A_229 : memref<1x125xi32, #tpu.memory_space<vmem>> -> memref<125xi32, #tpu.memory_space<vmem>>
        %dma_wait3A_231 = arith.constant 0 : i32
        %dma_wait3A_232 = arith.constant 0 : i32
        %dma_wait3A_233 = tpu.memref_slice %arg13[%dma_wait3A_231, %dma_wait3A_232] : memref<10000x128xf32, #tpu.memory_space<vmem_shared>> -> memref<10000x128xf32, #tpu.memory_space<vmem_shared>>
        tpu.wait_indirect_dma semaphore(%run_scoped3A : memref<!tpu.dma_semaphore, #tpu.memory_space<semaphore_mem>>) src(%arg11 : memref<125x128xf32, #tpu.memory_space<vmem>>) dst(%dma_wait3A_233 : memref<10000x128xf32, #tpu.memory_space<vmem_shared>>)
        tpu.yield
      }) : () -> ()
      %add3A_188 = arith.constant 2 : i32
      %add3A_189 = arith.addi %add3A_184, %add3A_188 : i32
      %lt3A_190 = arith.constant 80 : i32
      %lt3A_191 = arith.cmpi slt, %add3A_189, %lt3A_190 : i32
      %convert_element_type3A_192 = arith.extui %lt3A_191 : i1 to i32
      %cond3A_193 = arith.constant 0 : i32
      %cond3A_194 = arith.cmpi ne, %convert_element_type3A_192, %cond3A_193 : i32
      scf.if %cond3A_194 {
        %add3A_222 = arith.constant 2 : i32
        %add3A_223 = arith.addi %add3A_184, %add3A_222 : i32
        %dma_wait3A_224 = arith.constant 0 : i32
        %dma_wait3A_225 = tpu.memref_slice %arg3[%add3A, %add3A_223, %dma_wait3A_224] : memref<32x80x125xi32, #tpu.memory_space<hbm>> -> memref<1x1x125xi32, #tpu.memory_space<hbm>>
        %dma_wait3A_226 = tpu.memref_squeeze %dma_wait3A_225 : memref<1x1x125xi32, #tpu.memory_space<hbm>> -> memref<125xi32, #tpu.memory_space<hbm>>
        %dma_wait3A_227 = arith.constant 0 : i32
        %dma_wait3A_228 = tpu.memref_slice %arg3[%add3A, %add3A_223, %dma_wait3A_227] : memref<32x80x125xi32, #tpu.memory_space<hbm>> -> memref<1x1x125xi32, #tpu.memory_space<hbm>>
        %dma_wait3A_229 = tpu.memref_squeeze %dma_wait3A_228 : memref<1x1x125xi32, #tpu.memory_space<hbm>> -> memref<125xi32, #tpu.memory_space<hbm>>
        tpu.wait_dma2 semaphore(%arg16 : memref<!tpu.dma_semaphore, #tpu.memory_space<semaphore_mem>>) src(%dma_wait3A_229 : memref<125xi32, #tpu.memory_space<hbm>>) dst(%arg7 : memref<125xi32, #tpu.memory_space<vmem>>)
        %dma_start3A_230 = arith.constant 0 : i32
        %dma_start3A_231 = arith.constant 0 : i32
        %dma_start3A_232 = tpu.memref_slice %arg2[%dma_start3A_230, %dma_start3A_231] : memref<10000x128xf32, #tpu.memory_space<hbm>> -> memref<10000x128xf32, #tpu.memory_space<hbm>>
        tpu.enqueue_indirect_dma source(%dma_start3A_232 : memref<10000x128xf32, #tpu.memory_space<hbm>>) target(%arg11 : memref<125x128xf32, #tpu.memory_space<vmem>>) offsets(%arg7 : memref<125xi32, #tpu.memory_space<vmem>>) semaphore(%arg14 : memref<!tpu.dma_semaphore, #tpu.memory_space<semaphore_mem>>)
      } else {
      }
      %add3A_195 = arith.constant 4 : i32
      %add3A_196 = arith.addi %add3A_184, %add3A_195 : i32
      %lt3A_197 = arith.constant 80 : i32
      %lt3A_198 = arith.cmpi slt, %add3A_196, %lt3A_197 : i32
      %convert_element_type3A_199 = arith.extui %lt3A_198 : i1 to i32
      %cond3A_200 = arith.constant 0 : i32
      %cond3A_201 = arith.cmpi ne, %convert_element_type3A_199, %cond3A_200 : i32
      scf.if %cond3A_201 {
        %add3A_222 = arith.constant 4 : i32
        %add3A_223 = arith.addi %add3A_184, %add3A_222 : i32
        %dma_start3A_224 = arith.constant 0 : i32
        %dma_start3A_225 = tpu.memref_slice %arg3[%add3A, %add3A_223, %dma_start3A_224] : memref<32x80x125xi32, #tpu.memory_space<hbm>> -> memref<1x1x125xi32, #tpu.memory_space<hbm>>
        %dma_start3A_226 = tpu.memref_squeeze %dma_start3A_225 : memref<1x1x125xi32, #tpu.memory_space<hbm>> -> memref<125xi32, #tpu.memory_space<hbm>>
        %dma_start3A_227 = arith.constant 0 : i32
        %dma_start3A_228 = tpu.memref_slice %arg3[%add3A, %add3A_223, %dma_start3A_227] : memref<32x80x125xi32, #tpu.memory_space<hbm>> -> memref<1x1x125xi32, #tpu.memory_space<hbm>>
        %dma_start3A_229 = tpu.memref_squeeze %dma_start3A_228 : memref<1x1x125xi32, #tpu.memory_space<hbm>> -> memref<125xi32, #tpu.memory_space<hbm>>
        tpu.enqueue_dma source(%dma_start3A_229 : memref<125xi32, #tpu.memory_space<hbm>>) target(%arg9 : memref<125xi32, #tpu.memory_space<vmem>>) target_semaphore(%arg18 : memref<!tpu.dma_semaphore, #tpu.memory_space<semaphore_mem>>)
      } else {
      }
      %add3A_202 = arith.constant 3 : i32
      %add3A_203 = arith.addi %mul3A_147, %add3A_202 : i32
      %dma_wait3A_204 = arith.constant 0 : i32
      %dma_wait3A_205 = arith.constant 0 : i32
      %dma_wait3A_206 = tpu.memref_slice %arg2[%dma_wait3A_204, %dma_wait3A_205] : memref<10000x128xf32, #tpu.memory_space<hbm>> -> memref<10000x128xf32, #tpu.memory_space<hbm>>
      tpu.wait_indirect_dma semaphore(%arg15 : memref<!tpu.dma_semaphore, #tpu.memory_space<semaphore_mem>>) src(%dma_wait3A_206 : memref<10000x128xf32, #tpu.memory_space<hbm>>) dst(%arg12 : memref<125x128xf32, #tpu.memory_space<vmem>>)
      "tpu.region"() ({
        %run_scoped3A = tpu.sem_alloc : memref<!tpu.dma_semaphore, #tpu.memory_space<semaphore_mem>>
        %dma_start3A_222 = arith.constant 0 : i32
        %dma_start3A_223 = tpu.memref_slice %arg6[%add3A_203, %dma_start3A_222] : memref<80x125xi32, #tpu.memory_space<vmem>> -> memref<1x125xi32, #tpu.memory_space<vmem>>
        %dma_start3A_224 = tpu.memref_squeeze %dma_start3A_223 : memref<1x125xi32, #tpu.memory_space<vmem>> -> memref<125xi32, #tpu.memory_space<vmem>>
        %dma_start3A_225 = arith.constant 0 : i32
        %dma_start3A_226 = arith.constant 0 : i32
        %dma_start3A_227 = tpu.memref_slice %arg13[%dma_start3A_225, %dma_start3A_226] : memref<10000x128xf32, #tpu.memory_space<vmem_shared>> -> memref<10000x128xf32, #tpu.memory_space<vmem_shared>>
        tpu.enqueue_indirect_dma source(%arg12 : memref<125x128xf32, #tpu.memory_space<vmem>>) target(%dma_start3A_227 : memref<10000x128xf32, #tpu.memory_space<vmem_shared>>) offsets(%dma_start3A_224 : memref<125xi32, #tpu.memory_space<vmem>>) semaphore(%run_scoped3A : memref<!tpu.dma_semaphore, #tpu.memory_space<semaphore_mem>>) {add = true}
        %dma_wait3A_228 = arith.constant 0 : i32
        %dma_wait3A_229 = tpu.memref_slice %arg6[%add3A_203, %dma_wait3A_228] : memref<80x125xi32, #tpu.memory_space<vmem>> -> memref<1x125xi32, #tpu.memory_space<vmem>>
        %dma_wait3A_230 = tpu.memref_squeeze %dma_wait3A_229 : memref<1x125xi32, #tpu.memory_space<vmem>> -> memref<125xi32, #tpu.memory_space<vmem>>
        %dma_wait3A_231 = arith.constant 0 : i32
        %dma_wait3A_232 = arith.constant 0 : i32
        %dma_wait3A_233 = tpu.memref_slice %arg13[%dma_wait3A_231, %dma_wait3A_232] : memref<10000x128xf32, #tpu.memory_space<vmem_shared>> -> memref<10000x128xf32, #tpu.memory_space<vmem_shared>>
        tpu.wait_indirect_dma semaphore(%run_scoped3A : memref<!tpu.dma_semaphore, #tpu.memory_space<semaphore_mem>>) src(%arg12 : memref<125x128xf32, #tpu.memory_space<vmem>>) dst(%dma_wait3A_233 : memref<10000x128xf32, #tpu.memory_space<vmem_shared>>)
        tpu.yield
      }) : () -> ()
      %add3A_207 = arith.constant 2 : i32
      %add3A_208 = arith.addi %add3A_203, %add3A_207 : i32
      %lt3A_209 = arith.constant 80 : i32
      %lt3A_210 = arith.cmpi slt, %add3A_208, %lt3A_209 : i32
      %convert_element_type3A_211 = arith.extui %lt3A_210 : i1 to i32
      %cond3A_212 = arith.constant 0 : i32
      %cond3A_213 = arith.cmpi ne, %convert_element_type3A_211, %cond3A_212 : i32
      scf.if %cond3A_213 {
        %add3A_222 = arith.constant 2 : i32
        %add3A_223 = arith.addi %add3A_203, %add3A_222 : i32
        %dma_wait3A_224 = arith.constant 0 : i32
        %dma_wait3A_225 = tpu.memref_slice %arg3[%add3A, %add3A_223, %dma_wait3A_224] : memref<32x80x125xi32, #tpu.memory_space<hbm>> -> memref<1x1x125xi32, #tpu.memory_space<hbm>>
        %dma_wait3A_226 = tpu.memref_squeeze %dma_wait3A_225 : memref<1x1x125xi32, #tpu.memory_space<hbm>> -> memref<125xi32, #tpu.memory_space<hbm>>
        %dma_wait3A_227 = arith.constant 0 : i32
        %dma_wait3A_228 = tpu.memref_slice %arg3[%add3A, %add3A_223, %dma_wait3A_227] : memref<32x80x125xi32, #tpu.memory_space<hbm>> -> memref<1x1x125xi32, #tpu.memory_space<hbm>>
        %dma_wait3A_229 = tpu.memref_squeeze %dma_wait3A_228 : memref<1x1x125xi32, #tpu.memory_space<hbm>> -> memref<125xi32, #tpu.memory_space<hbm>>
        tpu.wait_dma2 semaphore(%arg17 : memref<!tpu.dma_semaphore, #tpu.memory_space<semaphore_mem>>) src(%dma_wait3A_229 : memref<125xi32, #tpu.memory_space<hbm>>) dst(%arg8 : memref<125xi32, #tpu.memory_space<vmem>>)
        %dma_start3A_230 = arith.constant 0 : i32
        %dma_start3A_231 = arith.constant 0 : i32
        %dma_start3A_232 = tpu.memref_slice %arg2[%dma_start3A_230, %dma_start3A_231] : memref<10000x128xf32, #tpu.memory_space<hbm>> -> memref<10000x128xf32, #tpu.memory_space<hbm>>
        tpu.enqueue_indirect_dma source(%dma_start3A_232 : memref<10000x128xf32, #tpu.memory_space<hbm>>) target(%arg12 : memref<125x128xf32, #tpu.memory_space<vmem>>) offsets(%arg8 : memref<125xi32, #tpu.memory_space<vmem>>) semaphore(%arg15 : memref<!tpu.dma_semaphore, #tpu.memory_space<semaphore_mem>>)
      } else {
      }
      %add3A_214 = arith.constant 4 : i32
      %add3A_215 = arith.addi %add3A_203, %add3A_214 : i32
      %lt3A_216 = arith.constant 80 : i32
      %lt3A_217 = arith.cmpi slt, %add3A_215, %lt3A_216 : i32
      %convert_element_type3A_218 = arith.extui %lt3A_217 : i1 to i32
      %cond3A_219 = arith.constant 0 : i32
      %cond3A_220 = arith.cmpi ne, %convert_element_type3A_218, %cond3A_219 : i32
      scf.if %cond3A_220 {
        %add3A_222 = arith.constant 4 : i32
        %add3A_223 = arith.addi %add3A_203, %add3A_222 : i32
        %dma_start3A_224 = arith.constant 0 : i32
        %dma_start3A_225 = tpu.memref_slice %arg3[%add3A, %add3A_223, %dma_start3A_224] : memref<32x80x125xi32, #tpu.memory_space<hbm>> -> memref<1x1x125xi32, #tpu.memory_space<hbm>>
        %dma_start3A_226 = tpu.memref_squeeze %dma_start3A_225 : memref<1x1x125xi32, #tpu.memory_space<hbm>> -> memref<125xi32, #tpu.memory_space<hbm>>
        %dma_start3A_227 = arith.constant 0 : i32
        %dma_start3A_228 = tpu.memref_slice %arg3[%add3A, %add3A_223, %dma_start3A_227] : memref<32x80x125xi32, #tpu.memory_space<hbm>> -> memref<1x1x125xi32, #tpu.memory_space<hbm>>
        %dma_start3A_229 = tpu.memref_squeeze %dma_start3A_228 : memref<1x1x125xi32, #tpu.memory_space<hbm>> -> memref<125xi32, #tpu.memory_space<hbm>>
        tpu.enqueue_dma source(%dma_start3A_229 : memref<125xi32, #tpu.memory_space<hbm>>) target(%arg10 : memref<125xi32, #tpu.memory_space<vmem>>) target_semaphore(%arg19 : memref<!tpu.dma_semaphore, #tpu.memory_space<semaphore_mem>>)
      } else {
      }
      %scan3A_221 = arith.constant 0 : i32
      scf.yield %scan3A_221 : i32
    }
    %scan3A_140 = arith.constant 20 : i32
    %barrier3A_141 = arith.constant 0 : index
    tpu.barrier barrier_id(%barrier3A_141)
    %mul3A_142 = arith.constant 625 : i32
    %mul3A_143 = arith.muli %arg1, %mul3A_142 : i32
    "tpu.region"() ({
      %run_scoped3A = tpu.sem_alloc : memref<!tpu.dma_semaphore, #tpu.memory_space<semaphore_mem>>
      %dma_start3A_144 = arith.constant 0 : i32
      %dma_start3A_145 = arith.constant 0 : i32
      %dma_start3A_146 = tpu.memref_slice %arg5[%arg0, %arg1, %dma_start3A_144, %dma_start3A_145] : memref<2x16x625x128xf32, #tpu.memory_space<hbm>> -> memref<1x1x625x128xf32, #tpu.memory_space<hbm>>
      %dma_start3A_147 = tpu.memref_squeeze %dma_start3A_146 : memref<1x1x625x128xf32, #tpu.memory_space<hbm>> -> memref<625x128xf32, #tpu.memory_space<hbm>>
      %dma_start3A_148 = arith.constant 0 : i32
      %dma_start3A_149 = tpu.memref_slice %arg13[%mul3A_143, %dma_start3A_148] : memref<10000x128xf32, #tpu.memory_space<vmem_shared>> -> memref<625x128xf32, #tpu.memory_space<vmem_shared>>
      tpu.enqueue_dma source(%dma_start3A_149 : memref<625x128xf32, #tpu.memory_space<vmem_shared>>) target(%dma_start3A_147 : memref<625x128xf32, #tpu.memory_space<hbm>>) target_semaphore(%run_scoped3A : memref<!tpu.dma_semaphore, #tpu.memory_space<semaphore_mem>>)
      %dma_wait3A_150 = arith.constant 0 : i32
      %dma_wait3A_151 = arith.constant 0 : i32
      %dma_wait3A_152 = tpu.memref_slice %arg5[%arg0, %arg1, %dma_wait3A_150, %dma_wait3A_151] : memref<2x16x625x128xf32, #tpu.memory_space<hbm>> -> memref<1x1x625x128xf32, #tpu.memory_space<hbm>>
      %dma_wait3A_153 = tpu.memref_squeeze %dma_wait3A_152 : memref<1x1x625x128xf32, #tpu.memory_space<hbm>> -> memref<625x128xf32, #tpu.memory_space<hbm>>
      %dma_wait3A_154 = arith.constant 0 : i32
      %dma_wait3A_155 = tpu.memref_slice %arg13[%mul3A_143, %dma_wait3A_154] : memref<10000x128xf32, #tpu.memory_space<vmem_shared>> -> memref<625x128xf32, #tpu.memory_space<vmem_shared>>
      tpu.wait_dma2 semaphore(%run_scoped3A : memref<!tpu.dma_semaphore, #tpu.memory_space<semaphore_mem>>) src(%dma_wait3A_155 : memref<625x128xf32, #tpu.memory_space<vmem_shared>>) dst(%dma_wait3A_153 : memref<625x128xf32, #tpu.memory_space<hbm>>)
      tpu.yield
    }) : () -> ()
    return
  }
}

#map = affine_map<(d0, d1) -> (0, 0)>
#map1 = affine_map<(d0, d1) -> (0, 0, 0)>
#map2 = affine_map<(d0, d1) -> (0, 0, 0, 0)>
module attributes {stable_mosaic.version = 14 : i64} {
  func.func @_sc_scatter(%arg0: i32, %arg1: i32, %arg2: memref<10000x128xf32, #tpu.memory_space<hbm>>, %arg3: memref<32x80x125xi32, #tpu.memory_space<hbm>>, %arg4: memref<32x80x125xi32, #tpu.memory_space<hbm>>, %arg5: memref<2x16x625x128xf32, #tpu.memory_space<hbm>>, %arg6: memref<80x125xi32, #tpu.memory_space<vmem>>, %arg7: memref<125xi32, #tpu.memory_space<vmem>>, %arg8: memref<125xi32, #tpu.memory_space<vmem>>, %arg9: memref<125xi32, #tpu.memory_space<vmem>>, %arg10: memref<125xi32, #tpu.memory_space<vmem>>, %arg11: memref<125x128xf32, #tpu.memory_space<vmem>>, %arg12: memref<125x128xf32, #tpu.memory_space<vmem>>, %arg13: memref<10000x128xf32, #tpu.memory_space<vmem_shared>>, %arg14: memref<!tpu.dma_semaphore, #tpu.memory_space<semaphore_mem>>, %arg15: memref<!tpu.dma_semaphore, #tpu.memory_space<semaphore_mem>>, %arg16: memref<!tpu.dma_semaphore, #tpu.memory_space<semaphore_mem>>, %arg17: memref<!tpu.dma_semaphore, #tpu.memory_space<semaphore_mem>>, %arg18: memref<!tpu.dma_semaphore, #tpu.memory_space<semaphore_mem>>, %arg19: memref<!tpu.dma_semaphore, #tpu.memory_space<semaphore_mem>>, %arg20: memref<!tpu.dma_semaphore, #tpu.memory_space<semaphore_mem>>) attributes {dimension_semantics = [#tpu.dimension_semantics<core_parallel>, #tpu.dimension_semantics<subcore_parallel>], iteration_bounds = array<i64: 2, 16>, scalar_prefetch = 0 : i64, scratch_operands = 15 : i64, tpu.core_type = #tpu.core_type<sc_vector_subcore>, window_params = [{transform_indices = #map}, {transform_indices = #map1}, {transform_indices = #map1}, {transform_indices = #map2}]} {
    %mul3A = arith.constant 16 : i32
    %mul3A_0 = arith.muli %arg0, %mul3A : i32
    %add3A = arith.addi %mul3A_0, %arg1 : i32
    %broadcast_in_dim3A = arith.constant 0.000000e+00 : f32
    %broadcast_in_dim3A_1 = vector.broadcast %broadcast_in_dim3A : f32 to vector<16xf32>
    %scan3A = arith.constant 0 : i32
    %scan3A_2 = arith.constant 0 : i32
    %scan3A_3 = arith.constant 125 : i32
    %scan3A_4 = arith.addi %scan3A_2, %scan3A_3 : i32
    %scan3A_5 = arith.constant 1 : i32
    %scan3A_6 = scf.for %scan3A_144 = %scan3A_2 to %scan3A_4 step %scan3A_5 iter_args(%scan3A_145 = %scan3A) -> (i32)  : i32 {
      %swap3A = arith.index_cast %scan3A_144 : i32 to index
      %swap3A_146 = arith.constant 0 : index
      %swap3A_147 = tpu.vector_load %arg12[%swap3A, %swap3A_146] {strides = array<i32>} : memref<125x128xf32, #tpu.memory_space<vmem>>, vector<1x16xf32>,
      %swap3A_148 = vector.shape_cast %swap3A_147 : vector<1x16xf32> to vector<16xf32>
      %swap3A_149 = vector.shape_cast %broadcast_in_dim3A_1 : vector<16xf32> to vector<1x16xf32>
      tpu.vector_store %arg12[%swap3A, %swap3A_146], %swap3A_149 {strides = array<i32>} : memref<125x128xf32, #tpu.memory_space<vmem>>, vector<1x16xf32>,
      %swap3A_150 = arith.index_cast %scan3A_144 : i32 to index
      %swap3A_151 = arith.constant 16 : index
      %swap3A_152 = tpu.vector_load %arg12[%swap3A_150, %swap3A_151] {strides = array<i32>} : memref<125x128xf32, #tpu.memory_space<vmem>>, vector<1x16xf32>,
      %swap3A_153 = vector.shape_cast %swap3A_152 : vector<1x16xf32> to vector<16xf32>
      %swap3A_154 = vector.shape_cast %broadcast_in_dim3A_1 : vector<16xf32> to vector<1x16xf32>
      tpu.vector_store %arg12[%swap3A_150, %swap3A_151], %swap3A_154 {strides = array<i32>} : memref<125x128xf32, #tpu.memory_space<vmem>>, vector<1x16xf32>,
      %swap3A_155 = arith.index_cast %scan3A_144 : i32 to index
      %swap3A_156 = arith.constant 32 : index
      %swap3A_157 = tpu.vector_load %arg12[%swap3A_155, %swap3A_156] {strides = array<i32>} : memref<125x128xf32, #tpu.memory_space<vmem>>, vector<1x16xf32>,
      %swap3A_158 = vector.shape_cast %swap3A_157 : vector<1x16xf32> to vector<16xf32>
      %swap3A_159 = vector.shape_cast %broadcast_in_dim3A_1 : vector<16xf32> to vector<1x16xf32>
      tpu.vector_store %arg12[%swap3A_155, %swap3A_156], %swap3A_159 {strides = array<i32>} : memref<125x128xf32, #tpu.memory_space<vmem>>, vector<1x16xf32>,
      %swap3A_160 = arith.index_cast %scan3A_144 : i32 to index
      %swap3A_161 = arith.constant 48 : index
      %swap3A_162 = tpu.vector_load %arg12[%swap3A_160, %swap3A_161] {strides = array<i32>} : memref<125x128xf32, #tpu.memory_space<vmem>>, vector<1x16xf32>,
      %swap3A_163 = vector.shape_cast %swap3A_162 : vector<1x16xf32> to vector<16xf32>
      %swap3A_164 = vector.shape_cast %broadcast_in_dim3A_1 : vector<16xf32> to vector<1x16xf32>
      tpu.vector_store %arg12[%swap3A_160, %swap3A_161], %swap3A_164 {strides = array<i32>} : memref<125x128xf32, #tpu.memory_space<vmem>>, vector<1x16xf32>,
      %swap3A_165 = arith.index_cast %scan3A_144 : i32 to index
      %swap3A_166 = arith.constant 64 : index
      %swap3A_167 = tpu.vector_load %arg12[%swap3A_165, %swap3A_166] {strides = array<i32>} : memref<125x128xf32, #tpu.memory_space<vmem>>, vector<1x16xf32>,
      %swap3A_168 = vector.shape_cast %swap3A_167 : vector<1x16xf32> to vector<16xf32>
      %swap3A_169 = vector.shape_cast %broadcast_in_dim3A_1 : vector<16xf32> to vector<1x16xf32>
      tpu.vector_store %arg12[%swap3A_165, %swap3A_166], %swap3A_169 {strides = array<i32>} : memref<125x128xf32, #tpu.memory_space<vmem>>, vector<1x16xf32>,
      %swap3A_170 = arith.index_cast %scan3A_144 : i32 to index
      %swap3A_171 = arith.constant 80 : index
      %swap3A_172 = tpu.vector_load %arg12[%swap3A_170, %swap3A_171] {strides = array<i32>} : memref<125x128xf32, #tpu.memory_space<vmem>>, vector<1x16xf32>,
      %swap3A_173 = vector.shape_cast %swap3A_172 : vector<1x16xf32> to vector<16xf32>
      %swap3A_174 = vector.shape_cast %broadcast_in_dim3A_1 : vector<16xf32> to vector<1x16xf32>
      tpu.vector_store %arg12[%swap3A_170, %swap3A_171], %swap3A_174 {strides = array<i32>} : memref<125x128xf32, #tpu.memory_space<vmem>>, vector<1x16xf32>,
      %swap3A_175 = arith.index_cast %scan3A_144 : i32 to index
      %swap3A_176 = arith.constant 96 : index
      %swap3A_177 = tpu.vector_load %arg12[%swap3A_175, %swap3A_176] {strides = array<i32>} : memref<125x128xf32, #tpu.memory_space<vmem>>, vector<1x16xf32>,
      %swap3A_178 = vector.shape_cast %swap3A_177 : vector<1x16xf32> to vector<16xf32>
      %swap3A_179 = vector.shape_cast %broadcast_in_dim3A_1 : vector<16xf32> to vector<1x16xf32>
      tpu.vector_store %arg12[%swap3A_175, %swap3A_176], %swap3A_179 {strides = array<i32>} : memref<125x128xf32, #tpu.memory_space<vmem>>, vector<1x16xf32>,
      %swap3A_180 = arith.index_cast %scan3A_144 : i32 to index
      %swap3A_181 = arith.constant 112 : index
      %swap3A_182 = tpu.vector_load %arg12[%swap3A_180, %swap3A_181] {strides = array<i32>} : memref<125x128xf32, #tpu.memory_space<vmem>>, vector<1x16xf32>,
      %swap3A_183 = vector.shape_cast %swap3A_182 : vector<1x16xf32> to vector<16xf32>
      %swap3A_184 = vector.shape_cast %broadcast_in_dim3A_1 : vector<16xf32> to vector<1x16xf32>
      tpu.vector_store %arg12[%swap3A_180, %swap3A_181], %swap3A_184 {strides = array<i32>} : memref<125x128xf32, #tpu.memory_space<vmem>>, vector<1x16xf32>,
      %scan3A_185 = arith.constant 0 : i32
      scf.yield %scan3A_185 : i32
    }
    %scan3A_7 = arith.constant 125 : i32
    %mul3A_8 = arith.constant 625 : i32
    %mul3A_9 = arith.muli %arg1, %mul3A_8 : i32
    %add3A_10 = arith.constant 0 : i32
    %add3A_11 = arith.addi %mul3A_9, %add3A_10 : i32
    %dma_start3A = arith.constant 0 : i32
    %dma_start3A_12 = tpu.memref_slice %arg13[%add3A_11, %dma_start3A] : memref<10000x128xf32, #tpu.memory_space<vmem_shared>> -> memref<125x128xf32, #tpu.memory_space<vmem_shared>>
    %dma_start3A_13 = arith.constant 0 : i32
    %dma_start3A_14 = tpu.memref_slice %arg13[%add3A_11, %dma_start3A_13] : memref<10000x128xf32, #tpu.memory_space<vmem_shared>> -> memref<125x128xf32, #tpu.memory_space<vmem_shared>>
    tpu.enqueue_dma source(%arg12 : memref<125x128xf32, #tpu.memory_space<vmem>>) target(%dma_start3A_14 : memref<125x128xf32, #tpu.memory_space<vmem_shared>>) target_semaphore(%arg20 : memref<!tpu.dma_semaphore, #tpu.memory_space<semaphore_mem>>)
    %mul3A_15 = arith.constant 625 : i32
    %mul3A_16 = arith.muli %arg1, %mul3A_15 : i32
    %add3A_17 = arith.constant 125 : i32
    %add3A_18 = arith.addi %mul3A_16, %add3A_17 : i32
    %dma_start3A_19 = arith.constant 0 : i32
    %dma_start3A_20 = tpu.memref_slice %arg13[%add3A_18, %dma_start3A_19] : memref<10000x128xf32, #tpu.memory_space<vmem_shared>> -> memref<125x128xf32, #tpu.memory_space<vmem_shared>>
    %dma_start3A_21 = arith.constant 0 : i32
    %dma_start3A_22 = tpu.memref_slice %arg13[%add3A_18, %dma_start3A_21] : memref<10000x128xf32, #tpu.memory_space<vmem_shared>> -> memref<125x128xf32, #tpu.memory_space<vmem_shared>>
    tpu.enqueue_dma source(%arg12 : memref<125x128xf32, #tpu.memory_space<vmem>>) target(%dma_start3A_22 : memref<125x128xf32, #tpu.memory_space<vmem_shared>>) target_semaphore(%arg20 : memref<!tpu.dma_semaphore, #tpu.memory_space<semaphore_mem>>)
    %mul3A_23 = arith.constant 625 : i32
    %mul3A_24 = arith.muli %arg1, %mul3A_23 : i32
    %add3A_25 = arith.constant 250 : i32
    %add3A_26 = arith.addi %mul3A_24, %add3A_25 : i32
    %dma_start3A_27 = arith.constant 0 : i32
    %dma_start3A_28 = tpu.memref_slice %arg13[%add3A_26, %dma_start3A_27] : memref<10000x128xf32, #tpu.memory_space<vmem_shared>> -> memref<125x128xf32, #tpu.memory_space<vmem_shared>>
    %dma_start3A_29 = arith.constant 0 : i32
    %dma_start3A_30 = tpu.memref_slice %arg13[%add3A_26, %dma_start3A_29] : memref<10000x128xf32, #tpu.memory_space<vmem_shared>> -> memref<125x128xf32, #tpu.memory_space<vmem_shared>>
    tpu.enqueue_dma source(%arg12 : memref<125x128xf32, #tpu.memory_space<vmem>>) target(%dma_start3A_30 : memref<125x128xf32, #tpu.memory_space<vmem_shared>>) target_semaphore(%arg20 : memref<!tpu.dma_semaphore, #tpu.memory_space<semaphore_mem>>)
    %mul3A_31 = arith.constant 625 : i32
    %mul3A_32 = arith.muli %arg1, %mul3A_31 : i32
    %add3A_33 = arith.constant 375 : i32
    %add3A_34 = arith.addi %mul3A_32, %add3A_33 : i32
    %dma_start3A_35 = arith.constant 0 : i32
    %dma_start3A_36 = tpu.memref_slice %arg13[%add3A_34, %dma_start3A_35] : memref<10000x128xf32, #tpu.memory_space<vmem_shared>> -> memref<125x128xf32, #tpu.memory_space<vmem_shared>>
    %dma_start3A_37 = arith.constant 0 : i32
    %dma_start3A_38 = tpu.memref_slice %arg13[%add3A_34, %dma_start3A_37] : memref<10000x128xf32, #tpu.memory_space<vmem_shared>> -> memref<125x128xf32, #tpu.memory_space<vmem_shared>>
    tpu.enqueue_dma source(%arg12 : memref<125x128xf32, #tpu.memory_space<vmem>>) target(%dma_start3A_38 : memref<125x128xf32, #tpu.memory_space<vmem_shared>>) target_semaphore(%arg20 : memref<!tpu.dma_semaphore, #tpu.memory_space<semaphore_mem>>)
    %mul3A_39 = arith.constant 625 : i32
    %mul3A_40 = arith.muli %arg1, %mul3A_39 : i32
    %add3A_41 = arith.constant 500 : i32
    %add3A_42 = arith.addi %mul3A_40, %add3A_41 : i32
    %dma_start3A_43 = arith.constant 0 : i32
    %dma_start3A_44 = tpu.memref_slice %arg13[%add3A_42, %dma_start3A_43] : memref<10000x128xf32, #tpu.memory_space<vmem_shared>> -> memref<125x128xf32, #tpu.memory_space<vmem_shared>>
    %dma_start3A_45 = arith.constant 0 : i32
    %dma_start3A_46 = tpu.memref_slice %arg13[%add3A_42, %dma_start3A_45] : memref<10000x128xf32, #tpu.memory_space<vmem_shared>> -> memref<125x128xf32, #tpu.memory_space<vmem_shared>>
    tpu.enqueue_dma source(%arg12 : memref<125x128xf32, #tpu.memory_space<vmem>>) target(%dma_start3A_46 : memref<125x128xf32, #tpu.memory_space<vmem_shared>>) target_semaphore(%arg20 : memref<!tpu.dma_semaphore, #tpu.memory_space<semaphore_mem>>)
    "tpu.region"() ({
      %run_scoped3A = tpu.sem_alloc : memref<!tpu.dma_semaphore, #tpu.memory_space<semaphore_mem>>
      %dma_start3A_144 = arith.constant 0 : i32
      %dma_start3A_145 = arith.constant 0 : i32
      %dma_start3A_146 = tpu.memref_slice %arg4[%add3A, %dma_start3A_144, %dma_start3A_145] : memref<32x80x125xi32, #tpu.memory_space<hbm>> -> memref<1x80x125xi32, #tpu.memory_space<hbm>>
      %dma_start3A_147 = tpu.memref_squeeze %dma_start3A_146 : memref<1x80x125xi32, #tpu.memory_space<hbm>> -> memref<80x125xi32, #tpu.memory_space<hbm>>
      %dma_start3A_148 = arith.constant 0 : i32
      %dma_start3A_149 = arith.constant 0 : i32
      %dma_start3A_150 = tpu.memref_slice %arg4[%add3A, %dma_start3A_148, %dma_start3A_149] : memref<32x80x125xi32, #tpu.memory_space<hbm>> -> memref<1x80x125xi32, #tpu.memory_space<hbm>>
      %dma_start3A_151 = tpu.memref_squeeze %dma_start3A_150 : memref<1x80x125xi32, #tpu.memory_space<hbm>> -> memref<80x125xi32, #tpu.memory_space<hbm>>
      tpu.enqueue_dma source(%dma_start3A_151 : memref<80x125xi32, #tpu.memory_space<hbm>>) target(%arg6 : memref<80x125xi32, #tpu.memory_space<vmem>>) target_semaphore(%run_scoped3A : memref<!tpu.dma_semaphore, #tpu.memory_space<semaphore_mem>>)
      %dma_wait3A_152 = arith.constant 0 : i32
      %dma_wait3A_153 = arith.constant 0 : i32
      %dma_wait3A_154 = tpu.memref_slice %arg4[%add3A, %dma_wait3A_152, %dma_wait3A_153] : memref<32x80x125xi32, #tpu.memory_space<hbm>> -> memref<1x80x125xi32, #tpu.memory_space<hbm>>
      %dma_wait3A_155 = tpu.memref_squeeze %dma_wait3A_154 : memref<1x80x125xi32, #tpu.memory_space<hbm>> -> memref<80x125xi32, #tpu.memory_space<hbm>>
      %dma_wait3A_156 = arith.constant 0 : i32
      %dma_wait3A_157 = arith.constant 0 : i32
      %dma_wait3A_158 = tpu.memref_slice %arg4[%add3A, %dma_wait3A_156, %dma_wait3A_157] : memref<32x80x125xi32, #tpu.memory_space<hbm>> -> memref<1x80x125xi32, #tpu.memory_space<hbm>>
      %dma_wait3A_159 = tpu.memref_squeeze %dma_wait3A_158 : memref<1x80x125xi32, #tpu.memory_space<hbm>> -> memref<80x125xi32, #tpu.memory_space<hbm>>
      tpu.wait_dma2 semaphore(%run_scoped3A : memref<!tpu.dma_semaphore, #tpu.memory_space<semaphore_mem>>) src(%dma_wait3A_159 : memref<80x125xi32, #tpu.memory_space<hbm>>) dst(%arg6 : memref<80x125xi32, #tpu.memory_space<vmem>>)
      tpu.yield
    }) : () -> ()
    %dma_start3A_47 = arith.constant 0 : i32
    %dma_start3A_48 = arith.constant 0 : i32
    %dma_start3A_49 = tpu.memref_slice %arg3[%add3A, %dma_start3A_47, %dma_start3A_48] : memref<32x80x125xi32, #tpu.memory_space<hbm>> -> memref<1x1x125xi32, #tpu.memory_space<hbm>>
    %dma_start3A_50 = tpu.memref_squeeze %dma_start3A_49 : memref<1x1x125xi32, #tpu.memory_space<hbm>> -> memref<125xi32, #tpu.memory_space<hbm>>
    %dma_start3A_51 = arith.constant 0 : i32
    %dma_start3A_52 = tpu.memref_slice %arg3[%add3A, %dma_start3A_47, %dma_start3A_51] : memref<32x80x125xi32, #tpu.memory_space<hbm>> -> memref<1x1x125xi32, #tpu.memory_space<hbm>>
    %dma_start3A_53 = tpu.memref_squeeze %dma_start3A_52 : memref<1x1x125xi32, #tpu.memory_space<hbm>> -> memref<125xi32, #tpu.memory_space<hbm>>
    tpu.enqueue_dma source(%dma_start3A_53 : memref<125xi32, #tpu.memory_space<hbm>>) target(%arg7 : memref<125xi32, #tpu.memory_space<vmem>>) target_semaphore(%arg16 : memref<!tpu.dma_semaphore, #tpu.memory_space<semaphore_mem>>)
    %dma_start3A_54 = arith.constant 1 : i32
    %dma_start3A_55 = arith.constant 0 : i32
    %dma_start3A_56 = tpu.memref_slice %arg3[%add3A, %dma_start3A_54, %dma_start3A_55] : memref<32x80x125xi32, #tpu.memory_space<hbm>> -> memref<1x1x125xi32, #tpu.memory_space<hbm>>
    %dma_start3A_57 = tpu.memref_squeeze %dma_start3A_56 : memref<1x1x125xi32, #tpu.memory_space<hbm>> -> memref<125xi32, #tpu.memory_space<hbm>>
    %dma_start3A_58 = arith.constant 0 : i32
    %dma_start3A_59 = tpu.memref_slice %arg3[%add3A, %dma_start3A_54, %dma_start3A_58] : memref<32x80x125xi32, #tpu.memory_space<hbm>> -> memref<1x1x125xi32, #tpu.memory_space<hbm>>
    %dma_start3A_60 = tpu.memref_squeeze %dma_start3A_59 : memref<1x1x125xi32, #tpu.memory_space<hbm>> -> memref<125xi32, #tpu.memory_space<hbm>>
    tpu.enqueue_dma source(%dma_start3A_60 : memref<125xi32, #tpu.memory_space<hbm>>) target(%arg8 : memref<125xi32, #tpu.memory_space<vmem>>) target_semaphore(%arg17 : memref<!tpu.dma_semaphore, #tpu.memory_space<semaphore_mem>>)
    %dma_start3A_61 = arith.constant 2 : i32
    %dma_start3A_62 = arith.constant 0 : i32
    %dma_start3A_63 = tpu.memref_slice %arg3[%add3A, %dma_start3A_61, %dma_start3A_62] : memref<32x80x125xi32, #tpu.memory_space<hbm>> -> memref<1x1x125xi32, #tpu.memory_space<hbm>>
    %dma_start3A_64 = tpu.memref_squeeze %dma_start3A_63 : memref<1x1x125xi32, #tpu.memory_space<hbm>> -> memref<125xi32, #tpu.memory_space<hbm>>
    %dma_start3A_65 = arith.constant 0 : i32
    %dma_start3A_66 = tpu.memref_slice %arg3[%add3A, %dma_start3A_61, %dma_start3A_65] : memref<32x80x125xi32, #tpu.memory_space<hbm>> -> memref<1x1x125xi32, #tpu.memory_space<hbm>>
    %dma_start3A_67 = tpu.memref_squeeze %dma_start3A_66 : memref<1x1x125xi32, #tpu.memory_space<hbm>> -> memref<125xi32, #tpu.memory_space<hbm>>
    tpu.enqueue_dma source(%dma_start3A_67 : memref<125xi32, #tpu.memory_space<hbm>>) target(%arg9 : memref<125xi32, #tpu.memory_space<vmem>>) target_semaphore(%arg18 : memref<!tpu.dma_semaphore, #tpu.memory_space<semaphore_mem>>)
    %dma_start3A_68 = arith.constant 3 : i32
    %dma_start3A_69 = arith.constant 0 : i32
    %dma_start3A_70 = tpu.memref_slice %arg3[%add3A, %dma_start3A_68, %dma_start3A_69] : memref<32x80x125xi32, #tpu.memory_space<hbm>> -> memref<1x1x125xi32, #tpu.memory_space<hbm>>
    %dma_start3A_71 = tpu.memref_squeeze %dma_start3A_70 : memref<1x1x125xi32, #tpu.memory_space<hbm>> -> memref<125xi32, #tpu.memory_space<hbm>>
    %dma_start3A_72 = arith.constant 0 : i32
    %dma_start3A_73 = tpu.memref_slice %arg3[%add3A, %dma_start3A_68, %dma_start3A_72] : memref<32x80x125xi32, #tpu.memory_space<hbm>> -> memref<1x1x125xi32, #tpu.memory_space<hbm>>
    %dma_start3A_74 = tpu.memref_squeeze %dma_start3A_73 : memref<1x1x125xi32, #tpu.memory_space<hbm>> -> memref<125xi32, #tpu.memory_space<hbm>>
    tpu.enqueue_dma source(%dma_start3A_74 : memref<125xi32, #tpu.memory_space<hbm>>) target(%arg10 : memref<125xi32, #tpu.memory_space<vmem>>) target_semaphore(%arg19 : memref<!tpu.dma_semaphore, #tpu.memory_space<semaphore_mem>>)
    %dma_wait3A = arith.constant 0 : i32
    %dma_wait3A_75 = arith.constant 0 : i32
    %dma_wait3A_76 = tpu.memref_slice %arg3[%add3A, %dma_wait3A, %dma_wait3A_75] : memref<32x80x125xi32, #tpu.memory_space<hbm>> -> memref<1x1x125xi32, #tpu.memory_space<hbm>>
    %dma_wait3A_77 = tpu.memref_squeeze %dma_wait3A_76 : memref<1x1x125xi32, #tpu.memory_space<hbm>> -> memref<125xi32, #tpu.memory_space<hbm>>
    %dma_wait3A_78 = arith.constant 0 : i32
    %dma_wait3A_79 = tpu.memref_slice %arg3[%add3A, %dma_wait3A, %dma_wait3A_78] : memref<32x80x125xi32, #tpu.memory_space<hbm>> -> memref<1x1x125xi32, #tpu.memory_space<hbm>>
    %dma_wait3A_80 = tpu.memref_squeeze %dma_wait3A_79 : memref<1x1x125xi32, #tpu.memory_space<hbm>> -> memref<125xi32, #tpu.memory_space<hbm>>
    tpu.wait_dma2 semaphore(%arg16 : memref<!tpu.dma_semaphore, #tpu.memory_space<semaphore_mem>>) src(%dma_wait3A_80 : memref<125xi32, #tpu.memory_space<hbm>>) dst(%arg7 : memref<125xi32, #tpu.memory_space<vmem>>)
    %dma_start3A_81 = arith.constant 0 : i32
    %dma_start3A_82 = arith.constant 0 : i32
    %dma_start3A_83 = tpu.memref_slice %arg2[%dma_start3A_81, %dma_start3A_82] : memref<10000x128xf32, #tpu.memory_space<hbm>> -> memref<10000x128xf32, #tpu.memory_space<hbm>>
    tpu.enqueue_indirect_dma source(%dma_start3A_83 : memref<10000x128xf32, #tpu.memory_space<hbm>>) target(%arg11 : memref<125x128xf32, #tpu.memory_space<vmem>>) offsets(%arg7 : memref<125xi32, #tpu.memory_space<vmem>>) semaphore(%arg14 : memref<!tpu.dma_semaphore, #tpu.memory_space<semaphore_mem>>)
    %dma_wait3A_84 = arith.constant 1 : i32
    %dma_wait3A_85 = arith.constant 0 : i32
    %dma_wait3A_86 = tpu.memref_slice %arg3[%add3A, %dma_wait3A_84, %dma_wait3A_85] : memref<32x80x125xi32, #tpu.memory_space<hbm>> -> memref<1x1x125xi32, #tpu.memory_space<hbm>>
    %dma_wait3A_87 = tpu.memref_squeeze %dma_wait3A_86 : memref<1x1x125xi32, #tpu.memory_space<hbm>> -> memref<125xi32, #tpu.memory_space<hbm>>
    %dma_wait3A_88 = arith.constant 0 : i32
    %dma_wait3A_89 = tpu.memref_slice %arg3[%add3A, %dma_wait3A_84, %dma_wait3A_88] : memref<32x80x125xi32, #tpu.memory_space<hbm>> -> memref<1x1x125xi32, #tpu.memory_space<hbm>>
    %dma_wait3A_90 = tpu.memref_squeeze %dma_wait3A_89 : memref<1x1x125xi32, #tpu.memory_space<hbm>> -> memref<125xi32, #tpu.memory_space<hbm>>
    tpu.wait_dma2 semaphore(%arg17 : memref<!tpu.dma_semaphore, #tpu.memory_space<semaphore_mem>>) src(%dma_wait3A_90 : memref<125xi32, #tpu.memory_space<hbm>>) dst(%arg8 : memref<125xi32, #tpu.memory_space<vmem>>)
    %mul3A_91 = arith.constant 625 : i32
    %mul3A_92 = arith.muli %arg1, %mul3A_91 : i32
    %add3A_93 = arith.constant 0 : i32
    %add3A_94 = arith.addi %mul3A_92, %add3A_93 : i32
    %dma_wait3A_95 = arith.constant 0 : i32
    %dma_wait3A_96 = tpu.memref_slice %arg13[%add3A_94, %dma_wait3A_95] : memref<10000x128xf32, #tpu.memory_space<vmem_shared>> -> memref<125x128xf32, #tpu.memory_space<vmem_shared>>
    %dma_wait3A_97 = arith.constant 0 : i32
    %dma_wait3A_98 = tpu.memref_slice %arg13[%add3A_94, %dma_wait3A_97] : memref<10000x128xf32, #tpu.memory_space<vmem_shared>> -> memref<125x128xf32, #tpu.memory_space<vmem_shared>>
    tpu.wait_dma2 semaphore(%arg20 : memref<!tpu.dma_semaphore, #tpu.memory_space<semaphore_mem>>) src(%arg12 : memref<125x128xf32, #tpu.memory_space<vmem>>) dst(%dma_wait3A_98 : memref<125x128xf32, #tpu.memory_space<vmem_shared>>)
    %mul3A_99 = arith.constant 625 : i32
    %mul3A_100 = arith.muli %arg1, %mul3A_99 : i32
    %add3A_101 = arith.constant 125 : i32
    %add3A_102 = arith.addi %mul3A_100, %add3A_101 : i32
    %dma_wait3A_103 = arith.constant 0 : i32
    %dma_wait3A_104 = tpu.memref_slice %arg13[%add3A_102, %dma_wait3A_103] : memref<10000x128xf32, #tpu.memory_space<vmem_shared>> -> memref<125x128xf32, #tpu.memory_space<vmem_shared>>
    %dma_wait3A_105 = arith.constant 0 : i32
    %dma_wait3A_106 = tpu.memref_slice %arg13[%add3A_102, %dma_wait3A_105] : memref<10000x128xf32, #tpu.memory_space<vmem_shared>> -> memref<125x128xf32, #tpu.memory_space<vmem_shared>>
    tpu.wait_dma2 semaphore(%arg20 : memref<!tpu.dma_semaphore, #tpu.memory_space<semaphore_mem>>) src(%arg12 : memref<125x128xf32, #tpu.memory_space<vmem>>) dst(%dma_wait3A_106 : memref<125x128xf32, #tpu.memory_space<vmem_shared>>)
    %mul3A_107 = arith.constant 625 : i32
    %mul3A_108 = arith.muli %arg1, %mul3A_107 : i32
    %add3A_109 = arith.constant 250 : i32
    %add3A_110 = arith.addi %mul3A_108, %add3A_109 : i32
    %dma_wait3A_111 = arith.constant 0 : i32
    %dma_wait3A_112 = tpu.memref_slice %arg13[%add3A_110, %dma_wait3A_111] : memref<10000x128xf32, #tpu.memory_space<vmem_shared>> -> memref<125x128xf32, #tpu.memory_space<vmem_shared>>
    %dma_wait3A_113 = arith.constant 0 : i32
    %dma_wait3A_114 = tpu.memref_slice %arg13[%add3A_110, %dma_wait3A_113] : memref<10000x128xf32, #tpu.memory_space<vmem_shared>> -> memref<125x128xf32, #tpu.memory_space<vmem_shared>>
    tpu.wait_dma2 semaphore(%arg20 : memref<!tpu.dma_semaphore, #tpu.memory_space<semaphore_mem>>) src(%arg12 : memref<125x128xf32, #tpu.memory_space<vmem>>) dst(%dma_wait3A_114 : memref<125x128xf32, #tpu.memory_space<vmem_shared>>)
    %mul3A_115 = arith.constant 625 : i32
    %mul3A_116 = arith.muli %arg1, %mul3A_115 : i32
    %add3A_117 = arith.constant 375 : i32
    %add3A_118 = arith.addi %mul3A_116, %add3A_117 : i32
    %dma_wait3A_119 = arith.constant 0 : i32
    %dma_wait3A_120 = tpu.memref_slice %arg13[%add3A_118, %dma_wait3A_119] : memref<10000x128xf32, #tpu.memory_space<vmem_shared>> -> memref<125x128xf32, #tpu.memory_space<vmem_shared>>
    %dma_wait3A_121 = arith.constant 0 : i32
    %dma_wait3A_122 = tpu.memref_slice %arg13[%add3A_118, %dma_wait3A_121] : memref<10000x128xf32, #tpu.memory_space<vmem_shared>> -> memref<125x128xf32, #tpu.memory_space<vmem_shared>>
    tpu.wait_dma2 semaphore(%arg20 : memref<!tpu.dma_semaphore, #tpu.memory_space<semaphore_mem>>) src(%arg12 : memref<125x128xf32, #tpu.memory_space<vmem>>) dst(%dma_wait3A_122 : memref<125x128xf32, #tpu.memory_space<vmem_shared>>)
    %mul3A_123 = arith.constant 625 : i32
    %mul3A_124 = arith.muli %arg1, %mul3A_123 : i32
    %add3A_125 = arith.constant 500 : i32
    %add3A_126 = arith.addi %mul3A_124, %add3A_125 : i32
    %dma_wait3A_127 = arith.constant 0 : i32
    %dma_wait3A_128 = tpu.memref_slice %arg13[%add3A_126, %dma_wait3A_127] : memref<10000x128xf32, #tpu.memory_space<vmem_shared>> -> memref<125x128xf32, #tpu.memory_space<vmem_shared>>
    %dma_wait3A_129 = arith.constant 0 : i32
    %dma_wait3A_130 = tpu.memref_slice %arg13[%add3A_126, %dma_wait3A_129] : memref<10000x128xf32, #tpu.memory_space<vmem_shared>> -> memref<125x128xf32, #tpu.memory_space<vmem_shared>>
    tpu.wait_dma2 semaphore(%arg20 : memref<!tpu.dma_semaphore, #tpu.memory_space<semaphore_mem>>) src(%arg12 : memref<125x128xf32, #tpu.memory_space<vmem>>) dst(%dma_wait3A_130 : memref<125x128xf32, #tpu.memory_space<vmem_shared>>)
    %dma_start3A_131 = arith.constant 0 : i32
    %dma_start3A_132 = arith.constant 0 : i32
    %dma_start3A_133 = tpu.memref_slice %arg2[%dma_start3A_131, %dma_start3A_132] : memref<10000x128xf32, #tpu.memory_space<hbm>> -> memref<10000x128xf32, #tpu.memory_space<hbm>>
    tpu.enqueue_indirect_dma source(%dma_start3A_133 : memref<10000x128xf32, #tpu.memory_space<hbm>>) target(%arg12 : memref<125x128xf32, #tpu.memory_space<vmem>>) offsets(%arg8 : memref<125xi32, #tpu.memory_space<vmem>>) semaphore(%arg15 : memref<!tpu.dma_semaphore, #tpu.memory_space<semaphore_mem>>)
    %barrier3A = arith.constant 0 : index
    tpu.barrier barrier_id(%barrier3A)
    %scan3A_134 = arith.constant 0 : i32
    %scan3A_135 = arith.constant 0 : i32
    %scan3A_136 = arith.constant 20 : i32
    %scan3A_137 = arith.addi %scan3A_135, %scan3A_136 : i32
    %scan3A_138 = arith.constant 1 : i32
    %scan3A_139 = scf.for %scan3A_144 = %scan3A_135 to %scan3A_137 step %scan3A_138 iter_args(%scan3A_145 = %scan3A_134) -> (i32)  : i32 {
      %mul3A_146 = arith.constant 4 : i32
      %mul3A_147 = arith.muli %scan3A_144, %mul3A_146 : i32
      %add3A_148 = arith.constant 0 : i32
      %add3A_149 = arith.addi %mul3A_147, %add3A_148 : i32
      %dma_wait3A_150 = arith.constant 0 : i32
      %dma_wait3A_151 = arith.constant 0 : i32
      %dma_wait3A_152 = tpu.memref_slice %arg2[%dma_wait3A_150, %dma_wait3A_151] : memref<10000x128xf32, #tpu.memory_space<hbm>> -> memref<10000x128xf32, #tpu.memory_space<hbm>>
      tpu.wait_indirect_dma semaphore(%arg14 : memref<!tpu.dma_semaphore, #tpu.memory_space<semaphore_mem>>) src(%dma_wait3A_152 : memref<10000x128xf32, #tpu.memory_space<hbm>>) dst(%arg11 : memref<125x128xf32, #tpu.memory_space<vmem>>)
      "tpu.region"() ({
        %run_scoped3A = tpu.sem_alloc : memref<!tpu.dma_semaphore, #tpu.memory_space<semaphore_mem>>
        %dma_start3A_222 = arith.constant 0 : i32
        %dma_start3A_223 = tpu.memref_slice %arg6[%add3A_149, %dma_start3A_222] : memref<80x125xi32, #tpu.memory_space<vmem>> -> memref<1x125xi32, #tpu.memory_space<vmem>>
        %dma_start3A_224 = tpu.memref_squeeze %dma_start3A_223 : memref<1x125xi32, #tpu.memory_space<vmem>> -> memref<125xi32, #tpu.memory_space<vmem>>
        %dma_start3A_225 = arith.constant 0 : i32
        %dma_start3A_226 = arith.constant 0 : i32
        %dma_start3A_227 = tpu.memref_slice %arg13[%dma_start3A_225, %dma_start3A_226] : memref<10000x128xf32, #tpu.memory_space<vmem_shared>> -> memref<10000x128xf32, #tpu.memory_space<vmem_shared>>
        tpu.enqueue_indirect_dma source(%arg11 : memref<125x128xf32, #tpu.memory_space<vmem>>) target(%dma_start3A_227 : memref<10000x128xf32, #tpu.memory_space<vmem_shared>>) offsets(%dma_start3A_224 : memref<125xi32, #tpu.memory_space<vmem>>) semaphore(%run_scoped3A : memref<!tpu.dma_semaphore, #tpu.memory_space<semaphore_mem>>) {add = true}
        %dma_wait3A_228 = arith.constant 0 : i32
        %dma_wait3A_229 = tpu.memref_slice %arg6[%add3A_149, %dma_wait3A_228] : memref<80x125xi32, #tpu.memory_space<vmem>> -> memref<1x125xi32, #tpu.memory_space<vmem>>
        %dma_wait3A_230 = tpu.memref_squeeze %dma_wait3A_229 : memref<1x125xi32, #tpu.memory_space<vmem>> -> memref<125xi32, #tpu.memory_space<vmem>>
        %dma_wait3A_231 = arith.constant 0 : i32
        %dma_wait3A_232 = arith.constant 0 : i32
        %dma_wait3A_233 = tpu.memref_slice %arg13[%dma_wait3A_231, %dma_wait3A_232] : memref<10000x128xf32, #tpu.memory_space<vmem_shared>> -> memref<10000x128xf32, #tpu.memory_space<vmem_shared>>
        tpu.wait_indirect_dma semaphore(%run_scoped3A : memref<!tpu.dma_semaphore, #tpu.memory_space<semaphore_mem>>) src(%arg11 : memref<125x128xf32, #tpu.memory_space<vmem>>) dst(%dma_wait3A_233 : memref<10000x128xf32, #tpu.memory_space<vmem_shared>>)
        tpu.yield
      }) : () -> ()
      %add3A_153 = arith.constant 2 : i32
      %add3A_154 = arith.addi %add3A_149, %add3A_153 : i32
      %lt3A = arith.constant 80 : i32
      %lt3A_155 = arith.cmpi slt, %add3A_154, %lt3A : i32
      %convert_element_type3A = arith.extui %lt3A_155 : i1 to i32
      %cond3A = arith.constant 0 : i32
      %cond3A_156 = arith.cmpi ne, %convert_element_type3A, %cond3A : i32
      scf.if %cond3A_156 {
        %add3A_222 = arith.constant 2 : i32
        %add3A_223 = arith.addi %add3A_149, %add3A_222 : i32
        %dma_wait3A_224 = arith.constant 0 : i32
        %dma_wait3A_225 = tpu.memref_slice %arg3[%add3A, %add3A_223, %dma_wait3A_224] : memref<32x80x125xi32, #tpu.memory_space<hbm>> -> memref<1x1x125xi32, #tpu.memory_space<hbm>>
        %dma_wait3A_226 = tpu.memref_squeeze %dma_wait3A_225 : memref<1x1x125xi32, #tpu.memory_space<hbm>> -> memref<125xi32, #tpu.memory_space<hbm>>
        %dma_wait3A_227 = arith.constant 0 : i32
        %dma_wait3A_228 = tpu.memref_slice %arg3[%add3A, %add3A_223, %dma_wait3A_227] : memref<32x80x125xi32, #tpu.memory_space<hbm>> -> memref<1x1x125xi32, #tpu.memory_space<hbm>>
        %dma_wait3A_229 = tpu.memref_squeeze %dma_wait3A_228 : memref<1x1x125xi32, #tpu.memory_space<hbm>> -> memref<125xi32, #tpu.memory_space<hbm>>
        tpu.wait_dma2 semaphore(%arg18 : memref<!tpu.dma_semaphore, #tpu.memory_space<semaphore_mem>>) src(%dma_wait3A_229 : memref<125xi32, #tpu.memory_space<hbm>>) dst(%arg9 : memref<125xi32, #tpu.memory_space<vmem>>)
        %dma_start3A_230 = arith.constant 0 : i32
        %dma_start3A_231 = arith.constant 0 : i32
        %dma_start3A_232 = tpu.memref_slice %arg2[%dma_start3A_230, %dma_start3A_231] : memref<10000x128xf32, #tpu.memory_space<hbm>> -> memref<10000x128xf32, #tpu.memory_space<hbm>>
        tpu.enqueue_indirect_dma source(%dma_start3A_232 : memref<10000x128xf32, #tpu.memory_space<hbm>>) target(%arg11 : memref<125x128xf32, #tpu.memory_space<vmem>>) offsets(%arg9 : memref<125xi32, #tpu.memory_space<vmem>>) semaphore(%arg14 : memref<!tpu.dma_semaphore, #tpu.memory_space<semaphore_mem>>)
      } else {
      }
      %add3A_157 = arith.constant 4 : i32
      %add3A_158 = arith.addi %add3A_149, %add3A_157 : i32
      %lt3A_159 = arith.constant 80 : i32
      %lt3A_160 = arith.cmpi slt, %add3A_158, %lt3A_159 : i32
      %convert_element_type3A_161 = arith.extui %lt3A_160 : i1 to i32
      %cond3A_162 = arith.constant 0 : i32
      %cond3A_163 = arith.cmpi ne, %convert_element_type3A_161, %cond3A_162 : i32
      scf.if %cond3A_163 {
        %add3A_222 = arith.constant 4 : i32
        %add3A_223 = arith.addi %add3A_149, %add3A_222 : i32
        %dma_start3A_224 = arith.constant 0 : i32
        %dma_start3A_225 = tpu.memref_slice %arg3[%add3A, %add3A_223, %dma_start3A_224] : memref<32x80x125xi32, #tpu.memory_space<hbm>> -> memref<1x1x125xi32, #tpu.memory_space<hbm>>
        %dma_start3A_226 = tpu.memref_squeeze %dma_start3A_225 : memref<1x1x125xi32, #tpu.memory_space<hbm>> -> memref<125xi32, #tpu.memory_space<hbm>>
        %dma_start3A_227 = arith.constant 0 : i32
        %dma_start3A_228 = tpu.memref_slice %arg3[%add3A, %add3A_223, %dma_start3A_227] : memref<32x80x125xi32, #tpu.memory_space<hbm>> -> memref<1x1x125xi32, #tpu.memory_space<hbm>>
        %dma_start3A_229 = tpu.memref_squeeze %dma_start3A_228 : memref<1x1x125xi32, #tpu.memory_space<hbm>> -> memref<125xi32, #tpu.memory_space<hbm>>
        tpu.enqueue_dma source(%dma_start3A_229 : memref<125xi32, #tpu.memory_space<hbm>>) target(%arg7 : memref<125xi32, #tpu.memory_space<vmem>>) target_semaphore(%arg16 : memref<!tpu.dma_semaphore, #tpu.memory_space<semaphore_mem>>)
      } else {
      }
      %add3A_164 = arith.constant 1 : i32
      %add3A_165 = arith.addi %mul3A_147, %add3A_164 : i32
      %dma_wait3A_166 = arith.constant 0 : i32
      %dma_wait3A_167 = arith.constant 0 : i32
      %dma_wait3A_168 = tpu.memref_slice %arg2[%dma_wait3A_166, %dma_wait3A_167] : memref<10000x128xf32, #tpu.memory_space<hbm>> -> memref<10000x128xf32, #tpu.memory_space<hbm>>
      tpu.wait_indirect_dma semaphore(%arg15 : memref<!tpu.dma_semaphore, #tpu.memory_space<semaphore_mem>>) src(%dma_wait3A_168 : memref<10000x128xf32, #tpu.memory_space<hbm>>) dst(%arg12 : memref<125x128xf32, #tpu.memory_space<vmem>>)
      "tpu.region"() ({
        %run_scoped3A = tpu.sem_alloc : memref<!tpu.dma_semaphore, #tpu.memory_space<semaphore_mem>>
        %dma_start3A_222 = arith.constant 0 : i32
        %dma_start3A_223 = tpu.memref_slice %arg6[%add3A_165, %dma_start3A_222] : memref<80x125xi32, #tpu.memory_space<vmem>> -> memref<1x125xi32, #tpu.memory_space<vmem>>
        %dma_start3A_224 = tpu.memref_squeeze %dma_start3A_223 : memref<1x125xi32, #tpu.memory_space<vmem>> -> memref<125xi32, #tpu.memory_space<vmem>>
        %dma_start3A_225 = arith.constant 0 : i32
        %dma_start3A_226 = arith.constant 0 : i32
        %dma_start3A_227 = tpu.memref_slice %arg13[%dma_start3A_225, %dma_start3A_226] : memref<10000x128xf32, #tpu.memory_space<vmem_shared>> -> memref<10000x128xf32, #tpu.memory_space<vmem_shared>>
        tpu.enqueue_indirect_dma source(%arg12 : memref<125x128xf32, #tpu.memory_space<vmem>>) target(%dma_start3A_227 : memref<10000x128xf32, #tpu.memory_space<vmem_shared>>) offsets(%dma_start3A_224 : memref<125xi32, #tpu.memory_space<vmem>>) semaphore(%run_scoped3A : memref<!tpu.dma_semaphore, #tpu.memory_space<semaphore_mem>>) {add = true}
        %dma_wait3A_228 = arith.constant 0 : i32
        %dma_wait3A_229 = tpu.memref_slice %arg6[%add3A_165, %dma_wait3A_228] : memref<80x125xi32, #tpu.memory_space<vmem>> -> memref<1x125xi32, #tpu.memory_space<vmem>>
        %dma_wait3A_230 = tpu.memref_squeeze %dma_wait3A_229 : memref<1x125xi32, #tpu.memory_space<vmem>> -> memref<125xi32, #tpu.memory_space<vmem>>
        %dma_wait3A_231 = arith.constant 0 : i32
        %dma_wait3A_232 = arith.constant 0 : i32
        %dma_wait3A_233 = tpu.memref_slice %arg13[%dma_wait3A_231, %dma_wait3A_232] : memref<10000x128xf32, #tpu.memory_space<vmem_shared>> -> memref<10000x128xf32, #tpu.memory_space<vmem_shared>>
        tpu.wait_indirect_dma semaphore(%run_scoped3A : memref<!tpu.dma_semaphore, #tpu.memory_space<semaphore_mem>>) src(%arg12 : memref<125x128xf32, #tpu.memory_space<vmem>>) dst(%dma_wait3A_233 : memref<10000x128xf32, #tpu.memory_space<vmem_shared>>)
        tpu.yield
      }) : () -> ()
      %add3A_169 = arith.constant 2 : i32
      %add3A_170 = arith.addi %add3A_165, %add3A_169 : i32
      %lt3A_171 = arith.constant 80 : i32
      %lt3A_172 = arith.cmpi slt, %add3A_170, %lt3A_171 : i32
      %convert_element_type3A_173 = arith.extui %lt3A_172 : i1 to i32
      %cond3A_174 = arith.constant 0 : i32
      %cond3A_175 = arith.cmpi ne, %convert_element_type3A_173, %cond3A_174 : i32
      scf.if %cond3A_175 {
        %add3A_222 = arith.constant 2 : i32
        %add3A_223 = arith.addi %add3A_165, %add3A_222 : i32
        %dma_wait3A_224 = arith.constant 0 : i32
        %dma_wait3A_225 = tpu.memref_slice %arg3[%add3A, %add3A_223, %dma_wait3A_224] : memref<32x80x125xi32, #tpu.memory_space<hbm>> -> memref<1x1x125xi32, #tpu.memory_space<hbm>>
        %dma_wait3A_226 = tpu.memref_squeeze %dma_wait3A_225 : memref<1x1x125xi32, #tpu.memory_space<hbm>> -> memref<125xi32, #tpu.memory_space<hbm>>
        %dma_wait3A_227 = arith.constant 0 : i32
        %dma_wait3A_228 = tpu.memref_slice %arg3[%add3A, %add3A_223, %dma_wait3A_227] : memref<32x80x125xi32, #tpu.memory_space<hbm>> -> memref<1x1x125xi32, #tpu.memory_space<hbm>>
        %dma_wait3A_229 = tpu.memref_squeeze %dma_wait3A_228 : memref<1x1x125xi32, #tpu.memory_space<hbm>> -> memref<125xi32, #tpu.memory_space<hbm>>
        tpu.wait_dma2 semaphore(%arg19 : memref<!tpu.dma_semaphore, #tpu.memory_space<semaphore_mem>>) src(%dma_wait3A_229 : memref<125xi32, #tpu.memory_space<hbm>>) dst(%arg10 : memref<125xi32, #tpu.memory_space<vmem>>)
        %dma_start3A_230 = arith.constant 0 : i32
        %dma_start3A_231 = arith.constant 0 : i32
        %dma_start3A_232 = tpu.memref_slice %arg2[%dma_start3A_230, %dma_start3A_231] : memref<10000x128xf32, #tpu.memory_space<hbm>> -> memref<10000x128xf32, #tpu.memory_space<hbm>>
        tpu.enqueue_indirect_dma source(%dma_start3A_232 : memref<10000x128xf32, #tpu.memory_space<hbm>>) target(%arg12 : memref<125x128xf32, #tpu.memory_space<vmem>>) offsets(%arg10 : memref<125xi32, #tpu.memory_space<vmem>>) semaphore(%arg15 : memref<!tpu.dma_semaphore, #tpu.memory_space<semaphore_mem>>)
      } else {
      }
      %add3A_176 = arith.constant 4 : i32
      %add3A_177 = arith.addi %add3A_165, %add3A_176 : i32
      %lt3A_178 = arith.constant 80 : i32
      %lt3A_179 = arith.cmpi slt, %add3A_177, %lt3A_178 : i32
      %convert_element_type3A_180 = arith.extui %lt3A_179 : i1 to i32
      %cond3A_181 = arith.constant 0 : i32
      %cond3A_182 = arith.cmpi ne, %convert_element_type3A_180, %cond3A_181 : i32
      scf.if %cond3A_182 {
        %add3A_222 = arith.constant 4 : i32
        %add3A_223 = arith.addi %add3A_165, %add3A_222 : i32
        %dma_start3A_224 = arith.constant 0 : i32
        %dma_start3A_225 = tpu.memref_slice %arg3[%add3A, %add3A_223, %dma_start3A_224] : memref<32x80x125xi32, #tpu.memory_space<hbm>> -> memref<1x1x125xi32, #tpu.memory_space<hbm>>
        %dma_start3A_226 = tpu.memref_squeeze %dma_start3A_225 : memref<1x1x125xi32, #tpu.memory_space<hbm>> -> memref<125xi32, #tpu.memory_space<hbm>>
        %dma_start3A_227 = arith.constant 0 : i32
        %dma_start3A_228 = tpu.memref_slice %arg3[%add3A, %add3A_223, %dma_start3A_227] : memref<32x80x125xi32, #tpu.memory_space<hbm>> -> memref<1x1x125xi32, #tpu.memory_space<hbm>>
        %dma_start3A_229 = tpu.memref_squeeze %dma_start3A_228 : memref<1x1x125xi32, #tpu.memory_space<hbm>> -> memref<125xi32, #tpu.memory_space<hbm>>
        tpu.enqueue_dma source(%dma_start3A_229 : memref<125xi32, #tpu.memory_space<hbm>>) target(%arg8 : memref<125xi32, #tpu.memory_space<vmem>>) target_semaphore(%arg17 : memref<!tpu.dma_semaphore, #tpu.memory_space<semaphore_mem>>)
      } else {
      }
      %add3A_183 = arith.constant 2 : i32
      %add3A_184 = arith.addi %mul3A_147, %add3A_183 : i32
      %dma_wait3A_185 = arith.constant 0 : i32
      %dma_wait3A_186 = arith.constant 0 : i32
      %dma_wait3A_187 = tpu.memref_slice %arg2[%dma_wait3A_185, %dma_wait3A_186] : memref<10000x128xf32, #tpu.memory_space<hbm>> -> memref<10000x128xf32, #tpu.memory_space<hbm>>
      tpu.wait_indirect_dma semaphore(%arg14 : memref<!tpu.dma_semaphore, #tpu.memory_space<semaphore_mem>>) src(%dma_wait3A_187 : memref<10000x128xf32, #tpu.memory_space<hbm>>) dst(%arg11 : memref<125x128xf32, #tpu.memory_space<vmem>>)
      "tpu.region"() ({
        %run_scoped3A = tpu.sem_alloc : memref<!tpu.dma_semaphore, #tpu.memory_space<semaphore_mem>>
        %dma_start3A_222 = arith.constant 0 : i32
        %dma_start3A_223 = tpu.memref_slice %arg6[%add3A_184, %dma_start3A_222] : memref<80x125xi32, #tpu.memory_space<vmem>> -> memref<1x125xi32, #tpu.memory_space<vmem>>
        %dma_start3A_224 = tpu.memref_squeeze %dma_start3A_223 : memref<1x125xi32, #tpu.memory_space<vmem>> -> memref<125xi32, #tpu.memory_space<vmem>>
        %dma_start3A_225 = arith.constant 0 : i32
        %dma_start3A_226 = arith.constant 0 : i32
        %dma_start3A_227 = tpu.memref_slice %arg13[%dma_start3A_225, %dma_start3A_226] : memref<10000x128xf32, #tpu.memory_space<vmem_shared>> -> memref<10000x128xf32, #tpu.memory_space<vmem_shared>>
        tpu.enqueue_indirect_dma source(%arg11 : memref<125x128xf32, #tpu.memory_space<vmem>>) target(%dma_start3A_227 : memref<10000x128xf32, #tpu.memory_space<vmem_shared>>) offsets(%dma_start3A_224 : memref<125xi32, #tpu.memory_space<vmem>>) semaphore(%run_scoped3A : memref<!tpu.dma_semaphore, #tpu.memory_space<semaphore_mem>>) {add = true}
        %dma_wait3A_228 = arith.constant 0 : i32
        %dma_wait3A_229 = tpu.memref_slice %arg6[%add3A_184, %dma_wait3A_228] : memref<80x125xi32, #tpu.memory_space<vmem>> -> memref<1x125xi32, #tpu.memory_space<vmem>>
        %dma_wait3A_230 = tpu.memref_squeeze %dma_wait3A_229 : memref<1x125xi32, #tpu.memory_space<vmem>> -> memref<125xi32, #tpu.memory_space<vmem>>
        %dma_wait3A_231 = arith.constant 0 : i32
        %dma_wait3A_232 = arith.constant 0 : i32
        %dma_wait3A_233 = tpu.memref_slice %arg13[%dma_wait3A_231, %dma_wait3A_232] : memref<10000x128xf32, #tpu.memory_space<vmem_shared>> -> memref<10000x128xf32, #tpu.memory_space<vmem_shared>>
        tpu.wait_indirect_dma semaphore(%run_scoped3A : memref<!tpu.dma_semaphore, #tpu.memory_space<semaphore_mem>>) src(%arg11 : memref<125x128xf32, #tpu.memory_space<vmem>>) dst(%dma_wait3A_233 : memref<10000x128xf32, #tpu.memory_space<vmem_shared>>)
        tpu.yield
      }) : () -> ()
      %add3A_188 = arith.constant 2 : i32
      %add3A_189 = arith.addi %add3A_184, %add3A_188 : i32
      %lt3A_190 = arith.constant 80 : i32
      %lt3A_191 = arith.cmpi slt, %add3A_189, %lt3A_190 : i32
      %convert_element_type3A_192 = arith.extui %lt3A_191 : i1 to i32
      %cond3A_193 = arith.constant 0 : i32
      %cond3A_194 = arith.cmpi ne, %convert_element_type3A_192, %cond3A_193 : i32
      scf.if %cond3A_194 {
        %add3A_222 = arith.constant 2 : i32
        %add3A_223 = arith.addi %add3A_184, %add3A_222 : i32
        %dma_wait3A_224 = arith.constant 0 : i32
        %dma_wait3A_225 = tpu.memref_slice %arg3[%add3A, %add3A_223, %dma_wait3A_224] : memref<32x80x125xi32, #tpu.memory_space<hbm>> -> memref<1x1x125xi32, #tpu.memory_space<hbm>>
        %dma_wait3A_226 = tpu.memref_squeeze %dma_wait3A_225 : memref<1x1x125xi32, #tpu.memory_space<hbm>> -> memref<125xi32, #tpu.memory_space<hbm>>
        %dma_wait3A_227 = arith.constant 0 : i32
        %dma_wait3A_228 = tpu.memref_slice %arg3[%add3A, %add3A_223, %dma_wait3A_227] : memref<32x80x125xi32, #tpu.memory_space<hbm>> -> memref<1x1x125xi32, #tpu.memory_space<hbm>>
        %dma_wait3A_229 = tpu.memref_squeeze %dma_wait3A_228 : memref<1x1x125xi32, #tpu.memory_space<hbm>> -> memref<125xi32, #tpu.memory_space<hbm>>
        tpu.wait_dma2 semaphore(%arg16 : memref<!tpu.dma_semaphore, #tpu.memory_space<semaphore_mem>>) src(%dma_wait3A_229 : memref<125xi32, #tpu.memory_space<hbm>>) dst(%arg7 : memref<125xi32, #tpu.memory_space<vmem>>)
        %dma_start3A_230 = arith.constant 0 : i32
        %dma_start3A_231 = arith.constant 0 : i32
        %dma_start3A_232 = tpu.memref_slice %arg2[%dma_start3A_230, %dma_start3A_231] : memref<10000x128xf32, #tpu.memory_space<hbm>> -> memref<10000x128xf32, #tpu.memory_space<hbm>>
        tpu.enqueue_indirect_dma source(%dma_start3A_232 : memref<10000x128xf32, #tpu.memory_space<hbm>>) target(%arg11 : memref<125x128xf32, #tpu.memory_space<vmem>>) offsets(%arg7 : memref<125xi32, #tpu.memory_space<vmem>>) semaphore(%arg14 : memref<!tpu.dma_semaphore, #tpu.memory_space<semaphore_mem>>)
      } else {
      }
      %add3A_195 = arith.constant 4 : i32
      %add3A_196 = arith.addi %add3A_184, %add3A_195 : i32
      %lt3A_197 = arith.constant 80 : i32
      %lt3A_198 = arith.cmpi slt, %add3A_196, %lt3A_197 : i32
      %convert_element_type3A_199 = arith.extui %lt3A_198 : i1 to i32
      %cond3A_200 = arith.constant 0 : i32
      %cond3A_201 = arith.cmpi ne, %convert_element_type3A_199, %cond3A_200 : i32
      scf.if %cond3A_201 {
        %add3A_222 = arith.constant 4 : i32
        %add3A_223 = arith.addi %add3A_184, %add3A_222 : i32
        %dma_start3A_224 = arith.constant 0 : i32
        %dma_start3A_225 = tpu.memref_slice %arg3[%add3A, %add3A_223, %dma_start3A_224] : memref<32x80x125xi32, #tpu.memory_space<hbm>> -> memref<1x1x125xi32, #tpu.memory_space<hbm>>
        %dma_start3A_226 = tpu.memref_squeeze %dma_start3A_225 : memref<1x1x125xi32, #tpu.memory_space<hbm>> -> memref<125xi32, #tpu.memory_space<hbm>>
        %dma_start3A_227 = arith.constant 0 : i32
        %dma_start3A_228 = tpu.memref_slice %arg3[%add3A, %add3A_223, %dma_start3A_227] : memref<32x80x125xi32, #tpu.memory_space<hbm>> -> memref<1x1x125xi32, #tpu.memory_space<hbm>>
        %dma_start3A_229 = tpu.memref_squeeze %dma_start3A_228 : memref<1x1x125xi32, #tpu.memory_space<hbm>> -> memref<125xi32, #tpu.memory_space<hbm>>
        tpu.enqueue_dma source(%dma_start3A_229 : memref<125xi32, #tpu.memory_space<hbm>>) target(%arg9 : memref<125xi32, #tpu.memory_space<vmem>>) target_semaphore(%arg18 : memref<!tpu.dma_semaphore, #tpu.memory_space<semaphore_mem>>)
      } else {
      }
      %add3A_202 = arith.constant 3 : i32
      %add3A_203 = arith.addi %mul3A_147, %add3A_202 : i32
      %dma_wait3A_204 = arith.constant 0 : i32
      %dma_wait3A_205 = arith.constant 0 : i32
      %dma_wait3A_206 = tpu.memref_slice %arg2[%dma_wait3A_204, %dma_wait3A_205] : memref<10000x128xf32, #tpu.memory_space<hbm>> -> memref<10000x128xf32, #tpu.memory_space<hbm>>
      tpu.wait_indirect_dma semaphore(%arg15 : memref<!tpu.dma_semaphore, #tpu.memory_space<semaphore_mem>>) src(%dma_wait3A_206 : memref<10000x128xf32, #tpu.memory_space<hbm>>) dst(%arg12 : memref<125x128xf32, #tpu.memory_space<vmem>>)
      "tpu.region"() ({
        %run_scoped3A = tpu.sem_alloc : memref<!tpu.dma_semaphore, #tpu.memory_space<semaphore_mem>>
        %dma_start3A_222 = arith.constant 0 : i32
        %dma_start3A_223 = tpu.memref_slice %arg6[%add3A_203, %dma_start3A_222] : memref<80x125xi32, #tpu.memory_space<vmem>> -> memref<1x125xi32, #tpu.memory_space<vmem>>
        %dma_start3A_224 = tpu.memref_squeeze %dma_start3A_223 : memref<1x125xi32, #tpu.memory_space<vmem>> -> memref<125xi32, #tpu.memory_space<vmem>>
        %dma_start3A_225 = arith.constant 0 : i32
        %dma_start3A_226 = arith.constant 0 : i32
        %dma_start3A_227 = tpu.memref_slice %arg13[%dma_start3A_225, %dma_start3A_226] : memref<10000x128xf32, #tpu.memory_space<vmem_shared>> -> memref<10000x128xf32, #tpu.memory_space<vmem_shared>>
        tpu.enqueue_indirect_dma source(%arg12 : memref<125x128xf32, #tpu.memory_space<vmem>>) target(%dma_start3A_227 : memref<10000x128xf32, #tpu.memory_space<vmem_shared>>) offsets(%dma_start3A_224 : memref<125xi32, #tpu.memory_space<vmem>>) semaphore(%run_scoped3A : memref<!tpu.dma_semaphore, #tpu.memory_space<semaphore_mem>>) {add = true}
        %dma_wait3A_228 = arith.constant 0 : i32
        %dma_wait3A_229 = tpu.memref_slice %arg6[%add3A_203, %dma_wait3A_228] : memref<80x125xi32, #tpu.memory_space<vmem>> -> memref<1x125xi32, #tpu.memory_space<vmem>>
        %dma_wait3A_230 = tpu.memref_squeeze %dma_wait3A_229 : memref<1x125xi32, #tpu.memory_space<vmem>> -> memref<125xi32, #tpu.memory_space<vmem>>
        %dma_wait3A_231 = arith.constant 0 : i32
        %dma_wait3A_232 = arith.constant 0 : i32
        %dma_wait3A_233 = tpu.memref_slice %arg13[%dma_wait3A_231, %dma_wait3A_232] : memref<10000x128xf32, #tpu.memory_space<vmem_shared>> -> memref<10000x128xf32, #tpu.memory_space<vmem_shared>>
        tpu.wait_indirect_dma semaphore(%run_scoped3A : memref<!tpu.dma_semaphore, #tpu.memory_space<semaphore_mem>>) src(%arg12 : memref<125x128xf32, #tpu.memory_space<vmem>>) dst(%dma_wait3A_233 : memref<10000x128xf32, #tpu.memory_space<vmem_shared>>)
        tpu.yield
      }) : () -> ()
      %add3A_207 = arith.constant 2 : i32
      %add3A_208 = arith.addi %add3A_203, %add3A_207 : i32
      %lt3A_209 = arith.constant 80 : i32
      %lt3A_210 = arith.cmpi slt, %add3A_208, %lt3A_209 : i32
      %convert_element_type3A_211 = arith.extui %lt3A_210 : i1 to i32
      %cond3A_212 = arith.constant 0 : i32
      %cond3A_213 = arith.cmpi ne, %convert_element_type3A_211, %cond3A_212 : i32
      scf.if %cond3A_213 {
        %add3A_222 = arith.constant 2 : i32
        %add3A_223 = arith.addi %add3A_203, %add3A_222 : i32
        %dma_wait3A_224 = arith.constant 0 : i32
        %dma_wait3A_225 = tpu.memref_slice %arg3[%add3A, %add3A_223, %dma_wait3A_224] : memref<32x80x125xi32, #tpu.memory_space<hbm>> -> memref<1x1x125xi32, #tpu.memory_space<hbm>>
        %dma_wait3A_226 = tpu.memref_squeeze %dma_wait3A_225 : memref<1x1x125xi32, #tpu.memory_space<hbm>> -> memref<125xi32, #tpu.memory_space<hbm>>
        %dma_wait3A_227 = arith.constant 0 : i32
        %dma_wait3A_228 = tpu.memref_slice %arg3[%add3A, %add3A_223, %dma_wait3A_227] : memref<32x80x125xi32, #tpu.memory_space<hbm>> -> memref<1x1x125xi32, #tpu.memory_space<hbm>>
        %dma_wait3A_229 = tpu.memref_squeeze %dma_wait3A_228 : memref<1x1x125xi32, #tpu.memory_space<hbm>> -> memref<125xi32, #tpu.memory_space<hbm>>
        tpu.wait_dma2 semaphore(%arg17 : memref<!tpu.dma_semaphore, #tpu.memory_space<semaphore_mem>>) src(%dma_wait3A_229 : memref<125xi32, #tpu.memory_space<hbm>>) dst(%arg8 : memref<125xi32, #tpu.memory_space<vmem>>)
        %dma_start3A_230 = arith.constant 0 : i32
        %dma_start3A_231 = arith.constant 0 : i32
        %dma_start3A_232 = tpu.memref_slice %arg2[%dma_start3A_230, %dma_start3A_231] : memref<10000x128xf32, #tpu.memory_space<hbm>> -> memref<10000x128xf32, #tpu.memory_space<hbm>>
        tpu.enqueue_indirect_dma source(%dma_start3A_232 : memref<10000x128xf32, #tpu.memory_space<hbm>>) target(%arg12 : memref<125x128xf32, #tpu.memory_space<vmem>>) offsets(%arg8 : memref<125xi32, #tpu.memory_space<vmem>>) semaphore(%arg15 : memref<!tpu.dma_semaphore, #tpu.memory_space<semaphore_mem>>)
      } else {
      }
      %add3A_214 = arith.constant 4 : i32
      %add3A_215 = arith.addi %add3A_203, %add3A_214 : i32
      %lt3A_216 = arith.constant 80 : i32
      %lt3A_217 = arith.cmpi slt, %add3A_215, %lt3A_216 : i32
      %convert_element_type3A_218 = arith.extui %lt3A_217 : i1 to i32
      %cond3A_219 = arith.constant 0 : i32
      %cond3A_220 = arith.cmpi ne, %convert_element_type3A_218, %cond3A_219 : i32
      scf.if %cond3A_220 {
        %add3A_222 = arith.constant 4 : i32
        %add3A_223 = arith.addi %add3A_203, %add3A_222 : i32
        %dma_start3A_224 = arith.constant 0 : i32
        %dma_start3A_225 = tpu.memref_slice %arg3[%add3A, %add3A_223, %dma_start3A_224] : memref<32x80x125xi32, #tpu.memory_space<hbm>> -> memref<1x1x125xi32, #tpu.memory_space<hbm>>
        %dma_start3A_226 = tpu.memref_squeeze %dma_start3A_225 : memref<1x1x125xi32, #tpu.memory_space<hbm>> -> memref<125xi32, #tpu.memory_space<hbm>>
        %dma_start3A_227 = arith.constant 0 : i32
        %dma_start3A_228 = tpu.memref_slice %arg3[%add3A, %add3A_223, %dma_start3A_227] : memref<32x80x125xi32, #tpu.memory_space<hbm>> -> memref<1x1x125xi32, #tpu.memory_space<hbm>>
        %dma_start3A_229 = tpu.memref_squeeze %dma_start3A_228 : memref<1x1x125xi32, #tpu.memory_space<hbm>> -> memref<125xi32, #tpu.memory_space<hbm>>
        tpu.enqueue_dma source(%dma_start3A_229 : memref<125xi32, #tpu.memory_space<hbm>>) target(%arg10 : memref<125xi32, #tpu.memory_space<vmem>>) target_semaphore(%arg19 : memref<!tpu.dma_semaphore, #tpu.memory_space<semaphore_mem>>)
      } else {
      }
      %scan3A_221 = arith.constant 0 : i32
      scf.yield %scan3A_221 : i32
    }
    %scan3A_140 = arith.constant 20 : i32
    %barrier3A_141 = arith.constant 0 : index
    tpu.barrier barrier_id(%barrier3A_141)
    %mul3A_142 = arith.constant 625 : i32
    %mul3A_143 = arith.muli %arg1, %mul3A_142 : i32
    "tpu.region"() ({
      %run_scoped3A = tpu.sem_alloc : memref<!tpu.dma_semaphore, #tpu.memory_space<semaphore_mem>>
      %dma_start3A_144 = arith.constant 0 : i32
      %dma_start3A_145 = arith.constant 0 : i32
      %dma_start3A_146 = tpu.memref_slice %arg5[%arg0, %arg1, %dma_start3A_144, %dma_start3A_145] : memref<2x16x625x128xf32, #tpu.memory_space<hbm>> -> memref<1x1x625x128xf32, #tpu.memory_space<hbm>>
      %dma_start3A_147 = tpu.memref_squeeze %dma_start3A_146 : memref<1x1x625x128xf32, #tpu.memory_space<hbm>> -> memref<625x128xf32, #tpu.memory_space<hbm>>
      %dma_start3A_148 = arith.constant 0 : i32
      %dma_start3A_149 = tpu.memref_slice %arg13[%mul3A_143, %dma_start3A_148] : memref<10000x128xf32, #tpu.memory_space<vmem_shared>> -> memref<625x128xf32, #tpu.memory_space<vmem_shared>>
      tpu.enqueue_dma source(%dma_start3A_149 : memref<625x128xf32, #tpu.memory_space<vmem_shared>>) target(%dma_start3A_147 : memref<625x128xf32, #tpu.memory_space<hbm>>) target_semaphore(%run_scoped3A : memref<!tpu.dma_semaphore, #tpu.memory_space<semaphore_mem>>)
      %dma_wait3A_150 = arith.constant 0 : i32
      %dma_wait3A_151 = arith.constant 0 : i32
      %dma_wait3A_152 = tpu.memref_slice %arg5[%arg0, %arg1, %dma_wait3A_150, %dma_wait3A_151] : memref<2x16x625x128xf32, #tpu.memory_space<hbm>> -> memref<1x1x625x128xf32, #tpu.memory_space<hbm>>
      %dma_wait3A_153 = tpu.memref_squeeze %dma_wait3A_152 : memref<1x1x625x128xf32, #tpu.memory_space<hbm>> -> memref<625x128xf32, #tpu.memory_space<hbm>>
      %dma_wait3A_154 = arith.constant 0 : i32
      %dma_wait3A_155 = tpu.memref_slice %arg13[%mul3A_143, %dma_wait3A_154] : memref<10000x128xf32, #tpu.memory_space<vmem_shared>> -> memref<625x128xf32, #tpu.memory_space<vmem_shared>>
      tpu.wait_dma2 semaphore(%run_scoped3A : memref<!tpu.dma_semaphore, #tpu.memory_space<semaphore_mem>>) src(%dma_wait3A_155 : memref<625x128xf32, #tpu.memory_space<vmem_shared>>) dst(%dma_wait3A_153 : memref<625x128xf32, #tpu.memory_space<hbm>>)
      tpu.yield
    }) : () -> ()
    return
  }
}

module attributes {stable_mosaic.version = 14 : i64} {
  func.func @_enc_body(%arg0: i32, %arg1: memref<2000x256xf32, #tpu.memory_space<vmem>>, %arg2: memref<256x128xf32, #tpu.memory_space<vmem>>, %arg3: memref<1x128xf32, #tpu.memory_space<vmem>>, %arg4: memref<128x128xf32, #tpu.memory_space<vmem>>, %arg5: memref<2000x128xf32, #tpu.memory_space<vmem>>, %arg6: memref<2000x128xf32, #tpu.memory_space<vmem>>) attributes {dimension_semantics = [#tpu.dimension_semantics<arbitrary>], iteration_bounds = array<i64: 5>, scalar_prefetch = 0 : i64, scratch_operands = 0 : i64, tpu.core_type = #tpu.core_type<tc>, window_params = [{transform_indices = @transform_0, window_bounds = array<i64: 2000, 256>}, {pipeline_mode = #tpu.pipeline_mode<synchronous>, transform_indices = @transform_1, window_bounds = array<i64: 256, 128>}, {pipeline_mode = #tpu.pipeline_mode<synchronous>, transform_indices = @transform_2, window_bounds = array<i64: 1, 128>}, {pipeline_mode = #tpu.pipeline_mode<synchronous>, transform_indices = @transform_3, window_bounds = array<i64: 128, 128>}, {transform_indices = @transform_4, window_bounds = array<i64: 2000, 128>}, {transform_indices = @transform_5, window_bounds = array<i64: 2000, 128>}]} {
    %get3A = arith.constant 0 : index
    %get3A_0 = arith.constant 0 : index
    %get3A_1 = vector.load %arg1[%get3A, %get3A_0] : memref<2000x256xf32, #tpu.memory_space<vmem>>, vector<2000x256xf32>
    %get3A_2 = arith.constant 0 : index
    %get3A_3 = arith.constant 0 : index
    %get3A_4 = vector.load %arg2[%get3A_2, %get3A_3] : memref<256x128xf32, #tpu.memory_space<vmem>>, vector<256x128xf32>
    %dot_general3A = arith.constant dense<0.000000e+00> : vector<2000x128xf32>
    %dot_general3A_5 = tpu.matmul %get3A_1, %get3A_4, %dot_general3A {dimension_numbers = #tpu.dot_dimension_numbers<[1], [0], [0], [1], [0, 0, 1, 1], [], []>, transpose_lhs_hint = false} : vector<2000x256xf32>, vector<256x128xf32>, vector<2000x128xf32> -> vector<2000x128xf32>
    %get3A_6 = arith.constant 0 : index
    %get3A_7 = arith.constant 0 : index
    %get3A_8 = vector.load %arg3[%get3A_6, %get3A_7] : memref<1x128xf32, #tpu.memory_space<vmem>>, vector<1x128xf32>
    %add3A = vector.broadcast %get3A_8 : vector<1x128xf32> to vector<2000x128xf32>
    %add3A_9 = arith.addf %dot_general3A_5, %add3A : vector<2000x128xf32>
    %swap3A = arith.constant 0 : index
    %swap3A_10 = arith.constant 0 : index
    %swap3A_11 = vector.load %arg5[%swap3A, %swap3A_10] : memref<2000x128xf32, #tpu.memory_space<vmem>>, vector<2000x128xf32>
    tpu.vector_store %arg5[%swap3A, %swap3A_10], %add3A_9 {strides = array<i32>} : memref<2000x128xf32, #tpu.memory_space<vmem>>, vector<2000x128xf32>,
    %get3A_12 = arith.constant 0 : index
    %get3A_13 = arith.constant 0 : index
    %get3A_14 = vector.load %arg4[%get3A_12, %get3A_13] : memref<128x128xf32, #tpu.memory_space<vmem>>, vector<128x128xf32>
    %dot_general3A_15 = arith.constant dense<0.000000e+00> : vector<2000x128xf32>
    %dot_general3A_16 = tpu.matmul %add3A_9, %get3A_14, %dot_general3A_15 {dimension_numbers = #tpu.dot_dimension_numbers<[1], [0], [0], [1], [0, 0, 1, 1], [], []>, transpose_lhs_hint = false} : vector<2000x128xf32>, vector<128x128xf32>, vector<2000x128xf32> -> vector<2000x128xf32>
    %swap3A_17 = arith.constant 0 : index
    %swap3A_18 = arith.constant 0 : index
    %swap3A_19 = vector.load %arg6[%swap3A_17, %swap3A_18] : memref<2000x128xf32, #tpu.memory_space<vmem>>, vector<2000x128xf32>
    tpu.vector_store %arg6[%swap3A_17, %swap3A_18], %dot_general3A_16 {strides = array<i32>} : memref<2000x128xf32, #tpu.memory_space<vmem>>, vector<2000x128xf32>,
    return
  }
  func.func @transform_0(%arg0: i32) -> (i32, i32) {
    %c0_i32 = arith.constant 0 : i32
    %c0_i32_0 = arith.constant 0 : i32
    return %arg0, %c0_i32 : i32, i32
  }
  func.func @transform_1(%arg0: i32) -> (i32, i32) {
    %c0_i32 = arith.constant 0 : i32
    %c0_i32_0 = arith.constant 0 : i32
    %c0_i32_1 = arith.constant 0 : i32
    return %c0_i32, %c0_i32_0 : i32, i32
  }
  func.func @transform_2(%arg0: i32) -> (i32, i32) {
    %c0_i32 = arith.constant 0 : i32
    %c0_i32_0 = arith.constant 0 : i32
    %c0_i32_1 = arith.constant 0 : i32
    return %c0_i32, %c0_i32_0 : i32, i32
  }
  func.func @transform_3(%arg0: i32) -> (i32, i32) {
    %c0_i32 = arith.constant 0 : i32
    %c0_i32_0 = arith.constant 0 : i32
    %c0_i32_1 = arith.constant 0 : i32
    return %c0_i32, %c0_i32_0 : i32, i32
  }
  func.func @transform_4(%arg0: i32) -> (i32, i32) {
    %c0_i32 = arith.constant 0 : i32
    %c0_i32_0 = arith.constant 0 : i32
    return %arg0, %c0_i32 : i32, i32
  }
  func.func @transform_5(%arg0: i32) -> (i32, i32) {
    %c0_i32 = arith.constant 0 : i32
    %c0_i32_0 = arith.constant 0 : i32
    return %arg0, %c0_i32 : i32, i32
  }
}

module attributes {stable_mosaic.version = 14 : i64} {
  func.func @_mul_body(%arg0: i32, %arg1: memref<2000x128xf32, #tpu.memory_space<vmem>>, %arg2: memref<2000x1xf32, #tpu.memory_space<vmem>>, %arg3: memref<2000x1xf32, #tpu.memory_space<vmem>>, %arg4: memref<2000x128xf32, #tpu.memory_space<vmem>>) attributes {dimension_semantics = [#tpu.dimension_semantics<arbitrary>], iteration_bounds = array<i64: 5>, scalar_prefetch = 0 : i64, scratch_operands = 0 : i64, tpu.core_type = #tpu.core_type<tc>, window_params = [{transform_indices = @transform_0, window_bounds = array<i64: 2000, 128>}, {transform_indices = @transform_1, window_bounds = array<i64: 2000, 1>}, {transform_indices = @transform_2, window_bounds = array<i64: 2000, 1>}, {transform_indices = @transform_3, window_bounds = array<i64: 2000, 128>}]} {
    %get3A = arith.constant 0 : index
    %get3A_0 = arith.constant 0 : index
    %get3A_1 = vector.load %arg1[%get3A, %get3A_0] : memref<2000x128xf32, #tpu.memory_space<vmem>>, vector<2000x128xf32>
    %get3A_2 = arith.constant 0 : index
    %get3A_3 = arith.constant 0 : index
    %get3A_4 = vector.load %arg2[%get3A_2, %get3A_3] : memref<2000x1xf32, #tpu.memory_space<vmem>>, vector<2000x1xf32>
    %get3A_5 = arith.constant 0 : index
    %get3A_6 = arith.constant 0 : index
    %get3A_7 = vector.load %arg3[%get3A_5, %get3A_6] : memref<2000x1xf32, #tpu.memory_space<vmem>>, vector<2000x1xf32>
    %add3A = arith.addf %get3A_4, %get3A_7 : vector<2000x1xf32>
    %add3A_8 = arith.constant 1.000000e+00 : f32
    %add3A_9 = vector.broadcast %add3A_8 : f32 to vector<2000x1xf32>
    %add3A_10 = arith.addf %add3A, %add3A_9 : vector<2000x1xf32>
    %rsqrt3A = math.rsqrt %add3A_10 : vector<2000x1xf32>
    %mul3A = vector.broadcast %rsqrt3A : vector<2000x1xf32> to vector<2000x128xf32>
    %mul3A_11 = arith.mulf %get3A_1, %mul3A : vector<2000x128xf32>
    %swap3A = arith.constant 0 : index
    %swap3A_12 = arith.constant 0 : index
    %swap3A_13 = vector.load %arg4[%swap3A, %swap3A_12] : memref<2000x128xf32, #tpu.memory_space<vmem>>, vector<2000x128xf32>
    tpu.vector_store %arg4[%swap3A, %swap3A_12], %mul3A_11 {strides = array<i32>} : memref<2000x128xf32, #tpu.memory_space<vmem>>, vector<2000x128xf32>,
    return
  }
  func.func @transform_0(%arg0: i32) -> (i32, i32) {
    %c0_i32 = arith.constant 0 : i32
    %c0_i32_0 = arith.constant 0 : i32
    return %arg0, %c0_i32 : i32, i32
  }
  func.func @transform_1(%arg0: i32) -> (i32, i32) {
    %c0_i32 = arith.constant 0 : i32
    %c0_i32_0 = arith.constant 0 : i32
    return %arg0, %c0_i32 : i32, i32
  }
  func.func @transform_2(%arg0: i32) -> (i32, i32) {
    %c0_i32 = arith.constant 0 : i32
    %c0_i32_0 = arith.constant 0 : i32
    return %arg0, %c0_i32 : i32, i32
  }
  func.func @transform_3(%arg0: i32) -> (i32, i32) {
    %c0_i32 = arith.constant 0 : i32
    %c0_i32_0 = arith.constant 0 : i32
    return %arg0, %c0_i32 : i32, i32
  }
}

module attributes {stable_mosaic.version = 14 : i64} {
  func.func @_step_body(%arg0: i32, %arg1: memref<2000x128xf32, #tpu.memory_space<vmem>>, %arg2: memref<2000x128xf32, #tpu.memory_space<vmem>>, %arg3: memref<2000x128xf32, #tpu.memory_space<vmem>>, %arg4: memref<2000x128xf32, #tpu.memory_space<vmem>>, %arg5: memref<2000x1xf32, #tpu.memory_space<vmem>>, %arg6: memref<2000x1xf32, #tpu.memory_space<vmem>>, %arg7: memref<1x128xf32, #tpu.memory_space<vmem>>, %arg8: memref<1x128xf32, #tpu.memory_space<vmem>>, %arg9: memref<1x128xf32, #tpu.memory_space<vmem>>, %arg10: memref<128x128xf32, #tpu.memory_space<vmem>>, %arg11: memref<2000x128xf32, #tpu.memory_space<vmem>>, %arg12: memref<2000x128xf32, #tpu.memory_space<vmem>>) attributes {dimension_semantics = [#tpu.dimension_semantics<arbitrary>], iteration_bounds = array<i64: 5>, scalar_prefetch = 0 : i64, scratch_operands = 0 : i64, tpu.core_type = #tpu.core_type<tc>, window_params = [{transform_indices = @transform_0, window_bounds = array<i64: 2000, 128>}, {transform_indices = @transform_1, window_bounds = array<i64: 2000, 128>}, {transform_indices = @transform_2, window_bounds = array<i64: 2000, 128>}, {transform_indices = @transform_3, window_bounds = array<i64: 2000, 128>}, {transform_indices = @transform_4, window_bounds = array<i64: 2000, 1>}, {transform_indices = @transform_5, window_bounds = array<i64: 2000, 1>}, {pipeline_mode = #tpu.pipeline_mode<synchronous>, transform_indices = @transform_6, window_bounds = array<i64: 1, 128>}, {pipeline_mode = #tpu.pipeline_mode<synchronous>, transform_indices = @transform_7, window_bounds = array<i64: 1, 128>}, {pipeline_mode = #tpu.pipeline_mode<synchronous>, transform_indices = @transform_8, window_bounds = array<i64: 1, 128>}, {pipeline_mode = #tpu.pipeline_mode<synchronous>, transform_indices = @transform_9, window_bounds = array<i64: 128, 128>}, {transform_indices = @transform_10, window_bounds = array<i64: 2000, 128>}, {transform_indices = @transform_11, window_bounds = array<i64: 2000, 128>}]} {
    %get3A = arith.constant 0 : index
    %get3A_0 = arith.constant 0 : index
    %get3A_1 = vector.load %arg5[%get3A, %get3A_0] : memref<2000x1xf32, #tpu.memory_space<vmem>>, vector<2000x1xf32>
    %get3A_2 = arith.constant 0 : index
    %get3A_3 = arith.constant 0 : index
    %get3A_4 = vector.load %arg6[%get3A_2, %get3A_3] : memref<2000x1xf32, #tpu.memory_space<vmem>>, vector<2000x1xf32>
    %add3A = arith.addf %get3A_1, %get3A_4 : vector<2000x1xf32>
    %add3A_5 = arith.constant 1.000000e+00 : f32
    %add3A_6 = vector.broadcast %add3A_5 : f32 to vector<2000x1xf32>
    %add3A_7 = arith.addf %add3A, %add3A_6 : vector<2000x1xf32>
    %rsqrt3A = math.rsqrt %add3A_7 : vector<2000x1xf32>
    %get3A_8 = arith.constant 0 : index
    %get3A_9 = arith.constant 0 : index
    %get3A_10 = vector.load %arg1[%get3A_8, %get3A_9] : memref<2000x128xf32, #tpu.memory_space<vmem>>, vector<2000x128xf32>
    %get3A_11 = arith.constant 0 : index
    %get3A_12 = arith.constant 0 : index
    %get3A_13 = vector.load %arg3[%get3A_11, %get3A_12] : memref<2000x128xf32, #tpu.memory_space<vmem>>, vector<2000x128xf32>
    %get3A_14 = arith.constant 0 : index
    %get3A_15 = arith.constant 0 : index
    %get3A_16 = vector.load %arg4[%get3A_14, %get3A_15] : memref<2000x128xf32, #tpu.memory_space<vmem>>, vector<2000x128xf32>
    %add3A_17 = arith.addf %get3A_13, %get3A_16 : vector<2000x128xf32>
    %get3A_18 = arith.constant 0 : index
    %get3A_19 = arith.constant 0 : index
    %get3A_20 = vector.load %arg2[%get3A_18, %get3A_19] : memref<2000x128xf32, #tpu.memory_space<vmem>>, vector<2000x128xf32>
    %add3A_21 = arith.addf %add3A_17, %get3A_20 : vector<2000x128xf32>
    %mul3A = vector.broadcast %rsqrt3A : vector<2000x1xf32> to vector<2000x128xf32>
    %mul3A_22 = arith.mulf %mul3A, %add3A_21 : vector<2000x128xf32>
    %add3A_23 = arith.addf %get3A_10, %mul3A_22 : vector<2000x128xf32>
    %get3A_24 = arith.constant 0 : index
    %get3A_25 = arith.constant 0 : index
    %get3A_26 = vector.load %arg7[%get3A_24, %get3A_25] : memref<1x128xf32, #tpu.memory_space<vmem>>, vector<1x128xf32>
    %add3A_27 = vector.broadcast %get3A_26 : vector<1x128xf32> to vector<2000x128xf32>
    %add3A_28 = arith.addf %add3A_23, %add3A_27 : vector<2000x128xf32>
    %get3A_29 = arith.constant 0 : index
    %get3A_30 = arith.constant 0 : index
    %get3A_31 = vector.load %arg8[%get3A_29, %get3A_30] : memref<1x128xf32, #tpu.memory_space<vmem>>, vector<1x128xf32>
    %get3A_32 = arith.constant 0 : index
    %get3A_33 = arith.constant 0 : index
    %get3A_34 = vector.load %arg9[%get3A_32, %get3A_33] : memref<1x128xf32, #tpu.memory_space<vmem>>, vector<1x128xf32>
    %reduce_sum3A = arith.constant dense<0.000000e+00> : vector<2000xf32>
    %reduce_sum3A_35 = vector.multi_reduction <add>, %add3A_28, %reduce_sum3A [1] : vector<2000x128xf32> to vector<2000xf32>
    %broadcast_in_dim3A = vector.shape_cast %reduce_sum3A_35 : vector<2000xf32> to vector<2000x1xf32>
    %div3A = arith.constant 1.280000e+02 : f32
    %div3A_36 = vector.broadcast %div3A : f32 to vector<2000x1xf32>
    %div3A_37 = arith.divf %broadcast_in_dim3A, %div3A_36 : vector<2000x1xf32>
    %sub3A = vector.broadcast %div3A_37 : vector<2000x1xf32> to vector<2000x128xf32>
    %sub3A_38 = arith.subf %add3A_28, %sub3A : vector<2000x128xf32>
    %integer_pow3A = arith.mulf %sub3A_38, %sub3A_38 : vector<2000x128xf32>
    %reduce_sum3A_39 = arith.constant dense<0.000000e+00> : vector<2000xf32>
    %reduce_sum3A_40 = vector.multi_reduction <add>, %integer_pow3A, %reduce_sum3A_39 [1] : vector<2000x128xf32> to vector<2000xf32>
    %broadcast_in_dim3A_41 = vector.shape_cast %reduce_sum3A_40 : vector<2000xf32> to vector<2000x1xf32>
    %div3A_42 = arith.constant 1.280000e+02 : f32
    %div3A_43 = vector.broadcast %div3A_42 : f32 to vector<2000x1xf32>
    %div3A_44 = arith.divf %broadcast_in_dim3A_41, %div3A_43 : vector<2000x1xf32>
    %sub3A_45 = vector.broadcast %div3A_37 : vector<2000x1xf32> to vector<2000x128xf32>
    %sub3A_46 = arith.subf %add3A_28, %sub3A_45 : vector<2000x128xf32>
    %add3A_47 = arith.constant 9.99999974E-6 : f32
    %add3A_48 = vector.broadcast %add3A_47 : f32 to vector<2000x1xf32>
    %add3A_49 = arith.addf %div3A_44, %add3A_48 : vector<2000x1xf32>
    %sqrt3A = math.sqrt %add3A_49 : vector<2000x1xf32>
    %div3A_50 = vector.broadcast %sqrt3A : vector<2000x1xf32> to vector<2000x128xf32>
    %div3A_51 = arith.divf %sub3A_46, %div3A_50 : vector<2000x128xf32>
    %mul3A_52 = vector.broadcast %get3A_31 : vector<1x128xf32> to vector<2000x128xf32>
    %mul3A_53 = arith.mulf %div3A_51, %mul3A_52 : vector<2000x128xf32>
    %add3A_54 = vector.broadcast %get3A_34 : vector<1x128xf32> to vector<2000x128xf32>
    %add3A_55 = arith.addf %mul3A_53, %add3A_54 : vector<2000x128xf32>
    %swap3A = arith.constant 0 : index
    %swap3A_56 = arith.constant 0 : index
    %swap3A_57 = vector.load %arg11[%swap3A, %swap3A_56] : memref<2000x128xf32, #tpu.memory_space<vmem>>, vector<2000x128xf32>
    tpu.vector_store %arg11[%swap3A, %swap3A_56], %add3A_55 {strides = array<i32>} : memref<2000x128xf32, #tpu.memory_space<vmem>>, vector<2000x128xf32>,
    %get3A_58 = arith.constant 0 : index
    %get3A_59 = arith.constant 0 : index
    %get3A_60 = vector.load %arg10[%get3A_58, %get3A_59] : memref<128x128xf32, #tpu.memory_space<vmem>>, vector<128x128xf32>
    %dot_general3A = arith.constant dense<0.000000e+00> : vector<2000x128xf32>
    %dot_general3A_61 = tpu.matmul %add3A_55, %get3A_60, %dot_general3A {dimension_numbers = #tpu.dot_dimension_numbers<[1], [0], [0], [1], [0, 0, 1, 1], [], []>, transpose_lhs_hint = false} : vector<2000x128xf32>, vector<128x128xf32>, vector<2000x128xf32> -> vector<2000x128xf32>
    %mul3A_62 = vector.broadcast %rsqrt3A : vector<2000x1xf32> to vector<2000x128xf32>
    %mul3A_63 = arith.mulf %dot_general3A_61, %mul3A_62 : vector<2000x128xf32>
    %swap3A_64 = arith.constant 0 : index
    %swap3A_65 = arith.constant 0 : index
    %swap3A_66 = vector.load %arg12[%swap3A_64, %swap3A_65] : memref<2000x128xf32, #tpu.memory_space<vmem>>, vector<2000x128xf32>
    tpu.vector_store %arg12[%swap3A_64, %swap3A_65], %mul3A_63 {strides = array<i32>} : memref<2000x128xf32, #tpu.memory_space<vmem>>, vector<2000x128xf32>,
    return
  }
  func.func @transform_0(%arg0: i32) -> (i32, i32) {
    %c0_i32 = arith.constant 0 : i32
    %c0_i32_0 = arith.constant 0 : i32
    return %arg0, %c0_i32 : i32, i32
  }
  func.func @transform_1(%arg0: i32) -> (i32, i32) {
    %c0_i32 = arith.constant 0 : i32
    %c0_i32_0 = arith.constant 0 : i32
    return %arg0, %c0_i32 : i32, i32
  }
  func.func @transform_2(%arg0: i32) -> (i32, i32) {
    %c0_i32 = arith.constant 0 : i32
    %c0_i32_0 = arith.constant 0 : i32
    return %arg0, %c0_i32 : i32, i32
  }
  func.func @transform_3(%arg0: i32) -> (i32, i32) {
    %c0_i32 = arith.constant 0 : i32
    %c0_i32_0 = arith.constant 0 : i32
    return %arg0, %c0_i32 : i32, i32
  }
  func.func @transform_4(%arg0: i32) -> (i32, i32) {
    %c0_i32 = arith.constant 0 : i32
    %c0_i32_0 = arith.constant 0 : i32
    return %arg0, %c0_i32 : i32, i32
  }
  func.func @transform_5(%arg0: i32) -> (i32, i32) {
    %c0_i32 = arith.constant 0 : i32
    %c0_i32_0 = arith.constant 0 : i32
    return %arg0, %c0_i32 : i32, i32
  }
  func.func @transform_6(%arg0: i32) -> (i32, i32) {
    %c0_i32 = arith.constant 0 : i32
    %c0_i32_0 = arith.constant 0 : i32
    %c0_i32_1 = arith.constant 0 : i32
    return %c0_i32, %c0_i32_0 : i32, i32
  }
  func.func @transform_7(%arg0: i32) -> (i32, i32) {
    %c0_i32 = arith.constant 0 : i32
    %c0_i32_0 = arith.constant 0 : i32
    %c0_i32_1 = arith.constant 0 : i32
    return %c0_i32, %c0_i32_0 : i32, i32
  }
  func.func @transform_8(%arg0: i32) -> (i32, i32) {
    %c0_i32 = arith.constant 0 : i32
    %c0_i32_0 = arith.constant 0 : i32
    %c0_i32_1 = arith.constant 0 : i32
    return %c0_i32, %c0_i32_0 : i32, i32
  }
  func.func @transform_9(%arg0: i32) -> (i32, i32) {
    %c0_i32 = arith.constant 0 : i32
    %c0_i32_0 = arith.constant 0 : i32
    %c0_i32_1 = arith.constant 0 : i32
    return %c0_i32, %c0_i32_0 : i32, i32
  }
  func.func @transform_10(%arg0: i32) -> (i32, i32) {
    %c0_i32 = arith.constant 0 : i32
    %c0_i32_0 = arith.constant 0 : i32
    return %arg0, %c0_i32 : i32, i32
  }
  func.func @transform_11(%arg0: i32) -> (i32, i32) {
    %c0_i32 = arith.constant 0 : i32
    %c0_i32_0 = arith.constant 0 : i32
    return %arg0, %c0_i32 : i32, i32
  }
}

module attributes {stable_mosaic.version = 14 : i64} {
  func.func @_final_body(%arg0: i32, %arg1: memref<2000x128xf32, #tpu.memory_space<vmem>>, %arg2: memref<2000x128xf32, #tpu.memory_space<vmem>>, %arg3: memref<2000x128xf32, #tpu.memory_space<vmem>>, %arg4: memref<2000x128xf32, #tpu.memory_space<vmem>>, %arg5: memref<2000x1xf32, #tpu.memory_space<vmem>>, %arg6: memref<2000x1xf32, #tpu.memory_space<vmem>>, %arg7: memref<1x128xf32, #tpu.memory_space<vmem>>, %arg8: memref<1x128xf32, #tpu.memory_space<vmem>>, %arg9: memref<1x128xf32, #tpu.memory_space<vmem>>, %arg10: memref<128x256xf32, #tpu.memory_space<vmem>>, %arg11: memref<1x256xf32, #tpu.memory_space<vmem>>, %arg12: memref<2000x256xf32, #tpu.memory_space<vmem>>) attributes {dimension_semantics = [#tpu.dimension_semantics<arbitrary>], iteration_bounds = array<i64: 5>, scalar_prefetch = 0 : i64, scratch_operands = 0 : i64, tpu.core_type = #tpu.core_type<tc>, window_params = [{transform_indices = @transform_0, window_bounds = array<i64: 2000, 128>}, {transform_indices = @transform_1, window_bounds = array<i64: 2000, 128>}, {transform_indices = @transform_2, window_bounds = array<i64: 2000, 128>}, {transform_indices = @transform_3, window_bounds = array<i64: 2000, 128>}, {transform_indices = @transform_4, window_bounds = array<i64: 2000, 1>}, {transform_indices = @transform_5, window_bounds = array<i64: 2000, 1>}, {pipeline_mode = #tpu.pipeline_mode<synchronous>, transform_indices = @transform_6, window_bounds = array<i64: 1, 128>}, {pipeline_mode = #tpu.pipeline_mode<synchronous>, transform_indices = @transform_7, window_bounds = array<i64: 1, 128>}, {pipeline_mode = #tpu.pipeline_mode<synchronous>, transform_indices = @transform_8, window_bounds = array<i64: 1, 128>}, {pipeline_mode = #tpu.pipeline_mode<synchronous>, transform_indices = @transform_9, window_bounds = array<i64: 128, 256>}, {pipeline_mode = #tpu.pipeline_mode<synchronous>, transform_indices = @transform_10, window_bounds = array<i64: 1, 256>}, {transform_indices = @transform_11, window_bounds = array<i64: 2000, 256>}]} {
    %get3A = arith.constant 0 : index
    %get3A_0 = arith.constant 0 : index
    %get3A_1 = vector.load %arg5[%get3A, %get3A_0] : memref<2000x1xf32, #tpu.memory_space<vmem>>, vector<2000x1xf32>
    %get3A_2 = arith.constant 0 : index
    %get3A_3 = arith.constant 0 : index
    %get3A_4 = vector.load %arg6[%get3A_2, %get3A_3] : memref<2000x1xf32, #tpu.memory_space<vmem>>, vector<2000x1xf32>
    %add3A = arith.addf %get3A_1, %get3A_4 : vector<2000x1xf32>
    %add3A_5 = arith.constant 1.000000e+00 : f32
    %add3A_6 = vector.broadcast %add3A_5 : f32 to vector<2000x1xf32>
    %add3A_7 = arith.addf %add3A, %add3A_6 : vector<2000x1xf32>
    %rsqrt3A = math.rsqrt %add3A_7 : vector<2000x1xf32>
    %get3A_8 = arith.constant 0 : index
    %get3A_9 = arith.constant 0 : index
    %get3A_10 = vector.load %arg1[%get3A_8, %get3A_9] : memref<2000x128xf32, #tpu.memory_space<vmem>>, vector<2000x128xf32>
    %get3A_11 = arith.constant 0 : index
    %get3A_12 = arith.constant 0 : index
    %get3A_13 = vector.load %arg3[%get3A_11, %get3A_12] : memref<2000x128xf32, #tpu.memory_space<vmem>>, vector<2000x128xf32>
    %get3A_14 = arith.constant 0 : index
    %get3A_15 = arith.constant 0 : index
    %get3A_16 = vector.load %arg4[%get3A_14, %get3A_15] : memref<2000x128xf32, #tpu.memory_space<vmem>>, vector<2000x128xf32>
    %add3A_17 = arith.addf %get3A_13, %get3A_16 : vector<2000x128xf32>
    %get3A_18 = arith.constant 0 : index
    %get3A_19 = arith.constant 0 : index
    %get3A_20 = vector.load %arg2[%get3A_18, %get3A_19] : memref<2000x128xf32, #tpu.memory_space<vmem>>, vector<2000x128xf32>
    %add3A_21 = arith.addf %add3A_17, %get3A_20 : vector<2000x128xf32>
    %mul3A = vector.broadcast %rsqrt3A : vector<2000x1xf32> to vector<2000x128xf32>
    %mul3A_22 = arith.mulf %mul3A, %add3A_21 : vector<2000x128xf32>
    %add3A_23 = arith.addf %get3A_10, %mul3A_22 : vector<2000x128xf32>
    %get3A_24 = arith.constant 0 : index
    %get3A_25 = arith.constant 0 : index
    %get3A_26 = vector.load %arg7[%get3A_24, %get3A_25] : memref<1x128xf32, #tpu.memory_space<vmem>>, vector<1x128xf32>
    %add3A_27 = vector.broadcast %get3A_26 : vector<1x128xf32> to vector<2000x128xf32>
    %add3A_28 = arith.addf %add3A_23, %add3A_27 : vector<2000x128xf32>
    %get3A_29 = arith.constant 0 : index
    %get3A_30 = arith.constant 0 : index
    %get3A_31 = vector.load %arg8[%get3A_29, %get3A_30] : memref<1x128xf32, #tpu.memory_space<vmem>>, vector<1x128xf32>
    %get3A_32 = arith.constant 0 : index
    %get3A_33 = arith.constant 0 : index
    %get3A_34 = vector.load %arg9[%get3A_32, %get3A_33] : memref<1x128xf32, #tpu.memory_space<vmem>>, vector<1x128xf32>
    %reduce_sum3A = arith.constant dense<0.000000e+00> : vector<2000xf32>
    %reduce_sum3A_35 = vector.multi_reduction <add>, %add3A_28, %reduce_sum3A [1] : vector<2000x128xf32> to vector<2000xf32>
    %broadcast_in_dim3A = vector.shape_cast %reduce_sum3A_35 : vector<2000xf32> to vector<2000x1xf32>
    %div3A = arith.constant 1.280000e+02 : f32
    %div3A_36 = vector.broadcast %div3A : f32 to vector<2000x1xf32>
    %div3A_37 = arith.divf %broadcast_in_dim3A, %div3A_36 : vector<2000x1xf32>
    %sub3A = vector.broadcast %div3A_37 : vector<2000x1xf32> to vector<2000x128xf32>
    %sub3A_38 = arith.subf %add3A_28, %sub3A : vector<2000x128xf32>
    %integer_pow3A = arith.mulf %sub3A_38, %sub3A_38 : vector<2000x128xf32>
    %reduce_sum3A_39 = arith.constant dense<0.000000e+00> : vector<2000xf32>
    %reduce_sum3A_40 = vector.multi_reduction <add>, %integer_pow3A, %reduce_sum3A_39 [1] : vector<2000x128xf32> to vector<2000xf32>
    %broadcast_in_dim3A_41 = vector.shape_cast %reduce_sum3A_40 : vector<2000xf32> to vector<2000x1xf32>
    %div3A_42 = arith.constant 1.280000e+02 : f32
    %div3A_43 = vector.broadcast %div3A_42 : f32 to vector<2000x1xf32>
    %div3A_44 = arith.divf %broadcast_in_dim3A_41, %div3A_43 : vector<2000x1xf32>
    %sub3A_45 = vector.broadcast %div3A_37 : vector<2000x1xf32> to vector<2000x128xf32>
    %sub3A_46 = arith.subf %add3A_28, %sub3A_45 : vector<2000x128xf32>
    %add3A_47 = arith.constant 9.99999974E-6 : f32
    %add3A_48 = vector.broadcast %add3A_47 : f32 to vector<2000x1xf32>
    %add3A_49 = arith.addf %div3A_44, %add3A_48 : vector<2000x1xf32>
    %sqrt3A = math.sqrt %add3A_49 : vector<2000x1xf32>
    %div3A_50 = vector.broadcast %sqrt3A : vector<2000x1xf32> to vector<2000x128xf32>
    %div3A_51 = arith.divf %sub3A_46, %div3A_50 : vector<2000x128xf32>
    %mul3A_52 = vector.broadcast %get3A_31 : vector<1x128xf32> to vector<2000x128xf32>
    %mul3A_53 = arith.mulf %div3A_51, %mul3A_52 : vector<2000x128xf32>
    %add3A_54 = vector.broadcast %get3A_34 : vector<1x128xf32> to vector<2000x128xf32>
    %add3A_55 = arith.addf %mul3A_53, %add3A_54 : vector<2000x128xf32>
    %get3A_56 = arith.constant 0 : index
    %get3A_57 = arith.constant 0 : index
    %get3A_58 = vector.load %arg10[%get3A_56, %get3A_57] : memref<128x256xf32, #tpu.memory_space<vmem>>, vector<128x256xf32>
    %dot_general3A = arith.constant dense<0.000000e+00> : vector<2000x256xf32>
    %dot_general3A_59 = tpu.matmul %add3A_55, %get3A_58, %dot_general3A {dimension_numbers = #tpu.dot_dimension_numbers<[1], [0], [0], [1], [0, 0, 1, 1], [], []>, transpose_lhs_hint = false} : vector<2000x128xf32>, vector<128x256xf32>, vector<2000x256xf32> -> vector<2000x256xf32>
    %get3A_60 = arith.constant 0 : index
    %get3A_61 = arith.constant 0 : index
    %get3A_62 = vector.load %arg11[%get3A_60, %get3A_61] : memref<1x256xf32, #tpu.memory_space<vmem>>, vector<1x256xf32>
    %add3A_63 = vector.broadcast %get3A_62 : vector<1x256xf32> to vector<2000x256xf32>
    %add3A_64 = arith.addf %dot_general3A_59, %add3A_63 : vector<2000x256xf32>
    %swap3A = arith.constant 0 : index
    %swap3A_65 = arith.constant 0 : index
    %swap3A_66 = vector.load %arg12[%swap3A, %swap3A_65] : memref<2000x256xf32, #tpu.memory_space<vmem>>, vector<2000x256xf32>
    tpu.vector_store %arg12[%swap3A, %swap3A_65], %add3A_64 {strides = array<i32>} : memref<2000x256xf32, #tpu.memory_space<vmem>>, vector<2000x256xf32>,
    return
  }
  func.func @transform_0(%arg0: i32) -> (i32, i32) {
    %c0_i32 = arith.constant 0 : i32
    %c0_i32_0 = arith.constant 0 : i32
    return %arg0, %c0_i32 : i32, i32
  }
  func.func @transform_1(%arg0: i32) -> (i32, i32) {
    %c0_i32 = arith.constant 0 : i32
    %c0_i32_0 = arith.constant 0 : i32
    return %arg0, %c0_i32 : i32, i32
  }
  func.func @transform_2(%arg0: i32) -> (i32, i32) {
    %c0_i32 = arith.constant 0 : i32
    %c0_i32_0 = arith.constant 0 : i32
    return %arg0, %c0_i32 : i32, i32
  }
  func.func @transform_3(%arg0: i32) -> (i32, i32) {
    %c0_i32 = arith.constant 0 : i32
    %c0_i32_0 = arith.constant 0 : i32
    return %arg0, %c0_i32 : i32, i32
  }
  func.func @transform_4(%arg0: i32) -> (i32, i32) {
    %c0_i32 = arith.constant 0 : i32
    %c0_i32_0 = arith.constant 0 : i32
    return %arg0, %c0_i32 : i32, i32
  }
  func.func @transform_5(%arg0: i32) -> (i32, i32) {
    %c0_i32 = arith.constant 0 : i32
    %c0_i32_0 = arith.constant 0 : i32
    return %arg0, %c0_i32 : i32, i32
  }
  func.func @transform_6(%arg0: i32) -> (i32, i32) {
    %c0_i32 = arith.constant 0 : i32
    %c0_i32_0 = arith.constant 0 : i32
    %c0_i32_1 = arith.constant 0 : i32
    return %c0_i32, %c0_i32_0 : i32, i32
  }
  func.func @transform_7(%arg0: i32) -> (i32, i32) {
    %c0_i32 = arith.constant 0 : i32
    %c0_i32_0 = arith.constant 0 : i32
    %c0_i32_1 = arith.constant 0 : i32
    return %c0_i32, %c0_i32_0 : i32, i32
  }
  func.func @transform_8(%arg0: i32) -> (i32, i32) {
    %c0_i32 = arith.constant 0 : i32
    %c0_i32_0 = arith.constant 0 : i32
    %c0_i32_1 = arith.constant 0 : i32
    return %c0_i32, %c0_i32_0 : i32, i32
  }
  func.func @transform_9(%arg0: i32) -> (i32, i32) {
    %c0_i32 = arith.constant 0 : i32
    %c0_i32_0 = arith.constant 0 : i32
    %c0_i32_1 = arith.constant 0 : i32
    return %c0_i32, %c0_i32_0 : i32, i32
  }
  func.func @transform_10(%arg0: i32) -> (i32, i32) {
    %c0_i32 = arith.constant 0 : i32
    %c0_i32_0 = arith.constant 0 : i32
    %c0_i32_1 = arith.constant 0 : i32
    return %c0_i32, %c0_i32_0 : i32, i32
  }
  func.func @transform_11(%arg0: i32) -> (i32, i32) {
    %c0_i32 = arith.constant 0 : i32
    %c0_i32_0 = arith.constant 0 : i32
    return %arg0, %c0_i32 : i32, i32
  }
}

</mosaic_0001>

<sc_bundles>
// kernel: kernel.11.cloned.1.call-start
scs
__scs_entry_jumppad:
0x0: {  	(pc) =	sbr.rel $0x88, $3  }
0x1: {  	(tag) =	ssettag $0x0;
	lr =	simm.s32 $0x1  }
0x2: {  	[smem:$0x3F97] =	sst lr;
	_ =	strace $0xD0000000  }
0x3: {  	_ = 	snop  }
0x4: {  	_ = 	snop  }
0x5: {  	_ = 	snop  }
0x6: {  	_ = 	snop  }
0x7: {  	_ = 	snop  }
__scs_overlays_trampoline_lowered:
0x8: {  	[smem:$0x3FA6] =	sst s0  }
0x9: {  	[smem:$0x3FA7] =	sst s1  }
0xa: {  	[smem:$0x3FA8] =	sst s2  }
0xb: {  	[smem:$0x3FA9] =	sst s3  }
0xc: {  	[smem:$0x3FAA] =	sst s4  }
0xd: {  	[smem:$0x3FAB] =	sst s5  }
0xe: {  	[smem:$0x3FAC] =	sst s6  }
0xf: {  	[smem:$0x3FAD] =	sst s7  }
0x10: {  	[smem:$0x3FAE] =	sst s8  }
0x11: {  	[smem:$0x3FAF] =	sst s9;
	s0 =	simm.s32 @!p0 $0x0  }
0x12: {  	s1 =	sld [smem:$0x3F95];
	s0 =	simm.s32 @p0 $0x1  }
0x13: {  	[smem:$0x3FB0] =	sst s0;
	s0 =	simm.s32 @!p1 $0x0  }
0x14: {  	s2 =	sld [smem:$0x3F94];
	s0 =	simm.s32 @p1 $0x1  }
0x15: {  	[smem:$0x3FB1] =	sst s0;
	s0 =	simm.s32 @!p2 $0x0  }
0x16: {  	s3 =	sld [smem:$0x3FDB];
	s0 =	simm.s32 @p2 $0x1  }
0x17: {  	s4 =	simm.s32 $0x1BF5;
	[smem:$0x3FB3] =	sst s0  }
0x18: {  	s0 =	sld [smem:$0x3F96];
	_ =	swait.ge [sflag:s4], $0x0  }
0x19: {  	s7 =	sld [smem:$0x3F97]  }
0x1a: {  	s8 =	sadd.s32 $0xFFFFE003, lr  }
0x1b: {  	s9 =	sadd.s32 $0xFFFFFEF7, lr;
	s5 =	simm.s32 $0xFFFFFFFF;
	p2 =	slt.u32 s8, $0xFFFFF086  }
0x1c: {  	p1 =	slt.u32 s9, $0xF7A;
	s5 =	simm.s32 @!p2 $0x0  }
0x1d: {  	s5 =	simm.s32 @p1 $0x1;
	p0 =	seq.s32 s7, s2  }
0x1e: {  	s7 =	smul.u32 @!p0 $0xF7A, s2;
	p2 =	seq.s32 @!p0 s5, $0x0  }
0x1f: {  	s9 =	smul.u32 $0xF7A, s1;
	s8 =	simm.s32 @!p0 $0x1BF5;
	p2 =	por !p2, p0  }
0x20: {  	[sflag:s8] =	ssyncset.s32 @!p0 $0xFFFFF086;
	s6 =	sadd.s32 @!p0 s3, s7;
	s7 =	simm.s32 @!p0 $0x108  }
0x21: {  	s3 =	sadd.s32 s3, s9;
	s6 =	sadd.s32 @!p0 $0x88, s6;
	s7 =	simm.s32 @p2 $0x1082  }
0x22: {  	[simem:s7], [sflag:s8] =	dma.local @!p0 [hbm:s6], $0xF7A  }
0x23: {  	s9 =	sor.u32 $0xD0000000, s2;
	s6 =	simm.s32 $0x108;
	_ =	swait.ge @!p0 [sflag:s8], $0x0  }
0x24: {  	s3 =	sadd.s32 $0x88, s3;
	s6 =	simm.s32 @!p1 $0x1082;
	[sflag:s4] =	ssyncset.s32 $0xFFFFF086  }
0x25: {  	[simem:s6], [sflag:s4] =	dma.local [hbm:s3], $0xF7A  }
0x26: {  	[smem:$0x3F97] =	sst s1;
	(tag) =	ssettag s2;
	_ =	strace s9  }
0x27: {  	s1 =	sld [smem:$0x3FA7]  }
0x28: {  	s2 =	sld [smem:$0x3FA8]  }
0x29: {  	s4 =	sld [smem:$0x3FAA]  }
0x2a: {  	p0 =	seq.s32 s5, $0x0;
	s5 =	sld [smem:$0x3FAB]  }
0x2b: {  	s6 =	sld [smem:$0x3FAC]  }
0x2c: {  	s7 =	sld [smem:$0x3FAD]  }
0x2d: {  	s3 =	simm.s32 $0x108;
	s8 =	sld [smem:$0x3FAE]  }
0x2e: {  	s3 =	simm.s32 @!p0 $0x1082;
	s9 =	sld [smem:$0x3FAF]  }
0x2f: {  	lr =	sadd.s32 s0, s3;
	s0 =	sld [smem:$0x3FA6]  }
0x30: {  	s3 =	sld [smem:$0x3FA9]  }
0x31: {  	[smem:$0x3FB2] =	sst s10  }
0x32: {  	s10 =	sld [smem:$0x3FB0];
	_ =	sdelay $0x3  }
0x33: {  	p0 =	seq.s32 s10, $0x1;
	s10 =	sld [smem:$0x3FB2];
	_ =	sdelay $0x3  }
0x34: {  	[smem:$0x3FB2] =	sst s10  }
0x35: {  	s10 =	sld [smem:$0x3FB1];
	_ =	sdelay $0x3  }
0x36: {  	p1 =	seq.s32 s10, $0x1;
	s10 =	sld [smem:$0x3FB2];
	_ =	sdelay $0x3  }
0x37: {  	[smem:$0x3FB2] =	sst s10  }
0x38: {  	s10 =	sld [smem:$0x3FB3]  }
0x39: {  	_ = 	snop;
	(pc) =	sbr.ind lr, $3  }
0x3a: {  	_ = 	snop  }
0x3b: {  	_ = 	snop  }
0x3c: {  	p2 =	seq.s32 s10, $0x1;
	s10 =	sld [smem:$0x3FB2]  }
0x3d: {  	_ =	shalt  }
0x3e: {  	_ =	shalt  }
0x3f: {  	_ =	shalt  }
0x40: {  	_ =	shalt  }
0x41: {  	_ =	shalt  }
0x42: {  	_ =	shalt  }
0x43: {  	_ =	shalt  }
0x44: {  	_ =	shalt  }
0x45: {  	_ =	shalt  }
0x46: {  	_ =	shalt  }
0x47: {  	_ =	shalt  }
0x48: {  	_ =	shalt  }
0x49: {  	_ =	shalt  }
0x4a: {  	_ =	shalt  }
0x4b: {  	_ =	shalt  }
0x4c: {  	_ =	shalt  }
0x4d: {  	_ =	shalt  }
0x4e: {  	_ =	shalt  }
0x4f: {  	_ =	shalt  }
0x50: {  	_ =	shalt  }
0x51: {  	_ =	shalt  }
0x52: {  	_ =	shalt  }
0x53: {  	_ =	shalt  }
0x54: {  	_ =	shalt  }
0x55: {  	_ =	shalt  }
0x56: {  	_ =	shalt  }
0x57: {  	_ =	shalt  }
0x58: {  	_ =	shalt  }
0x59: {  	_ =	shalt  }
0x5a: {  	_ =	shalt  }
0x5b: {  	_ =	shalt  }
0x5c: {  	_ =	shalt  }
0x5d: {  	_ =	shalt  }
0x5e: {  	_ =	shalt  }
0x5f: {  	_ =	shalt  }
0x60: {  	_ =	shalt  }
0x61: {  	_ =	shalt  }
0x62: {  	_ =	shalt  }
0x63: {  	_ =	shalt  }
0x64: {  	_ =	shalt  }
0x65: {  	_ =	shalt  }
0x66: {  	_ =	shalt  }
0x67: {  	_ =	shalt  }
0x68: {  	_ =	shalt  }
0x69: {  	_ =	shalt  }
0x6a: {  	_ =	shalt  }
0x6b: {  	_ =	shalt  }
0x6c: {  	_ =	shalt  }
0x6d: {  	_ =	shalt  }
0x6e: {  	_ =	shalt  }
0x6f: {  	_ =	shalt  }
0x70: {  	_ =	shalt  }
0x71: {  	_ =	shalt  }
0x72: {  	_ =	shalt  }
0x73: {  	_ =	shalt  }
0x74: {  	_ =	shalt  }
0x75: {  	_ =	shalt  }
0x76: {  	_ =	shalt  }
0x77: {  	_ =	shalt  }
0x78: {  	_ =	shalt  }
0x79: {  	_ =	shalt  }
0x7a: {  	_ =	shalt  }
0x7b: {  	_ =	shalt  }
0x7c: {  	_ =	shalt  }
0x7d: {  	_ =	shalt  }
0x7e: {  	_ =	shalt  }
0x7f: {  	_ =	shalt  }
0x80: {  	_ =	shalt  }
0x81: {  	_ =	shalt  }
0x82: {  	_ =	shalt  }
0x83: {  	_ =	shalt  }
0x84: {  	_ =	shalt  }
0x85: {  	_ =	shalt  }
0x86: {  	_ =	shalt  }
0x87: {  	_ =	shalt  }
.Lfunc_end0:
.L_simem_size_0:
called_computation_lowered:
.L_overlay_start_0:
0x88: {  	s2 =	sld [smem:$0x3FD9]  }
0x89: {  	s3 =	sld [smem:$0x3FFE];
	_ =	sdelay $0x1  }
0x8a: {  	s1 =	srdreg.scid  }
0x8b: {  	s0 =	sand.u32 $0x1, s1  }
0x8c: {  	s16 =	sshll.u32 s0, $0xA;
	s2 =	sadd.s32 s3, s2  }
0x8d: {  	s2 =	sadd.s32 s2, s16  }
0x8e: {  	[smem:$0x3FBE] =	sst s2  }
0x8f: {  	_ = 	snop  }
0x90: {  	(tm) =	ssettm $0x1  }
0x91: {  	s17 =	sld [smem:$0x3FFB];
	_ =	sdelay $0x3  }
0x92: {  	_ =	strace s17  }
0x93: {  	s2 =	sld [smem:$0x3FFC];
	_ =	sdelay $0x3  }
0x94: {  	_ =	strace s2  }
0x95: {  	s2 =	sld [smem:$0x3FFD];
	_ =	sdelay $0x3  }
0x96: {  	_ =	strace s2  }
0x97: {  	_ =	strace $0x8FFFFFFF  }
0x98: {  	s18 =	sld [smem:$0x3FDB];
	_ =	sdelay $0x1  }
0x99: {  	s19 =	simm.s32 $_scs_section_size  }
0x9a: {  	s4 =	simm.s32 $_size__tile_overlayer_lowered;
	s5 =	simm.s32 $_tile_overlayer_lowered  }
0x9b: {  	s22 =	simm.s32 $0x1BFF;
	s21 =	sshll.u32 s5, $0x1;
	s2 =	sadd.s32 s19, s18  }
0x9c: {  	s6 =	simm.s32 $0x0;
	s20 =	sshll.u32 s4, $0x1;
	s4 =	sadd.s32 s21, s2  }
0x9d: {  	[timem:s6], [sflag:s22] =	dma.local [hbm:s4], s20  }
0x9e: {  	_ =	swait.ge [sflag:s22], s20  }
0x9f: {  	s3 =	ssub.s32 $0x0, s20;
	[sflag:s22] =	ssyncset.done $0x0  }
0xa0: {  	[sflag:s22] =	ssyncadd.s32 s3;
	_ =	sdelay $0x1  }
0xa1: {  	s23 =	simm.s32 $0x1B8B  }
0xa2: {  	_ =	swait.ge [sflag:s23], $0x1  }
0xa3: {  	[sflag:s23] =	ssyncset.done $0x0  }
0xa4: {  	s25 =	simm.s32 $0x1B8E;
	s24 =	sld [smem:$0x3FFE];
	[sflag:s23] =	ssyncadd.s32 $0xFFFFFFFF  }
0xa5: {  	s26 =	simm.s32 $execute0_lowered;
	[smem:$0x3FD2] =	sst s25  }
0xa6: {  	s4 =	sshll.u32 s26, $0x1;
	_ =	strace $0x80000046;
	[dreg:$0x1] =	wrdreg $0xFFFFFFFF  }
0xa7: {  	s28 =	simm.s32 $_size_execute0_lowered;
	s2 =	sadd.s32 s2, s4;
	[dreg:$0x0] =	wrdreg $0x0  }
0xa8: {  	s4 =	sshll.u32 s28, $0x1;
	[dreg:$0x2] =	wrdreg s2  }
0xa9: {  	[dreg:$0x3] =	wrdreg s4  }
0xaa: {  	[dreg:$0x4] =	wrdreg $0xC0  }
0xab: {  	_ =	task [dreg:s6], $0x5FFFF  }
0xac: {  	[dreg:$0x1] =	wrdreg $0xFFFFFFFF  }
0xad: {  	[dreg:$0x0] =	wrdreg $0x60  }
0xae: {  	[dreg:$0x2] =	wrdreg s24  }
0xaf: {  	[dreg:$0x3] =	wrdreg $0x2B000  }
0xb0: {  	[dreg:$0x4] =	wrdreg $0x9  }
0xb1: {  	_ =	task.clear_ibuf [dreg:s6], $0x5FFFF;
	_ =	strace $0x90000046  }
0xb2: {  	s29 =	simm.s32 $0x9;
	_ =	strace $0x80000048  }
0xb3: {  	_ =	swait.ge [sflag:s29], $0x1  }
0xb4: {  	[sflag:s29] =	ssyncadd.s32 $0xFFFFFFFF  }
0xb5: {  	_ =	strace $0x90000048  }
0xb6: {  	_ =	sfence  }
0xb7: {  	s30 =	sld [smem:$0x0];
	_ =	sdelay $0x2  }
0xb8: {  	s31 =	sshll.u32 s1, $0xD;
	s1 =	sshrl.u32 s1, $0x2  }
0xb9: {  	s3 =	sand.u32 $0x4000, s31;
	s1 =	sadd.s32 s1, s30  }
0xba: {  	s0 =	sor.u32 s3, s0;
	s1 =	sshll.u32 s1, $0x11  }
0xbb: {  	s0 =	sor.u32 s1, s0  }
0xbc: {  	s0 =	sadd.s32 $0x8F2B, s0  }
0xbd: {  	[sflag:s0] =	ssyncadd.remote.s32 $0x1  }
0xbe: {  	_ =	sfence.sel $0xFFFF  }
0xbf: {  	[dreg:$0x0] =	wrdreg $0xFFFFFFFF;
	(pc) =	sbr.abs _section_cstart, $3  }
0xc0: {  	[dreg:$0x1] =	wrdreg $0xFFFFFFFF  }
0xc1: {  	_ =	task.clear_ibuf [dreg:s6], $0x2FFFF;
	_ =	strace $0x9FFFFFFF  }
0xc2: {  	(tm) =	ssettm $0x7FFFFFFF  }
0xc3: {  	_ =	shalt  }
tec
execute0_lowered:
.L_overlay_start_1:
0x0: {  	(tag) =	ssettag $0x1  }
0x1: {  	s0 =	srdreg.scid  }
0x2: {  	s4 =	rddreg [dreg:$0x0];
	s21 =	stileid.u32  }
0x3: {  	s1 =	rddreg [dreg:$0x1];
	s2 =	simm.s32 $0x0;
	s22 =	simm.s32 $0x2800  }
0x4: {  	s23 =	simm.s32 $0x7D;
	s3 =	sand.u32 $0x1, s0;
	s0 =	rddreg [dreg:$0x2]  }
0x5: {  	s24 =	simm.s32 $0x2A80;
	s26 =	simm.s32 $0x0;
	[smem:$0x7FF] =	sst s2  }
0x6: {  	s8 =	sadd.s32 $0xC80, s1;
	s9 =	sadd.s32 $0xF00, s1;
	s10 =	sadd.s32 $0x1180, s1  }
0x7: {  	s11 =	sadd.s32 $0x1400, s1;
	s12 =	sadd.s32 $0x1680, s1;
	s13 =	sadd.s32 $0x1900, s1  }
0x8: {  	s14 =	sadd.s32 $0x1B80, s1;
	s15 =	sadd.s32 $0x1E00, s1;
	s16 =	sadd.s32 $0x2080, s1  }
0x9: {  	s17 =	sadd.s32 $0x2300, s1;
	s18 =	sadd.s32 $0x2580, s1;
	p0 =	sne.s32 s21, $0x0  }
0xa: {  	s5 =	sshll.u32 s3, $0x4;
	s3 =	ssub.s32 $0x2, s3;
	_ =	strace $0x80000047  }
0xb: {  	s25 =	sshrl.u32 @!p0 s1, $0x3;
	s6 =	sor.u32 s21, s5;
	s7 =	sshrl.u32 s3, $0x1  }
0xc: {  	s19 =	sadd.s32 s5, s4;
	s5 =	sadd.s32 $0x500, s1;
	s6 =	smul.u32 $0x500, s6  }
0xd: {  	s21 =	simm.s32 $0x1;
	s20 =	ssub.s32 s3, s7;
	s7 =	sadd.s32 $0xA00, s1  }
0xe: {  	s19 =	sadd.s32 $0x10A00, s19;
	s20 =	smax.u32 s20, $0x1;
	s6 =	sadd.s32 s6, s4  }
0xf: {  	v0 =	vimm.f32 $0.0e+00;
	v1 =	vimm.f32 $1.000000000e+00;
	s4 =	sadd.s32 $0x280, s1;
	s3 =	sadd.s32 $0x6A00, s6;
	s6 =	sadd.s32 $0x780, s1  }
.LBB2_1:
0x10: {  	[tilespmem:s2], [sflag:$0x1] =	stream.linear.gather [hbm4b:s3+s2], $0x2800, $0x38;
	[tilespmem:$0x2D78] =	vst v63  }
0x11: {  	_ =	swait.ge [sflag:s21], $0x2800  }
0x12: {  	[sflag:s21] =	ssyncset.done $0x0  }
0x13: {  	[sflag:s21] =	ssyncadd.s32 $0xFFFFD800  }
0x14: {  	[tilespmem:$0x2800] =	vst v0  }
0x15: {  	[tilespmem:$0x2810] =	vst v0  }
0x16: {  	[tilespmem:$0x2820] =	vst v0  }
0x17: {  	[tilespmem:$0x2830] =	vst v0  }
0x18: {  	[tilespmem:$0x2840] =	vst v0  }
0x19: {  	[tilespmem:$0x2850] =	vst v0  }
0x1a: {  	[tilespmem:$0x2860] =	vst v0  }
0x1b: {  	[tilespmem:$0x2870] =	vst v0  }
0x1c: {  	[tilespmem:$0x2880] =	vst v0  }
0x1d: {  	[tilespmem:$0x2890] =	vst v0  }
0x1e: {  	[tilespmem:$0x28A0] =	vst v0  }
0x1f: {  	[tilespmem:$0x28B0] =	vst v0  }
0x20: {  	[tilespmem:$0x28C0] =	vst v0  }
0x21: {  	[tilespmem:$0x28D0] =	vst v0  }
0x22: {  	[tilespmem:$0x28E0] =	vst v0  }
0x23: {  	[tilespmem:$0x28F0] =	vst v0  }
0x24: {  	[tilespmem:$0x2900] =	vst v0  }
0x25: {  	[tilespmem:$0x2910] =	vst v0  }
0x26: {  	[tilespmem:$0x2920] =	vst v0  }
0x27: {  	[tilespmem:$0x2930] =	vst v0  }
0x28: {  	[tilespmem:$0x2940] =	vst v0  }
0x29: {  	[tilespmem:$0x2950] =	vst v0  }
0x2a: {  	[tilespmem:$0x2960] =	vst v0  }
0x2b: {  	[tilespmem:$0x2970] =	vst v0  }
0x2c: {  	[tilespmem:$0x2980] =	vst v0  }
0x2d: {  	[tilespmem:$0x2990] =	vst v0  }
0x2e: {  	[tilespmem:$0x29A0] =	vst v0  }
0x2f: {  	[tilespmem:$0x29B0] =	vst v0  }
0x30: {  	[tilespmem:$0x29C0] =	vst v0  }
0x31: {  	[tilespmem:$0x29D0] =	vst v0  }
0x32: {  	[tilespmem:$0x29E0] =	vst v0  }
0x33: {  	[tilespmem:$0x29F0] =	vst v0  }
0x34: {  	[tilespmem:$0x2A00] =	vst v0  }
0x35: {  	[tilespmem:$0x2A10] =	vst v0  }
0x36: {  	[tilespmem:$0x2A20] =	vst v0  }
0x37: {  	[tilespmem:$0x2A30] =	vst v0  }
0x38: {  	[tilespmem:$0x2A40] =	vst v0  }
0x39: {  	[tilespmem:$0x2A50] =	vst v0  }
0x3a: {  	[tilespmem:$0x2A60] =	vst v0  }
0x3b: {  	[tilespmem:$0x2A70] =	vst v0  }
0x3c: {  	[tilespmem:$0x2A80] =	vst v1  }
0x3d: {  	[tilespmem:$0x2A90] =	vst v1  }
0x3e: {  	[tilespmem:$0x2AA0] =	vst v1  }
.Ltmp0:
0x3f: {  	[tilespmem:$0x2AB0] =	vst v1;
	(pc) =	sbr.rel @p0 .LBB2_3-.Ltmp0, $4  }
0x40: {  	[tilespmem:$0x2AC0] =	vst v1  }
0x41: {  	[tilespmem:$0x2AD0] =	vst v1  }
0x42: {  	[tilespmem:$0x2AE0] =	vst v1  }
0x43: {  	[tilespmem:$0x2AF0] =	vst v1  }
0x44: {  	[spmem:s1] =	stream.linear.scatter [tilespmem:s22], [sflag:$0x1], $0x280, $0x38;
	[tilespmem:$0x2D78] =	vst v63  }
0x45: {  	_ =	swait.ge [sflag:s21], $0x280  }
0x46: {  	[sflag:s21] =	ssyncset.done $0x0  }
0x47: {  	[sflag:s21] =	ssyncadd.s32 $0xFFFFFD80  }
0x48: {  	[spmem:s4] =	stream.linear.scatter [tilespmem:s22], [sflag:$0x1], $0x280, $0x38;
	[tilespmem:$0x2D78] =	vst v63  }
0x49: {  	_ =	swait.ge [sflag:s21], $0x280  }
0x4a: {  	[sflag:s21] =	ssyncset.done $0x0  }
0x4b: {  	[sflag:s21] =	ssyncadd.s32 $0xFFFFFD80  }
0x4c: {  	[spmem:s5] =	stream.linear.scatter [tilespmem:s22], [sflag:$0x1], $0x280, $0x38;
	[tilespmem:$0x2D78] =	vst v63  }
0x4d: {  	_ =	swait.ge [sflag:s21], $0x280  }
0x4e: {  	[sflag:s21] =	ssyncset.done $0x0  }
0x4f: {  	[sflag:s21] =	ssyncadd.s32 $0xFFFFFD80  }
0x50: {  	[spmem:s6] =	stream.linear.scatter [tilespmem:s22], [sflag:$0x1], $0x280, $0x38;
	[tilespmem:$0x2D78] =	vst v63  }
0x51: {  	_ =	swait.ge [sflag:s21], $0x280  }
0x52: {  	[sflag:s21] =	ssyncset.done $0x0  }
0x53: {  	[sflag:s21] =	ssyncadd.s32 $0xFFFFFD80  }
0x54: {  	[spmem:s7] =	stream.linear.scatter [tilespmem:s22], [sflag:$0x1], $0x280, $0x38;
	[tilespmem:$0x2D78] =	vst v63  }
0x55: {  	_ =	swait.ge [sflag:s21], $0x280  }
0x56: {  	[sflag:s21] =	ssyncset.done $0x0  }
0x57: {  	[sflag:s21] =	ssyncadd.s32 $0xFFFFFD80  }
0x58: {  	[spmem:s8] =	stream.linear.scatter [tilespmem:s22], [sflag:$0x1], $0x280, $0x38;
	[tilespmem:$0x2D78] =	vst v63  }
0x59: {  	_ =	swait.ge [sflag:s21], $0x280  }
0x5a: {  	[sflag:s21] =	ssyncset.done $0x0  }
0x5b: {  	[sflag:s21] =	ssyncadd.s32 $0xFFFFFD80  }
0x5c: {  	[spmem:s9] =	stream.linear.scatter [tilespmem:s22], [sflag:$0x1], $0x280, $0x38;
	[tilespmem:$0x2D78] =	vst v63  }
0x5d: {  	_ =	swait.ge [sflag:s21], $0x280  }
0x5e: {  	[sflag:s21] =	ssyncset.done $0x0  }
0x5f: {  	[sflag:s21] =	ssyncadd.s32 $0xFFFFFD80  }
0x60: {  	[spmem:s10] =	stream.linear.scatter [tilespmem:s22], [sflag:$0x1], $0x280, $0x38;
	[tilespmem:$0x2D78] =	vst v63  }
0x61: {  	_ =	swait.ge [sflag:s21], $0x280  }
0x62: {  	[sflag:s21] =	ssyncset.done $0x0  }
0x63: {  	[sflag:s21] =	ssyncadd.s32 $0xFFFFFD80  }
0x64: {  	[spmem:s11] =	stream.linear.scatter [tilespmem:s22], [sflag:$0x1], $0x280, $0x38;
	[tilespmem:$0x2D78] =	vst v63  }
0x65: {  	_ =	swait.ge [sflag:s21], $0x280  }
0x66: {  	[sflag:s21] =	ssyncset.done $0x0  }
0x67: {  	[sflag:s21] =	ssyncadd.s32 $0xFFFFFD80  }
0x68: {  	[spmem:s12] =	stream.linear.scatter [tilespmem:s22], [sflag:$0x1], $0x280, $0x38;
	[tilespmem:$0x2D78] =	vst v63  }
0x69: {  	_ =	swait.ge [sflag:s21], $0x280  }
0x6a: {  	[sflag:s21] =	ssyncset.done $0x0  }
0x6b: {  	[sflag:s21] =	ssyncadd.s32 $0xFFFFFD80  }
0x6c: {  	[spmem:s13] =	stream.linear.scatter [tilespmem:s22], [sflag:$0x1], $0x280, $0x38;
	[tilespmem:$0x2D78] =	vst v63  }
0x6d: {  	_ =	swait.ge [sflag:s21], $0x280  }
0x6e: {  	[sflag:s21] =	ssyncset.done $0x0  }
0x6f: {  	[sflag:s21] =	ssyncadd.s32 $0xFFFFFD80  }
0x70: {  	[spmem:s14] =	stream.linear.scatter [tilespmem:s22], [sflag:$0x1], $0x280, $0x38;
	[tilespmem:$0x2D78] =	vst v63  }
0x71: {  	_ =	swait.ge [sflag:s21], $0x280  }
0x72: {  	[sflag:s21] =	ssyncset.done $0x0  }
0x73: {  	[sflag:s21] =	ssyncadd.s32 $0xFFFFFD80  }
0x74: {  	[spmem:s15] =	stream.linear.scatter [tilespmem:s22], [sflag:$0x1], $0x280, $0x38;
	[tilespmem:$0x2D78] =	vst v63  }
0x75: {  	_ =	swait.ge [sflag:s21], $0x280  }
0x76: {  	[sflag:s21] =	ssyncset.done $0x0  }
0x77: {  	[sflag:s21] =	ssyncadd.s32 $0xFFFFFD80  }
0x78: {  	[spmem:s16] =	stream.linear.scatter [tilespmem:s22], [sflag:$0x1], $0x280, $0x38;
	[tilespmem:$0x2D78] =	vst v63  }
0x79: {  	_ =	swait.ge [sflag:s21], $0x280  }
0x7a: {  	[sflag:s21] =	ssyncset.done $0x0  }
0x7b: {  	[sflag:s21] =	ssyncadd.s32 $0xFFFFFD80  }
0x7c: {  	[spmem:s17] =	stream.linear.scatter [tilespmem:s22], [sflag:$0x1], $0x280, $0x38;
	[tilespmem:$0x2D78] =	vst v63  }
0x7d: {  	_ =	swait.ge [sflag:s21], $0x280  }
0x7e: {  	[sflag:s21] =	ssyncset.done $0x0  }
0x7f: {  	[sflag:s21] =	ssyncadd.s32 $0xFFFFFD80  }
0x80: {  	[spmem:s18] =	stream.linear.scatter [tilespmem:s22], [sflag:$0x1], $0x190, $0x38;
	[tilespmem:$0x2D78] =	vst v63  }
0x81: {  	_ =	swait.ge [sflag:s21], $0x190  }
0x82: {  	[sflag:s21] =	ssyncset.done $0x0  }
0x83: {  	[sflag:s21] =	ssyncadd.s32 $0xFFFFFE70  }
.LBB2_3:
0x84: {  	[bflag:$0x0] =	sbarrier.arrive $0xFFFF;
	s28 =	simm.s32 $0x0  }
0x85: {  	[spmem:s1] =	stream.indirect.scatter.add.f32 [tilespmem:s24], [sflag:$0x1], $0x1, s28, s23, $0xb8;
	[tilespmem:$0x2D78] =	vst v63  }
0x86: {  	_ =	swait.ge [sflag:s21], $0x7D  }
0x87: {  	s28 =	simm.s32 $0x200;
	[sflag:s21] =	ssyncset.done $0x0  }
.LBB2_4:
0x88: {  	s29 =	sshra.s32 s28, $0x2;
	[sflag:s21] =	ssyncadd.s32 $0xFFFFFF83;
	p1 =	sne.s32 s28, $0x9E00  }
0x89: {  	[spmem:s1] =	stream.indirect.scatter.add.f32 [tilespmem:s24], [sflag:$0x1], $0x1, s29, s23, $0xb8;
	[tilespmem:$0x2D78] =	vst v63  }
.Ltmp1:
0x8a: {  	_ = 	snop;
	(pc) =	sbr.rel @p1 .LBB2_4-.Ltmp1, $4  }
0x8b: {  	_ = 	snop  }
0x8c: {  	s28 =	sadd.s32 $0x200, s28  }
0x8d: {  	_ =	swait.ge [sflag:s21], $0x7D  }
0x8e: {  	[sflag:s21] =	ssyncset.done $0x0  }
0x8f: {  	[sflag:s21] =	ssyncadd.s32 $0xFFFFFF83;
	s28 =	simm.s32 @!p0 $0x1;
	s26 =	sadd.s32 $0x1, s26  }
0x90: {  	s29 =	simm.s32 @!p0 $0x20;
	s30 =	simm.s32 @!p0 $0x10;
	p1 =	sne.s32 s26, s20  }
.Ltmp2:
0x91: {  	s31 =	simm.s32 @!p0 $0x1C01;
	[bflag:$0x0] =	sbarrier.arrive $0xFFFF;
	(pc) =	sbr.rel @p1 .LBB2_1-.Ltmp2, $4  }
0x92: {  	[hbm:s19@s29], [sflag:s31] =	dma.strided @!p0 [spmem:s25@s30], $0x4F0, s28, $0x10   }
0x93: {  	_ =	swait.ge @!p0 [sflag:s28], $0x4F0  }
0x94: {  	[sflag:s28] =	ssyncset.done @!p0 $0x0  }
0x95: {  	[sflag:s28] =	ssyncadd.s32 @!p0 $0xFFFFFB10  }
0x96: {  	_ =	sfence.sel $0x180000  }
0x97: {  	[bflag:$0x0] =	sbarrier.arrive $0xFFFF  }
0x98: {  	_ =	strace $0x90000047  }
0x99: {  	s0 =	sadd.s32 @!p0 $0x100000, s0;
	[bflag:$0x2] =	sbarrier.arrive $0xFFFF  }
0x9a: {  	[sflag:s0] =	ssyncadd.tile.s32 @!p0 $0x1;
	_ =	shalt  }
.Lfunc_end2:
_tile_overlayer_lowered:
.L_overlay_start_2:
0x9b: {  	(tag) =	ssettag $0x2  }
0x9c: {  	s0 =	rddreg [dreg:$0x0];
	s2 =	stileid.u32  }
0x9d: {  	s1 =	rddreg [dreg:$0x1];
	p0 =	sne.s32 s2, $0x0  }
0x9e: {  	s3 =	rddreg [dreg:$0x2];
	[bflag:$0x3] =	sbarrier.arrive $0xFFFF;
	s2 =	simm.s32 @!p0 $0x1C01  }
0x9f: {  	[timem:s3], [sflag:s2] =	dma.local @!p0 [hbm:s0], s1  }
0xa0: {  	s0 =	simm.s32 @!p0 $0x1  }
0xa1: {  	_ =	swait.ge @!p0 [sflag:s0], s1  }
0xa2: {  	s1 =	ssub.s32 @!p0 $0x0, s1;
	[sflag:s0] =	ssyncset.done @!p0 $0x0  }
0xa3: {  	[sflag:s0] =	ssyncadd.s32 @!p0 s1  }
0xa4: {  	[bflag:$0x3] =	sbarrier.arrive $0xFFFF  }
0xa5: {  	_ =	shalt  }

// kernel: kernel.14.cloned.1.call-start
scs
__scs_entry_jumppad:
0x0: {  	(pc) =	sbr.rel $0x88, $3  }
0x1: {  	(tag) =	ssettag $0x0;
	lr =	simm.s32 $0x1  }
0x2: {  	[smem:$0x3F97] =	sst lr;
	_ =	strace $0xD0000000  }
0x3: {  	_ = 	snop  }
0x4: {  	_ = 	snop  }
0x5: {  	_ = 	snop  }
0x6: {  	_ = 	snop  }
0x7: {  	_ = 	snop  }
__scs_overlays_trampoline_lowered:
0x8: {  	[smem:$0x3FA6] =	sst s0  }
0x9: {  	[smem:$0x3FA7] =	sst s1  }
0xa: {  	[smem:$0x3FA8] =	sst s2  }
0xb: {  	[smem:$0x3FA9] =	sst s3  }
0xc: {  	[smem:$0x3FAA] =	sst s4  }
0xd: {  	[smem:$0x3FAB] =	sst s5  }
0xe: {  	[smem:$0x3FAC] =	sst s6  }
0xf: {  	[smem:$0x3FAD] =	sst s7  }
0x10: {  	[smem:$0x3FAE] =	sst s8  }
0x11: {  	[smem:$0x3FAF] =	sst s9;
	s0 =	simm.s32 @!p0 $0x0  }
0x12: {  	s1 =	sld [smem:$0x3F95];
	s0 =	simm.s32 @p0 $0x1  }
0x13: {  	[smem:$0x3FB0] =	sst s0;
	s0 =	simm.s32 @!p1 $0x0  }
0x14: {  	s2 =	sld [smem:$0x3F94];
	s0 =	simm.s32 @p1 $0x1  }
0x15: {  	[smem:$0x3FB1] =	sst s0;
	s0 =	simm.s32 @!p2 $0x0  }
0x16: {  	s3 =	sld [smem:$0x3FDB];
	s0 =	simm.s32 @p2 $0x1  }
0x17: {  	s4 =	simm.s32 $0x1BF5;
	[smem:$0x3FB3] =	sst s0  }
0x18: {  	s0 =	sld [smem:$0x3F96];
	_ =	swait.ge [sflag:s4], $0x0  }
0x19: {  	s7 =	sld [smem:$0x3F97]  }
0x1a: {  	s8 =	sadd.s32 $0xFFFFE003, lr  }
0x1b: {  	s9 =	sadd.s32 $0xFFFFFEF7, lr;
	s5 =	simm.s32 $0xFFFFFFFF;
	p2 =	slt.u32 s8, $0xFFFFF086  }
0x1c: {  	p1 =	slt.u32 s9, $0xF7A;
	s5 =	simm.s32 @!p2 $0x0  }
0x1d: {  	s5 =	simm.s32 @p1 $0x1;
	p0 =	seq.s32 s7, s2  }
0x1e: {  	s7 =	smul.u32 @!p0 $0xF7A, s2;
	p2 =	seq.s32 @!p0 s5, $0x0  }
0x1f: {  	s9 =	smul.u32 $0xF7A, s1;
	s8 =	simm.s32 @!p0 $0x1BF5;
	p2 =	por !p2, p0  }
0x20: {  	[sflag:s8] =	ssyncset.s32 @!p0 $0xFFFFF086;
	s6 =	sadd.s32 @!p0 s3, s7;
	s7 =	simm.s32 @!p0 $0x108  }
0x21: {  	s3 =	sadd.s32 s3, s9;
	s6 =	sadd.s32 @!p0 $0x88, s6;
	s7 =	simm.s32 @p2 $0x1082  }
0x22: {  	[simem:s7], [sflag:s8] =	dma.local @!p0 [hbm:s6], $0xF7A  }
0x23: {  	s9 =	sor.u32 $0xD0000000, s2;
	s6 =	simm.s32 $0x108;
	_ =	swait.ge @!p0 [sflag:s8], $0x0  }
0x24: {  	s3 =	sadd.s32 $0x88, s3;
	s6 =	simm.s32 @!p1 $0x1082;
	[sflag:s4] =	ssyncset.s32 $0xFFFFF086  }
0x25: {  	[simem:s6], [sflag:s4] =	dma.local [hbm:s3], $0xF7A  }
0x26: {  	[smem:$0x3F97] =	sst s1;
	(tag) =	ssettag s2;
	_ =	strace s9  }
0x27: {  	s1 =	sld [smem:$0x3FA7]  }
0x28: {  	s2 =	sld [smem:$0x3FA8]  }
0x29: {  	s4 =	sld [smem:$0x3FAA]  }
0x2a: {  	p0 =	seq.s32 s5, $0x0;
	s5 =	sld [smem:$0x3FAB]  }
0x2b: {  	s6 =	sld [smem:$0x3FAC]  }
0x2c: {  	s7 =	sld [smem:$0x3FAD]  }
0x2d: {  	s3 =	simm.s32 $0x108;
	s8 =	sld [smem:$0x3FAE]  }
0x2e: {  	s3 =	simm.s32 @!p0 $0x1082;
	s9 =	sld [smem:$0x3FAF]  }
0x2f: {  	lr =	sadd.s32 s0, s3;
	s0 =	sld [smem:$0x3FA6]  }
0x30: {  	s3 =	sld [smem:$0x3FA9]  }
0x31: {  	[smem:$0x3FB2] =	sst s10  }
0x32: {  	s10 =	sld [smem:$0x3FB0];
	_ =	sdelay $0x3  }
0x33: {  	p0 =	seq.s32 s10, $0x1;
	s10 =	sld [smem:$0x3FB2];
	_ =	sdelay $0x3  }
0x34: {  	[smem:$0x3FB2] =	sst s10  }
0x35: {  	s10 =	sld [smem:$0x3FB1];
	_ =	sdelay $0x3  }
0x36: {  	p1 =	seq.s32 s10, $0x1;
	s10 =	sld [smem:$0x3FB2];
	_ =	sdelay $0x3  }
0x37: {  	[smem:$0x3FB2] =	sst s10  }
0x38: {  	s10 =	sld [smem:$0x3FB3]  }
0x39: {  	_ = 	snop;
	(pc) =	sbr.ind lr, $3  }
0x3a: {  	_ = 	snop  }
0x3b: {  	_ = 	snop  }
0x3c: {  	p2 =	seq.s32 s10, $0x1;
	s10 =	sld [smem:$0x3FB2]  }
0x3d: {  	_ =	shalt  }
0x3e: {  	_ =	shalt  }
0x3f: {  	_ =	shalt  }
0x40: {  	_ =	shalt  }
0x41: {  	_ =	shalt  }
0x42: {  	_ =	shalt  }
0x43: {  	_ =	shalt  }
0x44: {  	_ =	shalt  }
0x45: {  	_ =	shalt  }
0x46: {  	_ =	shalt  }
0x47: {  	_ =	shalt  }
0x48: {  	_ =	shalt  }
0x49: {  	_ =	shalt  }
0x4a: {  	_ =	shalt  }
0x4b: {  	_ =	shalt  }
0x4c: {  	_ =	shalt  }
0x4d: {  	_ =	shalt  }
0x4e: {  	_ =	shalt  }
0x4f: {  	_ =	shalt  }
0x50: {  	_ =	shalt  }
0x51: {  	_ =	shalt  }
0x52: {  	_ =	shalt  }
0x53: {  	_ =	shalt  }
0x54: {  	_ =	shalt  }
0x55: {  	_ =	shalt  }
0x56: {  	_ =	shalt  }
0x57: {  	_ =	shalt  }
0x58: {  	_ =	shalt  }
0x59: {  	_ =	shalt  }
0x5a: {  	_ =	shalt  }
0x5b: {  	_ =	shalt  }
0x5c: {  	_ =	shalt  }
0x5d: {  	_ =	shalt  }
0x5e: {  	_ =	shalt  }
0x5f: {  	_ =	shalt  }
0x60: {  	_ =	shalt  }
0x61: {  	_ =	shalt  }
0x62: {  	_ =	shalt  }
0x63: {  	_ =	shalt  }
0x64: {  	_ =	shalt  }
0x65: {  	_ =	shalt  }
0x66: {  	_ =	shalt  }
0x67: {  	_ =	shalt  }
0x68: {  	_ =	shalt  }
0x69: {  	_ =	shalt  }
0x6a: {  	_ =	shalt  }
0x6b: {  	_ =	shalt  }
0x6c: {  	_ =	shalt  }
0x6d: {  	_ =	shalt  }
0x6e: {  	_ =	shalt  }
0x6f: {  	_ =	shalt  }
0x70: {  	_ =	shalt  }
0x71: {  	_ =	shalt  }
0x72: {  	_ =	shalt  }
0x73: {  	_ =	shalt  }
0x74: {  	_ =	shalt  }
0x75: {  	_ =	shalt  }
0x76: {  	_ =	shalt  }
0x77: {  	_ =	shalt  }
0x78: {  	_ =	shalt  }
0x79: {  	_ =	shalt  }
0x7a: {  	_ =	shalt  }
0x7b: {  	_ =	shalt  }
0x7c: {  	_ =	shalt  }
0x7d: {  	_ =	shalt  }
0x7e: {  	_ =	shalt  }
0x7f: {  	_ =	shalt  }
0x80: {  	_ =	shalt  }
0x81: {  	_ =	shalt  }
0x82: {  	_ =	shalt  }
0x83: {  	_ =	shalt  }
0x84: {  	_ =	shalt  }
0x85: {  	_ =	shalt  }
0x86: {  	_ =	shalt  }
0x87: {  	_ =	shalt  }
.Lfunc_end0:
.L_simem_size_0:
called_computation.1_lowered:
.L_overlay_start_0:
0x88: {  	s2 =	sld [smem:$0x3FD9]  }
0x89: {  	s3 =	sld [smem:$0x3FFE];
	_ =	sdelay $0x1  }
0x8a: {  	s1 =	srdreg.scid  }
0x8b: {  	s0 =	sand.u32 $0x1, s1  }
0x8c: {  	s16 =	sshll.u32 s0, $0xA;
	s2 =	sadd.s32 s3, s2  }
0x8d: {  	s2 =	sadd.s32 s2, s16  }
0x8e: {  	[smem:$0x3FBE] =	sst s2  }
0x8f: {  	_ = 	snop  }
0x90: {  	(tm) =	ssettm $0x1  }
0x91: {  	s17 =	sld [smem:$0x3FFB];
	_ =	sdelay $0x3  }
0x92: {  	_ =	strace s17  }
0x93: {  	s2 =	sld [smem:$0x3FFC];
	_ =	sdelay $0x3  }
0x94: {  	_ =	strace s2  }
0x95: {  	s2 =	sld [smem:$0x3FFD];
	_ =	sdelay $0x3  }
0x96: {  	_ =	strace s2  }
0x97: {  	_ =	strace $0x8FFFFFFF  }
0x98: {  	s18 =	sld [smem:$0x3FDB];
	_ =	sdelay $0x1  }
0x99: {  	s19 =	simm.s32 $_scs_section_size  }
0x9a: {  	s4 =	simm.s32 $_size__tile_overlayer_lowered;
	s5 =	simm.s32 $_tile_overlayer_lowered  }
0x9b: {  	s22 =	simm.s32 $0x1BFF;
	s21 =	sshll.u32 s5, $0x1;
	s2 =	sadd.s32 s19, s18  }
0x9c: {  	s6 =	simm.s32 $0x0;
	s20 =	sshll.u32 s4, $0x1;
	s4 =	sadd.s32 s21, s2  }
0x9d: {  	[timem:s6], [sflag:s22] =	dma.local [hbm:s4], s20  }
0x9e: {  	_ =	swait.ge [sflag:s22], s20  }
0x9f: {  	s3 =	ssub.s32 $0x0, s20;
	[sflag:s22] =	ssyncset.done $0x0  }
0xa0: {  	[sflag:s22] =	ssyncadd.s32 s3;
	_ =	sdelay $0x1  }
0xa1: {  	s23 =	simm.s32 $0x1B8B  }
0xa2: {  	_ =	swait.ge [sflag:s23], $0x1  }
0xa3: {  	[sflag:s23] =	ssyncset.done $0x0  }
0xa4: {  	s25 =	simm.s32 $0x1B8E;
	s24 =	sld [smem:$0x3FFE];
	[sflag:s23] =	ssyncadd.s32 $0xFFFFFFFF  }
0xa5: {  	s26 =	simm.s32 $execute0_lowered;
	[smem:$0x3FD2] =	sst s25  }
0xa6: {  	s4 =	sshll.u32 s26, $0x1;
	_ =	strace $0x80000049;
	[dreg:$0x1] =	wrdreg $0xFFFFFFFF  }
0xa7: {  	s28 =	simm.s32 $_size_execute0_lowered;
	s2 =	sadd.s32 s2, s4;
	[dreg:$0x0] =	wrdreg $0x0  }
0xa8: {  	s4 =	sshll.u32 s28, $0x1;
	[dreg:$0x2] =	wrdreg s2  }
0xa9: {  	[dreg:$0x3] =	wrdreg s4  }
0xaa: {  	[dreg:$0x4] =	wrdreg $0xC0  }
0xab: {  	_ =	task [dreg:s6], $0x5FFFF  }
0xac: {  	[dreg:$0x1] =	wrdreg $0xFFFFFFFF  }
0xad: {  	[dreg:$0x0] =	wrdreg $0x60  }
0xae: {  	[dreg:$0x2] =	wrdreg s24  }
0xaf: {  	[dreg:$0x3] =	wrdreg $0xAA000  }
0xb0: {  	[dreg:$0x4] =	wrdreg $0x9  }
0xb1: {  	_ =	task.clear_ibuf [dreg:s6], $0x5FFFF;
	_ =	strace $0x90000049  }
0xb2: {  	s29 =	simm.s32 $0x9;
	_ =	strace $0x8000004B  }
0xb3: {  	_ =	swait.ge [sflag:s29], $0x1  }
0xb4: {  	[sflag:s29] =	ssyncadd.s32 $0xFFFFFFFF  }
0xb5: {  	_ =	strace $0x9000004B  }
0xb6: {  	_ =	sfence  }
0xb7: {  	s30 =	sld [smem:$0x0];
	_ =	sdelay $0x2  }
0xb8: {  	s31 =	sshll.u32 s1, $0xD;
	s1 =	sshrl.u32 s1, $0x2  }
0xb9: {  	s3 =	sand.u32 $0x4000, s31;
	s1 =	sadd.s32 s1, s30  }
0xba: {  	s0 =	sor.u32 s3, s0;
	s1 =	sshll.u32 s1, $0x11  }
0xbb: {  	s0 =	sor.u32 s1, s0  }
0xbc: {  	s0 =	sadd.s32 $0x8F2B, s0  }
0xbd: {  	[sflag:s0] =	ssyncadd.remote.s32 $0x1  }
0xbe: {  	_ =	sfence.sel $0xFFFF  }
0xbf: {  	[dreg:$0x0] =	wrdreg $0xFFFFFFFF;
	(pc) =	sbr.abs _section_cstart, $3  }
0xc0: {  	[dreg:$0x1] =	wrdreg $0xFFFFFFFF  }
0xc1: {  	_ =	task.clear_ibuf [dreg:s6], $0x2FFFF;
	_ =	strace $0x9FFFFFFF  }
0xc2: {  	(tm) =	ssettm $0x7FFFFFFF  }
0xc3: {  	_ =	shalt  }
tec
execute0_lowered:
.L_overlay_start_1:
0x0: {  	(tag) =	ssettag $0x1  }
0x1: {  	s0 =	srdreg.scid  }
0x2: {  	s1 =	rddreg [dreg:$0x0];
	s10 =	stileid.u32  }
0x3: {  	s2 =	rddreg [dreg:$0x1];
	s0 =	sand.u32 $0x1, s0;
	s8 =	smul.u32 $0x13C00, s10  }
0x4: {  	s28 =	simm.s32 $0x2A00;
	s3 =	sshll.u32 s0, $0x4;
	s7 =	smul.u32 $0x13C000, s0  }
0x5: {  	s29 =	simm.s32 $0x4;
	s4 =	sor.u32 s10, s3;
	s10 =	smul.u32 $0x4E200, s10  }
0x6: {  	s30 =	simm.s32 $0x7;
	s5 =	sadd.s32 $0x90A00, s1;
	s4 =	smul.u32 $0x2800, s4  }
0x7: {  	s6 =	sadd.s32 $0x11400, s1;
	s3 =	simm.s32 $0x0;
	s7 =	sadd.s32 s8, s7  }
0x8: {  	s7 =	sshrl.u32 s7, $0x3;
	s10 =	sshrl.u32 s10, $0x2;
	s9 =	sshrl.u32 s4, $0x3  }
0x9: {  	s11 =	sadd.s32 s9, s1;
	s1 =	sadd.s32 s7, s1;
	s7 =	sadd.s32 s10, s2  }
0xa: {  	s31 =	simm.s32 $0x1;
	[smem:$0x7FF] =	sst s3;
	s19 =	sadd.s32 $0x3E80, s7  }
0xb: {  	_ =	strace $0x8000004A;
	s20 =	sadd.s32 $0x7D00, s7;
	[dreg:$0x3] =	wrdreg s19  }
0xc: {  	s0 =	ssub.s32 $0x2, s0;
	s21 =	sadd.s32 $0xBB80, s7;
	[dreg:$0x4] =	wrdreg s20  }
0xd: {  	s18 =	sshrl.u32 s0, $0x1;
	s22 =	sadd.s32 $0xFA00, s7;
	[dreg:$0x5] =	wrdreg s21  }
0xe: {  	s13 =	sadd.s32 s6, s9;
	s23 =	sadd.s32 $0x6A00, s11;
	[dreg:$0x6] =	wrdreg s22  }
0xf: {  	s0 =	ssub.s32 s0, s18;
	s24 =	sadd.s32 $0x10, s13;
	[dreg:$0x7] =	wrdreg s23  }
0x10: {  	s8 =	simm.s32 $0x6;
	s25 =	sadd.s32 $0x20, s13;
	[dreg:$0x8] =	wrdreg s24  }
0x11: {  	s18 =	smax.u32 s0, $0x1;
	s26 =	sadd.s32 $0x30, s13;
	[dreg:$0x9] =	wrdreg s25  }
.Ltmp0:
0x12: {  	s1 =	sadd.s32 $0xB7C00, s1;
	[dreg:$0xa] =	wrdreg s26;
	(pc) =	sbr.rel .LBB2_1-.Ltmp0, $4  }
0x13: {  	s0 =	simm.s32 $0x2;
	s9 =	simm.s32 $0x0;
	[dreg:$0xb] =	wrdreg s1  }
0x14: {  	s19 =	simm.s32 $0x6A00;
	s20 =	simm.s32 $0x8;
	s21 =	simm.s32 $0x2800  }
0x15: {  	s22 =	simm.s32 $0x2880;
	s23 =	simm.s32 $0x2900;
	s24 =	simm.s32 $0x2980  }
0x16: {  	v0 =	vimm.f32 $0.0e+00;
	s25 =	simm.s32 $0x3;
	s26 =	simm.s32 $0x7D;
	s1 =	simm.s32 $0x5  }
.LBB2_6:
0x17: {  	s10 =	stileid.u32;
	[bflag:$0x0] =	sbarrier.arrive $0xFFFF;
	s9 =	sadd.s32 $0x1, s9  }
0x18: {  	s11 =	sshrl.u32 s7, $0x3;
	s10 =	sshll.u32 s10, $0x6;
	p0 =	sne.s32 s9, s18  }
.Ltmp1:
0x19: {  	s12 =	rddreg [dreg:$0xb];
	s10 =	sor.u32 $0x1C08, s10;
	(pc) =	sbr.rel @!p0 .LBB2_7-.Ltmp1, $4  }
0x1a: {  	[hbm:s12], [sflag:s10] =	dma.local [spmem:s11], $0x2710  }
0x1b: {  	_ =	swait.ge [sflag:s20], $0x2710  }
0x1c: {  	[sflag:s20] =	ssyncset.done $0x0  }
0x1d: {  	[sflag:s20] =	ssyncadd.s32 $0xFFFFD8F0  }
.LBB2_1:
0x1e: {  	s10 =	simm.s32 $0x0;
	s11 =	simm.s32 $0x200  }
.LBB2_2:
0x1f: {  	p0 =	sne.s32 s11, $0xF800;
	[tilespmem:s10+$0x6A70] =	vst v0  }
0x20: {  	[tilespmem:s10+$0x6A00] =	vst v0  }
0x21: {  	[tilespmem:s10+$0x6A10] =	vst v0  }
.Ltmp2:
0x22: {  	[tilespmem:s10+$0x6A20] =	vst v0;
	(pc) =	sbr.rel @p0 .LBB2_2-.Ltmp2, $4  }
0x23: {  	[tilespmem:s10+$0x6A30] =	vst v0  }
0x24: {  	[tilespmem:s10+$0x6A40] =	vst v0  }
0x25: {  	[tilespmem:s10+$0x6A50] =	vst v0  }
0x26: {  	[tilespmem:s10+$0x6A60] =	vst v0;
	s10 =	sshra.s32 s11, $0x2;
	s11 =	sadd.s32 $0x200, s11  }
0x27: {  	[tilespmem:s10+$0x6A70] =	vst v0  }
0x28: {  	[tilespmem:s10+$0x6A00] =	vst v0  }
0x29: {  	[tilespmem:s10+$0x6A10] =	vst v0  }
0x2a: {  	[tilespmem:s10+$0x6A20] =	vst v0  }
0x2b: {  	[tilespmem:s10+$0x6A30] =	vst v0  }
0x2c: {  	[tilespmem:s10+$0x6A40] =	vst v0  }
0x2d: {  	[tilespmem:s10+$0x6A50] =	vst v0  }
0x2e: {  	[tilespmem:s10+$0x6A60] =	vst v0  }
0x2f: {  	[spmem:s7] =	stream.linear.scatter [tilespmem:s19], [sflag:$0x7], $0x3E80, $0x38;
	[tilespmem:$0x1E280] =	vst v63  }
0x30: {  	s16 =	rddreg [dreg:$0x3]  }
0x31: {  	[spmem:s16] =	stream.linear.scatter [tilespmem:s19], [sflag:$0x7], $0x3E80, $0x38;
	[tilespmem:$0x1E280] =	vst v63  }
0x32: {  	s17 =	rddreg [dreg:$0x4]  }
0x33: {  	[spmem:s17] =	stream.linear.scatter [tilespmem:s19], [sflag:$0x7], $0x3E80, $0x38;
	[tilespmem:$0x1E280] =	vst v63  }
0x34: {  	s11 =	rddreg [dreg:$0x5]  }
0x35: {  	[spmem:s11] =	stream.linear.scatter [tilespmem:s19], [sflag:$0x7], $0x3E80, $0x38;
	[tilespmem:$0x1E280] =	vst v63  }
0x36: {  	s12 =	rddreg [dreg:$0x6]  }
0x37: {  	[spmem:s12] =	stream.linear.scatter [tilespmem:s19], [sflag:$0x7], $0x3E80, $0x38;
	[tilespmem:$0x1E280] =	vst v63  }
0x38: {  	s14 =	rddreg [dreg:$0x7]  }
0x39: {  	[tilespmem:s3], [sflag:$0x8] =	stream.linear.gather [hbm4b:s14+s3], $0x2800, $0x38;
	[tilespmem:$0x1E280] =	vst v63  }
0x3a: {  	_ =	swait.ge [sflag:s20], $0x2800  }
0x3b: {  	[sflag:s20] =	ssyncset.done $0x0  }
0x3c: {  	[sflag:s20] =	ssyncadd.s32 $0xFFFFD800  }
0x3d: {  	[tilespmem:s21], [sflag:$0x3] =	stream.linear.gather [hbm4b:s13+s3], $0x80, $0x38;
	[tilespmem:$0x1E280] =	vst v63  }
0x3e: {  	s15 =	rddreg [dreg:$0x8]  }
0x3f: {  	[tilespmem:s22], [sflag:$0x4] =	stream.linear.gather [hbm4b:s15+s3], $0x80, $0x38;
	[tilespmem:$0x1E280] =	vst v63  }
0x40: {  	s16 =	rddreg [dreg:$0x9]  }
0x41: {  	[tilespmem:s23], [sflag:$0x5] =	stream.linear.gather [hbm4b:s16+s3], $0x80, $0x38;
	[tilespmem:$0x1E280] =	vst v63  }
0x42: {  	s17 =	rddreg [dreg:$0xa]  }
0x43: {  	[tilespmem:s24], [sflag:$0x6] =	stream.linear.gather [hbm4b:s17+s3], $0x80, $0x38;
	[tilespmem:$0x1E280] =	vst v63  }
0x44: {  	_ =	swait.ge [sflag:s25], $0x80  }
0x45: {  	[sflag:s25] =	ssyncset.done $0x0  }
0x46: {  	[sflag:s25] =	ssyncadd.s32 $0xFFFFFF80  }
0x47: {  	[tilespmem:s28], [sflag:$0x1] =	stream.indirect.gather [hbm4b:s5+s26], $0x80, s21, s26, $0xb8;
	[tilespmem:$0x1E280] =	vst v63  }
0x48: {  	_ =	swait.ge [sflag:s29], $0x80  }
0x49: {  	[sflag:s29] =	ssyncset.done $0x0  }
0x4a: {  	[sflag:s29] =	ssyncadd.s32 $0xFFFFFF80  }
0x4b: {  	_ =	swait.ge [sflag:s30], $0x3E80  }
0x4c: {  	[sflag:s30] =	ssyncset.done $0x0  }
0x4d: {  	[sflag:s30] =	ssyncadd.s32 $0xFFFFC180  }
0x4e: {  	_ =	swait.ge [sflag:s30], $0x3E80  }
0x4f: {  	[sflag:s30] =	ssyncset.done $0x0  }
0x50: {  	[sflag:s30] =	ssyncadd.s32 $0xFFFFC180  }
0x51: {  	_ =	swait.ge [sflag:s30], $0x3E80  }
0x52: {  	[sflag:s30] =	ssyncset.done $0x0  }
0x53: {  	[sflag:s30] =	ssyncadd.s32 $0xFFFFC180  }
0x54: {  	_ =	swait.ge [sflag:s30], $0x3E80  }
0x55: {  	[sflag:s30] =	ssyncset.done $0x0  }
0x56: {  	[sflag:s30] =	ssyncadd.s32 $0xFFFFC180  }
0x57: {  	_ =	swait.ge [sflag:s30], $0x3E80  }
0x58: {  	[sflag:s30] =	ssyncset.done $0x0  }
0x59: {  	[sflag:s30] =	ssyncadd.s32 $0xFFFFC180  }
0x5a: {  	[tilespmem:s19], [sflag:$0x2] =	stream.indirect.gather [hbm4b:s5+s26], $0x80, s22, s26, $0xb8;
	[tilespmem:$0x1E280] =	vst v63  }
0x5b: {  	s10 =	simm.s32 $0x100;
	s11 =	simm.s32 $0x380;
	[bflag:$0x0] =	sbarrier.arrive $0xFFFF  }
.LBB2_4:
0x5c: {  	_ =	swait.ge [sflag:s31], $0x3E80  }
0x5d: {  	[sflag:s31] =	ssyncset.done $0x0  }
0x5e: {  	s12 =	sadd.s32 $0xFFFFFF00, s10;
	[sflag:s31] =	ssyncadd.s32 $0xFFFFC180  }
0x5f: {  	[spmem:s2] =	stream.indirect.scatter.add.f32 [tilespmem:s28], [sflag:$0x8], $0x80, s12, s26, $0xb8;
	[tilespmem:$0x1E280] =	vst v63  }
0x60: {  	p0 =	seq.s32 s11, $0x2980;
	_ =	swait.ge [sflag:s20], $0x3E80  }
0x61: {  	s12 =	sadd.s32 @!p0 $0xFFFFFE80, s11;
	[sflag:s20] =	ssyncset.done $0x0  }
0x62: {  	s14 =	sand.u32 @!p0 $0x7C00, s12;
	[sflag:s20] =	ssyncadd.s32 $0xFFFFC180  }
0x63: {  	s12 =	sand.u32 @!p0 $0x200, s12;
	s14 =	sadd.s32 @!p0 s4, s14;
	_ =	swait.ge [sflag:s1], $0x80  }
0x64: {  	s12 =	sor.u32 @!p0 s12, s14;
	[sflag:s1] =	ssyncset.done $0x0  }
0x65: {  	s12 =	sshrl.u32 @!p0 s12, $0x3;
	[sflag:s1] =	ssyncadd.s32 $0xFFFFFF80  }
0x66: {  	[tilespmem:s28], [sflag:$0x1] =	stream.indirect.gather [hbm4b:s5+s26], $0x80, s23, s26, $0xb8;
	[tilespmem:$0x1E280] =	vst v63  }
0x67: {  	s15 =	simm.s32 @!p0 $0x2800;
	s14 =	simm.s32 @!p0 $0x0;
	s12 =	sadd.s32 @!p0 s6, s12  }
0x68: {  	[tilespmem:s15], [sflag:$0x3] =	stream.linear.gather @!p0 [hbm4b:s12+s14], $0x80, $0x38;
	[tilespmem:$0x1E280] =	vst v63  }
0x69: {  	_ =	swait.ge [sflag:s0], $0x3E80  }
0x6a: {  	[sflag:s0] =	ssyncset.done $0x0  }
0x6b: {  	s16 =	sadd.s32 $0xFFFFFF80, s10;
	[sflag:s0] =	ssyncadd.s32 $0xFFFFC180  }
0x6c: {  	[spmem:s2] =	stream.indirect.scatter.add.f32 [tilespmem:s19], [sflag:$0x8], $0x80, s16, s26, $0xb8;
	[tilespmem:$0x1E280] =	vst v63  }
0x6d: {  	_ =	swait.ge [sflag:s20], $0x3E80  }
0x6e: {  	[sflag:s20] =	ssyncset.done $0x0  }
0x6f: {  	[sflag:s20] =	ssyncadd.s32 $0xFFFFC180  }
0x70: {  	_ =	swait.ge [sflag:s8], $0x80  }
0x71: {  	[sflag:s8] =	ssyncset.done $0x0  }
0x72: {  	s12 =	simm.s32 @p0 $0x1;
	[sflag:s8] =	ssyncadd.s32 $0xFFFFFF80  }
0x73: {  	[tilespmem:s19], [sflag:$0x2] =	stream.indirect.gather [hbm4b:s5+s26], $0x80, s24, s26, $0xb8;
	[tilespmem:$0x1E280] =	vst v63  }
0x74: {  	_ =	swait.ge @p0 [sflag:s12], $0x3E80  }
0x75: {  	[sflag:s12] =	ssyncset.done @p0 $0x0  }
0x76: {  	s16 =	simm.s32 @p0 $0x2A00;
	[sflag:s12] =	ssyncadd.s32 @p0 $0xFFFFC180;
	s12 =	simm.s32 @p0 $0x7D  }
0x77: {  	[spmem:s2] =	stream.indirect.scatter.add.f32 @p0 [tilespmem:s16], [sflag:$0x8], $0x80, s10, s12, $0xb8;
	[tilespmem:$0x1E280] =	vst v63  }
0x78: {  	s12 =	sadd.s32 @!p0 $0xFFFFFF00, s11  }
0x79: {  	s16 =	sand.u32 @!p0 $0x7C00, s12  }
0x7a: {  	s17 =	simm.s32 @p0 $0x8;
	s12 =	sand.u32 @!p0 $0x280, s12;
	s16 =	sadd.s32 @!p0 s4, s16  }
0x7b: {  	_ =	swait.ge @p0 [sflag:s17], $0x3E80;
	s12 =	sor.u32 @!p0 s12, s16  }
0x7c: {  	[sflag:s17] =	ssyncset.done @p0 $0x0;
	s12 =	sshrl.u32 @!p0 s12, $0x3  }
0x7d: {  	[sflag:s17] =	ssyncadd.s32 @p0 $0xFFFFC180;
	s16 =	simm.s32 @!p0 $0x2880;
	s12 =	sadd.s32 @!p0 s6, s12  }
0x7e: {  	[tilespmem:s16], [sflag:$0x4] =	stream.linear.gather @!p0 [hbm4b:s12+s14], $0x80, $0x38;
	[tilespmem:$0x1E280] =	vst v63  }
0x7f: {  	s12 =	simm.s32 @!p0 $0x1  }
0x80: {  	_ =	swait.ge @!p0 [sflag:s12], $0x3E80  }
0x81: {  	s17 =	simm.s32 @!p0 $0x8;
	[sflag:s12] =	ssyncset.done @!p0 $0x0  }
0x82: {  	s16 =	simm.s32 @!p0 $0x2A00;
	[sflag:s12] =	ssyncadd.s32 @!p0 $0xFFFFC180;
	s12 =	simm.s32 @!p0 $0x7D  }
0x83: {  	[spmem:s2] =	stream.indirect.scatter.add.f32 @!p0 [tilespmem:s16], [sflag:$0x8], $0x80, s10, s12, $0xb8;
	[tilespmem:$0x1E280] =	vst v63  }
0x84: {  	_ =	swait.ge @!p0 [sflag:s17], $0x3E80  }
0x85: {  	[sflag:s17] =	ssyncset.done @!p0 $0x0  }
0x86: {  	[sflag:s17] =	ssyncadd.s32 @!p0 $0xFFFFC180;
	s17 =	simm.s32 @!p0 $0x3  }
0x87: {  	_ =	swait.ge @!p0 [sflag:s17], $0x80  }
0x88: {  	[sflag:s17] =	ssyncset.done @!p0 $0x0  }
0x89: {  	[sflag:s17] =	ssyncadd.s32 @!p0 $0xFFFFFF80  }
0x8a: {  	[tilespmem:s16], [sflag:$0x1] =	stream.indirect.gather @!p0 [hbm4b:s5+s12], $0x80, s15, s12, $0xb8;
	[tilespmem:$0x1E280] =	vst v63  }
0x8b: {  	s12 =	sadd.s32 @!p0 $0xFFFFFF80, s11  }
0x8c: {  	s15 =	sand.u32 @!p0 $0x7C00, s12  }
0x8d: {  	s12 =	sand.u32 @!p0 $0x300, s12;
	s15 =	sadd.s32 @!p0 s4, s15  }
0x8e: {  	s12 =	sor.u32 @!p0 s12, s15  }
0x8f: {  	s12 =	sshrl.u32 @!p0 s12, $0x3  }
0x90: {  	s15 =	simm.s32 @!p0 $0x2900;
	s12 =	sadd.s32 @!p0 s6, s12  }
0x91: {  	[tilespmem:s15], [sflag:$0x5] =	stream.linear.gather @!p0 [hbm4b:s12+s14], $0x80, $0x38;
	[tilespmem:$0x1E280] =	vst v63  }
0x92: {  	_ =	swait.ge [sflag:s0], $0x3E80  }
0x93: {  	[sflag:s0] =	ssyncset.done $0x0  }
.Ltmp3:
0x94: {  	s17 =	sadd.s32 $0x80, s10;
	[sflag:s0] =	ssyncadd.s32 $0xFFFFC180;
	(pc) =	sbr.rel @p0 .LBB2_6-.Ltmp3, $4  }
0x95: {  	[spmem:s2] =	stream.indirect.scatter.add.f32 [tilespmem:s19], [sflag:$0x8], $0x80, s17, s26, $0xb8;
	[tilespmem:$0x1E280] =	vst v63  }
0x96: {  	_ =	swait.ge [sflag:s20], $0x3E80  }
0x97: {  	[sflag:s20] =	ssyncset.done $0x0  }
0x98: {  	[sflag:s20] =	ssyncadd.s32 $0xFFFFC180  }
0x99: {  	_ =	swait.ge [sflag:s29], $0x80;
	s12 =	sand.u32 $0x7C00, s11  }
0x9a: {  	s14 =	sand.u32 $0x380, s11;
	[sflag:s29] =	ssyncset.done $0x0;
	s12 =	sadd.s32 s4, s12  }
.Ltmp4:
0x9b: {  	[sflag:s29] =	ssyncadd.s32 $0xFFFFFF80;
	s12 =	sor.u32 s14, s12;
	(pc) =	sbr.rel .LBB2_4-.Ltmp4, $4  }
0x9c: {  	[tilespmem:s19], [sflag:$0x2] =	stream.indirect.gather [hbm4b:s5+s26], $0x80, s22, s26, $0xb8;
	[tilespmem:$0x1E280] =	vst v63  }
0x9d: {  	s12 =	sshrl.u32 s12, $0x3  }
0x9e: {  	s10 =	sadd.s32 $0x200, s10;
	s11 =	sadd.s32 $0x200, s11;
	s12 =	sadd.s32 s6, s12  }
0x9f: {  	[tilespmem:s24], [sflag:$0x6] =	stream.linear.gather [hbm4b:s12+s3], $0x80, $0x38;
	[tilespmem:$0x1E280] =	vst v63  }
.LBB2_7:
0xa0: {  	_ =	sfence.sel $0x180000  }
0xa1: {  	[bflag:$0x0] =	sbarrier.arrive $0xFFFF  }
0xa2: {  	_ =	strace $0x9000004A  }
0xa3: {  	s0 =	stileid.u32;
	[bflag:$0x2] =	sbarrier.arrive $0xFFFF  }
0xa4: {  	p0 =	sne.s32 s0, $0x0;
	s0 =	rddreg [dreg:$0x2]  }
0xa5: {  	s0 =	sadd.s32 @!p0 $0x100000, s0  }
0xa6: {  	[sflag:s0] =	ssyncadd.tile.s32 @!p0 $0x1;
	_ =	shalt  }
.Lfunc_end2:
_tile_overlayer_lowered:
.L_overlay_start_2:
0xa7: {  	(tag) =	ssettag $0x2  }
0xa8: {  	s0 =	rddreg [dreg:$0x0];
	s2 =	stileid.u32  }
0xa9: {  	s1 =	rddreg [dreg:$0x1];
	p0 =	sne.s32 s2, $0x0  }
0xaa: {  	s3 =	rddreg [dreg:$0x2];
	[bflag:$0x3] =	sbarrier.arrive $0xFFFF;
	s2 =	simm.s32 @!p0 $0x1C08  }
0xab: {  	[timem:s3], [sflag:s2] =	dma.local @!p0 [hbm:s0], s1  }
0xac: {  	s0 =	simm.s32 @!p0 $0x8  }
0xad: {  	_ =	swait.ge @!p0 [sflag:s0], s1  }
0xae: {  	s1 =	ssub.s32 @!p0 $0x0, s1;
	[sflag:s0] =	ssyncset.done @!p0 $0x0  }
0xaf: {  	[sflag:s0] =	ssyncadd.s32 @!p0 s1  }
0xb0: {  	[bflag:$0x3] =	sbarrier.arrive $0xFFFF  }
0xb1: {  	_ =	shalt  }

// kernel: kernel.17.cloned.1.call-start
scs
__scs_entry_jumppad:
0x0: {  	(pc) =	sbr.rel $0x88, $3  }
0x1: {  	(tag) =	ssettag $0x0;
	lr =	simm.s32 $0x1  }
0x2: {  	[smem:$0x3F97] =	sst lr;
	_ =	strace $0xD0000000  }
0x3: {  	_ = 	snop  }
0x4: {  	_ = 	snop  }
0x5: {  	_ = 	snop  }
0x6: {  	_ = 	snop  }
0x7: {  	_ = 	snop  }
__scs_overlays_trampoline_lowered:
0x8: {  	[smem:$0x3FA6] =	sst s0  }
0x9: {  	[smem:$0x3FA7] =	sst s1  }
0xa: {  	[smem:$0x3FA8] =	sst s2  }
0xb: {  	[smem:$0x3FA9] =	sst s3  }
0xc: {  	[smem:$0x3FAA] =	sst s4  }
0xd: {  	[smem:$0x3FAB] =	sst s5  }
0xe: {  	[smem:$0x3FAC] =	sst s6  }
0xf: {  	[smem:$0x3FAD] =	sst s7  }
0x10: {  	[smem:$0x3FAE] =	sst s8  }
0x11: {  	[smem:$0x3FAF] =	sst s9;
	s0 =	simm.s32 @!p0 $0x0  }
0x12: {  	s1 =	sld [smem:$0x3F95];
	s0 =	simm.s32 @p0 $0x1  }
0x13: {  	[smem:$0x3FB0] =	sst s0;
	s0 =	simm.s32 @!p1 $0x0  }
0x14: {  	s2 =	sld [smem:$0x3F94];
	s0 =	simm.s32 @p1 $0x1  }
0x15: {  	[smem:$0x3FB1] =	sst s0;
	s0 =	simm.s32 @!p2 $0x0  }
0x16: {  	s3 =	sld [smem:$0x3FDB];
	s0 =	simm.s32 @p2 $0x1  }
0x17: {  	s4 =	simm.s32 $0x1BF5;
	[smem:$0x3FB3] =	sst s0  }
0x18: {  	s0 =	sld [smem:$0x3F96];
	_ =	swait.ge [sflag:s4], $0x0  }
0x19: {  	s7 =	sld [smem:$0x3F97]  }
0x1a: {  	s8 =	sadd.s32 $0xFFFFE003, lr  }
0x1b: {  	s9 =	sadd.s32 $0xFFFFFEF7, lr;
	s5 =	simm.s32 $0xFFFFFFFF;
	p2 =	slt.u32 s8, $0xFFFFF086  }
0x1c: {  	p1 =	slt.u32 s9, $0xF7A;
	s5 =	simm.s32 @!p2 $0x0  }
0x1d: {  	s5 =	simm.s32 @p1 $0x1;
	p0 =	seq.s32 s7, s2  }
0x1e: {  	s7 =	smul.u32 @!p0 $0xF7A, s2;
	p2 =	seq.s32 @!p0 s5, $0x0  }
0x1f: {  	s9 =	smul.u32 $0xF7A, s1;
	s8 =	simm.s32 @!p0 $0x1BF5;
	p2 =	por !p2, p0  }
0x20: {  	[sflag:s8] =	ssyncset.s32 @!p0 $0xFFFFF086;
	s6 =	sadd.s32 @!p0 s3, s7;
	s7 =	simm.s32 @!p0 $0x108  }
0x21: {  	s3 =	sadd.s32 s3, s9;
	s6 =	sadd.s32 @!p0 $0x88, s6;
	s7 =	simm.s32 @p2 $0x1082  }
0x22: {  	[simem:s7], [sflag:s8] =	dma.local @!p0 [hbm:s6], $0xF7A  }
0x23: {  	s9 =	sor.u32 $0xD0000000, s2;
	s6 =	simm.s32 $0x108;
	_ =	swait.ge @!p0 [sflag:s8], $0x0  }
0x24: {  	s3 =	sadd.s32 $0x88, s3;
	s6 =	simm.s32 @!p1 $0x1082;
	[sflag:s4] =	ssyncset.s32 $0xFFFFF086  }
0x25: {  	[simem:s6], [sflag:s4] =	dma.local [hbm:s3], $0xF7A  }
0x26: {  	[smem:$0x3F97] =	sst s1;
	(tag) =	ssettag s2;
	_ =	strace s9  }
0x27: {  	s1 =	sld [smem:$0x3FA7]  }
0x28: {  	s2 =	sld [smem:$0x3FA8]  }
0x29: {  	s4 =	sld [smem:$0x3FAA]  }
0x2a: {  	p0 =	seq.s32 s5, $0x0;
	s5 =	sld [smem:$0x3FAB]  }
0x2b: {  	s6 =	sld [smem:$0x3FAC]  }
0x2c: {  	s7 =	sld [smem:$0x3FAD]  }
0x2d: {  	s3 =	simm.s32 $0x108;
	s8 =	sld [smem:$0x3FAE]  }
0x2e: {  	s3 =	simm.s32 @!p0 $0x1082;
	s9 =	sld [smem:$0x3FAF]  }
0x2f: {  	lr =	sadd.s32 s0, s3;
	s0 =	sld [smem:$0x3FA6]  }
0x30: {  	s3 =	sld [smem:$0x3FA9]  }
0x31: {  	[smem:$0x3FB2] =	sst s10  }
0x32: {  	s10 =	sld [smem:$0x3FB0];
	_ =	sdelay $0x3  }
0x33: {  	p0 =	seq.s32 s10, $0x1;
	s10 =	sld [smem:$0x3FB2];
	_ =	sdelay $0x3  }
0x34: {  	[smem:$0x3FB2] =	sst s10  }
0x35: {  	s10 =	sld [smem:$0x3FB1];
	_ =	sdelay $0x3  }
0x36: {  	p1 =	seq.s32 s10, $0x1;
	s10 =	sld [smem:$0x3FB2];
	_ =	sdelay $0x3  }
0x37: {  	[smem:$0x3FB2] =	sst s10  }
0x38: {  	s10 =	sld [smem:$0x3FB3]  }
0x39: {  	_ = 	snop;
	(pc) =	sbr.ind lr, $3  }
0x3a: {  	_ = 	snop  }
0x3b: {  	_ = 	snop  }
0x3c: {  	p2 =	seq.s32 s10, $0x1;
	s10 =	sld [smem:$0x3FB2]  }
0x3d: {  	_ =	shalt  }
0x3e: {  	_ =	shalt  }
0x3f: {  	_ =	shalt  }
0x40: {  	_ =	shalt  }
0x41: {  	_ =	shalt  }
0x42: {  	_ =	shalt  }
0x43: {  	_ =	shalt  }
0x44: {  	_ =	shalt  }
0x45: {  	_ =	shalt  }
0x46: {  	_ =	shalt  }
0x47: {  	_ =	shalt  }
0x48: {  	_ =	shalt  }
0x49: {  	_ =	shalt  }
0x4a: {  	_ =	shalt  }
0x4b: {  	_ =	shalt  }
0x4c: {  	_ =	shalt  }
0x4d: {  	_ =	shalt  }
0x4e: {  	_ =	shalt  }
0x4f: {  	_ =	shalt  }
0x50: {  	_ =	shalt  }
0x51: {  	_ =	shalt  }
0x52: {  	_ =	shalt  }
0x53: {  	_ =	shalt  }
0x54: {  	_ =	shalt  }
0x55: {  	_ =	shalt  }
0x56: {  	_ =	shalt  }
0x57: {  	_ =	shalt  }
0x58: {  	_ =	shalt  }
0x59: {  	_ =	shalt  }
0x5a: {  	_ =	shalt  }
0x5b: {  	_ =	shalt  }
0x5c: {  	_ =	shalt  }
0x5d: {  	_ =	shalt  }
0x5e: {  	_ =	shalt  }
0x5f: {  	_ =	shalt  }
0x60: {  	_ =	shalt  }
0x61: {  	_ =	shalt  }
0x62: {  	_ =	shalt  }
0x63: {  	_ =	shalt  }
0x64: {  	_ =	shalt  }
0x65: {  	_ =	shalt  }
0x66: {  	_ =	shalt  }
0x67: {  	_ =	shalt  }
0x68: {  	_ =	shalt  }
0x69: {  	_ =	shalt  }
0x6a: {  	_ =	shalt  }
0x6b: {  	_ =	shalt  }
0x6c: {  	_ =	shalt  }
0x6d: {  	_ =	shalt  }
0x6e: {  	_ =	shalt  }
0x6f: {  	_ =	shalt  }
0x70: {  	_ =	shalt  }
0x71: {  	_ =	shalt  }
0x72: {  	_ =	shalt  }
0x73: {  	_ =	shalt  }
0x74: {  	_ =	shalt  }
0x75: {  	_ =	shalt  }
0x76: {  	_ =	shalt  }
0x77: {  	_ =	shalt  }
0x78: {  	_ =	shalt  }
0x79: {  	_ =	shalt  }
0x7a: {  	_ =	shalt  }
0x7b: {  	_ =	shalt  }
0x7c: {  	_ =	shalt  }
0x7d: {  	_ =	shalt  }
0x7e: {  	_ =	shalt  }
0x7f: {  	_ =	shalt  }
0x80: {  	_ =	shalt  }
0x81: {  	_ =	shalt  }
0x82: {  	_ =	shalt  }
0x83: {  	_ =	shalt  }
0x84: {  	_ =	shalt  }
0x85: {  	_ =	shalt  }
0x86: {  	_ =	shalt  }
0x87: {  	_ =	shalt  }
.Lfunc_end0:
.L_simem_size_0:
called_computation.2_lowered:
.L_overlay_start_0:
0x88: {  	s2 =	sld [smem:$0x3FD9]  }
0x89: {  	s3 =	sld [smem:$0x3FFE];
	_ =	sdelay $0x1  }
0x8a: {  	s1 =	srdreg.scid  }
0x8b: {  	s0 =	sand.u32 $0x1, s1  }
0x8c: {  	s16 =	sshll.u32 s0, $0xA;
	s2 =	sadd.s32 s3, s2  }
0x8d: {  	s2 =	sadd.s32 s2, s16  }
0x8e: {  	[smem:$0x3FBE] =	sst s2  }
0x8f: {  	_ = 	snop  }
0x90: {  	(tm) =	ssettm $0x1  }
0x91: {  	s17 =	sld [smem:$0x3FFB];
	_ =	sdelay $0x3  }
0x92: {  	_ =	strace s17  }
0x93: {  	s2 =	sld [smem:$0x3FFC];
	_ =	sdelay $0x3  }
0x94: {  	_ =	strace s2  }
0x95: {  	s2 =	sld [smem:$0x3FFD];
	_ =	sdelay $0x3  }
0x96: {  	_ =	strace s2  }
0x97: {  	_ =	strace $0x8FFFFFFF  }
0x98: {  	s18 =	sld [smem:$0x3FDB];
	_ =	sdelay $0x1  }
0x99: {  	s19 =	simm.s32 $_scs_section_size  }
0x9a: {  	s4 =	simm.s32 $_size__tile_overlayer_lowered;
	s5 =	simm.s32 $_tile_overlayer_lowered  }
0x9b: {  	s22 =	simm.s32 $0x1BFF;
	s21 =	sshll.u32 s5, $0x1;
	s2 =	sadd.s32 s19, s18  }
0x9c: {  	s6 =	simm.s32 $0x0;
	s20 =	sshll.u32 s4, $0x1;
	s4 =	sadd.s32 s21, s2  }
0x9d: {  	[timem:s6], [sflag:s22] =	dma.local [hbm:s4], s20  }
0x9e: {  	_ =	swait.ge [sflag:s22], s20  }
0x9f: {  	s3 =	ssub.s32 $0x0, s20;
	[sflag:s22] =	ssyncset.done $0x0  }
0xa0: {  	[sflag:s22] =	ssyncadd.s32 s3;
	_ =	sdelay $0x1  }
0xa1: {  	s23 =	simm.s32 $0x1B8B  }
0xa2: {  	_ =	swait.ge [sflag:s23], $0x1  }
0xa3: {  	[sflag:s23] =	ssyncset.done $0x0  }
0xa4: {  	s25 =	simm.s32 $0x1B8E;
	s24 =	sld [smem:$0x3FFE];
	[sflag:s23] =	ssyncadd.s32 $0xFFFFFFFF  }
0xa5: {  	s26 =	simm.s32 $execute0_lowered;
	[smem:$0x3FD2] =	sst s25  }
0xa6: {  	s4 =	sshll.u32 s26, $0x1;
	_ =	strace $0x8000004C;
	[dreg:$0x1] =	wrdreg $0xFFFFFFFF  }
0xa7: {  	s28 =	simm.s32 $_size_execute0_lowered;
	s2 =	sadd.s32 s2, s4;
	[dreg:$0x0] =	wrdreg $0x0  }
0xa8: {  	s4 =	sshll.u32 s28, $0x1;
	[dreg:$0x2] =	wrdreg s2  }
0xa9: {  	[dreg:$0x3] =	wrdreg s4  }
0xaa: {  	[dreg:$0x4] =	wrdreg $0xC0  }
0xab: {  	_ =	task [dreg:s6], $0x5FFFF  }
0xac: {  	[dreg:$0x1] =	wrdreg $0xFFFFFFFF  }
0xad: {  	[dreg:$0x0] =	wrdreg $0x60  }
0xae: {  	[dreg:$0x2] =	wrdreg s24  }
0xaf: {  	[dreg:$0x3] =	wrdreg $0xAA000  }
0xb0: {  	[dreg:$0x4] =	wrdreg $0x9  }
0xb1: {  	_ =	task.clear_ibuf [dreg:s6], $0x5FFFF;
	_ =	strace $0x9000004C  }
0xb2: {  	s29 =	simm.s32 $0x9;
	_ =	strace $0x8000004E  }
0xb3: {  	_ =	swait.ge [sflag:s29], $0x1  }
0xb4: {  	[sflag:s29] =	ssyncadd.s32 $0xFFFFFFFF  }
0xb5: {  	_ =	strace $0x9000004E  }
0xb6: {  	_ =	sfence  }
0xb7: {  	s30 =	sld [smem:$0x0];
	_ =	sdelay $0x2  }
0xb8: {  	s31 =	sshll.u32 s1, $0xD;
	s1 =	sshrl.u32 s1, $0x2  }
0xb9: {  	s3 =	sand.u32 $0x4000, s31;
	s1 =	sadd.s32 s1, s30  }
0xba: {  	s0 =	sor.u32 s3, s0;
	s1 =	sshll.u32 s1, $0x11  }
0xbb: {  	s0 =	sor.u32 s1, s0  }
0xbc: {  	s0 =	sadd.s32 $0x8F2B, s0  }
0xbd: {  	[sflag:s0] =	ssyncadd.remote.s32 $0x1  }
0xbe: {  	_ =	sfence.sel $0xFFFF  }
0xbf: {  	[dreg:$0x0] =	wrdreg $0xFFFFFFFF;
	(pc) =	sbr.abs _section_cstart, $3  }
0xc0: {  	[dreg:$0x1] =	wrdreg $0xFFFFFFFF  }
0xc1: {  	_ =	task.clear_ibuf [dreg:s6], $0x2FFFF;
	_ =	strace $0x9FFFFFFF  }
0xc2: {  	(tm) =	ssettm $0x7FFFFFFF  }
0xc3: {  	_ =	shalt  }
tec
execute0_lowered:
.L_overlay_start_1:
0x0: {  	(tag) =	ssettag $0x1  }
0x1: {  	s0 =	srdreg.scid  }
0x2: {  	s1 =	rddreg [dreg:$0x0];
	s10 =	stileid.u32  }
0x3: {  	s2 =	rddreg [dreg:$0x1];
	s0 =	sand.u32 $0x1, s0;
	s8 =	smul.u32 $0x13C00, s10  }
0x4: {  	s28 =	simm.s32 $0x2A00;
	s3 =	sshll.u32 s0, $0x4;
	s7 =	smul.u32 $0x13C000, s0  }
0x5: {  	s29 =	simm.s32 $0x4;
	s4 =	sor.u32 s10, s3;
	s10 =	smul.u32 $0x4E200, s10  }
0x6: {  	s30 =	simm.s32 $0x7;
	s5 =	sadd.s32 $0x1B400, s1;
	s4 =	smul.u32 $0x2800, s4  }
0x7: {  	s6 =	sadd.s32 $0x11400, s1;
	s3 =	simm.s32 $0x0;
	s7 =	sadd.s32 s8, s7  }
0x8: {  	s7 =	sshrl.u32 s7, $0x3;
	s10 =	sshrl.u32 s10, $0x2;
	s9 =	sshrl.u32 s4, $0x3  }
0x9: {  	s11 =	sadd.s32 s9, s1;
	s1 =	sadd.s32 s7, s1;
	s7 =	sadd.s32 s10, s2  }
0xa: {  	s31 =	simm.s32 $0x1;
	[smem:$0x7FF] =	sst s3;
	s19 =	sadd.s32 $0x3E80, s7  }
0xb: {  	_ =	strace $0x8000004D;
	s20 =	sadd.s32 $0x7D00, s7;
	[dreg:$0x3] =	wrdreg s19  }
0xc: {  	s0 =	ssub.s32 $0x2, s0;
	s21 =	sadd.s32 $0xBB80, s7;
	[dreg:$0x4] =	wrdreg s20  }
0xd: {  	s18 =	sshrl.u32 s0, $0x1;
	s22 =	sadd.s32 $0xFA00, s7;
	[dreg:$0x5] =	wrdreg s21  }
0xe: {  	s13 =	sadd.s32 s6, s9;
	s23 =	sadd.s32 $0x6A00, s11;
	[dreg:$0x6] =	wrdreg s22  }
0xf: {  	s0 =	ssub.s32 s0, s18;
	s24 =	sadd.s32 $0x10, s13;
	[dreg:$0x7] =	wrdreg s23  }
0x10: {  	s8 =	simm.s32 $0x6;
	s25 =	sadd.s32 $0x20, s13;
	[dreg:$0x8] =	wrdreg s24  }
0x11: {  	s18 =	smax.u32 s0, $0x1;
	s26 =	sadd.s32 $0x30, s13;
	[dreg:$0x9] =	wrdreg s25  }
.Ltmp0:
0x12: {  	s1 =	sadd.s32 $0x90A00, s1;
	[dreg:$0xa] =	wrdreg s26;
	(pc) =	sbr.rel .LBB2_1-.Ltmp0, $4  }
0x13: {  	s0 =	simm.s32 $0x2;
	s9 =	simm.s32 $0x0;
	[dreg:$0xb] =	wrdreg s1  }
0x14: {  	s19 =	simm.s32 $0x6A00;
	s20 =	simm.s32 $0x8;
	s21 =	simm.s32 $0x2800  }
0x15: {  	s22 =	simm.s32 $0x2880;
	s23 =	simm.s32 $0x2900;
	s24 =	simm.s32 $0x2980  }
0x16: {  	v0 =	vimm.f32 $0.0e+00;
	s25 =	simm.s32 $0x3;
	s26 =	simm.s32 $0x7D;
	s1 =	simm.s32 $0x5  }
.LBB2_6:
0x17: {  	s10 =	stileid.u32;
	[bflag:$0x0] =	sbarrier.arrive $0xFFFF;
	s9 =	sadd.s32 $0x1, s9  }
0x18: {  	s11 =	sshrl.u32 s7, $0x3;
	s10 =	sshll.u32 s10, $0x6;
	p0 =	sne.s32 s9, s18  }
.Ltmp1:
0x19: {  	s12 =	rddreg [dreg:$0xb];
	s10 =	sor.u32 $0x1C08, s10;
	(pc) =	sbr.rel @!p0 .LBB2_7-.Ltmp1, $4  }
0x1a: {  	[hbm:s12], [sflag:s10] =	dma.local [spmem:s11], $0x2710  }
0x1b: {  	_ =	swait.ge [sflag:s20], $0x2710  }
0x1c: {  	[sflag:s20] =	ssyncset.done $0x0  }
0x1d: {  	[sflag:s20] =	ssyncadd.s32 $0xFFFFD8F0  }
.LBB2_1:
0x1e: {  	s10 =	simm.s32 $0x0;
	s11 =	simm.s32 $0x200  }
.LBB2_2:
0x1f: {  	p0 =	sne.s32 s11, $0xF800;
	[tilespmem:s10+$0x6A70] =	vst v0  }
0x20: {  	[tilespmem:s10+$0x6A00] =	vst v0  }
0x21: {  	[tilespmem:s10+$0x6A10] =	vst v0  }
.Ltmp2:
0x22: {  	[tilespmem:s10+$0x6A20] =	vst v0;
	(pc) =	sbr.rel @p0 .LBB2_2-.Ltmp2, $4  }
0x23: {  	[tilespmem:s10+$0x6A30] =	vst v0  }
0x24: {  	[tilespmem:s10+$0x6A40] =	vst v0  }
0x25: {  	[tilespmem:s10+$0x6A50] =	vst v0  }
0x26: {  	[tilespmem:s10+$0x6A60] =	vst v0;
	s10 =	sshra.s32 s11, $0x2;
	s11 =	sadd.s32 $0x200, s11  }
0x27: {  	[tilespmem:s10+$0x6A70] =	vst v0  }
0x28: {  	[tilespmem:s10+$0x6A00] =	vst v0  }
0x29: {  	[tilespmem:s10+$0x6A10] =	vst v0  }
0x2a: {  	[tilespmem:s10+$0x6A20] =	vst v0  }
0x2b: {  	[tilespmem:s10+$0x6A30] =	vst v0  }
0x2c: {  	[tilespmem:s10+$0x6A40] =	vst v0  }
0x2d: {  	[tilespmem:s10+$0x6A50] =	vst v0  }
0x2e: {  	[tilespmem:s10+$0x6A60] =	vst v0  }
0x2f: {  	[spmem:s7] =	stream.linear.scatter [tilespmem:s19], [sflag:$0x7], $0x3E80, $0x38;
	[tilespmem:$0x1E280] =	vst v63  }
0x30: {  	s16 =	rddreg [dreg:$0x3]  }
0x31: {  	[spmem:s16] =	stream.linear.scatter [tilespmem:s19], [sflag:$0x7], $0x3E80, $0x38;
	[tilespmem:$0x1E280] =	vst v63  }
0x32: {  	s17 =	rddreg [dreg:$0x4]  }
0x33: {  	[spmem:s17] =	stream.linear.scatter [tilespmem:s19], [sflag:$0x7], $0x3E80, $0x38;
	[tilespmem:$0x1E280] =	vst v63  }
0x34: {  	s11 =	rddreg [dreg:$0x5]  }
0x35: {  	[spmem:s11] =	stream.linear.scatter [tilespmem:s19], [sflag:$0x7], $0x3E80, $0x38;
	[tilespmem:$0x1E280] =	vst v63  }
0x36: {  	s12 =	rddreg [dreg:$0x6]  }
0x37: {  	[spmem:s12] =	stream.linear.scatter [tilespmem:s19], [sflag:$0x7], $0x3E80, $0x38;
	[tilespmem:$0x1E280] =	vst v63  }
0x38: {  	s14 =	rddreg [dreg:$0x7]  }
0x39: {  	[tilespmem:s3], [sflag:$0x8] =	stream.linear.gather [hbm4b:s14+s3], $0x2800, $0x38;
	[tilespmem:$0x1E280] =	vst v63  }
0x3a: {  	_ =	swait.ge [sflag:s20], $0x2800  }
0x3b: {  	[sflag:s20] =	ssyncset.done $0x0  }
0x3c: {  	[sflag:s20] =	ssyncadd.s32 $0xFFFFD800  }
0x3d: {  	[tilespmem:s21], [sflag:$0x3] =	stream.linear.gather [hbm4b:s13+s3], $0x80, $0x38;
	[tilespmem:$0x1E280] =	vst v63  }
0x3e: {  	s15 =	rddreg [dreg:$0x8]  }
0x3f: {  	[tilespmem:s22], [sflag:$0x4] =	stream.linear.gather [hbm4b:s15+s3], $0x80, $0x38;
	[tilespmem:$0x1E280] =	vst v63  }
0x40: {  	s16 =	rddreg [dreg:$0x9]  }
0x41: {  	[tilespmem:s23], [sflag:$0x5] =	stream.linear.gather [hbm4b:s16+s3], $0x80, $0x38;
	[tilespmem:$0x1E280] =	vst v63  }
0x42: {  	s17 =	rddreg [dreg:$0xa]  }
0x43: {  	[tilespmem:s24], [sflag:$0x6] =	stream.linear.gather [hbm4b:s17+s3], $0x80, $0x38;
	[tilespmem:$0x1E280] =	vst v63  }
0x44: {  	_ =	swait.ge [sflag:s25], $0x80  }
0x45: {  	[sflag:s25] =	ssyncset.done $0x0  }
0x46: {  	[sflag:s25] =	ssyncadd.s32 $0xFFFFFF80  }
0x47: {  	[tilespmem:s28], [sflag:$0x1] =	stream.indirect.gather [hbm4b:s5+s26], $0x80, s21, s26, $0xb8;
	[tilespmem:$0x1E280] =	vst v63  }
0x48: {  	_ =	swait.ge [sflag:s29], $0x80  }
0x49: {  	[sflag:s29] =	ssyncset.done $0x0  }
0x4a: {  	[sflag:s29] =	ssyncadd.s32 $0xFFFFFF80  }
0x4b: {  	_ =	swait.ge [sflag:s30], $0x3E80  }
0x4c: {  	[sflag:s30] =	ssyncset.done $0x0  }
0x4d: {  	[sflag:s30] =	ssyncadd.s32 $0xFFFFC180  }
0x4e: {  	_ =	swait.ge [sflag:s30], $0x3E80  }
0x4f: {  	[sflag:s30] =	ssyncset.done $0x0  }
0x50: {  	[sflag:s30] =	ssyncadd.s32 $0xFFFFC180  }
0x51: {  	_ =	swait.ge [sflag:s30], $0x3E80  }
0x52: {  	[sflag:s30] =	ssyncset.done $0x0  }
0x53: {  	[sflag:s30] =	ssyncadd.s32 $0xFFFFC180  }
0x54: {  	_ =	swait.ge [sflag:s30], $0x3E80  }
0x55: {  	[sflag:s30] =	ssyncset.done $0x0  }
0x56: {  	[sflag:s30] =	ssyncadd.s32 $0xFFFFC180  }
0x57: {  	_ =	swait.ge [sflag:s30], $0x3E80  }
0x58: {  	[sflag:s30] =	ssyncset.done $0x0  }
0x59: {  	[sflag:s30] =	ssyncadd.s32 $0xFFFFC180  }
0x5a: {  	[tilespmem:s19], [sflag:$0x2] =	stream.indirect.gather [hbm4b:s5+s26], $0x80, s22, s26, $0xb8;
	[tilespmem:$0x1E280] =	vst v63  }
0x5b: {  	s10 =	simm.s32 $0x100;
	s11 =	simm.s32 $0x380;
	[bflag:$0x0] =	sbarrier.arrive $0xFFFF  }
.LBB2_4:
0x5c: {  	_ =	swait.ge [sflag:s31], $0x3E80  }
0x5d: {  	[sflag:s31] =	ssyncset.done $0x0  }
0x5e: {  	s12 =	sadd.s32 $0xFFFFFF00, s10;
	[sflag:s31] =	ssyncadd.s32 $0xFFFFC180  }
0x5f: {  	[spmem:s2] =	stream.indirect.scatter.add.f32 [tilespmem:s28], [sflag:$0x8], $0x80, s12, s26, $0xb8;
	[tilespmem:$0x1E280] =	vst v63  }
0x60: {  	p0 =	seq.s32 s11, $0x2980;
	_ =	swait.ge [sflag:s20], $0x3E80  }
0x61: {  	s12 =	sadd.s32 @!p0 $0xFFFFFE80, s11;
	[sflag:s20] =	ssyncset.done $0x0  }
0x62: {  	s14 =	sand.u32 @!p0 $0x7C00, s12;
	[sflag:s20] =	ssyncadd.s32 $0xFFFFC180  }
0x63: {  	s12 =	sand.u32 @!p0 $0x200, s12;
	s14 =	sadd.s32 @!p0 s4, s14;
	_ =	swait.ge [sflag:s1], $0x80  }
0x64: {  	s12 =	sor.u32 @!p0 s12, s14;
	[sflag:s1] =	ssyncset.done $0x0  }
0x65: {  	s12 =	sshrl.u32 @!p0 s12, $0x3;
	[sflag:s1] =	ssyncadd.s32 $0xFFFFFF80  }
0x66: {  	[tilespmem:s28], [sflag:$0x1] =	stream.indirect.gather [hbm4b:s5+s26], $0x80, s23, s26, $0xb8;
	[tilespmem:$0x1E280] =	vst v63  }
0x67: {  	s15 =	simm.s32 @!p0 $0x2800;
	s14 =	simm.s32 @!p0 $0x0;
	s12 =	sadd.s32 @!p0 s6, s12  }
0x68: {  	[tilespmem:s15], [sflag:$0x3] =	stream.linear.gather @!p0 [hbm4b:s12+s14], $0x80, $0x38;
	[tilespmem:$0x1E280] =	vst v63  }
0x69: {  	_ =	swait.ge [sflag:s0], $0x3E80  }
0x6a: {  	[sflag:s0] =	ssyncset.done $0x0  }
0x6b: {  	s16 =	sadd.s32 $0xFFFFFF80, s10;
	[sflag:s0] =	ssyncadd.s32 $0xFFFFC180  }
0x6c: {  	[spmem:s2] =	stream.indirect.scatter.add.f32 [tilespmem:s19], [sflag:$0x8], $0x80, s16, s26, $0xb8;
	[tilespmem:$0x1E280] =	vst v63  }
0x6d: {  	_ =	swait.ge [sflag:s20], $0x3E80  }
0x6e: {  	[sflag:s20] =	ssyncset.done $0x0  }
0x6f: {  	[sflag:s20] =	ssyncadd.s32 $0xFFFFC180  }
0x70: {  	_ =	swait.ge [sflag:s8], $0x80  }
0x71: {  	[sflag:s8] =	ssyncset.done $0x0  }
0x72: {  	s12 =	simm.s32 @p0 $0x1;
	[sflag:s8] =	ssyncadd.s32 $0xFFFFFF80  }
0x73: {  	[tilespmem:s19], [sflag:$0x2] =	stream.indirect.gather [hbm4b:s5+s26], $0x80, s24, s26, $0xb8;
	[tilespmem:$0x1E280] =	vst v63  }
0x74: {  	_ =	swait.ge @p0 [sflag:s12], $0x3E80  }
0x75: {  	[sflag:s12] =	ssyncset.done @p0 $0x0  }
0x76: {  	s16 =	simm.s32 @p0 $0x2A00;
	[sflag:s12] =	ssyncadd.s32 @p0 $0xFFFFC180;
	s12 =	simm.s32 @p0 $0x7D  }
0x77: {  	[spmem:s2] =	stream.indirect.scatter.add.f32 @p0 [tilespmem:s16], [sflag:$0x8], $0x80, s10, s12, $0xb8;
	[tilespmem:$0x1E280] =	vst v63  }
0x78: {  	s12 =	sadd.s32 @!p0 $0xFFFFFF00, s11  }
0x79: {  	s16 =	sand.u32 @!p0 $0x7C00, s12  }
0x7a: {  	s17 =	simm.s32 @p0 $0x8;
	s12 =	sand.u32 @!p0 $0x280, s12;
	s16 =	sadd.s32 @!p0 s4, s16  }
0x7b: {  	_ =	swait.ge @p0 [sflag:s17], $0x3E80;
	s12 =	sor.u32 @!p0 s12, s16  }
0x7c: {  	[sflag:s17] =	ssyncset.done @p0 $0x0;
	s12 =	sshrl.u32 @!p0 s12, $0x3  }
0x7d: {  	[sflag:s17] =	ssyncadd.s32 @p0 $0xFFFFC180;
	s16 =	simm.s32 @!p0 $0x2880;
	s12 =	sadd.s32 @!p0 s6, s12  }
0x7e: {  	[tilespmem:s16], [sflag:$0x4] =	stream.linear.gather @!p0 [hbm4b:s12+s14], $0x80, $0x38;
	[tilespmem:$0x1E280] =	vst v63  }
0x7f: {  	s12 =	simm.s32 @!p0 $0x1  }
0x80: {  	_ =	swait.ge @!p0 [sflag:s12], $0x3E80  }
0x81: {  	s17 =	simm.s32 @!p0 $0x8;
	[sflag:s12] =	ssyncset.done @!p0 $0x0  }
0x82: {  	s16 =	simm.s32 @!p0 $0x2A00;
	[sflag:s12] =	ssyncadd.s32 @!p0 $0xFFFFC180;
	s12 =	simm.s32 @!p0 $0x7D  }
0x83: {  	[spmem:s2] =	stream.indirect.scatter.add.f32 @!p0 [tilespmem:s16], [sflag:$0x8], $0x80, s10, s12, $0xb8;
	[tilespmem:$0x1E280] =	vst v63  }
0x84: {  	_ =	swait.ge @!p0 [sflag:s17], $0x3E80  }
0x85: {  	[sflag:s17] =	ssyncset.done @!p0 $0x0  }
0x86: {  	[sflag:s17] =	ssyncadd.s32 @!p0 $0xFFFFC180;
	s17 =	simm.s32 @!p0 $0x3  }
0x87: {  	_ =	swait.ge @!p0 [sflag:s17], $0x80  }
0x88: {  	[sflag:s17] =	ssyncset.done @!p0 $0x0  }
0x89: {  	[sflag:s17] =	ssyncadd.s32 @!p0 $0xFFFFFF80  }
0x8a: {  	[tilespmem:s16], [sflag:$0x1] =	stream.indirect.gather @!p0 [hbm4b:s5+s12], $0x80, s15, s12, $0xb8;
	[tilespmem:$0x1E280] =	vst v63  }
0x8b: {  	s12 =	sadd.s32 @!p0 $0xFFFFFF80, s11  }
0x8c: {  	s15 =	sand.u32 @!p0 $0x7C00, s12  }
0x8d: {  	s12 =	sand.u32 @!p0 $0x300, s12;
	s15 =	sadd.s32 @!p0 s4, s15  }
0x8e: {  	s12 =	sor.u32 @!p0 s12, s15  }
0x8f: {  	s12 =	sshrl.u32 @!p0 s12, $0x3  }
0x90: {  	s15 =	simm.s32 @!p0 $0x2900;
	s12 =	sadd.s32 @!p0 s6, s12  }
0x91: {  	[tilespmem:s15], [sflag:$0x5] =	stream.linear.gather @!p0 [hbm4b:s12+s14], $0x80, $0x38;
	[tilespmem:$0x1E280] =	vst v63  }
0x92: {  	_ =	swait.ge [sflag:s0], $0x3E80  }
0x93: {  	[sflag:s0] =	ssyncset.done $0x0  }
.Ltmp3:
0x94: {  	s17 =	sadd.s32 $0x80, s10;
	[sflag:s0] =	ssyncadd.s32 $0xFFFFC180;
	(pc) =	sbr.rel @p0 .LBB2_6-.Ltmp3, $4  }
0x95: {  	[spmem:s2] =	stream.indirect.scatter.add.f32 [tilespmem:s19], [sflag:$0x8], $0x80, s17, s26, $0xb8;
	[tilespmem:$0x1E280] =	vst v63  }
0x96: {  	_ =	swait.ge [sflag:s20], $0x3E80  }
0x97: {  	[sflag:s20] =	ssyncset.done $0x0  }
0x98: {  	[sflag:s20] =	ssyncadd.s32 $0xFFFFC180  }
0x99: {  	_ =	swait.ge [sflag:s29], $0x80;
	s12 =	sand.u32 $0x7C00, s11  }
0x9a: {  	s14 =	sand.u32 $0x380, s11;
	[sflag:s29] =	ssyncset.done $0x0;
	s12 =	sadd.s32 s4, s12  }
.Ltmp4:
0x9b: {  	[sflag:s29] =	ssyncadd.s32 $0xFFFFFF80;
	s12 =	sor.u32 s14, s12;
	(pc) =	sbr.rel .LBB2_4-.Ltmp4, $4  }
0x9c: {  	[tilespmem:s19], [sflag:$0x2] =	stream.indirect.gather [hbm4b:s5+s26], $0x80, s22, s26, $0xb8;
	[tilespmem:$0x1E280] =	vst v63  }
0x9d: {  	s12 =	sshrl.u32 s12, $0x3  }
0x9e: {  	s10 =	sadd.s32 $0x200, s10;
	s11 =	sadd.s32 $0x200, s11;
	s12 =	sadd.s32 s6, s12  }
0x9f: {  	[tilespmem:s24], [sflag:$0x6] =	stream.linear.gather [hbm4b:s12+s3], $0x80, $0x38;
	[tilespmem:$0x1E280] =	vst v63  }
.LBB2_7:
0xa0: {  	_ =	sfence.sel $0x180000  }
0xa1: {  	[bflag:$0x0] =	sbarrier.arrive $0xFFFF  }
0xa2: {  	_ =	strace $0x9000004D  }
0xa3: {  	s0 =	stileid.u32;
	[bflag:$0x2] =	sbarrier.arrive $0xFFFF  }
0xa4: {  	p0 =	sne.s32 s0, $0x0;
	s0 =	rddreg [dreg:$0x2]  }
0xa5: {  	s0 =	sadd.s32 @!p0 $0x100000, s0  }
0xa6: {  	[sflag:s0] =	ssyncadd.tile.s32 @!p0 $0x1;
	_ =	shalt  }
.Lfunc_end2:
_tile_overlayer_lowered:
.L_overlay_start_2:
0xa7: {  	(tag) =	ssettag $0x2  }
0xa8: {  	s0 =	rddreg [dreg:$0x0];
	s2 =	stileid.u32  }
0xa9: {  	s1 =	rddreg [dreg:$0x1];
	p0 =	sne.s32 s2, $0x0  }
0xaa: {  	s3 =	rddreg [dreg:$0x2];
	[bflag:$0x3] =	sbarrier.arrive $0xFFFF;
	s2 =	simm.s32 @!p0 $0x1C08  }
0xab: {  	[timem:s3], [sflag:s2] =	dma.local @!p0 [hbm:s0], s1  }
0xac: {  	s0 =	simm.s32 @!p0 $0x8  }
0xad: {  	_ =	swait.ge @!p0 [sflag:s0], s1  }
0xae: {  	s1 =	ssub.s32 @!p0 $0x0, s1;
	[sflag:s0] =	ssyncset.done @!p0 $0x0  }
0xaf: {  	[sflag:s0] =	ssyncadd.s32 @!p0 s1  }
0xb0: {  	[bflag:$0x3] =	sbarrier.arrive $0xFFFF  }
0xb1: {  	_ =	shalt  }

// kernel: kernel.20.cloned.1.call-start
scs
__scs_entry_jumppad:
0x0: {  	(pc) =	sbr.rel $0x88, $3  }
0x1: {  	(tag) =	ssettag $0x0;
	lr =	simm.s32 $0x1  }
0x2: {  	[smem:$0x3F97] =	sst lr;
	_ =	strace $0xD0000000  }
0x3: {  	_ = 	snop  }
0x4: {  	_ = 	snop  }
0x5: {  	_ = 	snop  }
0x6: {  	_ = 	snop  }
0x7: {  	_ = 	snop  }
__scs_overlays_trampoline_lowered:
0x8: {  	[smem:$0x3FA6] =	sst s0  }
0x9: {  	[smem:$0x3FA7] =	sst s1  }
0xa: {  	[smem:$0x3FA8] =	sst s2  }
0xb: {  	[smem:$0x3FA9] =	sst s3  }
0xc: {  	[smem:$0x3FAA] =	sst s4  }
0xd: {  	[smem:$0x3FAB] =	sst s5  }
0xe: {  	[smem:$0x3FAC] =	sst s6  }
0xf: {  	[smem:$0x3FAD] =	sst s7  }
0x10: {  	[smem:$0x3FAE] =	sst s8  }
0x11: {  	[smem:$0x3FAF] =	sst s9;
	s0 =	simm.s32 @!p0 $0x0  }
0x12: {  	s1 =	sld [smem:$0x3F95];
	s0 =	simm.s32 @p0 $0x1  }
0x13: {  	[smem:$0x3FB0] =	sst s0;
	s0 =	simm.s32 @!p1 $0x0  }
0x14: {  	s2 =	sld [smem:$0x3F94];
	s0 =	simm.s32 @p1 $0x1  }
0x15: {  	[smem:$0x3FB1] =	sst s0;
	s0 =	simm.s32 @!p2 $0x0  }
0x16: {  	s3 =	sld [smem:$0x3FDB];
	s0 =	simm.s32 @p2 $0x1  }
0x17: {  	s4 =	simm.s32 $0x1BF5;
	[smem:$0x3FB3] =	sst s0  }
0x18: {  	s0 =	sld [smem:$0x3F96];
	_ =	swait.ge [sflag:s4], $0x0  }
0x19: {  	s7 =	sld [smem:$0x3F97]  }
0x1a: {  	s8 =	sadd.s32 $0xFFFFE003, lr  }
0x1b: {  	s9 =	sadd.s32 $0xFFFFFEF7, lr;
	s5 =	simm.s32 $0xFFFFFFFF;
	p2 =	slt.u32 s8, $0xFFFFF086  }
0x1c: {  	p1 =	slt.u32 s9, $0xF7A;
	s5 =	simm.s32 @!p2 $0x0  }
0x1d: {  	s5 =	simm.s32 @p1 $0x1;
	p0 =	seq.s32 s7, s2  }
0x1e: {  	s7 =	smul.u32 @!p0 $0xF7A, s2;
	p2 =	seq.s32 @!p0 s5, $0x0  }
0x1f: {  	s9 =	smul.u32 $0xF7A, s1;
	s8 =	simm.s32 @!p0 $0x1BF5;
	p2 =	por !p2, p0  }
0x20: {  	[sflag:s8] =	ssyncset.s32 @!p0 $0xFFFFF086;
	s6 =	sadd.s32 @!p0 s3, s7;
	s7 =	simm.s32 @!p0 $0x108  }
0x21: {  	s3 =	sadd.s32 s3, s9;
	s6 =	sadd.s32 @!p0 $0x88, s6;
	s7 =	simm.s32 @p2 $0x1082  }
0x22: {  	[simem:s7], [sflag:s8] =	dma.local @!p0 [hbm:s6], $0xF7A  }
0x23: {  	s9 =	sor.u32 $0xD0000000, s2;
	s6 =	simm.s32 $0x108;
	_ =	swait.ge @!p0 [sflag:s8], $0x0  }
0x24: {  	s3 =	sadd.s32 $0x88, s3;
	s6 =	simm.s32 @!p1 $0x1082;
	[sflag:s4] =	ssyncset.s32 $0xFFFFF086  }
0x25: {  	[simem:s6], [sflag:s4] =	dma.local [hbm:s3], $0xF7A  }
0x26: {  	[smem:$0x3F97] =	sst s1;
	(tag) =	ssettag s2;
	_ =	strace s9  }
0x27: {  	s1 =	sld [smem:$0x3FA7]  }
0x28: {  	s2 =	sld [smem:$0x3FA8]  }
0x29: {  	s4 =	sld [smem:$0x3FAA]  }
0x2a: {  	p0 =	seq.s32 s5, $0x0;
	s5 =	sld [smem:$0x3FAB]  }
0x2b: {  	s6 =	sld [smem:$0x3FAC]  }
0x2c: {  	s7 =	sld [smem:$0x3FAD]  }
0x2d: {  	s3 =	simm.s32 $0x108;
	s8 =	sld [smem:$0x3FAE]  }
0x2e: {  	s3 =	simm.s32 @!p0 $0x1082;
	s9 =	sld [smem:$0x3FAF]  }
0x2f: {  	lr =	sadd.s32 s0, s3;
	s0 =	sld [smem:$0x3FA6]  }
0x30: {  	s3 =	sld [smem:$0x3FA9]  }
0x31: {  	[smem:$0x3FB2] =	sst s10  }
0x32: {  	s10 =	sld [smem:$0x3FB0];
	_ =	sdelay $0x3  }
0x33: {  	p0 =	seq.s32 s10, $0x1;
	s10 =	sld [smem:$0x3FB2];
	_ =	sdelay $0x3  }
0x34: {  	[smem:$0x3FB2] =	sst s10  }
0x35: {  	s10 =	sld [smem:$0x3FB1];
	_ =	sdelay $0x3  }
0x36: {  	p1 =	seq.s32 s10, $0x1;
	s10 =	sld [smem:$0x3FB2];
	_ =	sdelay $0x3  }
0x37: {  	[smem:$0x3FB2] =	sst s10  }
0x38: {  	s10 =	sld [smem:$0x3FB3]  }
0x39: {  	_ = 	snop;
	(pc) =	sbr.ind lr, $3  }
0x3a: {  	_ = 	snop  }
0x3b: {  	_ = 	snop  }
0x3c: {  	p2 =	seq.s32 s10, $0x1;
	s10 =	sld [smem:$0x3FB2]  }
0x3d: {  	_ =	shalt  }
0x3e: {  	_ =	shalt  }
0x3f: {  	_ =	shalt  }
0x40: {  	_ =	shalt  }
0x41: {  	_ =	shalt  }
0x42: {  	_ =	shalt  }
0x43: {  	_ =	shalt  }
0x44: {  	_ =	shalt  }
0x45: {  	_ =	shalt  }
0x46: {  	_ =	shalt  }
0x47: {  	_ =	shalt  }
0x48: {  	_ =	shalt  }
0x49: {  	_ =	shalt  }
0x4a: {  	_ =	shalt  }
0x4b: {  	_ =	shalt  }
0x4c: {  	_ =	shalt  }
0x4d: {  	_ =	shalt  }
0x4e: {  	_ =	shalt  }
0x4f: {  	_ =	shalt  }
0x50: {  	_ =	shalt  }
0x51: {  	_ =	shalt  }
0x52: {  	_ =	shalt  }
0x53: {  	_ =	shalt  }
0x54: {  	_ =	shalt  }
0x55: {  	_ =	shalt  }
0x56: {  	_ =	shalt  }
0x57: {  	_ =	shalt  }
0x58: {  	_ =	shalt  }
0x59: {  	_ =	shalt  }
0x5a: {  	_ =	shalt  }
0x5b: {  	_ =	shalt  }
0x5c: {  	_ =	shalt  }
0x5d: {  	_ =	shalt  }
0x5e: {  	_ =	shalt  }
0x5f: {  	_ =	shalt  }
0x60: {  	_ =	shalt  }
0x61: {  	_ =	shalt  }
0x62: {  	_ =	shalt  }
0x63: {  	_ =	shalt  }
0x64: {  	_ =	shalt  }
0x65: {  	_ =	shalt  }
0x66: {  	_ =	shalt  }
0x67: {  	_ =	shalt  }
0x68: {  	_ =	shalt  }
0x69: {  	_ =	shalt  }
0x6a: {  	_ =	shalt  }
0x6b: {  	_ =	shalt  }
0x6c: {  	_ =	shalt  }
0x6d: {  	_ =	shalt  }
0x6e: {  	_ =	shalt  }
0x6f: {  	_ =	shalt  }
0x70: {  	_ =	shalt  }
0x71: {  	_ =	shalt  }
0x72: {  	_ =	shalt  }
0x73: {  	_ =	shalt  }
0x74: {  	_ =	shalt  }
0x75: {  	_ =	shalt  }
0x76: {  	_ =	shalt  }
0x77: {  	_ =	shalt  }
0x78: {  	_ =	shalt  }
0x79: {  	_ =	shalt  }
0x7a: {  	_ =	shalt  }
0x7b: {  	_ =	shalt  }
0x7c: {  	_ =	shalt  }
0x7d: {  	_ =	shalt  }
0x7e: {  	_ =	shalt  }
0x7f: {  	_ =	shalt  }
0x80: {  	_ =	shalt  }
0x81: {  	_ =	shalt  }
0x82: {  	_ =	shalt  }
0x83: {  	_ =	shalt  }
0x84: {  	_ =	shalt  }
0x85: {  	_ =	shalt  }
0x86: {  	_ =	shalt  }
0x87: {  	_ =	shalt  }
.Lfunc_end0:
.L_simem_size_0:
called_computation.3_lowered:
.L_overlay_start_0:
0x88: {  	s2 =	sld [smem:$0x3FD9]  }
0x89: {  	s3 =	sld [smem:$0x3FFE];
	_ =	sdelay $0x1  }
0x8a: {  	s1 =	srdreg.scid  }
0x8b: {  	s0 =	sand.u32 $0x1, s1  }
0x8c: {  	s16 =	sshll.u32 s0, $0xA;
	s2 =	sadd.s32 s3, s2  }
0x8d: {  	s2 =	sadd.s32 s2, s16  }
0x8e: {  	[smem:$0x3FBE] =	sst s2  }
0x8f: {  	_ = 	snop  }
0x90: {  	(tm) =	ssettm $0x1  }
0x91: {  	s17 =	sld [smem:$0x3FFB];
	_ =	sdelay $0x3  }
0x92: {  	_ =	strace s17  }
0x93: {  	s2 =	sld [smem:$0x3FFC];
	_ =	sdelay $0x3  }
0x94: {  	_ =	strace s2  }
0x95: {  	s2 =	sld [smem:$0x3FFD];
	_ =	sdelay $0x3  }
0x96: {  	_ =	strace s2  }
0x97: {  	_ =	strace $0x8FFFFFFF  }
0x98: {  	s18 =	sld [smem:$0x3FDB];
	_ =	sdelay $0x1  }
0x99: {  	s19 =	simm.s32 $_scs_section_size  }
0x9a: {  	s4 =	simm.s32 $_size__tile_overlayer_lowered;
	s5 =	simm.s32 $_tile_overlayer_lowered  }
0x9b: {  	s22 =	simm.s32 $0x1BFF;
	s21 =	sshll.u32 s5, $0x1;
	s2 =	sadd.s32 s19, s18  }
0x9c: {  	s6 =	simm.s32 $0x0;
	s20 =	sshll.u32 s4, $0x1;
	s4 =	sadd.s32 s21, s2  }
0x9d: {  	[timem:s6], [sflag:s22] =	dma.local [hbm:s4], s20  }
0x9e: {  	_ =	swait.ge [sflag:s22], s20  }
0x9f: {  	s3 =	ssub.s32 $0x0, s20;
	[sflag:s22] =	ssyncset.done $0x0  }
0xa0: {  	[sflag:s22] =	ssyncadd.s32 s3;
	_ =	sdelay $0x1  }
0xa1: {  	s23 =	simm.s32 $0x1B8B  }
0xa2: {  	_ =	swait.ge [sflag:s23], $0x1  }
0xa3: {  	[sflag:s23] =	ssyncset.done $0x0  }
0xa4: {  	s25 =	simm.s32 $0x1B8E;
	s24 =	sld [smem:$0x3FFE];
	[sflag:s23] =	ssyncadd.s32 $0xFFFFFFFF  }
0xa5: {  	s26 =	simm.s32 $execute0_lowered;
	[smem:$0x3FD2] =	sst s25  }
0xa6: {  	s4 =	sshll.u32 s26, $0x1;
	_ =	strace $0x8000004F;
	[dreg:$0x1] =	wrdreg $0xFFFFFFFF  }
0xa7: {  	s28 =	simm.s32 $_size_execute0_lowered;
	s2 =	sadd.s32 s2, s4;
	[dreg:$0x0] =	wrdreg $0x0  }
0xa8: {  	s4 =	sshll.u32 s28, $0x1;
	[dreg:$0x2] =	wrdreg s2  }
0xa9: {  	[dreg:$0x3] =	wrdreg s4  }
0xaa: {  	[dreg:$0x4] =	wrdreg $0xC0  }
0xab: {  	_ =	task [dreg:s6], $0x5FFFF  }
0xac: {  	[dreg:$0x1] =	wrdreg $0xFFFFFFFF  }
0xad: {  	[dreg:$0x0] =	wrdreg $0x60  }
0xae: {  	[dreg:$0x2] =	wrdreg s24  }
0xaf: {  	[dreg:$0x3] =	wrdreg $0xAA000  }
0xb0: {  	[dreg:$0x4] =	wrdreg $0x9  }
0xb1: {  	_ =	task.clear_ibuf [dreg:s6], $0x5FFFF;
	_ =	strace $0x9000004F  }
0xb2: {  	s29 =	simm.s32 $0x9;
	_ =	strace $0x80000051  }
0xb3: {  	_ =	swait.ge [sflag:s29], $0x1  }
0xb4: {  	[sflag:s29] =	ssyncadd.s32 $0xFFFFFFFF  }
0xb5: {  	_ =	strace $0x90000051  }
0xb6: {  	_ =	sfence  }
0xb7: {  	s30 =	sld [smem:$0x0];
	_ =	sdelay $0x2  }
0xb8: {  	s31 =	sshll.u32 s1, $0xD;
	s1 =	sshrl.u32 s1, $0x2  }
0xb9: {  	s3 =	sand.u32 $0x4000, s31;
	s1 =	sadd.s32 s1, s30  }
0xba: {  	s0 =	sor.u32 s3, s0;
	s1 =	sshll.u32 s1, $0x11  }
0xbb: {  	s0 =	sor.u32 s1, s0  }
0xbc: {  	s0 =	sadd.s32 $0x8F2B, s0  }
0xbd: {  	[sflag:s0] =	ssyncadd.remote.s32 $0x1  }
0xbe: {  	_ =	sfence.sel $0xFFFF  }
0xbf: {  	[dreg:$0x0] =	wrdreg $0xFFFFFFFF;
	(pc) =	sbr.abs _section_cstart, $3  }
0xc0: {  	[dreg:$0x1] =	wrdreg $0xFFFFFFFF  }
0xc1: {  	_ =	task.clear_ibuf [dreg:s6], $0x2FFFF;
	_ =	strace $0x9FFFFFFF  }
0xc2: {  	(tm) =	ssettm $0x7FFFFFFF  }
0xc3: {  	_ =	shalt  }
tec
execute0_lowered:
.L_overlay_start_1:
0x0: {  	(tag) =	ssettag $0x1  }
0x1: {  	s0 =	srdreg.scid  }
0x2: {  	s1 =	rddreg [dreg:$0x0];
	s10 =	stileid.u32  }
0x3: {  	s2 =	rddreg [dreg:$0x1];
	s0 =	sand.u32 $0x1, s0;
	s8 =	smul.u32 $0x13C00, s10  }
0x4: {  	s28 =	simm.s32 $0x2A00;
	s3 =	sshll.u32 s0, $0x4;
	s7 =	smul.u32 $0x13C000, s0  }
0x5: {  	s29 =	simm.s32 $0x4;
	s4 =	sor.u32 s10, s3;
	s10 =	smul.u32 $0x4E200, s10  }
0x6: {  	s30 =	simm.s32 $0x7;
	s5 =	sadd.s32 $0x1B400, s1;
	s4 =	smul.u32 $0x2800, s4  }
0x7: {  	s6 =	sadd.s32 $0x11400, s1;
	s3 =	simm.s32 $0x0;
	s7 =	sadd.s32 s8, s7  }
0x8: {  	s7 =	sshrl.u32 s7, $0x3;
	s10 =	sshrl.u32 s10, $0x2;
	s9 =	sshrl.u32 s4, $0x3  }
0x9: {  	s11 =	sadd.s32 s9, s1;
	s1 =	sadd.s32 s7, s1;
	s7 =	sadd.s32 s10, s2  }
0xa: {  	s31 =	simm.s32 $0x1;
	[smem:$0x7FF] =	sst s3;
	s19 =	sadd.s32 $0x3E80, s7  }
0xb: {  	_ =	strace $0x80000050;
	s20 =	sadd.s32 $0x7D00, s7;
	[dreg:$0x3] =	wrdreg s19  }
0xc: {  	s0 =	ssub.s32 $0x2, s0;
	s21 =	sadd.s32 $0xBB80, s7;
	[dreg:$0x4] =	wrdreg s20  }
0xd: {  	s18 =	sshrl.u32 s0, $0x1;
	s22 =	sadd.s32 $0xFA00, s7;
	[dreg:$0x5] =	wrdreg s21  }
0xe: {  	s13 =	sadd.s32 s6, s9;
	s23 =	sadd.s32 $0x6A00, s11;
	[dreg:$0x6] =	wrdreg s22  }
0xf: {  	s0 =	ssub.s32 s0, s18;
	s24 =	sadd.s32 $0x10, s13;
	[dreg:$0x7] =	wrdreg s23  }
0x10: {  	s8 =	simm.s32 $0x6;
	s25 =	sadd.s32 $0x20, s13;
	[dreg:$0x8] =	wrdreg s24  }
0x11: {  	s18 =	smax.u32 s0, $0x1;
	s26 =	sadd.s32 $0x30, s13;
	[dreg:$0x9] =	wrdreg s25  }
.Ltmp0:
0x12: {  	s1 =	sadd.s32 $0x90A00, s1;
	[dreg:$0xa] =	wrdreg s26;
	(pc) =	sbr.rel .LBB2_1-.Ltmp0, $4  }
0x13: {  	s0 =	simm.s32 $0x2;
	s9 =	simm.s32 $0x0;
	[dreg:$0xb] =	wrdreg s1  }
0x14: {  	s19 =	simm.s32 $0x6A00;
	s20 =	simm.s32 $0x8;
	s21 =	simm.s32 $0x2800  }
0x15: {  	s22 =	simm.s32 $0x2880;
	s23 =	simm.s32 $0x2900;
	s24 =	simm.s32 $0x2980  }
0x16: {  	v0 =	vimm.f32 $0.0e+00;
	s25 =	simm.s32 $0x3;
	s26 =	simm.s32 $0x7D;
	s1 =	simm.s32 $0x5  }
.LBB2_6:
0x17: {  	s10 =	stileid.u32;
	[bflag:$0x0] =	sbarrier.arrive $0xFFFF;
	s9 =	sadd.s32 $0x1, s9  }
0x18: {  	s11 =	sshrl.u32 s7, $0x3;
	s10 =	sshll.u32 s10, $0x6;
	p0 =	sne.s32 s9, s18  }
.Ltmp1:
0x19: {  	s12 =	rddreg [dreg:$0xb];
	s10 =	sor.u32 $0x1C08, s10;
	(pc) =	sbr.rel @!p0 .LBB2_7-.Ltmp1, $4  }
0x1a: {  	[hbm:s12], [sflag:s10] =	dma.local [spmem:s11], $0x2710  }
0x1b: {  	_ =	swait.ge [sflag:s20], $0x2710  }
0x1c: {  	[sflag:s20] =	ssyncset.done $0x0  }
0x1d: {  	[sflag:s20] =	ssyncadd.s32 $0xFFFFD8F0  }
.LBB2_1:
0x1e: {  	s10 =	simm.s32 $0x0;
	s11 =	simm.s32 $0x200  }
.LBB2_2:
0x1f: {  	p0 =	sne.s32 s11, $0xF800;
	[tilespmem:s10+$0x6A70] =	vst v0  }
0x20: {  	[tilespmem:s10+$0x6A00] =	vst v0  }
0x21: {  	[tilespmem:s10+$0x6A10] =	vst v0  }
.Ltmp2:
0x22: {  	[tilespmem:s10+$0x6A20] =	vst v0;
	(pc) =	sbr.rel @p0 .LBB2_2-.Ltmp2, $4  }
0x23: {  	[tilespmem:s10+$0x6A30] =	vst v0  }
0x24: {  	[tilespmem:s10+$0x6A40] =	vst v0  }
0x25: {  	[tilespmem:s10+$0x6A50] =	vst v0  }
0x26: {  	[tilespmem:s10+$0x6A60] =	vst v0;
	s10 =	sshra.s32 s11, $0x2;
	s11 =	sadd.s32 $0x200, s11  }
0x27: {  	[tilespmem:s10+$0x6A70] =	vst v0  }
0x28: {  	[tilespmem:s10+$0x6A00] =	vst v0  }
0x29: {  	[tilespmem:s10+$0x6A10] =	vst v0  }
0x2a: {  	[tilespmem:s10+$0x6A20] =	vst v0  }
0x2b: {  	[tilespmem:s10+$0x6A30] =	vst v0  }
0x2c: {  	[tilespmem:s10+$0x6A40] =	vst v0  }
0x2d: {  	[tilespmem:s10+$0x6A50] =	vst v0  }
0x2e: {  	[tilespmem:s10+$0x6A60] =	vst v0  }
0x2f: {  	[spmem:s7] =	stream.linear.scatter [tilespmem:s19], [sflag:$0x7], $0x3E80, $0x38;
	[tilespmem:$0x1E280] =	vst v63  }
0x30: {  	s16 =	rddreg [dreg:$0x3]  }
0x31: {  	[spmem:s16] =	stream.linear.scatter [tilespmem:s19], [sflag:$0x7], $0x3E80, $0x38;
	[tilespmem:$0x1E280] =	vst v63  }
0x32: {  	s17 =	rddreg [dreg:$0x4]  }
0x33: {  	[spmem:s17] =	stream.linear.scatter [tilespmem:s19], [sflag:$0x7], $0x3E80, $0x38;
	[tilespmem:$0x1E280] =	vst v63  }
0x34: {  	s11 =	rddreg [dreg:$0x5]  }
0x35: {  	[spmem:s11] =	stream.linear.scatter [tilespmem:s19], [sflag:$0x7], $0x3E80, $0x38;
	[tilespmem:$0x1E280] =	vst v63  }
0x36: {  	s12 =	rddreg [dreg:$0x6]  }
0x37: {  	[spmem:s12] =	stream.linear.scatter [tilespmem:s19], [sflag:$0x7], $0x3E80, $0x38;
	[tilespmem:$0x1E280] =	vst v63  }
0x38: {  	s14 =	rddreg [dreg:$0x7]  }
0x39: {  	[tilespmem:s3], [sflag:$0x8] =	stream.linear.gather [hbm4b:s14+s3], $0x2800, $0x38;
	[tilespmem:$0x1E280] =	vst v63  }
0x3a: {  	_ =	swait.ge [sflag:s20], $0x2800  }
0x3b: {  	[sflag:s20] =	ssyncset.done $0x0  }
0x3c: {  	[sflag:s20] =	ssyncadd.s32 $0xFFFFD800  }
0x3d: {  	[tilespmem:s21], [sflag:$0x3] =	stream.linear.gather [hbm4b:s13+s3], $0x80, $0x38;
	[tilespmem:$0x1E280] =	vst v63  }
0x3e: {  	s15 =	rddreg [dreg:$0x8]  }
0x3f: {  	[tilespmem:s22], [sflag:$0x4] =	stream.linear.gather [hbm4b:s15+s3], $0x80, $0x38;
	[tilespmem:$0x1E280] =	vst v63  }
0x40: {  	s16 =	rddreg [dreg:$0x9]  }
0x41: {  	[tilespmem:s23], [sflag:$0x5] =	stream.linear.gather [hbm4b:s16+s3], $0x80, $0x38;
	[tilespmem:$0x1E280] =	vst v63  }
0x42: {  	s17 =	rddreg [dreg:$0xa]  }
0x43: {  	[tilespmem:s24], [sflag:$0x6] =	stream.linear.gather [hbm4b:s17+s3], $0x80, $0x38;
	[tilespmem:$0x1E280] =	vst v63  }
0x44: {  	_ =	swait.ge [sflag:s25], $0x80  }
0x45: {  	[sflag:s25] =	ssyncset.done $0x0  }
0x46: {  	[sflag:s25] =	ssyncadd.s32 $0xFFFFFF80  }
0x47: {  	[tilespmem:s28], [sflag:$0x1] =	stream.indirect.gather [hbm4b:s5+s26], $0x80, s21, s26, $0xb8;
	[tilespmem:$0x1E280] =	vst v63  }
0x48: {  	_ =	swait.ge [sflag:s29], $0x80  }
0x49: {  	[sflag:s29] =	ssyncset.done $0x0  }
0x4a: {  	[sflag:s29] =	ssyncadd.s32 $0xFFFFFF80  }
0x4b: {  	_ =	swait.ge [sflag:s30], $0x3E80  }
0x4c: {  	[sflag:s30] =	ssyncset.done $0x0  }
0x4d: {  	[sflag:s30] =	ssyncadd.s32 $0xFFFFC180  }
0x4e: {  	_ =	swait.ge [sflag:s30], $0x3E80  }
0x4f: {  	[sflag:s30] =	ssyncset.done $0x0  }
0x50: {  	[sflag:s30] =	ssyncadd.s32 $0xFFFFC180  }
0x51: {  	_ =	swait.ge [sflag:s30], $0x3E80  }
0x52: {  	[sflag:s30] =	ssyncset.done $0x0  }
0x53: {  	[sflag:s30] =	ssyncadd.s32 $0xFFFFC180  }
0x54: {  	_ =	swait.ge [sflag:s30], $0x3E80  }
0x55: {  	[sflag:s30] =	ssyncset.done $0x0  }
0x56: {  	[sflag:s30] =	ssyncadd.s32 $0xFFFFC180  }
0x57: {  	_ =	swait.ge [sflag:s30], $0x3E80  }
0x58: {  	[sflag:s30] =	ssyncset.done $0x0  }
0x59: {  	[sflag:s30] =	ssyncadd.s32 $0xFFFFC180  }
0x5a: {  	[tilespmem:s19], [sflag:$0x2] =	stream.indirect.gather [hbm4b:s5+s26], $0x80, s22, s26, $0xb8;
	[tilespmem:$0x1E280] =	vst v63  }
0x5b: {  	s10 =	simm.s32 $0x100;
	s11 =	simm.s32 $0x380;
	[bflag:$0x0] =	sbarrier.arrive $0xFFFF  }
.LBB2_4:
0x5c: {  	_ =	swait.ge [sflag:s31], $0x3E80  }
0x5d: {  	[sflag:s31] =	ssyncset.done $0x0  }
0x5e: {  	s12 =	sadd.s32 $0xFFFFFF00, s10;
	[sflag:s31] =	ssyncadd.s32 $0xFFFFC180  }
0x5f: {  	[spmem:s2] =	stream.indirect.scatter.add.f32 [tilespmem:s28], [sflag:$0x8], $0x80, s12, s26, $0xb8;
	[tilespmem:$0x1E280] =	vst v63  }
0x60: {  	p0 =	seq.s32 s11, $0x2980;
	_ =	swait.ge [sflag:s20], $0x3E80  }
0x61: {  	s12 =	sadd.s32 @!p0 $0xFFFFFE80, s11;
	[sflag:s20] =	ssyncset.done $0x0  }
0x62: {  	s14 =	sand.u32 @!p0 $0x7C00, s12;
	[sflag:s20] =	ssyncadd.s32 $0xFFFFC180  }
0x63: {  	s12 =	sand.u32 @!p0 $0x200, s12;
	s14 =	sadd.s32 @!p0 s4, s14;
	_ =	swait.ge [sflag:s1], $0x80  }
0x64: {  	s12 =	sor.u32 @!p0 s12, s14;
	[sflag:s1] =	ssyncset.done $0x0  }
0x65: {  	s12 =	sshrl.u32 @!p0 s12, $0x3;
	[sflag:s1] =	ssyncadd.s32 $0xFFFFFF80  }
0x66: {  	[tilespmem:s28], [sflag:$0x1] =	stream.indirect.gather [hbm4b:s5+s26], $0x80, s23, s26, $0xb8;
	[tilespmem:$0x1E280] =	vst v63  }
0x67: {  	s15 =	simm.s32 @!p0 $0x2800;
	s14 =	simm.s32 @!p0 $0x0;
	s12 =	sadd.s32 @!p0 s6, s12  }
0x68: {  	[tilespmem:s15], [sflag:$0x3] =	stream.linear.gather @!p0 [hbm4b:s12+s14], $0x80, $0x38;
	[tilespmem:$0x1E280] =	vst v63  }
0x69: {  	_ =	swait.ge [sflag:s0], $0x3E80  }
0x6a: {  	[sflag:s0] =	ssyncset.done $0x0  }
0x6b: {  	s16 =	sadd.s32 $0xFFFFFF80, s10;
	[sflag:s0] =	ssyncadd.s32 $0xFFFFC180  }
0x6c: {  	[spmem:s2] =	stream.indirect.scatter.add.f32 [tilespmem:s19], [sflag:$0x8], $0x80, s16, s26, $0xb8;
	[tilespmem:$0x1E280] =	vst v63  }
0x6d: {  	_ =	swait.ge [sflag:s20], $0x3E80  }
0x6e: {  	[sflag:s20] =	ssyncset.done $0x0  }
0x6f: {  	[sflag:s20] =	ssyncadd.s32 $0xFFFFC180  }
0x70: {  	_ =	swait.ge [sflag:s8], $0x80  }
0x71: {  	[sflag:s8] =	ssyncset.done $0x0  }
0x72: {  	s12 =	simm.s32 @p0 $0x1;
	[sflag:s8] =	ssyncadd.s32 $0xFFFFFF80  }
0x73: {  	[tilespmem:s19], [sflag:$0x2] =	stream.indirect.gather [hbm4b:s5+s26], $0x80, s24, s26, $0xb8;
	[tilespmem:$0x1E280] =	vst v63  }
0x74: {  	_ =	swait.ge @p0 [sflag:s12], $0x3E80  }
0x75: {  	[sflag:s12] =	ssyncset.done @p0 $0x0  }
0x76: {  	s16 =	simm.s32 @p0 $0x2A00;
	[sflag:s12] =	ssyncadd.s32 @p0 $0xFFFFC180;
	s12 =	simm.s32 @p0 $0x7D  }
0x77: {  	[spmem:s2] =	stream.indirect.scatter.add.f32 @p0 [tilespmem:s16], [sflag:$0x8], $0x80, s10, s12, $0xb8;
	[tilespmem:$0x1E280] =	vst v63  }
0x78: {  	s12 =	sadd.s32 @!p0 $0xFFFFFF00, s11  }
0x79: {  	s16 =	sand.u32 @!p0 $0x7C00, s12  }
0x7a: {  	s17 =	simm.s32 @p0 $0x8;
	s12 =	sand.u32 @!p0 $0x280, s12;
	s16 =	sadd.s32 @!p0 s4, s16  }
0x7b: {  	_ =	swait.ge @p0 [sflag:s17], $0x3E80;
	s12 =	sor.u32 @!p0 s12, s16  }
0x7c: {  	[sflag:s17] =	ssyncset.done @p0 $0x0;
	s12 =	sshrl.u32 @!p0 s12, $0x3  }
0x7d: {  	[sflag:s17] =	ssyncadd.s32 @p0 $0xFFFFC180;
	s16 =	simm.s32 @!p0 $0x2880;
	s12 =	sadd.s32 @!p0 s6, s12  }
0x7e: {  	[tilespmem:s16], [sflag:$0x4] =	stream.linear.gather @!p0 [hbm4b:s12+s14], $0x80, $0x38;
	[tilespmem:$0x1E280] =	vst v63  }
0x7f: {  	s12 =	simm.s32 @!p0 $0x1  }
0x80: {  	_ =	swait.ge @!p0 [sflag:s12], $0x3E80  }
0x81: {  	s17 =	simm.s32 @!p0 $0x8;
	[sflag:s12] =	ssyncset.done @!p0 $0x0  }
0x82: {  	s16 =	simm.s32 @!p0 $0x2A00;
	[sflag:s12] =	ssyncadd.s32 @!p0 $0xFFFFC180;
	s12 =	simm.s32 @!p0 $0x7D  }
0x83: {  	[spmem:s2] =	stream.indirect.scatter.add.f32 @!p0 [tilespmem:s16], [sflag:$0x8], $0x80, s10, s12, $0xb8;
	[tilespmem:$0x1E280] =	vst v63  }
0x84: {  	_ =	swait.ge @!p0 [sflag:s17], $0x3E80  }
0x85: {  	[sflag:s17] =	ssyncset.done @!p0 $0x0  }
0x86: {  	[sflag:s17] =	ssyncadd.s32 @!p0 $0xFFFFC180;
	s17 =	simm.s32 @!p0 $0x3  }
0x87: {  	_ =	swait.ge @!p0 [sflag:s17], $0x80  }
0x88: {  	[sflag:s17] =	ssyncset.done @!p0 $0x0  }
0x89: {  	[sflag:s17] =	ssyncadd.s32 @!p0 $0xFFFFFF80  }
0x8a: {  	[tilespmem:s16], [sflag:$0x1] =	stream.indirect.gather @!p0 [hbm4b:s5+s12], $0x80, s15, s12, $0xb8;
	[tilespmem:$0x1E280] =	vst v63  }
0x8b: {  	s12 =	sadd.s32 @!p0 $0xFFFFFF80, s11  }
0x8c: {  	s15 =	sand.u32 @!p0 $0x7C00, s12  }
0x8d: {  	s12 =	sand.u32 @!p0 $0x300, s12;
	s15 =	sadd.s32 @!p0 s4, s15  }
0x8e: {  	s12 =	sor.u32 @!p0 s12, s15  }
0x8f: {  	s12 =	sshrl.u32 @!p0 s12, $0x3  }
0x90: {  	s15 =	simm.s32 @!p0 $0x2900;
	s12 =	sadd.s32 @!p0 s6, s12  }
0x91: {  	[tilespmem:s15], [sflag:$0x5] =	stream.linear.gather @!p0 [hbm4b:s12+s14], $0x80, $0x38;
	[tilespmem:$0x1E280] =	vst v63  }
0x92: {  	_ =	swait.ge [sflag:s0], $0x3E80  }
0x93: {  	[sflag:s0] =	ssyncset.done $0x0  }
.Ltmp3:
0x94: {  	s17 =	sadd.s32 $0x80, s10;
	[sflag:s0] =	ssyncadd.s32 $0xFFFFC180;
	(pc) =	sbr.rel @p0 .LBB2_6-.Ltmp3, $4  }
0x95: {  	[spmem:s2] =	stream.indirect.scatter.add.f32 [tilespmem:s19], [sflag:$0x8], $0x80, s17, s26, $0xb8;
	[tilespmem:$0x1E280] =	vst v63  }
0x96: {  	_ =	swait.ge [sflag:s20], $0x3E80  }
0x97: {  	[sflag:s20] =	ssyncset.done $0x0  }
0x98: {  	[sflag:s20] =	ssyncadd.s32 $0xFFFFC180  }
0x99: {  	_ =	swait.ge [sflag:s29], $0x80;
	s12 =	sand.u32 $0x7C00, s11  }
0x9a: {  	s14 =	sand.u32 $0x380, s11;
	[sflag:s29] =	ssyncset.done $0x0;
	s12 =	sadd.s32 s4, s12  }
.Ltmp4:
0x9b: {  	[sflag:s29] =	ssyncadd.s32 $0xFFFFFF80;
	s12 =	sor.u32 s14, s12;
	(pc) =	sbr.rel .LBB2_4-.Ltmp4, $4  }
0x9c: {  	[tilespmem:s19], [sflag:$0x2] =	stream.indirect.gather [hbm4b:s5+s26], $0x80, s22, s26, $0xb8;
	[tilespmem:$0x1E280] =	vst v63  }
0x9d: {  	s12 =	sshrl.u32 s12, $0x3  }
0x9e: {  	s10 =	sadd.s32 $0x200, s10;
	s11 =	sadd.s32 $0x200, s11;
	s12 =	sadd.s32 s6, s12  }
0x9f: {  	[tilespmem:s24], [sflag:$0x6] =	stream.linear.gather [hbm4b:s12+s3], $0x80, $0x38;
	[tilespmem:$0x1E280] =	vst v63  }
.LBB2_7:
0xa0: {  	_ =	sfence.sel $0x180000  }
0xa1: {  	[bflag:$0x0] =	sbarrier.arrive $0xFFFF  }
0xa2: {  	_ =	strace $0x90000050  }
0xa3: {  	s0 =	stileid.u32;
	[bflag:$0x2] =	sbarrier.arrive $0xFFFF  }
0xa4: {  	p0 =	sne.s32 s0, $0x0;
	s0 =	rddreg [dreg:$0x2]  }
0xa5: {  	s0 =	sadd.s32 @!p0 $0x100000, s0  }
0xa6: {  	[sflag:s0] =	ssyncadd.tile.s32 @!p0 $0x1;
	_ =	shalt  }
.Lfunc_end2:
_tile_overlayer_lowered:
.L_overlay_start_2:
0xa7: {  	(tag) =	ssettag $0x2  }
0xa8: {  	s0 =	rddreg [dreg:$0x0];
	s2 =	stileid.u32  }
0xa9: {  	s1 =	rddreg [dreg:$0x1];
	p0 =	sne.s32 s2, $0x0  }
0xaa: {  	s3 =	rddreg [dreg:$0x2];
	[bflag:$0x3] =	sbarrier.arrive $0xFFFF;
	s2 =	simm.s32 @!p0 $0x1C08  }
0xab: {  	[timem:s3], [sflag:s2] =	dma.local @!p0 [hbm:s0], s1  }
0xac: {  	s0 =	simm.s32 @!p0 $0x8  }
0xad: {  	_ =	swait.ge @!p0 [sflag:s0], s1  }
0xae: {  	s1 =	ssub.s32 @!p0 $0x0, s1;
	[sflag:s0] =	ssyncset.done @!p0 $0x0  }
0xaf: {  	[sflag:s0] =	ssyncadd.s32 @!p0 s1  }
0xb0: {  	[bflag:$0x3] =	sbarrier.arrive $0xFFFF  }
0xb1: {  	_ =	shalt  }

</sc_bundles>
